<compile_context>
chip_gen: v7x
topology: tpu7x:2x2x1
jax: 0.10.2.dev20260603
libtpu: 0.0.44.dev20260713+nightly
codegen_flags: <defaults>
</compile_context>

<pallas_src>
import jax
import jax.numpy as jnp
from jax import lax
from jax.experimental import pallas as pl
from jax.experimental.pallas import tpu as pltpu
from jax.experimental.pallas import tpu_sc as plsc

N = 10000
G = 32
GP = G + 2
C = 256
NOFF = 27
NP = 10240
TAB = 41984
PER_SC = NP // 16
ROWS = NP // 32
CH = 64
NCH = ROWS // CH
INIT_W = TAB // 16
DOFF = [dx * GP * GP + dy * GP + dz
        for dx in (-1, 0, 1) for dy in (-1, 0, 1) for dz in (-1, 0, 1)]


def _mm_body(f_ref, w_ref, y_ref):
    y_ref[0] = jnp.dot(f_ref[...], w_ref[0],
                       preferred_element_type=jnp.float32)


def _big_matmul(f_pad, w_r):
    grid = (NOFF,)
    return pl.pallas_call(
        _mm_body,
        grid=grid,
        in_specs=[
            pl.BlockSpec((NP, C), lambda o: (0, 0)),
            pl.BlockSpec((1, C, C), lambda o: (o, 0, 0)),
        ],
        out_specs=pl.BlockSpec((1, NP, C), lambda o: (o, 0, 0)),
        out_shape=jax.ShapeDtypeStruct((NOFF, NP, C), jnp.float32),
    )(f_pad, w_r)


def _sc_body(vpos, y, out, table_sh, table_v, linb, valb,
             srcidx, idx0, idx1, px, py, pz, qx, qy, qz, tmp0, tmp1, acc0,
             gsem, wsem2, wsem):
    cid = lax.axis_index("c")
    sid = lax.axis_index("s")
    wid = cid * 16 + sid

    with jax.named_scope("p0_init"):
        neg1 = jnp.full((16,), -1, jnp.int32)

        def init_body(i, carry):
            srcidx[pl.ds(i * 16, 16)] = neg1
            return carry

        lax.fori_loop(0, INIT_W // 16, init_body, None)
        pltpu.sync_copy(srcidx.at[pl.ds(0, INIT_W)],
                        table_sh.at[pl.ds(sid * INIT_W, INIT_W)])
        plsc.subcore_barrier()

    scope1 = jax.named_scope("p1_scatter")
    scope1.__enter__()
    base = sid * PER_SC
    pltpu.sync_copy(vpos.at[pl.ds(base, PER_SC)], px)
    pltpu.sync_copy(vpos.at[pl.ds(NP + base, PER_SC)], py)
    pltpu.sync_copy(vpos.at[pl.ds(2 * NP + base, PER_SC)], pz)
    iota16 = lax.iota(jnp.int32, 16)
    for k in range(PER_SC // 128):
        for jj in range(8):
            off = k * 128 + jj * 16
            vx = px[pl.ds(off, 16)]
            vy = py[pl.ds(off, 16)]
            vz = pz[pl.ds(off, 16)]
            lin16 = (vx + 1) * (GP * GP) + (vy + 1) * GP + (vz + 1)
            linb[k, pl.ds(jj * 16, 16)] = lin16
            valb[k, pl.ds(jj * 16, 16)] = base + off + iota16
    for k in range(PER_SC // 128):
        pltpu.sync_copy(valb.at[k], table_sh.at[linb.at[k]])
    plsc.subcore_barrier()
    scope1.__exit__(None, None, None)

    scope2 = jax.named_scope("p2_nidx")
    scope2.__enter__()
    pltpu.sync_copy(table_sh, table_v)
    rbase = wid * ROWS
    pltpu.sync_copy(vpos.at[pl.ds(rbase, ROWS)], qx)
    pltpu.sync_copy(vpos.at[pl.ds(NP + rbase, ROWS)], qy)
    pltpu.sync_copy(vpos.at[pl.ds(2 * NP + rbase, ROWS)], qz)

    def gath_body(i, carry):
        off = i * 16
        vx = qx[pl.ds(off, 16)]
        vy = qy[pl.ds(off, 16)]
        vz = qz[pl.ds(off, 16)]
        lin16 = (vx + 1) * (GP * GP) + (vy + 1) * GP + (vz + 1)
        zspread = (rbase + off + iota16) % (NP - N)
        for o in range(NOFF):
            nidx = plsc.load_gather(table_v, [lin16 + DOFF[o]])
            srcidx[pl.ds(o * ROWS + off, 16)] = jnp.where(
                nidx >= 0, o * NP + nidx, o * NP + N + zspread)
        return carry

    lax.fori_loop(0, ROWS // 16, gath_body, None)
    scope2.__exit__(None, None, None)

    scope3 = jax.named_scope("p3_accum")
    scope3.__enter__()
    def _gather(o, ch, buf, idxb, sem):
        for g in range(CH // 16):
            idxb[pl.ds(g * 16, 16)] = srcidx[
                pl.ds(o * ROWS + ch * CH + g * 16, 16)]
        return pltpu.async_copy(y.at[idxb], buf, sem)

    def _drain(buf, sem):
        pltpu.make_async_copy(y.at[pl.ds(0, CH)], buf, sem).wait()

    def _set_acc(buf):
        @plsc.parallel_loop(0, CH, 1)
        def body(r):
            for c in range(C // 16):
                sl = pl.ds(c * 16, 16)
                acc0[r, sl] = buf[r, sl]

    def _add_acc(buf):
        @plsc.parallel_loop(0, CH, 1, unroll=2)
        def body(r):
            for c in range(C // 16):
                sl = pl.ds(c * 16, 16)
                plsc.addupdate(acc0.at[r, sl], buf[r, sl])

    def chunk_body(ch, carry):
        @pl.when(ch > 0)
        def _():
            _drain(acc0, wsem)
        _gather(0, ch, tmp0, idx0, gsem)
        _drain(tmp0, gsem)
        _gather(1, ch, tmp1, idx1, wsem2)
        _set_acc(tmp0)
        _gather(2, ch, tmp0, idx0, gsem)

        def pair(t, c2):
            o1 = 2 * t + 1
            _drain(tmp1, wsem2)
            _add_acc(tmp1)

            @pl.when(o1 + 2 < NOFF)
            def _():
                _gather(o1 + 2, ch, tmp1, idx1, wsem2)
            _drain(tmp0, gsem)
            _add_acc(tmp0)

            @pl.when(o1 + 3 < NOFF)
            def _():
                _gather(o1 + 3, ch, tmp0, idx0, gsem)
            return c2

        lax.fori_loop(0, (NOFF - 3) // 2, pair, None)
        _drain(tmp1, wsem2)
        _add_acc(tmp1)
        _drain(tmp0, gsem)
        _add_acc(tmp0)
        pltpu.async_copy(acc0, out.at[pl.ds(rbase + ch * CH, CH)], wsem)
        return carry

    lax.fori_loop(0, NCH, chunk_body, None)
    _drain(acc0, wsem)
    scope3.__exit__(None, None, None)


def _sc_gather_add(vpos, y2d):
    mesh = plsc.VectorSubcoreMesh(core_axis_name="c", subcore_axis_name="s")
    return pl.kernel(
        _sc_body,
        out_type=jax.ShapeDtypeStruct((NP, C), jnp.float32),
        mesh=mesh,
        scratch_types=[
            pltpu.VMEM_SHARED((TAB,), jnp.int32),
            pltpu.VMEM((TAB,), jnp.int32),
            pltpu.VMEM((PER_SC // 128, 128), jnp.int32),
            pltpu.VMEM((PER_SC // 128, 128), jnp.int32),
            pltpu.VMEM((NOFF * ROWS,), jnp.int32),
            pltpu.VMEM((CH,), jnp.int32),
            pltpu.VMEM((CH,), jnp.int32),
            pltpu.VMEM((PER_SC,), jnp.int32),
            pltpu.VMEM((PER_SC,), jnp.int32),
            pltpu.VMEM((PER_SC,), jnp.int32),
            pltpu.VMEM((ROWS,), jnp.int32),
            pltpu.VMEM((ROWS,), jnp.int32),
            pltpu.VMEM((ROWS,), jnp.int32),
            pltpu.VMEM((CH, C), jnp.float32),
            pltpu.VMEM((CH, C), jnp.float32),
            pltpu.VMEM((CH, C), jnp.float32),
            pltpu.SemaphoreType.DMA,
            pltpu.SemaphoreType.DMA,
            pltpu.SemaphoreType.DMA,
        ],
        compiler_params=pltpu.CompilerParams(needs_layout_passes=False),
    )(vpos, y2d)


def kernel(features, inp_positions, W, voxel_size=1.0):
    f_pad = jnp.zeros((NP, C), jnp.float32).at[:N].set(features)
    v = jnp.floor(inp_positions / voxel_size).astype(jnp.int32)
    vpos = (jnp.full((3, NP), G + 1, jnp.int32).at[:, :N].set(v.T)
            .reshape(3 * NP))
    w_r = W.reshape(NOFF, C, C)

    y = _big_matmul(f_pad.astype(jnp.bfloat16), w_r.astype(jnp.bfloat16))
    y2d = y.reshape(NOFF * NP, C)
    out = _sc_gather_add(vpos, y2d)
    return out[:N]

# --- scband reference (transcript-rebuilt; emitter-appended) ---
"""Pipeline reference for scband-submanifold-sparse-conv-16441134809108 (READ-ONLY COPY).

The authoritative reference and input builder live on the scoring server;
editing this copy changes nothing except your own understanding.
"""

import jax, jax.numpy as jnp
import numpy as np

N = 10000
G = 32          # voxel grid extent; positions are integer voxel coords in [0, G)
C_IN = 256
C_OUT = 256
K = 3           # kernel_size (3,3,3), odd -> offset = 0.0 (submanifold)


def setup_inputs(seed: int = 0) -> dict:
    key = jax.random.key(seed)
    k1, k2, k3 = jax.random.split(key, 3)
    features = jax.random.normal(k1, (N, C_IN), dtype=jnp.float32)
    # Unique voxel positions (submanifold sparse conv: one feature per occupied voxel).
    perm = jax.random.permutation(k2, G * G * G)[:N]
    px = perm // (G * G)
    py = (perm // G) % G
    pz = perm % G
    inp_positions = jnp.stack([px, py, pz], axis=1).astype(jnp.float32)
    # SparseConv kernel: [k, k, k, in_channels, filters]
    W = jax.random.normal(k3, (K, K, K, C_IN, C_OUT), dtype=jnp.float32) * (1.0 / np.sqrt(K * K * K * C_IN))
    return {"features": features, "inp_positions": inp_positions, "W": W, "voxel_size": 1.0}


def reference(features, inp_positions, W, voxel_size=1.0):
    # Submanifold sparse conv: out_positions == inp_positions, kernel offset = 0.0,
    # use_bias=False, normalize=False.
    Gp = G + 2  # pad by 1 on each side so neighbor lookups never go out of bounds
    v = jnp.floor(inp_positions / voxel_size).astype(jnp.int32)
    lin = (v[:, 0] + 1) * (Gp * Gp) + (v[:, 1] + 1) * Gp + (v[:, 2] + 1)
    # Dense voxel -> point-index lookup table (hash map equivalent); -1 = empty voxel.
    table = jnp.full((Gp * Gp * Gp,), -1, dtype=jnp.int32).at[lin].set(
        jnp.arange(N, dtype=jnp.int32))
    out = jnp.zeros((N, C_OUT), dtype=jnp.float32)
    for dx in range(-1, 2):
        for dy in range(-1, 2):
            for dz in range(-1, 2):
                nlin = lin + dx * (Gp * Gp) + dy * Gp + dz
                nidx = table[nlin]                      # gather: neighbor point index or -1
                valid = nidx >= 0
                safe = jnp.clip(nidx, 0, N - 1)
                gathered = jnp.where(valid[:, None], features[safe], 0.0)  # gather feats
                out = out + gathered @ W[dx + 1, dy + 1, dz + 1]
    return out

if __name__ == "__main__":
    import jax
    _d = setup_inputs()
    print(jax.jit(kernel)(*tuple(_d.values())))

</pallas_src>

<mosaic_0001>
#map = affine_map<(d0, d1) -> (0)>
#map1 = affine_map<(d0, d1) -> (0, 0)>
module attributes {stable_mosaic.version = 14 : i64} {
  func.func @_sc_body(%arg0: i32, %arg1: i32, %arg2: memref<30720xi32, #tpu.memory_space<hbm>>, %arg3: memref<276480x256xf32, #tpu.memory_space<hbm>>, %arg4: memref<10240x256xf32, #tpu.memory_space<hbm>>, %arg5: memref<41984xi32, #tpu.memory_space<vmem_shared>>, %arg6: memref<41984xi32, #tpu.memory_space<vmem>>, %arg7: memref<5x128xi32, #tpu.memory_space<vmem>>, %arg8: memref<5x128xi32, #tpu.memory_space<vmem>>, %arg9: memref<8640xi32, #tpu.memory_space<vmem>>, %arg10: memref<64xi32, #tpu.memory_space<vmem>>, %arg11: memref<64xi32, #tpu.memory_space<vmem>>, %arg12: memref<640xi32, #tpu.memory_space<vmem>>, %arg13: memref<640xi32, #tpu.memory_space<vmem>>, %arg14: memref<640xi32, #tpu.memory_space<vmem>>, %arg15: memref<320xi32, #tpu.memory_space<vmem>>, %arg16: memref<320xi32, #tpu.memory_space<vmem>>, %arg17: memref<320xi32, #tpu.memory_space<vmem>>, %arg18: memref<64x256xf32, #tpu.memory_space<vmem>>, %arg19: memref<64x256xf32, #tpu.memory_space<vmem>>, %arg20: memref<64x256xf32, #tpu.memory_space<vmem>>, %arg21: memref<!tpu.dma_semaphore, #tpu.memory_space<semaphore_mem>>, %arg22: memref<!tpu.dma_semaphore, #tpu.memory_space<semaphore_mem>>, %arg23: memref<!tpu.dma_semaphore, #tpu.memory_space<semaphore_mem>>) attributes {dimension_semantics = [#tpu.dimension_semantics<core_parallel>, #tpu.dimension_semantics<subcore_parallel>], iteration_bounds = array<i64: 2, 16>, scalar_prefetch = 0 : i64, scratch_operands = 19 : i64, tpu.core_type = #tpu.core_type<sc_vector_subcore>, window_params = [{transform_indices = #map}, {transform_indices = #map1}, {transform_indices = #map1}]} {
    %mul3A = arith.constant 16 : i32
    %mul3A_0 = arith.muli %arg0, %mul3A : i32
    %add3A = arith.addi %mul3A_0, %arg1 : i32
    %broadcast_in_dim3A = arith.constant -1 : i32
    "tpu.trace_start"() <{level = 10 : i32, message = "p0_init"}> : () -> ()
    %broadcast_in_dim3A_1 = vector.broadcast %broadcast_in_dim3A : i32 to vector<16xi32>
    %scan3A = arith.constant 0 : i32
    %scan3A_2 = arith.constant 164 : i32
    %scan3A_3 = arith.addi %scan3A, %scan3A_2 : i32
    %scan3A_4 = arith.constant 1 : i32
    scf.for %scan3A_1443 = %scan3A to %scan3A_3 step %scan3A_4  : i32 {
      %mul3A_1444 = arith.constant 16 : i32
      %mul3A_1445 = arith.muli %scan3A_1443, %mul3A_1444 : i32
      %swap3A_1446 = arith.index_cast %mul3A_1445 : i32 to index
      %swap3A_1447 = tpu.vector_load %arg9[%swap3A_1446] {strides = array<i32>} : memref<8640xi32, #tpu.memory_space<vmem>>, vector<16xi32>,
      tpu.vector_store %arg9[%swap3A_1446], %broadcast_in_dim3A_1 {strides = array<i32>} : memref<8640xi32, #tpu.memory_space<vmem>>, vector<16xi32>,
    }
    %scan3A_5 = arith.constant 164 : i32
    %mul3A_6 = arith.constant 2624 : i32
    %mul3A_7 = arith.muli %arg1, %mul3A_6 : i32
    "tpu.region"() ({
      %run_scoped3A_1443 = tpu.sem_alloc : memref<!tpu.dma_semaphore, #tpu.memory_space<semaphore_mem>>
      %dma_start3A = arith.constant 0 : i32
      %dma_start3A_1444 = tpu.memref_slice %arg9[%dma_start3A] : memref<8640xi32, #tpu.memory_space<vmem>> -> memref<2624xi32, #tpu.memory_space<vmem>>
      %dma_start3A_1445 = tpu.memref_slice %arg5[%mul3A_7] : memref<41984xi32, #tpu.memory_space<vmem_shared>> -> memref<2624xi32, #tpu.memory_space<vmem_shared>>
      %dma_start3A_1446 = tpu.memref_slice %arg5[%mul3A_7] : memref<41984xi32, #tpu.memory_space<vmem_shared>> -> memref<2624xi32, #tpu.memory_space<vmem_shared>>
      %dma_start3A_1447 = arith.constant 0 : i32
      %dma_start3A_1448 = tpu.memref_slice %arg9[%dma_start3A_1447] : memref<8640xi32, #tpu.memory_space<vmem>> -> memref<2624xi32, #tpu.memory_space<vmem>>
      tpu.enqueue_dma source(%dma_start3A_1448 : memref<2624xi32, #tpu.memory_space<vmem>>) target(%dma_start3A_1446 : memref<2624xi32, #tpu.memory_space<vmem_shared>>) target_semaphore(%run_scoped3A_1443 : memref<!tpu.dma_semaphore, #tpu.memory_space<semaphore_mem>>)
      %dma_wait3A_1449 = arith.constant 0 : i32
      %dma_wait3A_1450 = tpu.memref_slice %arg9[%dma_wait3A_1449] : memref<8640xi32, #tpu.memory_space<vmem>> -> memref<2624xi32, #tpu.memory_space<vmem>>
      %dma_wait3A_1451 = tpu.memref_slice %arg5[%mul3A_7] : memref<41984xi32, #tpu.memory_space<vmem_shared>> -> memref<2624xi32, #tpu.memory_space<vmem_shared>>
      %dma_wait3A_1452 = tpu.memref_slice %arg5[%mul3A_7] : memref<41984xi32, #tpu.memory_space<vmem_shared>> -> memref<2624xi32, #tpu.memory_space<vmem_shared>>
      %dma_wait3A_1453 = arith.constant 0 : i32
      %dma_wait3A_1454 = tpu.memref_slice %arg9[%dma_wait3A_1453] : memref<8640xi32, #tpu.memory_space<vmem>> -> memref<2624xi32, #tpu.memory_space<vmem>>
      tpu.wait_dma2 semaphore(%run_scoped3A_1443 : memref<!tpu.dma_semaphore, #tpu.memory_space<semaphore_mem>>) src(%dma_wait3A_1454 : memref<2624xi32, #tpu.memory_space<vmem>>) dst(%dma_wait3A_1452 : memref<2624xi32, #tpu.memory_space<vmem_shared>>)
      tpu.yield
    }) : () -> ()
    %barrier3A = arith.constant 0 : index
    tpu.barrier barrier_id(%barrier3A)
    "tpu.trace_stop"() : () -> ()
    "tpu.trace_start"() <{level = 10 : i32, message = "p1_scatter"}> : () -> ()
    %mul3A_8 = arith.constant 640 : i32
    %mul3A_9 = arith.muli %arg1, %mul3A_8 : i32
    "tpu.region"() ({
      %run_scoped3A_1443 = tpu.sem_alloc : memref<!tpu.dma_semaphore, #tpu.memory_space<semaphore_mem>>
      %dma_start3A = tpu.memref_slice %arg2[%mul3A_9] : memref<30720xi32, #tpu.memory_space<hbm>> -> memref<640xi32, #tpu.memory_space<hbm>>
      %dma_start3A_1444 = tpu.memref_slice %arg2[%mul3A_9] : memref<30720xi32, #tpu.memory_space<hbm>> -> memref<640xi32, #tpu.memory_space<hbm>>
      tpu.enqueue_dma source(%dma_start3A_1444 : memref<640xi32, #tpu.memory_space<hbm>>) target(%arg12 : memref<640xi32, #tpu.memory_space<vmem>>) target_semaphore(%run_scoped3A_1443 : memref<!tpu.dma_semaphore, #tpu.memory_space<semaphore_mem>>)
      %dma_wait3A_1445 = tpu.memref_slice %arg2[%mul3A_9] : memref<30720xi32, #tpu.memory_space<hbm>> -> memref<640xi32, #tpu.memory_space<hbm>>
      %dma_wait3A_1446 = tpu.memref_slice %arg2[%mul3A_9] : memref<30720xi32, #tpu.memory_space<hbm>> -> memref<640xi32, #tpu.memory_space<hbm>>
      tpu.wait_dma2 semaphore(%run_scoped3A_1443 : memref<!tpu.dma_semaphore, #tpu.memory_space<semaphore_mem>>) src(%dma_wait3A_1446 : memref<640xi32, #tpu.memory_space<hbm>>) dst(%arg12 : memref<640xi32, #tpu.memory_space<vmem>>)
      tpu.yield
    }) : () -> ()
    %add3A_10 = arith.constant 10240 : i32
    %add3A_11 = arith.addi %add3A_10, %mul3A_9 : i32
    "tpu.region"() ({
      %run_scoped3A_1443 = tpu.sem_alloc : memref<!tpu.dma_semaphore, #tpu.memory_space<semaphore_mem>>
      %dma_start3A = tpu.memref_slice %arg2[%add3A_11] : memref<30720xi32, #tpu.memory_space<hbm>> -> memref<640xi32, #tpu.memory_space<hbm>>
      %dma_start3A_1444 = tpu.memref_slice %arg2[%add3A_11] : memref<30720xi32, #tpu.memory_space<hbm>> -> memref<640xi32, #tpu.memory_space<hbm>>
      tpu.enqueue_dma source(%dma_start3A_1444 : memref<640xi32, #tpu.memory_space<hbm>>) target(%arg13 : memref<640xi32, #tpu.memory_space<vmem>>) target_semaphore(%run_scoped3A_1443 : memref<!tpu.dma_semaphore, #tpu.memory_space<semaphore_mem>>)
      %dma_wait3A_1445 = tpu.memref_slice %arg2[%add3A_11] : memref<30720xi32, #tpu.memory_space<hbm>> -> memref<640xi32, #tpu.memory_space<hbm>>
      %dma_wait3A_1446 = tpu.memref_slice %arg2[%add3A_11] : memref<30720xi32, #tpu.memory_space<hbm>> -> memref<640xi32, #tpu.memory_space<hbm>>
      tpu.wait_dma2 semaphore(%run_scoped3A_1443 : memref<!tpu.dma_semaphore, #tpu.memory_space<semaphore_mem>>) src(%dma_wait3A_1446 : memref<640xi32, #tpu.memory_space<hbm>>) dst(%arg13 : memref<640xi32, #tpu.memory_space<vmem>>)
      tpu.yield
    }) : () -> ()
    %add3A_12 = arith.constant 20480 : i32
    %add3A_13 = arith.addi %add3A_12, %mul3A_9 : i32
    "tpu.region"() ({
      %run_scoped3A_1443 = tpu.sem_alloc : memref<!tpu.dma_semaphore, #tpu.memory_space<semaphore_mem>>
      %dma_start3A = tpu.memref_slice %arg2[%add3A_13] : memref<30720xi32, #tpu.memory_space<hbm>> -> memref<640xi32, #tpu.memory_space<hbm>>
      %dma_start3A_1444 = tpu.memref_slice %arg2[%add3A_13] : memref<30720xi32, #tpu.memory_space<hbm>> -> memref<640xi32, #tpu.memory_space<hbm>>
      tpu.enqueue_dma source(%dma_start3A_1444 : memref<640xi32, #tpu.memory_space<hbm>>) target(%arg14 : memref<640xi32, #tpu.memory_space<vmem>>) target_semaphore(%run_scoped3A_1443 : memref<!tpu.dma_semaphore, #tpu.memory_space<semaphore_mem>>)
      %dma_wait3A_1445 = tpu.memref_slice %arg2[%add3A_13] : memref<30720xi32, #tpu.memory_space<hbm>> -> memref<640xi32, #tpu.memory_space<hbm>>
      %dma_wait3A_1446 = tpu.memref_slice %arg2[%add3A_13] : memref<30720xi32, #tpu.memory_space<hbm>> -> memref<640xi32, #tpu.memory_space<hbm>>
      tpu.wait_dma2 semaphore(%run_scoped3A_1443 : memref<!tpu.dma_semaphore, #tpu.memory_space<semaphore_mem>>) src(%dma_wait3A_1446 : memref<640xi32, #tpu.memory_space<hbm>>) dst(%arg14 : memref<640xi32, #tpu.memory_space<vmem>>)
      tpu.yield
    }) : () -> ()
    %iota3A = tpu.iota {dimensions = array<i32: 0>} : vector<16xi32>
    %get3A = arith.constant 0 : index
    %get3A_14 = tpu.vector_load %arg12[%get3A] {strides = array<i32>} : memref<640xi32, #tpu.memory_space<vmem>>, vector<16xi32>,
    %get3A_15 = arith.constant 0 : index
    %get3A_16 = tpu.vector_load %arg13[%get3A_15] {strides = array<i32>} : memref<640xi32, #tpu.memory_space<vmem>>, vector<16xi32>,
    %get3A_17 = arith.constant 0 : index
    %get3A_18 = tpu.vector_load %arg14[%get3A_17] {strides = array<i32>} : memref<640xi32, #tpu.memory_space<vmem>>, vector<16xi32>,
    %add3A_19 = arith.constant 1 : i32
    %add3A_20 = vector.broadcast %add3A_19 : i32 to vector<16xi32>
    %add3A_21 = arith.addi %get3A_14, %add3A_20 : vector<16xi32>
    %mul3A_22 = arith.constant 1156 : i32
    %mul3A_23 = vector.broadcast %mul3A_22 : i32 to vector<16xi32>
    %mul3A_24 = arith.muli %add3A_21, %mul3A_23 : vector<16xi32>
    %add3A_25 = arith.constant 1 : i32
    %add3A_26 = vector.broadcast %add3A_25 : i32 to vector<16xi32>
    %add3A_27 = arith.addi %get3A_16, %add3A_26 : vector<16xi32>
    %mul3A_28 = arith.constant 34 : i32
    %mul3A_29 = vector.broadcast %mul3A_28 : i32 to vector<16xi32>
    %mul3A_30 = arith.muli %add3A_27, %mul3A_29 : vector<16xi32>
    %add3A_31 = arith.addi %mul3A_24, %mul3A_30 : vector<16xi32>
    %add3A_32 = arith.constant 1 : i32
    %add3A_33 = vector.broadcast %add3A_32 : i32 to vector<16xi32>
    %add3A_34 = arith.addi %get3A_18, %add3A_33 : vector<16xi32>
    %add3A_35 = arith.addi %add3A_31, %add3A_34 : vector<16xi32>
    %swap3A = arith.constant 0 : i32
    %swap3A_36 = arith.index_cast %swap3A : i32 to index
    %swap3A_37 = arith.constant 0 : index
    %swap3A_38 = tpu.vector_load %arg7[%swap3A_36, %swap3A_37] {strides = array<i32>} : memref<5x128xi32, #tpu.memory_space<vmem>>, vector<16xi32>,
    tpu.vector_store %arg7[%swap3A_36, %swap3A_37], %add3A_35 {strides = array<i32>} : memref<5x128xi32, #tpu.memory_space<vmem>>, vector<16xi32>,
    %add3A_39 = arith.constant 0 : i32
    %add3A_40 = arith.addi %mul3A_9, %add3A_39 : i32
    %add3A_41 = vector.broadcast %add3A_40 : i32 to vector<16xi32>
    %add3A_42 = arith.addi %add3A_41, %iota3A : vector<16xi32>
    %swap3A_43 = arith.constant 0 : i32
    %swap3A_44 = arith.index_cast %swap3A_43 : i32 to index
    %swap3A_45 = arith.constant 0 : index
    %swap3A_46 = tpu.vector_load %arg8[%swap3A_44, %swap3A_45] {strides = array<i32>} : memref<5x128xi32, #tpu.memory_space<vmem>>, vector<16xi32>,
    tpu.vector_store %arg8[%swap3A_44, %swap3A_45], %add3A_42 {strides = array<i32>} : memref<5x128xi32, #tpu.memory_space<vmem>>, vector<16xi32>,
    %get3A_47 = arith.constant 16 : index
    %get3A_48 = tpu.vector_load %arg12[%get3A_47] {strides = array<i32>} : memref<640xi32, #tpu.memory_space<vmem>>, vector<16xi32>,
    %get3A_49 = arith.constant 16 : index
    %get3A_50 = tpu.vector_load %arg13[%get3A_49] {strides = array<i32>} : memref<640xi32, #tpu.memory_space<vmem>>, vector<16xi32>,
    %get3A_51 = arith.constant 16 : index
    %get3A_52 = tpu.vector_load %arg14[%get3A_51] {strides = array<i32>} : memref<640xi32, #tpu.memory_space<vmem>>, vector<16xi32>,
    %add3A_53 = arith.constant 1 : i32
    %add3A_54 = vector.broadcast %add3A_53 : i32 to vector<16xi32>
    %add3A_55 = arith.addi %get3A_48, %add3A_54 : vector<16xi32>
    %mul3A_56 = arith.constant 1156 : i32
    %mul3A_57 = vector.broadcast %mul3A_56 : i32 to vector<16xi32>
    %mul3A_58 = arith.muli %add3A_55, %mul3A_57 : vector<16xi32>
    %add3A_59 = arith.constant 1 : i32
    %add3A_60 = vector.broadcast %add3A_59 : i32 to vector<16xi32>
    %add3A_61 = arith.addi %get3A_50, %add3A_60 : vector<16xi32>
    %mul3A_62 = arith.constant 34 : i32
    %mul3A_63 = vector.broadcast %mul3A_62 : i32 to vector<16xi32>
    %mul3A_64 = arith.muli %add3A_61, %mul3A_63 : vector<16xi32>
    %add3A_65 = arith.addi %mul3A_58, %mul3A_64 : vector<16xi32>
    %add3A_66 = arith.constant 1 : i32
    %add3A_67 = vector.broadcast %add3A_66 : i32 to vector<16xi32>
    %add3A_68 = arith.addi %get3A_52, %add3A_67 : vector<16xi32>
    %add3A_69 = arith.addi %add3A_65, %add3A_68 : vector<16xi32>
    %swap3A_70 = arith.constant 0 : i32
    %swap3A_71 = arith.index_cast %swap3A_70 : i32 to index
    %swap3A_72 = arith.constant 16 : index
    %swap3A_73 = tpu.vector_load %arg7[%swap3A_71, %swap3A_72] {strides = array<i32>} : memref<5x128xi32, #tpu.memory_space<vmem>>, vector<16xi32>,
    tpu.vector_store %arg7[%swap3A_71, %swap3A_72], %add3A_69 {strides = array<i32>} : memref<5x128xi32, #tpu.memory_space<vmem>>, vector<16xi32>,
    %add3A_74 = arith.constant 16 : i32
    %add3A_75 = arith.addi %mul3A_9, %add3A_74 : i32
    %add3A_76 = vector.broadcast %add3A_75 : i32 to vector<16xi32>
    %add3A_77 = arith.addi %add3A_76, %iota3A : vector<16xi32>
    %swap3A_78 = arith.constant 0 : i32
    %swap3A_79 = arith.index_cast %swap3A_78 : i32 to index
    %swap3A_80 = arith.constant 16 : index
    %swap3A_81 = tpu.vector_load %arg8[%swap3A_79, %swap3A_80] {strides = array<i32>} : memref<5x128xi32, #tpu.memory_space<vmem>>, vector<16xi32>,
    tpu.vector_store %arg8[%swap3A_79, %swap3A_80], %add3A_77 {strides = array<i32>} : memref<5x128xi32, #tpu.memory_space<vmem>>, vector<16xi32>,
    %get3A_82 = arith.constant 32 : index
    %get3A_83 = tpu.vector_load %arg12[%get3A_82] {strides = array<i32>} : memref<640xi32, #tpu.memory_space<vmem>>, vector<16xi32>,
    %get3A_84 = arith.constant 32 : index
    %get3A_85 = tpu.vector_load %arg13[%get3A_84] {strides = array<i32>} : memref<640xi32, #tpu.memory_space<vmem>>, vector<16xi32>,
    %get3A_86 = arith.constant 32 : index
    %get3A_87 = tpu.vector_load %arg14[%get3A_86] {strides = array<i32>} : memref<640xi32, #tpu.memory_space<vmem>>, vector<16xi32>,
    %add3A_88 = arith.constant 1 : i32
    %add3A_89 = vector.broadcast %add3A_88 : i32 to vector<16xi32>
    %add3A_90 = arith.addi %get3A_83, %add3A_89 : vector<16xi32>
    %mul3A_91 = arith.constant 1156 : i32
    %mul3A_92 = vector.broadcast %mul3A_91 : i32 to vector<16xi32>
    %mul3A_93 = arith.muli %add3A_90, %mul3A_92 : vector<16xi32>
    %add3A_94 = arith.constant 1 : i32
    %add3A_95 = vector.broadcast %add3A_94 : i32 to vector<16xi32>
    %add3A_96 = arith.addi %get3A_85, %add3A_95 : vector<16xi32>
    %mul3A_97 = arith.constant 34 : i32
    %mul3A_98 = vector.broadcast %mul3A_97 : i32 to vector<16xi32>
    %mul3A_99 = arith.muli %add3A_96, %mul3A_98 : vector<16xi32>
    %add3A_100 = arith.addi %mul3A_93, %mul3A_99 : vector<16xi32>
    %add3A_101 = arith.constant 1 : i32
    %add3A_102 = vector.broadcast %add3A_101 : i32 to vector<16xi32>
    %add3A_103 = arith.addi %get3A_87, %add3A_102 : vector<16xi32>
    %add3A_104 = arith.addi %add3A_100, %add3A_103 : vector<16xi32>
    %swap3A_105 = arith.constant 0 : i32
    %swap3A_106 = arith.index_cast %swap3A_105 : i32 to index
    %swap3A_107 = arith.constant 32 : index
    %swap3A_108 = tpu.vector_load %arg7[%swap3A_106, %swap3A_107] {strides = array<i32>} : memref<5x128xi32, #tpu.memory_space<vmem>>, vector<16xi32>,
    tpu.vector_store %arg7[%swap3A_106, %swap3A_107], %add3A_104 {strides = array<i32>} : memref<5x128xi32, #tpu.memory_space<vmem>>, vector<16xi32>,
    %add3A_109 = arith.constant 32 : i32
    %add3A_110 = arith.addi %mul3A_9, %add3A_109 : i32
    %add3A_111 = vector.broadcast %add3A_110 : i32 to vector<16xi32>
    %add3A_112 = arith.addi %add3A_111, %iota3A : vector<16xi32>
    %swap3A_113 = arith.constant 0 : i32
    %swap3A_114 = arith.index_cast %swap3A_113 : i32 to index
    %swap3A_115 = arith.constant 32 : index
    %swap3A_116 = tpu.vector_load %arg8[%swap3A_114, %swap3A_115] {strides = array<i32>} : memref<5x128xi32, #tpu.memory_space<vmem>>, vector<16xi32>,
    tpu.vector_store %arg8[%swap3A_114, %swap3A_115], %add3A_112 {strides = array<i32>} : memref<5x128xi32, #tpu.memory_space<vmem>>, vector<16xi32>,
    %get3A_117 = arith.constant 48 : index
    %get3A_118 = tpu.vector_load %arg12[%get3A_117] {strides = array<i32>} : memref<640xi32, #tpu.memory_space<vmem>>, vector<16xi32>,
    %get3A_119 = arith.constant 48 : index
    %get3A_120 = tpu.vector_load %arg13[%get3A_119] {strides = array<i32>} : memref<640xi32, #tpu.memory_space<vmem>>, vector<16xi32>,
    %get3A_121 = arith.constant 48 : index
    %get3A_122 = tpu.vector_load %arg14[%get3A_121] {strides = array<i32>} : memref<640xi32, #tpu.memory_space<vmem>>, vector<16xi32>,
    %add3A_123 = arith.constant 1 : i32
    %add3A_124 = vector.broadcast %add3A_123 : i32 to vector<16xi32>
    %add3A_125 = arith.addi %get3A_118, %add3A_124 : vector<16xi32>
    %mul3A_126 = arith.constant 1156 : i32
    %mul3A_127 = vector.broadcast %mul3A_126 : i32 to vector<16xi32>
    %mul3A_128 = arith.muli %add3A_125, %mul3A_127 : vector<16xi32>
    %add3A_129 = arith.constant 1 : i32
    %add3A_130 = vector.broadcast %add3A_129 : i32 to vector<16xi32>
    %add3A_131 = arith.addi %get3A_120, %add3A_130 : vector<16xi32>
    %mul3A_132 = arith.constant 34 : i32
    %mul3A_133 = vector.broadcast %mul3A_132 : i32 to vector<16xi32>
    %mul3A_134 = arith.muli %add3A_131, %mul3A_133 : vector<16xi32>
    %add3A_135 = arith.addi %mul3A_128, %mul3A_134 : vector<16xi32>
    %add3A_136 = arith.constant 1 : i32
    %add3A_137 = vector.broadcast %add3A_136 : i32 to vector<16xi32>
    %add3A_138 = arith.addi %get3A_122, %add3A_137 : vector<16xi32>
    %add3A_139 = arith.addi %add3A_135, %add3A_138 : vector<16xi32>
    %swap3A_140 = arith.constant 0 : i32
    %swap3A_141 = arith.index_cast %swap3A_140 : i32 to index
    %swap3A_142 = arith.constant 48 : index
    %swap3A_143 = tpu.vector_load %arg7[%swap3A_141, %swap3A_142] {strides = array<i32>} : memref<5x128xi32, #tpu.memory_space<vmem>>, vector<16xi32>,
    tpu.vector_store %arg7[%swap3A_141, %swap3A_142], %add3A_139 {strides = array<i32>} : memref<5x128xi32, #tpu.memory_space<vmem>>, vector<16xi32>,
    %add3A_144 = arith.constant 48 : i32
    %add3A_145 = arith.addi %mul3A_9, %add3A_144 : i32
    %add3A_146 = vector.broadcast %add3A_145 : i32 to vector<16xi32>
    %add3A_147 = arith.addi %add3A_146, %iota3A : vector<16xi32>
    %swap3A_148 = arith.constant 0 : i32
    %swap3A_149 = arith.index_cast %swap3A_148 : i32 to index
    %swap3A_150 = arith.constant 48 : index
    %swap3A_151 = tpu.vector_load %arg8[%swap3A_149, %swap3A_150] {strides = array<i32>} : memref<5x128xi32, #tpu.memory_space<vmem>>, vector<16xi32>,
    tpu.vector_store %arg8[%swap3A_149, %swap3A_150], %add3A_147 {strides = array<i32>} : memref<5x128xi32, #tpu.memory_space<vmem>>, vector<16xi32>,
    %get3A_152 = arith.constant 64 : index
    %get3A_153 = tpu.vector_load %arg12[%get3A_152] {strides = array<i32>} : memref<640xi32, #tpu.memory_space<vmem>>, vector<16xi32>,
    %get3A_154 = arith.constant 64 : index
    %get3A_155 = tpu.vector_load %arg13[%get3A_154] {strides = array<i32>} : memref<640xi32, #tpu.memory_space<vmem>>, vector<16xi32>,
    %get3A_156 = arith.constant 64 : index
    %get3A_157 = tpu.vector_load %arg14[%get3A_156] {strides = array<i32>} : memref<640xi32, #tpu.memory_space<vmem>>, vector<16xi32>,
    %add3A_158 = arith.constant 1 : i32
    %add3A_159 = vector.broadcast %add3A_158 : i32 to vector<16xi32>
    %add3A_160 = arith.addi %get3A_153, %add3A_159 : vector<16xi32>
    %mul3A_161 = arith.constant 1156 : i32
    %mul3A_162 = vector.broadcast %mul3A_161 : i32 to vector<16xi32>
    %mul3A_163 = arith.muli %add3A_160, %mul3A_162 : vector<16xi32>
    %add3A_164 = arith.constant 1 : i32
    %add3A_165 = vector.broadcast %add3A_164 : i32 to vector<16xi32>
    %add3A_166 = arith.addi %get3A_155, %add3A_165 : vector<16xi32>
    %mul3A_167 = arith.constant 34 : i32
    %mul3A_168 = vector.broadcast %mul3A_167 : i32 to vector<16xi32>
    %mul3A_169 = arith.muli %add3A_166, %mul3A_168 : vector<16xi32>
    %add3A_170 = arith.addi %mul3A_163, %mul3A_169 : vector<16xi32>
    %add3A_171 = arith.constant 1 : i32
    %add3A_172 = vector.broadcast %add3A_171 : i32 to vector<16xi32>
    %add3A_173 = arith.addi %get3A_157, %add3A_172 : vector<16xi32>
    %add3A_174 = arith.addi %add3A_170, %add3A_173 : vector<16xi32>
    %swap3A_175 = arith.constant 0 : i32
    %swap3A_176 = arith.index_cast %swap3A_175 : i32 to index
    %swap3A_177 = arith.constant 64 : index
    %swap3A_178 = tpu.vector_load %arg7[%swap3A_176, %swap3A_177] {strides = array<i32>} : memref<5x128xi32, #tpu.memory_space<vmem>>, vector<16xi32>,
    tpu.vector_store %arg7[%swap3A_176, %swap3A_177], %add3A_174 {strides = array<i32>} : memref<5x128xi32, #tpu.memory_space<vmem>>, vector<16xi32>,
    %add3A_179 = arith.constant 64 : i32
    %add3A_180 = arith.addi %mul3A_9, %add3A_179 : i32
    %add3A_181 = vector.broadcast %add3A_180 : i32 to vector<16xi32>
    %add3A_182 = arith.addi %add3A_181, %iota3A : vector<16xi32>
    %swap3A_183 = arith.constant 0 : i32
    %swap3A_184 = arith.index_cast %swap3A_183 : i32 to index
    %swap3A_185 = arith.constant 64 : index
    %swap3A_186 = tpu.vector_load %arg8[%swap3A_184, %swap3A_185] {strides = array<i32>} : memref<5x128xi32, #tpu.memory_space<vmem>>, vector<16xi32>,
    tpu.vector_store %arg8[%swap3A_184, %swap3A_185], %add3A_182 {strides = array<i32>} : memref<5x128xi32, #tpu.memory_space<vmem>>, vector<16xi32>,
    %get3A_187 = arith.constant 80 : index
    %get3A_188 = tpu.vector_load %arg12[%get3A_187] {strides = array<i32>} : memref<640xi32, #tpu.memory_space<vmem>>, vector<16xi32>,
    %get3A_189 = arith.constant 80 : index
    %get3A_190 = tpu.vector_load %arg13[%get3A_189] {strides = array<i32>} : memref<640xi32, #tpu.memory_space<vmem>>, vector<16xi32>,
    %get3A_191 = arith.constant 80 : index
    %get3A_192 = tpu.vector_load %arg14[%get3A_191] {strides = array<i32>} : memref<640xi32, #tpu.memory_space<vmem>>, vector<16xi32>,
    %add3A_193 = arith.constant 1 : i32
    %add3A_194 = vector.broadcast %add3A_193 : i32 to vector<16xi32>
    %add3A_195 = arith.addi %get3A_188, %add3A_194 : vector<16xi32>
    %mul3A_196 = arith.constant 1156 : i32
    %mul3A_197 = vector.broadcast %mul3A_196 : i32 to vector<16xi32>
    %mul3A_198 = arith.muli %add3A_195, %mul3A_197 : vector<16xi32>
    %add3A_199 = arith.constant 1 : i32
    %add3A_200 = vector.broadcast %add3A_199 : i32 to vector<16xi32>
    %add3A_201 = arith.addi %get3A_190, %add3A_200 : vector<16xi32>
    %mul3A_202 = arith.constant 34 : i32
    %mul3A_203 = vector.broadcast %mul3A_202 : i32 to vector<16xi32>
    %mul3A_204 = arith.muli %add3A_201, %mul3A_203 : vector<16xi32>
    %add3A_205 = arith.addi %mul3A_198, %mul3A_204 : vector<16xi32>
    %add3A_206 = arith.constant 1 : i32
    %add3A_207 = vector.broadcast %add3A_206 : i32 to vector<16xi32>
    %add3A_208 = arith.addi %get3A_192, %add3A_207 : vector<16xi32>
    %add3A_209 = arith.addi %add3A_205, %add3A_208 : vector<16xi32>
    %swap3A_210 = arith.constant 0 : i32
    %swap3A_211 = arith.index_cast %swap3A_210 : i32 to index
    %swap3A_212 = arith.constant 80 : index
    %swap3A_213 = tpu.vector_load %arg7[%swap3A_211, %swap3A_212] {strides = array<i32>} : memref<5x128xi32, #tpu.memory_space<vmem>>, vector<16xi32>,
    tpu.vector_store %arg7[%swap3A_211, %swap3A_212], %add3A_209 {strides = array<i32>} : memref<5x128xi32, #tpu.memory_space<vmem>>, vector<16xi32>,
    %add3A_214 = arith.constant 80 : i32
    %add3A_215 = arith.addi %mul3A_9, %add3A_214 : i32
    %add3A_216 = vector.broadcast %add3A_215 : i32 to vector<16xi32>
    %add3A_217 = arith.addi %add3A_216, %iota3A : vector<16xi32>
    %swap3A_218 = arith.constant 0 : i32
    %swap3A_219 = arith.index_cast %swap3A_218 : i32 to index
    %swap3A_220 = arith.constant 80 : index
    %swap3A_221 = tpu.vector_load %arg8[%swap3A_219, %swap3A_220] {strides = array<i32>} : memref<5x128xi32, #tpu.memory_space<vmem>>, vector<16xi32>,
    tpu.vector_store %arg8[%swap3A_219, %swap3A_220], %add3A_217 {strides = array<i32>} : memref<5x128xi32, #tpu.memory_space<vmem>>, vector<16xi32>,
    %get3A_222 = arith.constant 96 : index
    %get3A_223 = tpu.vector_load %arg12[%get3A_222] {strides = array<i32>} : memref<640xi32, #tpu.memory_space<vmem>>, vector<16xi32>,
    %get3A_224 = arith.constant 96 : index
    %get3A_225 = tpu.vector_load %arg13[%get3A_224] {strides = array<i32>} : memref<640xi32, #tpu.memory_space<vmem>>, vector<16xi32>,
    %get3A_226 = arith.constant 96 : index
    %get3A_227 = tpu.vector_load %arg14[%get3A_226] {strides = array<i32>} : memref<640xi32, #tpu.memory_space<vmem>>, vector<16xi32>,
    %add3A_228 = arith.constant 1 : i32
    %add3A_229 = vector.broadcast %add3A_228 : i32 to vector<16xi32>
    %add3A_230 = arith.addi %get3A_223, %add3A_229 : vector<16xi32>
    %mul3A_231 = arith.constant 1156 : i32
    %mul3A_232 = vector.broadcast %mul3A_231 : i32 to vector<16xi32>
    %mul3A_233 = arith.muli %add3A_230, %mul3A_232 : vector<16xi32>
    %add3A_234 = arith.constant 1 : i32
    %add3A_235 = vector.broadcast %add3A_234 : i32 to vector<16xi32>
    %add3A_236 = arith.addi %get3A_225, %add3A_235 : vector<16xi32>
    %mul3A_237 = arith.constant 34 : i32
    %mul3A_238 = vector.broadcast %mul3A_237 : i32 to vector<16xi32>
    %mul3A_239 = arith.muli %add3A_236, %mul3A_238 : vector<16xi32>
    %add3A_240 = arith.addi %mul3A_233, %mul3A_239 : vector<16xi32>
    %add3A_241 = arith.constant 1 : i32
    %add3A_242 = vector.broadcast %add3A_241 : i32 to vector<16xi32>
    %add3A_243 = arith.addi %get3A_227, %add3A_242 : vector<16xi32>
    %add3A_244 = arith.addi %add3A_240, %add3A_243 : vector<16xi32>
    %swap3A_245 = arith.constant 0 : i32
    %swap3A_246 = arith.index_cast %swap3A_245 : i32 to index
    %swap3A_247 = arith.constant 96 : index
    %swap3A_248 = tpu.vector_load %arg7[%swap3A_246, %swap3A_247] {strides = array<i32>} : memref<5x128xi32, #tpu.memory_space<vmem>>, vector<16xi32>,
    tpu.vector_store %arg7[%swap3A_246, %swap3A_247], %add3A_244 {strides = array<i32>} : memref<5x128xi32, #tpu.memory_space<vmem>>, vector<16xi32>,
    %add3A_249 = arith.constant 96 : i32
    %add3A_250 = arith.addi %mul3A_9, %add3A_249 : i32
    %add3A_251 = vector.broadcast %add3A_250 : i32 to vector<16xi32>
    %add3A_252 = arith.addi %add3A_251, %iota3A : vector<16xi32>
    %swap3A_253 = arith.constant 0 : i32
    %swap3A_254 = arith.index_cast %swap3A_253 : i32 to index
    %swap3A_255 = arith.constant 96 : index
    %swap3A_256 = tpu.vector_load %arg8[%swap3A_254, %swap3A_255] {strides = array<i32>} : memref<5x128xi32, #tpu.memory_space<vmem>>, vector<16xi32>,
    tpu.vector_store %arg8[%swap3A_254, %swap3A_255], %add3A_252 {strides = array<i32>} : memref<5x128xi32, #tpu.memory_space<vmem>>, vector<16xi32>,
    %get3A_257 = arith.constant 112 : index
    %get3A_258 = tpu.vector_load %arg12[%get3A_257] {strides = array<i32>} : memref<640xi32, #tpu.memory_space<vmem>>, vector<16xi32>,
    %get3A_259 = arith.constant 112 : index
    %get3A_260 = tpu.vector_load %arg13[%get3A_259] {strides = array<i32>} : memref<640xi32, #tpu.memory_space<vmem>>, vector<16xi32>,
    %get3A_261 = arith.constant 112 : index
    %get3A_262 = tpu.vector_load %arg14[%get3A_261] {strides = array<i32>} : memref<640xi32, #tpu.memory_space<vmem>>, vector<16xi32>,
    %add3A_263 = arith.constant 1 : i32
    %add3A_264 = vector.broadcast %add3A_263 : i32 to vector<16xi32>
    %add3A_265 = arith.addi %get3A_258, %add3A_264 : vector<16xi32>
    %mul3A_266 = arith.constant 1156 : i32
    %mul3A_267 = vector.broadcast %mul3A_266 : i32 to vector<16xi32>
    %mul3A_268 = arith.muli %add3A_265, %mul3A_267 : vector<16xi32>
    %add3A_269 = arith.constant 1 : i32
    %add3A_270 = vector.broadcast %add3A_269 : i32 to vector<16xi32>
    %add3A_271 = arith.addi %get3A_260, %add3A_270 : vector<16xi32>
    %mul3A_272 = arith.constant 34 : i32
    %mul3A_273 = vector.broadcast %mul3A_272 : i32 to vector<16xi32>
    %mul3A_274 = arith.muli %add3A_271, %mul3A_273 : vector<16xi32>
    %add3A_275 = arith.addi %mul3A_268, %mul3A_274 : vector<16xi32>
    %add3A_276 = arith.constant 1 : i32
    %add3A_277 = vector.broadcast %add3A_276 : i32 to vector<16xi32>
    %add3A_278 = arith.addi %get3A_262, %add3A_277 : vector<16xi32>
    %add3A_279 = arith.addi %add3A_275, %add3A_278 : vector<16xi32>
    %swap3A_280 = arith.constant 0 : i32
    %swap3A_281 = arith.index_cast %swap3A_280 : i32 to index
    %swap3A_282 = arith.constant 112 : index
    %swap3A_283 = tpu.vector_load %arg7[%swap3A_281, %swap3A_282] {strides = array<i32>} : memref<5x128xi32, #tpu.memory_space<vmem>>, vector<16xi32>,
    tpu.vector_store %arg7[%swap3A_281, %swap3A_282], %add3A_279 {strides = array<i32>} : memref<5x128xi32, #tpu.memory_space<vmem>>, vector<16xi32>,
    %add3A_284 = arith.constant 112 : i32
    %add3A_285 = arith.addi %mul3A_9, %add3A_284 : i32
    %add3A_286 = vector.broadcast %add3A_285 : i32 to vector<16xi32>
    %add3A_287 = arith.addi %add3A_286, %iota3A : vector<16xi32>
    %swap3A_288 = arith.constant 0 : i32
    %swap3A_289 = arith.index_cast %swap3A_288 : i32 to index
    %swap3A_290 = arith.constant 112 : index
    %swap3A_291 = tpu.vector_load %arg8[%swap3A_289, %swap3A_290] {strides = array<i32>} : memref<5x128xi32, #tpu.memory_space<vmem>>, vector<16xi32>,
    tpu.vector_store %arg8[%swap3A_289, %swap3A_290], %add3A_287 {strides = array<i32>} : memref<5x128xi32, #tpu.memory_space<vmem>>, vector<16xi32>,
    %get3A_292 = arith.constant 128 : index
    %get3A_293 = tpu.vector_load %arg12[%get3A_292] {strides = array<i32>} : memref<640xi32, #tpu.memory_space<vmem>>, vector<16xi32>,
    %get3A_294 = arith.constant 128 : index
    %get3A_295 = tpu.vector_load %arg13[%get3A_294] {strides = array<i32>} : memref<640xi32, #tpu.memory_space<vmem>>, vector<16xi32>,
    %get3A_296 = arith.constant 128 : index
    %get3A_297 = tpu.vector_load %arg14[%get3A_296] {strides = array<i32>} : memref<640xi32, #tpu.memory_space<vmem>>, vector<16xi32>,
    %add3A_298 = arith.constant 1 : i32
    %add3A_299 = vector.broadcast %add3A_298 : i32 to vector<16xi32>
    %add3A_300 = arith.addi %get3A_293, %add3A_299 : vector<16xi32>
    %mul3A_301 = arith.constant 1156 : i32
    %mul3A_302 = vector.broadcast %mul3A_301 : i32 to vector<16xi32>
    %mul3A_303 = arith.muli %add3A_300, %mul3A_302 : vector<16xi32>
    %add3A_304 = arith.constant 1 : i32
    %add3A_305 = vector.broadcast %add3A_304 : i32 to vector<16xi32>
    %add3A_306 = arith.addi %get3A_295, %add3A_305 : vector<16xi32>
    %mul3A_307 = arith.constant 34 : i32
    %mul3A_308 = vector.broadcast %mul3A_307 : i32 to vector<16xi32>
    %mul3A_309 = arith.muli %add3A_306, %mul3A_308 : vector<16xi32>
    %add3A_310 = arith.addi %mul3A_303, %mul3A_309 : vector<16xi32>
    %add3A_311 = arith.constant 1 : i32
    %add3A_312 = vector.broadcast %add3A_311 : i32 to vector<16xi32>
    %add3A_313 = arith.addi %get3A_297, %add3A_312 : vector<16xi32>
    %add3A_314 = arith.addi %add3A_310, %add3A_313 : vector<16xi32>
    %swap3A_315 = arith.constant 1 : i32
    %swap3A_316 = arith.index_cast %swap3A_315 : i32 to index
    %swap3A_317 = arith.constant 0 : index
    %swap3A_318 = tpu.vector_load %arg7[%swap3A_316, %swap3A_317] {strides = array<i32>} : memref<5x128xi32, #tpu.memory_space<vmem>>, vector<16xi32>,
    tpu.vector_store %arg7[%swap3A_316, %swap3A_317], %add3A_314 {strides = array<i32>} : memref<5x128xi32, #tpu.memory_space<vmem>>, vector<16xi32>,
    %add3A_319 = arith.constant 128 : i32
    %add3A_320 = arith.addi %mul3A_9, %add3A_319 : i32
    %add3A_321 = vector.broadcast %add3A_320 : i32 to vector<16xi32>
    %add3A_322 = arith.addi %add3A_321, %iota3A : vector<16xi32>
    %swap3A_323 = arith.constant 1 : i32
    %swap3A_324 = arith.index_cast %swap3A_323 : i32 to index
    %swap3A_325 = arith.constant 0 : index
    %swap3A_326 = tpu.vector_load %arg8[%swap3A_324, %swap3A_325] {strides = array<i32>} : memref<5x128xi32, #tpu.memory_space<vmem>>, vector<16xi32>,
    tpu.vector_store %arg8[%swap3A_324, %swap3A_325], %add3A_322 {strides = array<i32>} : memref<5x128xi32, #tpu.memory_space<vmem>>, vector<16xi32>,
    %get3A_327 = arith.constant 144 : index
    %get3A_328 = tpu.vector_load %arg12[%get3A_327] {strides = array<i32>} : memref<640xi32, #tpu.memory_space<vmem>>, vector<16xi32>,
    %get3A_329 = arith.constant 144 : index
    %get3A_330 = tpu.vector_load %arg13[%get3A_329] {strides = array<i32>} : memref<640xi32, #tpu.memory_space<vmem>>, vector<16xi32>,
    %get3A_331 = arith.constant 144 : index
    %get3A_332 = tpu.vector_load %arg14[%get3A_331] {strides = array<i32>} : memref<640xi32, #tpu.memory_space<vmem>>, vector<16xi32>,
    %add3A_333 = arith.constant 1 : i32
    %add3A_334 = vector.broadcast %add3A_333 : i32 to vector<16xi32>
    %add3A_335 = arith.addi %get3A_328, %add3A_334 : vector<16xi32>
    %mul3A_336 = arith.constant 1156 : i32
    %mul3A_337 = vector.broadcast %mul3A_336 : i32 to vector<16xi32>
    %mul3A_338 = arith.muli %add3A_335, %mul3A_337 : vector<16xi32>
    %add3A_339 = arith.constant 1 : i32
    %add3A_340 = vector.broadcast %add3A_339 : i32 to vector<16xi32>
    %add3A_341 = arith.addi %get3A_330, %add3A_340 : vector<16xi32>
    %mul3A_342 = arith.constant 34 : i32
    %mul3A_343 = vector.broadcast %mul3A_342 : i32 to vector<16xi32>
    %mul3A_344 = arith.muli %add3A_341, %mul3A_343 : vector<16xi32>
    %add3A_345 = arith.addi %mul3A_338, %mul3A_344 : vector<16xi32>
    %add3A_346 = arith.constant 1 : i32
    %add3A_347 = vector.broadcast %add3A_346 : i32 to vector<16xi32>
    %add3A_348 = arith.addi %get3A_332, %add3A_347 : vector<16xi32>
    %add3A_349 = arith.addi %add3A_345, %add3A_348 : vector<16xi32>
    %swap3A_350 = arith.constant 1 : i32
    %swap3A_351 = arith.index_cast %swap3A_350 : i32 to index
    %swap3A_352 = arith.constant 16 : index
    %swap3A_353 = tpu.vector_load %arg7[%swap3A_351, %swap3A_352] {strides = array<i32>} : memref<5x128xi32, #tpu.memory_space<vmem>>, vector<16xi32>,
    tpu.vector_store %arg7[%swap3A_351, %swap3A_352], %add3A_349 {strides = array<i32>} : memref<5x128xi32, #tpu.memory_space<vmem>>, vector<16xi32>,
    %add3A_354 = arith.constant 144 : i32
    %add3A_355 = arith.addi %mul3A_9, %add3A_354 : i32
    %add3A_356 = vector.broadcast %add3A_355 : i32 to vector<16xi32>
    %add3A_357 = arith.addi %add3A_356, %iota3A : vector<16xi32>
    %swap3A_358 = arith.constant 1 : i32
    %swap3A_359 = arith.index_cast %swap3A_358 : i32 to index
    %swap3A_360 = arith.constant 16 : index
    %swap3A_361 = tpu.vector_load %arg8[%swap3A_359, %swap3A_360] {strides = array<i32>} : memref<5x128xi32, #tpu.memory_space<vmem>>, vector<16xi32>,
    tpu.vector_store %arg8[%swap3A_359, %swap3A_360], %add3A_357 {strides = array<i32>} : memref<5x128xi32, #tpu.memory_space<vmem>>, vector<16xi32>,
    %get3A_362 = arith.constant 160 : index
    %get3A_363 = tpu.vector_load %arg12[%get3A_362] {strides = array<i32>} : memref<640xi32, #tpu.memory_space<vmem>>, vector<16xi32>,
    %get3A_364 = arith.constant 160 : index
    %get3A_365 = tpu.vector_load %arg13[%get3A_364] {strides = array<i32>} : memref<640xi32, #tpu.memory_space<vmem>>, vector<16xi32>,
    %get3A_366 = arith.constant 160 : index
    %get3A_367 = tpu.vector_load %arg14[%get3A_366] {strides = array<i32>} : memref<640xi32, #tpu.memory_space<vmem>>, vector<16xi32>,
    %add3A_368 = arith.constant 1 : i32
    %add3A_369 = vector.broadcast %add3A_368 : i32 to vector<16xi32>
    %add3A_370 = arith.addi %get3A_363, %add3A_369 : vector<16xi32>
    %mul3A_371 = arith.constant 1156 : i32
    %mul3A_372 = vector.broadcast %mul3A_371 : i32 to vector<16xi32>
    %mul3A_373 = arith.muli %add3A_370, %mul3A_372 : vector<16xi32>
    %add3A_374 = arith.constant 1 : i32
    %add3A_375 = vector.broadcast %add3A_374 : i32 to vector<16xi32>
    %add3A_376 = arith.addi %get3A_365, %add3A_375 : vector<16xi32>
    %mul3A_377 = arith.constant 34 : i32
    %mul3A_378 = vector.broadcast %mul3A_377 : i32 to vector<16xi32>
    %mul3A_379 = arith.muli %add3A_376, %mul3A_378 : vector<16xi32>
    %add3A_380 = arith.addi %mul3A_373, %mul3A_379 : vector<16xi32>
    %add3A_381 = arith.constant 1 : i32
    %add3A_382 = vector.broadcast %add3A_381 : i32 to vector<16xi32>
    %add3A_383 = arith.addi %get3A_367, %add3A_382 : vector<16xi32>
    %add3A_384 = arith.addi %add3A_380, %add3A_383 : vector<16xi32>
    %swap3A_385 = arith.constant 1 : i32
    %swap3A_386 = arith.index_cast %swap3A_385 : i32 to index
    %swap3A_387 = arith.constant 32 : index
    %swap3A_388 = tpu.vector_load %arg7[%swap3A_386, %swap3A_387] {strides = array<i32>} : memref<5x128xi32, #tpu.memory_space<vmem>>, vector<16xi32>,
    tpu.vector_store %arg7[%swap3A_386, %swap3A_387], %add3A_384 {strides = array<i32>} : memref<5x128xi32, #tpu.memory_space<vmem>>, vector<16xi32>,
    %add3A_389 = arith.constant 160 : i32
    %add3A_390 = arith.addi %mul3A_9, %add3A_389 : i32
    %add3A_391 = vector.broadcast %add3A_390 : i32 to vector<16xi32>
    %add3A_392 = arith.addi %add3A_391, %iota3A : vector<16xi32>
    %swap3A_393 = arith.constant 1 : i32
    %swap3A_394 = arith.index_cast %swap3A_393 : i32 to index
    %swap3A_395 = arith.constant 32 : index
    %swap3A_396 = tpu.vector_load %arg8[%swap3A_394, %swap3A_395] {strides = array<i32>} : memref<5x128xi32, #tpu.memory_space<vmem>>, vector<16xi32>,
    tpu.vector_store %arg8[%swap3A_394, %swap3A_395], %add3A_392 {strides = array<i32>} : memref<5x128xi32, #tpu.memory_space<vmem>>, vector<16xi32>,
    %get3A_397 = arith.constant 176 : index
    %get3A_398 = tpu.vector_load %arg12[%get3A_397] {strides = array<i32>} : memref<640xi32, #tpu.memory_space<vmem>>, vector<16xi32>,
    %get3A_399 = arith.constant 176 : index
    %get3A_400 = tpu.vector_load %arg13[%get3A_399] {strides = array<i32>} : memref<640xi32, #tpu.memory_space<vmem>>, vector<16xi32>,
    %get3A_401 = arith.constant 176 : index
    %get3A_402 = tpu.vector_load %arg14[%get3A_401] {strides = array<i32>} : memref<640xi32, #tpu.memory_space<vmem>>, vector<16xi32>,
    %add3A_403 = arith.constant 1 : i32
    %add3A_404 = vector.broadcast %add3A_403 : i32 to vector<16xi32>
    %add3A_405 = arith.addi %get3A_398, %add3A_404 : vector<16xi32>
    %mul3A_406 = arith.constant 1156 : i32
    %mul3A_407 = vector.broadcast %mul3A_406 : i32 to vector<16xi32>
    %mul3A_408 = arith.muli %add3A_405, %mul3A_407 : vector<16xi32>
    %add3A_409 = arith.constant 1 : i32
    %add3A_410 = vector.broadcast %add3A_409 : i32 to vector<16xi32>
    %add3A_411 = arith.addi %get3A_400, %add3A_410 : vector<16xi32>
    %mul3A_412 = arith.constant 34 : i32
    %mul3A_413 = vector.broadcast %mul3A_412 : i32 to vector<16xi32>
    %mul3A_414 = arith.muli %add3A_411, %mul3A_413 : vector<16xi32>
    %add3A_415 = arith.addi %mul3A_408, %mul3A_414 : vector<16xi32>
    %add3A_416 = arith.constant 1 : i32
    %add3A_417 = vector.broadcast %add3A_416 : i32 to vector<16xi32>
    %add3A_418 = arith.addi %get3A_402, %add3A_417 : vector<16xi32>
    %add3A_419 = arith.addi %add3A_415, %add3A_418 : vector<16xi32>
    %swap3A_420 = arith.constant 1 : i32
    %swap3A_421 = arith.index_cast %swap3A_420 : i32 to index
    %swap3A_422 = arith.constant 48 : index
    %swap3A_423 = tpu.vector_load %arg7[%swap3A_421, %swap3A_422] {strides = array<i32>} : memref<5x128xi32, #tpu.memory_space<vmem>>, vector<16xi32>,
    tpu.vector_store %arg7[%swap3A_421, %swap3A_422], %add3A_419 {strides = array<i32>} : memref<5x128xi32, #tpu.memory_space<vmem>>, vector<16xi32>,
    %add3A_424 = arith.constant 176 : i32
    %add3A_425 = arith.addi %mul3A_9, %add3A_424 : i32
    %add3A_426 = vector.broadcast %add3A_425 : i32 to vector<16xi32>
    %add3A_427 = arith.addi %add3A_426, %iota3A : vector<16xi32>
    %swap3A_428 = arith.constant 1 : i32
    %swap3A_429 = arith.index_cast %swap3A_428 : i32 to index
    %swap3A_430 = arith.constant 48 : index
    %swap3A_431 = tpu.vector_load %arg8[%swap3A_429, %swap3A_430] {strides = array<i32>} : memref<5x128xi32, #tpu.memory_space<vmem>>, vector<16xi32>,
    tpu.vector_store %arg8[%swap3A_429, %swap3A_430], %add3A_427 {strides = array<i32>} : memref<5x128xi32, #tpu.memory_space<vmem>>, vector<16xi32>,
    %get3A_432 = arith.constant 192 : index
    %get3A_433 = tpu.vector_load %arg12[%get3A_432] {strides = array<i32>} : memref<640xi32, #tpu.memory_space<vmem>>, vector<16xi32>,
    %get3A_434 = arith.constant 192 : index
    %get3A_435 = tpu.vector_load %arg13[%get3A_434] {strides = array<i32>} : memref<640xi32, #tpu.memory_space<vmem>>, vector<16xi32>,
    %get3A_436 = arith.constant 192 : index
    %get3A_437 = tpu.vector_load %arg14[%get3A_436] {strides = array<i32>} : memref<640xi32, #tpu.memory_space<vmem>>, vector<16xi32>,
    %add3A_438 = arith.constant 1 : i32
    %add3A_439 = vector.broadcast %add3A_438 : i32 to vector<16xi32>
    %add3A_440 = arith.addi %get3A_433, %add3A_439 : vector<16xi32>
    %mul3A_441 = arith.constant 1156 : i32
    %mul3A_442 = vector.broadcast %mul3A_441 : i32 to vector<16xi32>
    %mul3A_443 = arith.muli %add3A_440, %mul3A_442 : vector<16xi32>
    %add3A_444 = arith.constant 1 : i32
    %add3A_445 = vector.broadcast %add3A_444 : i32 to vector<16xi32>
    %add3A_446 = arith.addi %get3A_435, %add3A_445 : vector<16xi32>
    %mul3A_447 = arith.constant 34 : i32
    %mul3A_448 = vector.broadcast %mul3A_447 : i32 to vector<16xi32>
    %mul3A_449 = arith.muli %add3A_446, %mul3A_448 : vector<16xi32>
    %add3A_450 = arith.addi %mul3A_443, %mul3A_449 : vector<16xi32>
    %add3A_451 = arith.constant 1 : i32
    %add3A_452 = vector.broadcast %add3A_451 : i32 to vector<16xi32>
    %add3A_453 = arith.addi %get3A_437, %add3A_452 : vector<16xi32>
    %add3A_454 = arith.addi %add3A_450, %add3A_453 : vector<16xi32>
    %swap3A_455 = arith.constant 1 : i32
    %swap3A_456 = arith.index_cast %swap3A_455 : i32 to index
    %swap3A_457 = arith.constant 64 : index
    %swap3A_458 = tpu.vector_load %arg7[%swap3A_456, %swap3A_457] {strides = array<i32>} : memref<5x128xi32, #tpu.memory_space<vmem>>, vector<16xi32>,
    tpu.vector_store %arg7[%swap3A_456, %swap3A_457], %add3A_454 {strides = array<i32>} : memref<5x128xi32, #tpu.memory_space<vmem>>, vector<16xi32>,
    %add3A_459 = arith.constant 192 : i32
    %add3A_460 = arith.addi %mul3A_9, %add3A_459 : i32
    %add3A_461 = vector.broadcast %add3A_460 : i32 to vector<16xi32>
    %add3A_462 = arith.addi %add3A_461, %iota3A : vector<16xi32>
    %swap3A_463 = arith.constant 1 : i32
    %swap3A_464 = arith.index_cast %swap3A_463 : i32 to index
    %swap3A_465 = arith.constant 64 : index
    %swap3A_466 = tpu.vector_load %arg8[%swap3A_464, %swap3A_465] {strides = array<i32>} : memref<5x128xi32, #tpu.memory_space<vmem>>, vector<16xi32>,
    tpu.vector_store %arg8[%swap3A_464, %swap3A_465], %add3A_462 {strides = array<i32>} : memref<5x128xi32, #tpu.memory_space<vmem>>, vector<16xi32>,
    %get3A_467 = arith.constant 208 : index
    %get3A_468 = tpu.vector_load %arg12[%get3A_467] {strides = array<i32>} : memref<640xi32, #tpu.memory_space<vmem>>, vector<16xi32>,
    %get3A_469 = arith.constant 208 : index
    %get3A_470 = tpu.vector_load %arg13[%get3A_469] {strides = array<i32>} : memref<640xi32, #tpu.memory_space<vmem>>, vector<16xi32>,
    %get3A_471 = arith.constant 208 : index
    %get3A_472 = tpu.vector_load %arg14[%get3A_471] {strides = array<i32>} : memref<640xi32, #tpu.memory_space<vmem>>, vector<16xi32>,
    %add3A_473 = arith.constant 1 : i32
    %add3A_474 = vector.broadcast %add3A_473 : i32 to vector<16xi32>
    %add3A_475 = arith.addi %get3A_468, %add3A_474 : vector<16xi32>
    %mul3A_476 = arith.constant 1156 : i32
    %mul3A_477 = vector.broadcast %mul3A_476 : i32 to vector<16xi32>
    %mul3A_478 = arith.muli %add3A_475, %mul3A_477 : vector<16xi32>
    %add3A_479 = arith.constant 1 : i32
    %add3A_480 = vector.broadcast %add3A_479 : i32 to vector<16xi32>
    %add3A_481 = arith.addi %get3A_470, %add3A_480 : vector<16xi32>
    %mul3A_482 = arith.constant 34 : i32
    %mul3A_483 = vector.broadcast %mul3A_482 : i32 to vector<16xi32>
    %mul3A_484 = arith.muli %add3A_481, %mul3A_483 : vector<16xi32>
    %add3A_485 = arith.addi %mul3A_478, %mul3A_484 : vector<16xi32>
    %add3A_486 = arith.constant 1 : i32
    %add3A_487 = vector.broadcast %add3A_486 : i32 to vector<16xi32>
    %add3A_488 = arith.addi %get3A_472, %add3A_487 : vector<16xi32>
    %add3A_489 = arith.addi %add3A_485, %add3A_488 : vector<16xi32>
    %swap3A_490 = arith.constant 1 : i32
    %swap3A_491 = arith.index_cast %swap3A_490 : i32 to index
    %swap3A_492 = arith.constant 80 : index
    %swap3A_493 = tpu.vector_load %arg7[%swap3A_491, %swap3A_492] {strides = array<i32>} : memref<5x128xi32, #tpu.memory_space<vmem>>, vector<16xi32>,
    tpu.vector_store %arg7[%swap3A_491, %swap3A_492], %add3A_489 {strides = array<i32>} : memref<5x128xi32, #tpu.memory_space<vmem>>, vector<16xi32>,
    %add3A_494 = arith.constant 208 : i32
    %add3A_495 = arith.addi %mul3A_9, %add3A_494 : i32
    %add3A_496 = vector.broadcast %add3A_495 : i32 to vector<16xi32>
    %add3A_497 = arith.addi %add3A_496, %iota3A : vector<16xi32>
    %swap3A_498 = arith.constant 1 : i32
    %swap3A_499 = arith.index_cast %swap3A_498 : i32 to index
    %swap3A_500 = arith.constant 80 : index
    %swap3A_501 = tpu.vector_load %arg8[%swap3A_499, %swap3A_500] {strides = array<i32>} : memref<5x128xi32, #tpu.memory_space<vmem>>, vector<16xi32>,
    tpu.vector_store %arg8[%swap3A_499, %swap3A_500], %add3A_497 {strides = array<i32>} : memref<5x128xi32, #tpu.memory_space<vmem>>, vector<16xi32>,
    %get3A_502 = arith.constant 224 : index
    %get3A_503 = tpu.vector_load %arg12[%get3A_502] {strides = array<i32>} : memref<640xi32, #tpu.memory_space<vmem>>, vector<16xi32>,
    %get3A_504 = arith.constant 224 : index
    %get3A_505 = tpu.vector_load %arg13[%get3A_504] {strides = array<i32>} : memref<640xi32, #tpu.memory_space<vmem>>, vector<16xi32>,
    %get3A_506 = arith.constant 224 : index
    %get3A_507 = tpu.vector_load %arg14[%get3A_506] {strides = array<i32>} : memref<640xi32, #tpu.memory_space<vmem>>, vector<16xi32>,
    %add3A_508 = arith.constant 1 : i32
    %add3A_509 = vector.broadcast %add3A_508 : i32 to vector<16xi32>
    %add3A_510 = arith.addi %get3A_503, %add3A_509 : vector<16xi32>
    %mul3A_511 = arith.constant 1156 : i32
    %mul3A_512 = vector.broadcast %mul3A_511 : i32 to vector<16xi32>
    %mul3A_513 = arith.muli %add3A_510, %mul3A_512 : vector<16xi32>
    %add3A_514 = arith.constant 1 : i32
    %add3A_515 = vector.broadcast %add3A_514 : i32 to vector<16xi32>
    %add3A_516 = arith.addi %get3A_505, %add3A_515 : vector<16xi32>
    %mul3A_517 = arith.constant 34 : i32
    %mul3A_518 = vector.broadcast %mul3A_517 : i32 to vector<16xi32>
    %mul3A_519 = arith.muli %add3A_516, %mul3A_518 : vector<16xi32>
    %add3A_520 = arith.addi %mul3A_513, %mul3A_519 : vector<16xi32>
    %add3A_521 = arith.constant 1 : i32
    %add3A_522 = vector.broadcast %add3A_521 : i32 to vector<16xi32>
    %add3A_523 = arith.addi %get3A_507, %add3A_522 : vector<16xi32>
    %add3A_524 = arith.addi %add3A_520, %add3A_523 : vector<16xi32>
    %swap3A_525 = arith.constant 1 : i32
    %swap3A_526 = arith.index_cast %swap3A_525 : i32 to index
    %swap3A_527 = arith.constant 96 : index
    %swap3A_528 = tpu.vector_load %arg7[%swap3A_526, %swap3A_527] {strides = array<i32>} : memref<5x128xi32, #tpu.memory_space<vmem>>, vector<16xi32>,
    tpu.vector_store %arg7[%swap3A_526, %swap3A_527], %add3A_524 {strides = array<i32>} : memref<5x128xi32, #tpu.memory_space<vmem>>, vector<16xi32>,
    %add3A_529 = arith.constant 224 : i32
    %add3A_530 = arith.addi %mul3A_9, %add3A_529 : i32
    %add3A_531 = vector.broadcast %add3A_530 : i32 to vector<16xi32>
    %add3A_532 = arith.addi %add3A_531, %iota3A : vector<16xi32>
    %swap3A_533 = arith.constant 1 : i32
    %swap3A_534 = arith.index_cast %swap3A_533 : i32 to index
    %swap3A_535 = arith.constant 96 : index
    %swap3A_536 = tpu.vector_load %arg8[%swap3A_534, %swap3A_535] {strides = array<i32>} : memref<5x128xi32, #tpu.memory_space<vmem>>, vector<16xi32>,
    tpu.vector_store %arg8[%swap3A_534, %swap3A_535], %add3A_532 {strides = array<i32>} : memref<5x128xi32, #tpu.memory_space<vmem>>, vector<16xi32>,
    %get3A_537 = arith.constant 240 : index
    %get3A_538 = tpu.vector_load %arg12[%get3A_537] {strides = array<i32>} : memref<640xi32, #tpu.memory_space<vmem>>, vector<16xi32>,
    %get3A_539 = arith.constant 240 : index
    %get3A_540 = tpu.vector_load %arg13[%get3A_539] {strides = array<i32>} : memref<640xi32, #tpu.memory_space<vmem>>, vector<16xi32>,
    %get3A_541 = arith.constant 240 : index
    %get3A_542 = tpu.vector_load %arg14[%get3A_541] {strides = array<i32>} : memref<640xi32, #tpu.memory_space<vmem>>, vector<16xi32>,
    %add3A_543 = arith.constant 1 : i32
    %add3A_544 = vector.broadcast %add3A_543 : i32 to vector<16xi32>
    %add3A_545 = arith.addi %get3A_538, %add3A_544 : vector<16xi32>
    %mul3A_546 = arith.constant 1156 : i32
    %mul3A_547 = vector.broadcast %mul3A_546 : i32 to vector<16xi32>
    %mul3A_548 = arith.muli %add3A_545, %mul3A_547 : vector<16xi32>
    %add3A_549 = arith.constant 1 : i32
    %add3A_550 = vector.broadcast %add3A_549 : i32 to vector<16xi32>
    %add3A_551 = arith.addi %get3A_540, %add3A_550 : vector<16xi32>
    %mul3A_552 = arith.constant 34 : i32
    %mul3A_553 = vector.broadcast %mul3A_552 : i32 to vector<16xi32>
    %mul3A_554 = arith.muli %add3A_551, %mul3A_553 : vector<16xi32>
    %add3A_555 = arith.addi %mul3A_548, %mul3A_554 : vector<16xi32>
    %add3A_556 = arith.constant 1 : i32
    %add3A_557 = vector.broadcast %add3A_556 : i32 to vector<16xi32>
    %add3A_558 = arith.addi %get3A_542, %add3A_557 : vector<16xi32>
    %add3A_559 = arith.addi %add3A_555, %add3A_558 : vector<16xi32>
    %swap3A_560 = arith.constant 1 : i32
    %swap3A_561 = arith.index_cast %swap3A_560 : i32 to index
    %swap3A_562 = arith.constant 112 : index
    %swap3A_563 = tpu.vector_load %arg7[%swap3A_561, %swap3A_562] {strides = array<i32>} : memref<5x128xi32, #tpu.memory_space<vmem>>, vector<16xi32>,
    tpu.vector_store %arg7[%swap3A_561, %swap3A_562], %add3A_559 {strides = array<i32>} : memref<5x128xi32, #tpu.memory_space<vmem>>, vector<16xi32>,
    %add3A_564 = arith.constant 240 : i32
    %add3A_565 = arith.addi %mul3A_9, %add3A_564 : i32
    %add3A_566 = vector.broadcast %add3A_565 : i32 to vector<16xi32>
    %add3A_567 = arith.addi %add3A_566, %iota3A : vector<16xi32>
    %swap3A_568 = arith.constant 1 : i32
    %swap3A_569 = arith.index_cast %swap3A_568 : i32 to index
    %swap3A_570 = arith.constant 112 : index
    %swap3A_571 = tpu.vector_load %arg8[%swap3A_569, %swap3A_570] {strides = array<i32>} : memref<5x128xi32, #tpu.memory_space<vmem>>, vector<16xi32>,
    tpu.vector_store %arg8[%swap3A_569, %swap3A_570], %add3A_567 {strides = array<i32>} : memref<5x128xi32, #tpu.memory_space<vmem>>, vector<16xi32>,
    %get3A_572 = arith.constant 256 : index
    %get3A_573 = tpu.vector_load %arg12[%get3A_572] {strides = array<i32>} : memref<640xi32, #tpu.memory_space<vmem>>, vector<16xi32>,
    %get3A_574 = arith.constant 256 : index
    %get3A_575 = tpu.vector_load %arg13[%get3A_574] {strides = array<i32>} : memref<640xi32, #tpu.memory_space<vmem>>, vector<16xi32>,
    %get3A_576 = arith.constant 256 : index
    %get3A_577 = tpu.vector_load %arg14[%get3A_576] {strides = array<i32>} : memref<640xi32, #tpu.memory_space<vmem>>, vector<16xi32>,
    %add3A_578 = arith.constant 1 : i32
    %add3A_579 = vector.broadcast %add3A_578 : i32 to vector<16xi32>
    %add3A_580 = arith.addi %get3A_573, %add3A_579 : vector<16xi32>
    %mul3A_581 = arith.constant 1156 : i32
    %mul3A_582 = vector.broadcast %mul3A_581 : i32 to vector<16xi32>
    %mul3A_583 = arith.muli %add3A_580, %mul3A_582 : vector<16xi32>
    %add3A_584 = arith.constant 1 : i32
    %add3A_585 = vector.broadcast %add3A_584 : i32 to vector<16xi32>
    %add3A_586 = arith.addi %get3A_575, %add3A_585 : vector<16xi32>
    %mul3A_587 = arith.constant 34 : i32
    %mul3A_588 = vector.broadcast %mul3A_587 : i32 to vector<16xi32>
    %mul3A_589 = arith.muli %add3A_586, %mul3A_588 : vector<16xi32>
    %add3A_590 = arith.addi %mul3A_583, %mul3A_589 : vector<16xi32>
    %add3A_591 = arith.constant 1 : i32
    %add3A_592 = vector.broadcast %add3A_591 : i32 to vector<16xi32>
    %add3A_593 = arith.addi %get3A_577, %add3A_592 : vector<16xi32>
    %add3A_594 = arith.addi %add3A_590, %add3A_593 : vector<16xi32>
    %swap3A_595 = arith.constant 2 : i32
    %swap3A_596 = arith.index_cast %swap3A_595 : i32 to index
    %swap3A_597 = arith.constant 0 : index
    %swap3A_598 = tpu.vector_load %arg7[%swap3A_596, %swap3A_597] {strides = array<i32>} : memref<5x128xi32, #tpu.memory_space<vmem>>, vector<16xi32>,
    tpu.vector_store %arg7[%swap3A_596, %swap3A_597], %add3A_594 {strides = array<i32>} : memref<5x128xi32, #tpu.memory_space<vmem>>, vector<16xi32>,
    %add3A_599 = arith.constant 256 : i32
    %add3A_600 = arith.addi %mul3A_9, %add3A_599 : i32
    %add3A_601 = vector.broadcast %add3A_600 : i32 to vector<16xi32>
    %add3A_602 = arith.addi %add3A_601, %iota3A : vector<16xi32>
    %swap3A_603 = arith.constant 2 : i32
    %swap3A_604 = arith.index_cast %swap3A_603 : i32 to index
    %swap3A_605 = arith.constant 0 : index
    %swap3A_606 = tpu.vector_load %arg8[%swap3A_604, %swap3A_605] {strides = array<i32>} : memref<5x128xi32, #tpu.memory_space<vmem>>, vector<16xi32>,
    tpu.vector_store %arg8[%swap3A_604, %swap3A_605], %add3A_602 {strides = array<i32>} : memref<5x128xi32, #tpu.memory_space<vmem>>, vector<16xi32>,
    %get3A_607 = arith.constant 272 : index
    %get3A_608 = tpu.vector_load %arg12[%get3A_607] {strides = array<i32>} : memref<640xi32, #tpu.memory_space<vmem>>, vector<16xi32>,
    %get3A_609 = arith.constant 272 : index
    %get3A_610 = tpu.vector_load %arg13[%get3A_609] {strides = array<i32>} : memref<640xi32, #tpu.memory_space<vmem>>, vector<16xi32>,
    %get3A_611 = arith.constant 272 : index
    %get3A_612 = tpu.vector_load %arg14[%get3A_611] {strides = array<i32>} : memref<640xi32, #tpu.memory_space<vmem>>, vector<16xi32>,
    %add3A_613 = arith.constant 1 : i32
    %add3A_614 = vector.broadcast %add3A_613 : i32 to vector<16xi32>
    %add3A_615 = arith.addi %get3A_608, %add3A_614 : vector<16xi32>
    %mul3A_616 = arith.constant 1156 : i32
    %mul3A_617 = vector.broadcast %mul3A_616 : i32 to vector<16xi32>
    %mul3A_618 = arith.muli %add3A_615, %mul3A_617 : vector<16xi32>
    %add3A_619 = arith.constant 1 : i32
    %add3A_620 = vector.broadcast %add3A_619 : i32 to vector<16xi32>
    %add3A_621 = arith.addi %get3A_610, %add3A_620 : vector<16xi32>
    %mul3A_622 = arith.constant 34 : i32
    %mul3A_623 = vector.broadcast %mul3A_622 : i32 to vector<16xi32>
    %mul3A_624 = arith.muli %add3A_621, %mul3A_623 : vector<16xi32>
    %add3A_625 = arith.addi %mul3A_618, %mul3A_624 : vector<16xi32>
    %add3A_626 = arith.constant 1 : i32
    %add3A_627 = vector.broadcast %add3A_626 : i32 to vector<16xi32>
    %add3A_628 = arith.addi %get3A_612, %add3A_627 : vector<16xi32>
    %add3A_629 = arith.addi %add3A_625, %add3A_628 : vector<16xi32>
    %swap3A_630 = arith.constant 2 : i32
    %swap3A_631 = arith.index_cast %swap3A_630 : i32 to index
    %swap3A_632 = arith.constant 16 : index
    %swap3A_633 = tpu.vector_load %arg7[%swap3A_631, %swap3A_632] {strides = array<i32>} : memref<5x128xi32, #tpu.memory_space<vmem>>, vector<16xi32>,
    tpu.vector_store %arg7[%swap3A_631, %swap3A_632], %add3A_629 {strides = array<i32>} : memref<5x128xi32, #tpu.memory_space<vmem>>, vector<16xi32>,
    %add3A_634 = arith.constant 272 : i32
    %add3A_635 = arith.addi %mul3A_9, %add3A_634 : i32
    %add3A_636 = vector.broadcast %add3A_635 : i32 to vector<16xi32>
    %add3A_637 = arith.addi %add3A_636, %iota3A : vector<16xi32>
    %swap3A_638 = arith.constant 2 : i32
    %swap3A_639 = arith.index_cast %swap3A_638 : i32 to index
    %swap3A_640 = arith.constant 16 : index
    %swap3A_641 = tpu.vector_load %arg8[%swap3A_639, %swap3A_640] {strides = array<i32>} : memref<5x128xi32, #tpu.memory_space<vmem>>, vector<16xi32>,
    tpu.vector_store %arg8[%swap3A_639, %swap3A_640], %add3A_637 {strides = array<i32>} : memref<5x128xi32, #tpu.memory_space<vmem>>, vector<16xi32>,
    %get3A_642 = arith.constant 288 : index
    %get3A_643 = tpu.vector_load %arg12[%get3A_642] {strides = array<i32>} : memref<640xi32, #tpu.memory_space<vmem>>, vector<16xi32>,
    %get3A_644 = arith.constant 288 : index
    %get3A_645 = tpu.vector_load %arg13[%get3A_644] {strides = array<i32>} : memref<640xi32, #tpu.memory_space<vmem>>, vector<16xi32>,
    %get3A_646 = arith.constant 288 : index
    %get3A_647 = tpu.vector_load %arg14[%get3A_646] {strides = array<i32>} : memref<640xi32, #tpu.memory_space<vmem>>, vector<16xi32>,
    %add3A_648 = arith.constant 1 : i32
    %add3A_649 = vector.broadcast %add3A_648 : i32 to vector<16xi32>
    %add3A_650 = arith.addi %get3A_643, %add3A_649 : vector<16xi32>
    %mul3A_651 = arith.constant 1156 : i32
    %mul3A_652 = vector.broadcast %mul3A_651 : i32 to vector<16xi32>
    %mul3A_653 = arith.muli %add3A_650, %mul3A_652 : vector<16xi32>
    %add3A_654 = arith.constant 1 : i32
    %add3A_655 = vector.broadcast %add3A_654 : i32 to vector<16xi32>
    %add3A_656 = arith.addi %get3A_645, %add3A_655 : vector<16xi32>
    %mul3A_657 = arith.constant 34 : i32
    %mul3A_658 = vector.broadcast %mul3A_657 : i32 to vector<16xi32>
    %mul3A_659 = arith.muli %add3A_656, %mul3A_658 : vector<16xi32>
    %add3A_660 = arith.addi %mul3A_653, %mul3A_659 : vector<16xi32>
    %add3A_661 = arith.constant 1 : i32
    %add3A_662 = vector.broadcast %add3A_661 : i32 to vector<16xi32>
    %add3A_663 = arith.addi %get3A_647, %add3A_662 : vector<16xi32>
    %add3A_664 = arith.addi %add3A_660, %add3A_663 : vector<16xi32>
    %swap3A_665 = arith.constant 2 : i32
    %swap3A_666 = arith.index_cast %swap3A_665 : i32 to index
    %swap3A_667 = arith.constant 32 : index
    %swap3A_668 = tpu.vector_load %arg7[%swap3A_666, %swap3A_667] {strides = array<i32>} : memref<5x128xi32, #tpu.memory_space<vmem>>, vector<16xi32>,
    tpu.vector_store %arg7[%swap3A_666, %swap3A_667], %add3A_664 {strides = array<i32>} : memref<5x128xi32, #tpu.memory_space<vmem>>, vector<16xi32>,
    %add3A_669 = arith.constant 288 : i32
    %add3A_670 = arith.addi %mul3A_9, %add3A_669 : i32
    %add3A_671 = vector.broadcast %add3A_670 : i32 to vector<16xi32>
    %add3A_672 = arith.addi %add3A_671, %iota3A : vector<16xi32>
    %swap3A_673 = arith.constant 2 : i32
    %swap3A_674 = arith.index_cast %swap3A_673 : i32 to index
    %swap3A_675 = arith.constant 32 : index
    %swap3A_676 = tpu.vector_load %arg8[%swap3A_674, %swap3A_675] {strides = array<i32>} : memref<5x128xi32, #tpu.memory_space<vmem>>, vector<16xi32>,
    tpu.vector_store %arg8[%swap3A_674, %swap3A_675], %add3A_672 {strides = array<i32>} : memref<5x128xi32, #tpu.memory_space<vmem>>, vector<16xi32>,
    %get3A_677 = arith.constant 304 : index
    %get3A_678 = tpu.vector_load %arg12[%get3A_677] {strides = array<i32>} : memref<640xi32, #tpu.memory_space<vmem>>, vector<16xi32>,
    %get3A_679 = arith.constant 304 : index
    %get3A_680 = tpu.vector_load %arg13[%get3A_679] {strides = array<i32>} : memref<640xi32, #tpu.memory_space<vmem>>, vector<16xi32>,
    %get3A_681 = arith.constant 304 : index
    %get3A_682 = tpu.vector_load %arg14[%get3A_681] {strides = array<i32>} : memref<640xi32, #tpu.memory_space<vmem>>, vector<16xi32>,
    %add3A_683 = arith.constant 1 : i32
    %add3A_684 = vector.broadcast %add3A_683 : i32 to vector<16xi32>
    %add3A_685 = arith.addi %get3A_678, %add3A_684 : vector<16xi32>
    %mul3A_686 = arith.constant 1156 : i32
    %mul3A_687 = vector.broadcast %mul3A_686 : i32 to vector<16xi32>
    %mul3A_688 = arith.muli %add3A_685, %mul3A_687 : vector<16xi32>
    %add3A_689 = arith.constant 1 : i32
    %add3A_690 = vector.broadcast %add3A_689 : i32 to vector<16xi32>
    %add3A_691 = arith.addi %get3A_680, %add3A_690 : vector<16xi32>
    %mul3A_692 = arith.constant 34 : i32
    %mul3A_693 = vector.broadcast %mul3A_692 : i32 to vector<16xi32>
    %mul3A_694 = arith.muli %add3A_691, %mul3A_693 : vector<16xi32>
    %add3A_695 = arith.addi %mul3A_688, %mul3A_694 : vector<16xi32>
    %add3A_696 = arith.constant 1 : i32
    %add3A_697 = vector.broadcast %add3A_696 : i32 to vector<16xi32>
    %add3A_698 = arith.addi %get3A_682, %add3A_697 : vector<16xi32>
    %add3A_699 = arith.addi %add3A_695, %add3A_698 : vector<16xi32>
    %swap3A_700 = arith.constant 2 : i32
    %swap3A_701 = arith.index_cast %swap3A_700 : i32 to index
    %swap3A_702 = arith.constant 48 : index
    %swap3A_703 = tpu.vector_load %arg7[%swap3A_701, %swap3A_702] {strides = array<i32>} : memref<5x128xi32, #tpu.memory_space<vmem>>, vector<16xi32>,
    tpu.vector_store %arg7[%swap3A_701, %swap3A_702], %add3A_699 {strides = array<i32>} : memref<5x128xi32, #tpu.memory_space<vmem>>, vector<16xi32>,
    %add3A_704 = arith.constant 304 : i32
    %add3A_705 = arith.addi %mul3A_9, %add3A_704 : i32
    %add3A_706 = vector.broadcast %add3A_705 : i32 to vector<16xi32>
    %add3A_707 = arith.addi %add3A_706, %iota3A : vector<16xi32>
    %swap3A_708 = arith.constant 2 : i32
    %swap3A_709 = arith.index_cast %swap3A_708 : i32 to index
    %swap3A_710 = arith.constant 48 : index
    %swap3A_711 = tpu.vector_load %arg8[%swap3A_709, %swap3A_710] {strides = array<i32>} : memref<5x128xi32, #tpu.memory_space<vmem>>, vector<16xi32>,
    tpu.vector_store %arg8[%swap3A_709, %swap3A_710], %add3A_707 {strides = array<i32>} : memref<5x128xi32, #tpu.memory_space<vmem>>, vector<16xi32>,
    %get3A_712 = arith.constant 320 : index
    %get3A_713 = tpu.vector_load %arg12[%get3A_712] {strides = array<i32>} : memref<640xi32, #tpu.memory_space<vmem>>, vector<16xi32>,
    %get3A_714 = arith.constant 320 : index
    %get3A_715 = tpu.vector_load %arg13[%get3A_714] {strides = array<i32>} : memref<640xi32, #tpu.memory_space<vmem>>, vector<16xi32>,
    %get3A_716 = arith.constant 320 : index
    %get3A_717 = tpu.vector_load %arg14[%get3A_716] {strides = array<i32>} : memref<640xi32, #tpu.memory_space<vmem>>, vector<16xi32>,
    %add3A_718 = arith.constant 1 : i32
    %add3A_719 = vector.broadcast %add3A_718 : i32 to vector<16xi32>
    %add3A_720 = arith.addi %get3A_713, %add3A_719 : vector<16xi32>
    %mul3A_721 = arith.constant 1156 : i32
    %mul3A_722 = vector.broadcast %mul3A_721 : i32 to vector<16xi32>
    %mul3A_723 = arith.muli %add3A_720, %mul3A_722 : vector<16xi32>
    %add3A_724 = arith.constant 1 : i32
    %add3A_725 = vector.broadcast %add3A_724 : i32 to vector<16xi32>
    %add3A_726 = arith.addi %get3A_715, %add3A_725 : vector<16xi32>
    %mul3A_727 = arith.constant 34 : i32
    %mul3A_728 = vector.broadcast %mul3A_727 : i32 to vector<16xi32>
    %mul3A_729 = arith.muli %add3A_726, %mul3A_728 : vector<16xi32>
    %add3A_730 = arith.addi %mul3A_723, %mul3A_729 : vector<16xi32>
    %add3A_731 = arith.constant 1 : i32
    %add3A_732 = vector.broadcast %add3A_731 : i32 to vector<16xi32>
    %add3A_733 = arith.addi %get3A_717, %add3A_732 : vector<16xi32>
    %add3A_734 = arith.addi %add3A_730, %add3A_733 : vector<16xi32>
    %swap3A_735 = arith.constant 2 : i32
    %swap3A_736 = arith.index_cast %swap3A_735 : i32 to index
    %swap3A_737 = arith.constant 64 : index
    %swap3A_738 = tpu.vector_load %arg7[%swap3A_736, %swap3A_737] {strides = array<i32>} : memref<5x128xi32, #tpu.memory_space<vmem>>, vector<16xi32>,
    tpu.vector_store %arg7[%swap3A_736, %swap3A_737], %add3A_734 {strides = array<i32>} : memref<5x128xi32, #tpu.memory_space<vmem>>, vector<16xi32>,
    %add3A_739 = arith.constant 320 : i32
    %add3A_740 = arith.addi %mul3A_9, %add3A_739 : i32
    %add3A_741 = vector.broadcast %add3A_740 : i32 to vector<16xi32>
    %add3A_742 = arith.addi %add3A_741, %iota3A : vector<16xi32>
    %swap3A_743 = arith.constant 2 : i32
    %swap3A_744 = arith.index_cast %swap3A_743 : i32 to index
    %swap3A_745 = arith.constant 64 : index
    %swap3A_746 = tpu.vector_load %arg8[%swap3A_744, %swap3A_745] {strides = array<i32>} : memref<5x128xi32, #tpu.memory_space<vmem>>, vector<16xi32>,
    tpu.vector_store %arg8[%swap3A_744, %swap3A_745], %add3A_742 {strides = array<i32>} : memref<5x128xi32, #tpu.memory_space<vmem>>, vector<16xi32>,
    %get3A_747 = arith.constant 336 : index
    %get3A_748 = tpu.vector_load %arg12[%get3A_747] {strides = array<i32>} : memref<640xi32, #tpu.memory_space<vmem>>, vector<16xi32>,
    %get3A_749 = arith.constant 336 : index
    %get3A_750 = tpu.vector_load %arg13[%get3A_749] {strides = array<i32>} : memref<640xi32, #tpu.memory_space<vmem>>, vector<16xi32>,
    %get3A_751 = arith.constant 336 : index
    %get3A_752 = tpu.vector_load %arg14[%get3A_751] {strides = array<i32>} : memref<640xi32, #tpu.memory_space<vmem>>, vector<16xi32>,
    %add3A_753 = arith.constant 1 : i32
    %add3A_754 = vector.broadcast %add3A_753 : i32 to vector<16xi32>
    %add3A_755 = arith.addi %get3A_748, %add3A_754 : vector<16xi32>
    %mul3A_756 = arith.constant 1156 : i32
    %mul3A_757 = vector.broadcast %mul3A_756 : i32 to vector<16xi32>
    %mul3A_758 = arith.muli %add3A_755, %mul3A_757 : vector<16xi32>
    %add3A_759 = arith.constant 1 : i32
    %add3A_760 = vector.broadcast %add3A_759 : i32 to vector<16xi32>
    %add3A_761 = arith.addi %get3A_750, %add3A_760 : vector<16xi32>
    %mul3A_762 = arith.constant 34 : i32
    %mul3A_763 = vector.broadcast %mul3A_762 : i32 to vector<16xi32>
    %mul3A_764 = arith.muli %add3A_761, %mul3A_763 : vector<16xi32>
    %add3A_765 = arith.addi %mul3A_758, %mul3A_764 : vector<16xi32>
    %add3A_766 = arith.constant 1 : i32
    %add3A_767 = vector.broadcast %add3A_766 : i32 to vector<16xi32>
    %add3A_768 = arith.addi %get3A_752, %add3A_767 : vector<16xi32>
    %add3A_769 = arith.addi %add3A_765, %add3A_768 : vector<16xi32>
    %swap3A_770 = arith.constant 2 : i32
    %swap3A_771 = arith.index_cast %swap3A_770 : i32 to index
    %swap3A_772 = arith.constant 80 : index
    %swap3A_773 = tpu.vector_load %arg7[%swap3A_771, %swap3A_772] {strides = array<i32>} : memref<5x128xi32, #tpu.memory_space<vmem>>, vector<16xi32>,
    tpu.vector_store %arg7[%swap3A_771, %swap3A_772], %add3A_769 {strides = array<i32>} : memref<5x128xi32, #tpu.memory_space<vmem>>, vector<16xi32>,
    %add3A_774 = arith.constant 336 : i32
    %add3A_775 = arith.addi %mul3A_9, %add3A_774 : i32
    %add3A_776 = vector.broadcast %add3A_775 : i32 to vector<16xi32>
    %add3A_777 = arith.addi %add3A_776, %iota3A : vector<16xi32>
    %swap3A_778 = arith.constant 2 : i32
    %swap3A_779 = arith.index_cast %swap3A_778 : i32 to index
    %swap3A_780 = arith.constant 80 : index
    %swap3A_781 = tpu.vector_load %arg8[%swap3A_779, %swap3A_780] {strides = array<i32>} : memref<5x128xi32, #tpu.memory_space<vmem>>, vector<16xi32>,
    tpu.vector_store %arg8[%swap3A_779, %swap3A_780], %add3A_777 {strides = array<i32>} : memref<5x128xi32, #tpu.memory_space<vmem>>, vector<16xi32>,
    %get3A_782 = arith.constant 352 : index
    %get3A_783 = tpu.vector_load %arg12[%get3A_782] {strides = array<i32>} : memref<640xi32, #tpu.memory_space<vmem>>, vector<16xi32>,
    %get3A_784 = arith.constant 352 : index
    %get3A_785 = tpu.vector_load %arg13[%get3A_784] {strides = array<i32>} : memref<640xi32, #tpu.memory_space<vmem>>, vector<16xi32>,
    %get3A_786 = arith.constant 352 : index
    %get3A_787 = tpu.vector_load %arg14[%get3A_786] {strides = array<i32>} : memref<640xi32, #tpu.memory_space<vmem>>, vector<16xi32>,
    %add3A_788 = arith.constant 1 : i32
    %add3A_789 = vector.broadcast %add3A_788 : i32 to vector<16xi32>
    %add3A_790 = arith.addi %get3A_783, %add3A_789 : vector<16xi32>
    %mul3A_791 = arith.constant 1156 : i32
    %mul3A_792 = vector.broadcast %mul3A_791 : i32 to vector<16xi32>
    %mul3A_793 = arith.muli %add3A_790, %mul3A_792 : vector<16xi32>
    %add3A_794 = arith.constant 1 : i32
    %add3A_795 = vector.broadcast %add3A_794 : i32 to vector<16xi32>
    %add3A_796 = arith.addi %get3A_785, %add3A_795 : vector<16xi32>
    %mul3A_797 = arith.constant 34 : i32
    %mul3A_798 = vector.broadcast %mul3A_797 : i32 to vector<16xi32>
    %mul3A_799 = arith.muli %add3A_796, %mul3A_798 : vector<16xi32>
    %add3A_800 = arith.addi %mul3A_793, %mul3A_799 : vector<16xi32>
    %add3A_801 = arith.constant 1 : i32
    %add3A_802 = vector.broadcast %add3A_801 : i32 to vector<16xi32>
    %add3A_803 = arith.addi %get3A_787, %add3A_802 : vector<16xi32>
    %add3A_804 = arith.addi %add3A_800, %add3A_803 : vector<16xi32>
    %swap3A_805 = arith.constant 2 : i32
    %swap3A_806 = arith.index_cast %swap3A_805 : i32 to index
    %swap3A_807 = arith.constant 96 : index
    %swap3A_808 = tpu.vector_load %arg7[%swap3A_806, %swap3A_807] {strides = array<i32>} : memref<5x128xi32, #tpu.memory_space<vmem>>, vector<16xi32>,
    tpu.vector_store %arg7[%swap3A_806, %swap3A_807], %add3A_804 {strides = array<i32>} : memref<5x128xi32, #tpu.memory_space<vmem>>, vector<16xi32>,
    %add3A_809 = arith.constant 352 : i32
    %add3A_810 = arith.addi %mul3A_9, %add3A_809 : i32
    %add3A_811 = vector.broadcast %add3A_810 : i32 to vector<16xi32>
    %add3A_812 = arith.addi %add3A_811, %iota3A : vector<16xi32>
    %swap3A_813 = arith.constant 2 : i32
    %swap3A_814 = arith.index_cast %swap3A_813 : i32 to index
    %swap3A_815 = arith.constant 96 : index
    %swap3A_816 = tpu.vector_load %arg8[%swap3A_814, %swap3A_815] {strides = array<i32>} : memref<5x128xi32, #tpu.memory_space<vmem>>, vector<16xi32>,
    tpu.vector_store %arg8[%swap3A_814, %swap3A_815], %add3A_812 {strides = array<i32>} : memref<5x128xi32, #tpu.memory_space<vmem>>, vector<16xi32>,
    %get3A_817 = arith.constant 368 : index
    %get3A_818 = tpu.vector_load %arg12[%get3A_817] {strides = array<i32>} : memref<640xi32, #tpu.memory_space<vmem>>, vector<16xi32>,
    %get3A_819 = arith.constant 368 : index
    %get3A_820 = tpu.vector_load %arg13[%get3A_819] {strides = array<i32>} : memref<640xi32, #tpu.memory_space<vmem>>, vector<16xi32>,
    %get3A_821 = arith.constant 368 : index
    %get3A_822 = tpu.vector_load %arg14[%get3A_821] {strides = array<i32>} : memref<640xi32, #tpu.memory_space<vmem>>, vector<16xi32>,
    %add3A_823 = arith.constant 1 : i32
    %add3A_824 = vector.broadcast %add3A_823 : i32 to vector<16xi32>
    %add3A_825 = arith.addi %get3A_818, %add3A_824 : vector<16xi32>
    %mul3A_826 = arith.constant 1156 : i32
    %mul3A_827 = vector.broadcast %mul3A_826 : i32 to vector<16xi32>
    %mul3A_828 = arith.muli %add3A_825, %mul3A_827 : vector<16xi32>
    %add3A_829 = arith.constant 1 : i32
    %add3A_830 = vector.broadcast %add3A_829 : i32 to vector<16xi32>
    %add3A_831 = arith.addi %get3A_820, %add3A_830 : vector<16xi32>
    %mul3A_832 = arith.constant 34 : i32
    %mul3A_833 = vector.broadcast %mul3A_832 : i32 to vector<16xi32>
    %mul3A_834 = arith.muli %add3A_831, %mul3A_833 : vector<16xi32>
    %add3A_835 = arith.addi %mul3A_828, %mul3A_834 : vector<16xi32>
    %add3A_836 = arith.constant 1 : i32
    %add3A_837 = vector.broadcast %add3A_836 : i32 to vector<16xi32>
    %add3A_838 = arith.addi %get3A_822, %add3A_837 : vector<16xi32>
    %add3A_839 = arith.addi %add3A_835, %add3A_838 : vector<16xi32>
    %swap3A_840 = arith.constant 2 : i32
    %swap3A_841 = arith.index_cast %swap3A_840 : i32 to index
    %swap3A_842 = arith.constant 112 : index
    %swap3A_843 = tpu.vector_load %arg7[%swap3A_841, %swap3A_842] {strides = array<i32>} : memref<5x128xi32, #tpu.memory_space<vmem>>, vector<16xi32>,
    tpu.vector_store %arg7[%swap3A_841, %swap3A_842], %add3A_839 {strides = array<i32>} : memref<5x128xi32, #tpu.memory_space<vmem>>, vector<16xi32>,
    %add3A_844 = arith.constant 368 : i32
    %add3A_845 = arith.addi %mul3A_9, %add3A_844 : i32
    %add3A_846 = vector.broadcast %add3A_845 : i32 to vector<16xi32>
    %add3A_847 = arith.addi %add3A_846, %iota3A : vector<16xi32>
    %swap3A_848 = arith.constant 2 : i32
    %swap3A_849 = arith.index_cast %swap3A_848 : i32 to index
    %swap3A_850 = arith.constant 112 : index
    %swap3A_851 = tpu.vector_load %arg8[%swap3A_849, %swap3A_850] {strides = array<i32>} : memref<5x128xi32, #tpu.memory_space<vmem>>, vector<16xi32>,
    tpu.vector_store %arg8[%swap3A_849, %swap3A_850], %add3A_847 {strides = array<i32>} : memref<5x128xi32, #tpu.memory_space<vmem>>, vector<16xi32>,
    %get3A_852 = arith.constant 384 : index
    %get3A_853 = tpu.vector_load %arg12[%get3A_852] {strides = array<i32>} : memref<640xi32, #tpu.memory_space<vmem>>, vector<16xi32>,
    %get3A_854 = arith.constant 384 : index
    %get3A_855 = tpu.vector_load %arg13[%get3A_854] {strides = array<i32>} : memref<640xi32, #tpu.memory_space<vmem>>, vector<16xi32>,
    %get3A_856 = arith.constant 384 : index
    %get3A_857 = tpu.vector_load %arg14[%get3A_856] {strides = array<i32>} : memref<640xi32, #tpu.memory_space<vmem>>, vector<16xi32>,
    %add3A_858 = arith.constant 1 : i32
    %add3A_859 = vector.broadcast %add3A_858 : i32 to vector<16xi32>
    %add3A_860 = arith.addi %get3A_853, %add3A_859 : vector<16xi32>
    %mul3A_861 = arith.constant 1156 : i32
    %mul3A_862 = vector.broadcast %mul3A_861 : i32 to vector<16xi32>
    %mul3A_863 = arith.muli %add3A_860, %mul3A_862 : vector<16xi32>
    %add3A_864 = arith.constant 1 : i32
    %add3A_865 = vector.broadcast %add3A_864 : i32 to vector<16xi32>
    %add3A_866 = arith.addi %get3A_855, %add3A_865 : vector<16xi32>
    %mul3A_867 = arith.constant 34 : i32
    %mul3A_868 = vector.broadcast %mul3A_867 : i32 to vector<16xi32>
    %mul3A_869 = arith.muli %add3A_866, %mul3A_868 : vector<16xi32>
    %add3A_870 = arith.addi %mul3A_863, %mul3A_869 : vector<16xi32>
    %add3A_871 = arith.constant 1 : i32
    %add3A_872 = vector.broadcast %add3A_871 : i32 to vector<16xi32>
    %add3A_873 = arith.addi %get3A_857, %add3A_872 : vector<16xi32>
    %add3A_874 = arith.addi %add3A_870, %add3A_873 : vector<16xi32>
    %swap3A_875 = arith.constant 3 : i32
    %swap3A_876 = arith.index_cast %swap3A_875 : i32 to index
    %swap3A_877 = arith.constant 0 : index
    %swap3A_878 = tpu.vector_load %arg7[%swap3A_876, %swap3A_877] {strides = array<i32>} : memref<5x128xi32, #tpu.memory_space<vmem>>, vector<16xi32>,
    tpu.vector_store %arg7[%swap3A_876, %swap3A_877], %add3A_874 {strides = array<i32>} : memref<5x128xi32, #tpu.memory_space<vmem>>, vector<16xi32>,
    %add3A_879 = arith.constant 384 : i32
    %add3A_880 = arith.addi %mul3A_9, %add3A_879 : i32
    %add3A_881 = vector.broadcast %add3A_880 : i32 to vector<16xi32>
    %add3A_882 = arith.addi %add3A_881, %iota3A : vector<16xi32>
    %swap3A_883 = arith.constant 3 : i32
    %swap3A_884 = arith.index_cast %swap3A_883 : i32 to index
    %swap3A_885 = arith.constant 0 : index
    %swap3A_886 = tpu.vector_load %arg8[%swap3A_884, %swap3A_885] {strides = array<i32>} : memref<5x128xi32, #tpu.memory_space<vmem>>, vector<16xi32>,
    tpu.vector_store %arg8[%swap3A_884, %swap3A_885], %add3A_882 {strides = array<i32>} : memref<5x128xi32, #tpu.memory_space<vmem>>, vector<16xi32>,
    %get3A_887 = arith.constant 400 : index
    %get3A_888 = tpu.vector_load %arg12[%get3A_887] {strides = array<i32>} : memref<640xi32, #tpu.memory_space<vmem>>, vector<16xi32>,
    %get3A_889 = arith.constant 400 : index
    %get3A_890 = tpu.vector_load %arg13[%get3A_889] {strides = array<i32>} : memref<640xi32, #tpu.memory_space<vmem>>, vector<16xi32>,
    %get3A_891 = arith.constant 400 : index
    %get3A_892 = tpu.vector_load %arg14[%get3A_891] {strides = array<i32>} : memref<640xi32, #tpu.memory_space<vmem>>, vector<16xi32>,
    %add3A_893 = arith.constant 1 : i32
    %add3A_894 = vector.broadcast %add3A_893 : i32 to vector<16xi32>
    %add3A_895 = arith.addi %get3A_888, %add3A_894 : vector<16xi32>
    %mul3A_896 = arith.constant 1156 : i32
    %mul3A_897 = vector.broadcast %mul3A_896 : i32 to vector<16xi32>
    %mul3A_898 = arith.muli %add3A_895, %mul3A_897 : vector<16xi32>
    %add3A_899 = arith.constant 1 : i32
    %add3A_900 = vector.broadcast %add3A_899 : i32 to vector<16xi32>
    %add3A_901 = arith.addi %get3A_890, %add3A_900 : vector<16xi32>
    %mul3A_902 = arith.constant 34 : i32
    %mul3A_903 = vector.broadcast %mul3A_902 : i32 to vector<16xi32>
    %mul3A_904 = arith.muli %add3A_901, %mul3A_903 : vector<16xi32>
    %add3A_905 = arith.addi %mul3A_898, %mul3A_904 : vector<16xi32>
    %add3A_906 = arith.constant 1 : i32
    %add3A_907 = vector.broadcast %add3A_906 : i32 to vector<16xi32>
    %add3A_908 = arith.addi %get3A_892, %add3A_907 : vector<16xi32>
    %add3A_909 = arith.addi %add3A_905, %add3A_908 : vector<16xi32>
    %swap3A_910 = arith.constant 3 : i32
    %swap3A_911 = arith.index_cast %swap3A_910 : i32 to index
    %swap3A_912 = arith.constant 16 : index
    %swap3A_913 = tpu.vector_load %arg7[%swap3A_911, %swap3A_912] {strides = array<i32>} : memref<5x128xi32, #tpu.memory_space<vmem>>, vector<16xi32>,
    tpu.vector_store %arg7[%swap3A_911, %swap3A_912], %add3A_909 {strides = array<i32>} : memref<5x128xi32, #tpu.memory_space<vmem>>, vector<16xi32>,
    %add3A_914 = arith.constant 400 : i32
    %add3A_915 = arith.addi %mul3A_9, %add3A_914 : i32
    %add3A_916 = vector.broadcast %add3A_915 : i32 to vector<16xi32>
    %add3A_917 = arith.addi %add3A_916, %iota3A : vector<16xi32>
    %swap3A_918 = arith.constant 3 : i32
    %swap3A_919 = arith.index_cast %swap3A_918 : i32 to index
    %swap3A_920 = arith.constant 16 : index
    %swap3A_921 = tpu.vector_load %arg8[%swap3A_919, %swap3A_920] {strides = array<i32>} : memref<5x128xi32, #tpu.memory_space<vmem>>, vector<16xi32>,
    tpu.vector_store %arg8[%swap3A_919, %swap3A_920], %add3A_917 {strides = array<i32>} : memref<5x128xi32, #tpu.memory_space<vmem>>, vector<16xi32>,
    %get3A_922 = arith.constant 416 : index
    %get3A_923 = tpu.vector_load %arg12[%get3A_922] {strides = array<i32>} : memref<640xi32, #tpu.memory_space<vmem>>, vector<16xi32>,
    %get3A_924 = arith.constant 416 : index
    %get3A_925 = tpu.vector_load %arg13[%get3A_924] {strides = array<i32>} : memref<640xi32, #tpu.memory_space<vmem>>, vector<16xi32>,
    %get3A_926 = arith.constant 416 : index
    %get3A_927 = tpu.vector_load %arg14[%get3A_926] {strides = array<i32>} : memref<640xi32, #tpu.memory_space<vmem>>, vector<16xi32>,
    %add3A_928 = arith.constant 1 : i32
    %add3A_929 = vector.broadcast %add3A_928 : i32 to vector<16xi32>
    %add3A_930 = arith.addi %get3A_923, %add3A_929 : vector<16xi32>
    %mul3A_931 = arith.constant 1156 : i32
    %mul3A_932 = vector.broadcast %mul3A_931 : i32 to vector<16xi32>
    %mul3A_933 = arith.muli %add3A_930, %mul3A_932 : vector<16xi32>
    %add3A_934 = arith.constant 1 : i32
    %add3A_935 = vector.broadcast %add3A_934 : i32 to vector<16xi32>
    %add3A_936 = arith.addi %get3A_925, %add3A_935 : vector<16xi32>
    %mul3A_937 = arith.constant 34 : i32
    %mul3A_938 = vector.broadcast %mul3A_937 : i32 to vector<16xi32>
    %mul3A_939 = arith.muli %add3A_936, %mul3A_938 : vector<16xi32>
    %add3A_940 = arith.addi %mul3A_933, %mul3A_939 : vector<16xi32>
    %add3A_941 = arith.constant 1 : i32
    %add3A_942 = vector.broadcast %add3A_941 : i32 to vector<16xi32>
    %add3A_943 = arith.addi %get3A_927, %add3A_942 : vector<16xi32>
    %add3A_944 = arith.addi %add3A_940, %add3A_943 : vector<16xi32>
    %swap3A_945 = arith.constant 3 : i32
    %swap3A_946 = arith.index_cast %swap3A_945 : i32 to index
    %swap3A_947 = arith.constant 32 : index
    %swap3A_948 = tpu.vector_load %arg7[%swap3A_946, %swap3A_947] {strides = array<i32>} : memref<5x128xi32, #tpu.memory_space<vmem>>, vector<16xi32>,
    tpu.vector_store %arg7[%swap3A_946, %swap3A_947], %add3A_944 {strides = array<i32>} : memref<5x128xi32, #tpu.memory_space<vmem>>, vector<16xi32>,
    %add3A_949 = arith.constant 416 : i32
    %add3A_950 = arith.addi %mul3A_9, %add3A_949 : i32
    %add3A_951 = vector.broadcast %add3A_950 : i32 to vector<16xi32>
    %add3A_952 = arith.addi %add3A_951, %iota3A : vector<16xi32>
    %swap3A_953 = arith.constant 3 : i32
    %swap3A_954 = arith.index_cast %swap3A_953 : i32 to index
    %swap3A_955 = arith.constant 32 : index
    %swap3A_956 = tpu.vector_load %arg8[%swap3A_954, %swap3A_955] {strides = array<i32>} : memref<5x128xi32, #tpu.memory_space<vmem>>, vector<16xi32>,
    tpu.vector_store %arg8[%swap3A_954, %swap3A_955], %add3A_952 {strides = array<i32>} : memref<5x128xi32, #tpu.memory_space<vmem>>, vector<16xi32>,
    %get3A_957 = arith.constant 432 : index
    %get3A_958 = tpu.vector_load %arg12[%get3A_957] {strides = array<i32>} : memref<640xi32, #tpu.memory_space<vmem>>, vector<16xi32>,
    %get3A_959 = arith.constant 432 : index
    %get3A_960 = tpu.vector_load %arg13[%get3A_959] {strides = array<i32>} : memref<640xi32, #tpu.memory_space<vmem>>, vector<16xi32>,
    %get3A_961 = arith.constant 432 : index
    %get3A_962 = tpu.vector_load %arg14[%get3A_961] {strides = array<i32>} : memref<640xi32, #tpu.memory_space<vmem>>, vector<16xi32>,
    %add3A_963 = arith.constant 1 : i32
    %add3A_964 = vector.broadcast %add3A_963 : i32 to vector<16xi32>
    %add3A_965 = arith.addi %get3A_958, %add3A_964 : vector<16xi32>
    %mul3A_966 = arith.constant 1156 : i32
    %mul3A_967 = vector.broadcast %mul3A_966 : i32 to vector<16xi32>
    %mul3A_968 = arith.muli %add3A_965, %mul3A_967 : vector<16xi32>
    %add3A_969 = arith.constant 1 : i32
    %add3A_970 = vector.broadcast %add3A_969 : i32 to vector<16xi32>
    %add3A_971 = arith.addi %get3A_960, %add3A_970 : vector<16xi32>
    %mul3A_972 = arith.constant 34 : i32
    %mul3A_973 = vector.broadcast %mul3A_972 : i32 to vector<16xi32>
    %mul3A_974 = arith.muli %add3A_971, %mul3A_973 : vector<16xi32>
    %add3A_975 = arith.addi %mul3A_968, %mul3A_974 : vector<16xi32>
    %add3A_976 = arith.constant 1 : i32
    %add3A_977 = vector.broadcast %add3A_976 : i32 to vector<16xi32>
    %add3A_978 = arith.addi %get3A_962, %add3A_977 : vector<16xi32>
    %add3A_979 = arith.addi %add3A_975, %add3A_978 : vector<16xi32>
    %swap3A_980 = arith.constant 3 : i32
    %swap3A_981 = arith.index_cast %swap3A_980 : i32 to index
    %swap3A_982 = arith.constant 48 : index
    %swap3A_983 = tpu.vector_load %arg7[%swap3A_981, %swap3A_982] {strides = array<i32>} : memref<5x128xi32, #tpu.memory_space<vmem>>, vector<16xi32>,
    tpu.vector_store %arg7[%swap3A_981, %swap3A_982], %add3A_979 {strides = array<i32>} : memref<5x128xi32, #tpu.memory_space<vmem>>, vector<16xi32>,
    %add3A_984 = arith.constant 432 : i32
    %add3A_985 = arith.addi %mul3A_9, %add3A_984 : i32
    %add3A_986 = vector.broadcast %add3A_985 : i32 to vector<16xi32>
    %add3A_987 = arith.addi %add3A_986, %iota3A : vector<16xi32>
    %swap3A_988 = arith.constant 3 : i32
    %swap3A_989 = arith.index_cast %swap3A_988 : i32 to index
    %swap3A_990 = arith.constant 48 : index
    %swap3A_991 = tpu.vector_load %arg8[%swap3A_989, %swap3A_990] {strides = array<i32>} : memref<5x128xi32, #tpu.memory_space<vmem>>, vector<16xi32>,
    tpu.vector_store %arg8[%swap3A_989, %swap3A_990], %add3A_987 {strides = array<i32>} : memref<5x128xi32, #tpu.memory_space<vmem>>, vector<16xi32>,
    %get3A_992 = arith.constant 448 : index
    %get3A_993 = tpu.vector_load %arg12[%get3A_992] {strides = array<i32>} : memref<640xi32, #tpu.memory_space<vmem>>, vector<16xi32>,
    %get3A_994 = arith.constant 448 : index
    %get3A_995 = tpu.vector_load %arg13[%get3A_994] {strides = array<i32>} : memref<640xi32, #tpu.memory_space<vmem>>, vector<16xi32>,
    %get3A_996 = arith.constant 448 : index
    %get3A_997 = tpu.vector_load %arg14[%get3A_996] {strides = array<i32>} : memref<640xi32, #tpu.memory_space<vmem>>, vector<16xi32>,
    %add3A_998 = arith.constant 1 : i32
    %add3A_999 = vector.broadcast %add3A_998 : i32 to vector<16xi32>
    %add3A_1000 = arith.addi %get3A_993, %add3A_999 : vector<16xi32>
    %mul3A_1001 = arith.constant 1156 : i32
    %mul3A_1002 = vector.broadcast %mul3A_1001 : i32 to vector<16xi32>
    %mul3A_1003 = arith.muli %add3A_1000, %mul3A_1002 : vector<16xi32>
    %add3A_1004 = arith.constant 1 : i32
    %add3A_1005 = vector.broadcast %add3A_1004 : i32 to vector<16xi32>
    %add3A_1006 = arith.addi %get3A_995, %add3A_1005 : vector<16xi32>
    %mul3A_1007 = arith.constant 34 : i32
    %mul3A_1008 = vector.broadcast %mul3A_1007 : i32 to vector<16xi32>
    %mul3A_1009 = arith.muli %add3A_1006, %mul3A_1008 : vector<16xi32>
    %add3A_1010 = arith.addi %mul3A_1003, %mul3A_1009 : vector<16xi32>
    %add3A_1011 = arith.constant 1 : i32
    %add3A_1012 = vector.broadcast %add3A_1011 : i32 to vector<16xi32>
    %add3A_1013 = arith.addi %get3A_997, %add3A_1012 : vector<16xi32>
    %add3A_1014 = arith.addi %add3A_1010, %add3A_1013 : vector<16xi32>
    %swap3A_1015 = arith.constant 3 : i32
    %swap3A_1016 = arith.index_cast %swap3A_1015 : i32 to index
    %swap3A_1017 = arith.constant 64 : index
    %swap3A_1018 = tpu.vector_load %arg7[%swap3A_1016, %swap3A_1017] {strides = array<i32>} : memref<5x128xi32, #tpu.memory_space<vmem>>, vector<16xi32>,
    tpu.vector_store %arg7[%swap3A_1016, %swap3A_1017], %add3A_1014 {strides = array<i32>} : memref<5x128xi32, #tpu.memory_space<vmem>>, vector<16xi32>,
    %add3A_1019 = arith.constant 448 : i32
    %add3A_1020 = arith.addi %mul3A_9, %add3A_1019 : i32
    %add3A_1021 = vector.broadcast %add3A_1020 : i32 to vector<16xi32>
    %add3A_1022 = arith.addi %add3A_1021, %iota3A : vector<16xi32>
    %swap3A_1023 = arith.constant 3 : i32
    %swap3A_1024 = arith.index_cast %swap3A_1023 : i32 to index
    %swap3A_1025 = arith.constant 64 : index
    %swap3A_1026 = tpu.vector_load %arg8[%swap3A_1024, %swap3A_1025] {strides = array<i32>} : memref<5x128xi32, #tpu.memory_space<vmem>>, vector<16xi32>,
    tpu.vector_store %arg8[%swap3A_1024, %swap3A_1025], %add3A_1022 {strides = array<i32>} : memref<5x128xi32, #tpu.memory_space<vmem>>, vector<16xi32>,
    %get3A_1027 = arith.constant 464 : index
    %get3A_1028 = tpu.vector_load %arg12[%get3A_1027] {strides = array<i32>} : memref<640xi32, #tpu.memory_space<vmem>>, vector<16xi32>,
    %get3A_1029 = arith.constant 464 : index
    %get3A_1030 = tpu.vector_load %arg13[%get3A_1029] {strides = array<i32>} : memref<640xi32, #tpu.memory_space<vmem>>, vector<16xi32>,
    %get3A_1031 = arith.constant 464 : index
    %get3A_1032 = tpu.vector_load %arg14[%get3A_1031] {strides = array<i32>} : memref<640xi32, #tpu.memory_space<vmem>>, vector<16xi32>,
    %add3A_1033 = arith.constant 1 : i32
    %add3A_1034 = vector.broadcast %add3A_1033 : i32 to vector<16xi32>
    %add3A_1035 = arith.addi %get3A_1028, %add3A_1034 : vector<16xi32>
    %mul3A_1036 = arith.constant 1156 : i32
    %mul3A_1037 = vector.broadcast %mul3A_1036 : i32 to vector<16xi32>
    %mul3A_1038 = arith.muli %add3A_1035, %mul3A_1037 : vector<16xi32>
    %add3A_1039 = arith.constant 1 : i32
    %add3A_1040 = vector.broadcast %add3A_1039 : i32 to vector<16xi32>
    %add3A_1041 = arith.addi %get3A_1030, %add3A_1040 : vector<16xi32>
    %mul3A_1042 = arith.constant 34 : i32
    %mul3A_1043 = vector.broadcast %mul3A_1042 : i32 to vector<16xi32>
    %mul3A_1044 = arith.muli %add3A_1041, %mul3A_1043 : vector<16xi32>
    %add3A_1045 = arith.addi %mul3A_1038, %mul3A_1044 : vector<16xi32>
    %add3A_1046 = arith.constant 1 : i32
    %add3A_1047 = vector.broadcast %add3A_1046 : i32 to vector<16xi32>
    %add3A_1048 = arith.addi %get3A_1032, %add3A_1047 : vector<16xi32>
    %add3A_1049 = arith.addi %add3A_1045, %add3A_1048 : vector<16xi32>
    %swap3A_1050 = arith.constant 3 : i32
    %swap3A_1051 = arith.index_cast %swap3A_1050 : i32 to index
    %swap3A_1052 = arith.constant 80 : index
    %swap3A_1053 = tpu.vector_load %arg7[%swap3A_1051, %swap3A_1052] {strides = array<i32>} : memref<5x128xi32, #tpu.memory_space<vmem>>, vector<16xi32>,
    tpu.vector_store %arg7[%swap3A_1051, %swap3A_1052], %add3A_1049 {strides = array<i32>} : memref<5x128xi32, #tpu.memory_space<vmem>>, vector<16xi32>,
    %add3A_1054 = arith.constant 464 : i32
    %add3A_1055 = arith.addi %mul3A_9, %add3A_1054 : i32
    %add3A_1056 = vector.broadcast %add3A_1055 : i32 to vector<16xi32>
    %add3A_1057 = arith.addi %add3A_1056, %iota3A : vector<16xi32>
    %swap3A_1058 = arith.constant 3 : i32
    %swap3A_1059 = arith.index_cast %swap3A_1058 : i32 to index
    %swap3A_1060 = arith.constant 80 : index
    %swap3A_1061 = tpu.vector_load %arg8[%swap3A_1059, %swap3A_1060] {strides = array<i32>} : memref<5x128xi32, #tpu.memory_space<vmem>>, vector<16xi32>,
    tpu.vector_store %arg8[%swap3A_1059, %swap3A_1060], %add3A_1057 {strides = array<i32>} : memref<5x128xi32, #tpu.memory_space<vmem>>, vector<16xi32>,
    %get3A_1062 = arith.constant 480 : index
    %get3A_1063 = tpu.vector_load %arg12[%get3A_1062] {strides = array<i32>} : memref<640xi32, #tpu.memory_space<vmem>>, vector<16xi32>,
    %get3A_1064 = arith.constant 480 : index
    %get3A_1065 = tpu.vector_load %arg13[%get3A_1064] {strides = array<i32>} : memref<640xi32, #tpu.memory_space<vmem>>, vector<16xi32>,
    %get3A_1066 = arith.constant 480 : index
    %get3A_1067 = tpu.vector_load %arg14[%get3A_1066] {strides = array<i32>} : memref<640xi32, #tpu.memory_space<vmem>>, vector<16xi32>,
    %add3A_1068 = arith.constant 1 : i32
    %add3A_1069 = vector.broadcast %add3A_1068 : i32 to vector<16xi32>
    %add3A_1070 = arith.addi %get3A_1063, %add3A_1069 : vector<16xi32>
    %mul3A_1071 = arith.constant 1156 : i32
    %mul3A_1072 = vector.broadcast %mul3A_1071 : i32 to vector<16xi32>
    %mul3A_1073 = arith.muli %add3A_1070, %mul3A_1072 : vector<16xi32>
    %add3A_1074 = arith.constant 1 : i32
    %add3A_1075 = vector.broadcast %add3A_1074 : i32 to vector<16xi32>
    %add3A_1076 = arith.addi %get3A_1065, %add3A_1075 : vector<16xi32>
    %mul3A_1077 = arith.constant 34 : i32
    %mul3A_1078 = vector.broadcast %mul3A_1077 : i32 to vector<16xi32>
    %mul3A_1079 = arith.muli %add3A_1076, %mul3A_1078 : vector<16xi32>
    %add3A_1080 = arith.addi %mul3A_1073, %mul3A_1079 : vector<16xi32>
    %add3A_1081 = arith.constant 1 : i32
    %add3A_1082 = vector.broadcast %add3A_1081 : i32 to vector<16xi32>
    %add3A_1083 = arith.addi %get3A_1067, %add3A_1082 : vector<16xi32>
    %add3A_1084 = arith.addi %add3A_1080, %add3A_1083 : vector<16xi32>
    %swap3A_1085 = arith.constant 3 : i32
    %swap3A_1086 = arith.index_cast %swap3A_1085 : i32 to index
    %swap3A_1087 = arith.constant 96 : index
    %swap3A_1088 = tpu.vector_load %arg7[%swap3A_1086, %swap3A_1087] {strides = array<i32>} : memref<5x128xi32, #tpu.memory_space<vmem>>, vector<16xi32>,
    tpu.vector_store %arg7[%swap3A_1086, %swap3A_1087], %add3A_1084 {strides = array<i32>} : memref<5x128xi32, #tpu.memory_space<vmem>>, vector<16xi32>,
    %add3A_1089 = arith.constant 480 : i32
    %add3A_1090 = arith.addi %mul3A_9, %add3A_1089 : i32
    %add3A_1091 = vector.broadcast %add3A_1090 : i32 to vector<16xi32>
    %add3A_1092 = arith.addi %add3A_1091, %iota3A : vector<16xi32>
    %swap3A_1093 = arith.constant 3 : i32
    %swap3A_1094 = arith.index_cast %swap3A_1093 : i32 to index
    %swap3A_1095 = arith.constant 96 : index
    %swap3A_1096 = tpu.vector_load %arg8[%swap3A_1094, %swap3A_1095] {strides = array<i32>} : memref<5x128xi32, #tpu.memory_space<vmem>>, vector<16xi32>,
    tpu.vector_store %arg8[%swap3A_1094, %swap3A_1095], %add3A_1092 {strides = array<i32>} : memref<5x128xi32, #tpu.memory_space<vmem>>, vector<16xi32>,
    %get3A_1097 = arith.constant 496 : index
    %get3A_1098 = tpu.vector_load %arg12[%get3A_1097] {strides = array<i32>} : memref<640xi32, #tpu.memory_space<vmem>>, vector<16xi32>,
    %get3A_1099 = arith.constant 496 : index
    %get3A_1100 = tpu.vector_load %arg13[%get3A_1099] {strides = array<i32>} : memref<640xi32, #tpu.memory_space<vmem>>, vector<16xi32>,
    %get3A_1101 = arith.constant 496 : index
    %get3A_1102 = tpu.vector_load %arg14[%get3A_1101] {strides = array<i32>} : memref<640xi32, #tpu.memory_space<vmem>>, vector<16xi32>,
    %add3A_1103 = arith.constant 1 : i32
    %add3A_1104 = vector.broadcast %add3A_1103 : i32 to vector<16xi32>
    %add3A_1105 = arith.addi %get3A_1098, %add3A_1104 : vector<16xi32>
    %mul3A_1106 = arith.constant 1156 : i32
    %mul3A_1107 = vector.broadcast %mul3A_1106 : i32 to vector<16xi32>
    %mul3A_1108 = arith.muli %add3A_1105, %mul3A_1107 : vector<16xi32>
    %add3A_1109 = arith.constant 1 : i32
    %add3A_1110 = vector.broadcast %add3A_1109 : i32 to vector<16xi32>
    %add3A_1111 = arith.addi %get3A_1100, %add3A_1110 : vector<16xi32>
    %mul3A_1112 = arith.constant 34 : i32
    %mul3A_1113 = vector.broadcast %mul3A_1112 : i32 to vector<16xi32>
    %mul3A_1114 = arith.muli %add3A_1111, %mul3A_1113 : vector<16xi32>
    %add3A_1115 = arith.addi %mul3A_1108, %mul3A_1114 : vector<16xi32>
    %add3A_1116 = arith.constant 1 : i32
    %add3A_1117 = vector.broadcast %add3A_1116 : i32 to vector<16xi32>
    %add3A_1118 = arith.addi %get3A_1102, %add3A_1117 : vector<16xi32>
    %add3A_1119 = arith.addi %add3A_1115, %add3A_1118 : vector<16xi32>
    %swap3A_1120 = arith.constant 3 : i32
    %swap3A_1121 = arith.index_cast %swap3A_1120 : i32 to index
    %swap3A_1122 = arith.constant 112 : index
    %swap3A_1123 = tpu.vector_load %arg7[%swap3A_1121, %swap3A_1122] {strides = array<i32>} : memref<5x128xi32, #tpu.memory_space<vmem>>, vector<16xi32>,
    tpu.vector_store %arg7[%swap3A_1121, %swap3A_1122], %add3A_1119 {strides = array<i32>} : memref<5x128xi32, #tpu.memory_space<vmem>>, vector<16xi32>,
    %add3A_1124 = arith.constant 496 : i32
    %add3A_1125 = arith.addi %mul3A_9, %add3A_1124 : i32
    %add3A_1126 = vector.broadcast %add3A_1125 : i32 to vector<16xi32>
    %add3A_1127 = arith.addi %add3A_1126, %iota3A : vector<16xi32>
    %swap3A_1128 = arith.constant 3 : i32
    %swap3A_1129 = arith.index_cast %swap3A_1128 : i32 to index
    %swap3A_1130 = arith.constant 112 : index
    %swap3A_1131 = tpu.vector_load %arg8[%swap3A_1129, %swap3A_1130] {strides = array<i32>} : memref<5x128xi32, #tpu.memory_space<vmem>>, vector<16xi32>,
    tpu.vector_store %arg8[%swap3A_1129, %swap3A_1130], %add3A_1127 {strides = array<i32>} : memref<5x128xi32, #tpu.memory_space<vmem>>, vector<16xi32>,
    %get3A_1132 = arith.constant 512 : index
    %get3A_1133 = tpu.vector_load %arg12[%get3A_1132] {strides = array<i32>} : memref<640xi32, #tpu.memory_space<vmem>>, vector<16xi32>,
    %get3A_1134 = arith.constant 512 : index
    %get3A_1135 = tpu.vector_load %arg13[%get3A_1134] {strides = array<i32>} : memref<640xi32, #tpu.memory_space<vmem>>, vector<16xi32>,
    %get3A_1136 = arith.constant 512 : index
    %get3A_1137 = tpu.vector_load %arg14[%get3A_1136] {strides = array<i32>} : memref<640xi32, #tpu.memory_space<vmem>>, vector<16xi32>,
    %add3A_1138 = arith.constant 1 : i32
    %add3A_1139 = vector.broadcast %add3A_1138 : i32 to vector<16xi32>
    %add3A_1140 = arith.addi %get3A_1133, %add3A_1139 : vector<16xi32>
    %mul3A_1141 = arith.constant 1156 : i32
    %mul3A_1142 = vector.broadcast %mul3A_1141 : i32 to vector<16xi32>
    %mul3A_1143 = arith.muli %add3A_1140, %mul3A_1142 : vector<16xi32>
    %add3A_1144 = arith.constant 1 : i32
    %add3A_1145 = vector.broadcast %add3A_1144 : i32 to vector<16xi32>
    %add3A_1146 = arith.addi %get3A_1135, %add3A_1145 : vector<16xi32>
    %mul3A_1147 = arith.constant 34 : i32
    %mul3A_1148 = vector.broadcast %mul3A_1147 : i32 to vector<16xi32>
    %mul3A_1149 = arith.muli %add3A_1146, %mul3A_1148 : vector<16xi32>
    %add3A_1150 = arith.addi %mul3A_1143, %mul3A_1149 : vector<16xi32>
    %add3A_1151 = arith.constant 1 : i32
    %add3A_1152 = vector.broadcast %add3A_1151 : i32 to vector<16xi32>
    %add3A_1153 = arith.addi %get3A_1137, %add3A_1152 : vector<16xi32>
    %add3A_1154 = arith.addi %add3A_1150, %add3A_1153 : vector<16xi32>
    %swap3A_1155 = arith.constant 4 : i32
    %swap3A_1156 = arith.index_cast %swap3A_1155 : i32 to index
    %swap3A_1157 = arith.constant 0 : index
    %swap3A_1158 = tpu.vector_load %arg7[%swap3A_1156, %swap3A_1157] {strides = array<i32>} : memref<5x128xi32, #tpu.memory_space<vmem>>, vector<16xi32>,
    tpu.vector_store %arg7[%swap3A_1156, %swap3A_1157], %add3A_1154 {strides = array<i32>} : memref<5x128xi32, #tpu.memory_space<vmem>>, vector<16xi32>,
    %add3A_1159 = arith.constant 512 : i32
    %add3A_1160 = arith.addi %mul3A_9, %add3A_1159 : i32
    %add3A_1161 = vector.broadcast %add3A_1160 : i32 to vector<16xi32>
    %add3A_1162 = arith.addi %add3A_1161, %iota3A : vector<16xi32>
    %swap3A_1163 = arith.constant 4 : i32
    %swap3A_1164 = arith.index_cast %swap3A_1163 : i32 to index
    %swap3A_1165 = arith.constant 0 : index
    %swap3A_1166 = tpu.vector_load %arg8[%swap3A_1164, %swap3A_1165] {strides = array<i32>} : memref<5x128xi32, #tpu.memory_space<vmem>>, vector<16xi32>,
    tpu.vector_store %arg8[%swap3A_1164, %swap3A_1165], %add3A_1162 {strides = array<i32>} : memref<5x128xi32, #tpu.memory_space<vmem>>, vector<16xi32>,
    %get3A_1167 = arith.constant 528 : index
    %get3A_1168 = tpu.vector_load %arg12[%get3A_1167] {strides = array<i32>} : memref<640xi32, #tpu.memory_space<vmem>>, vector<16xi32>,
    %get3A_1169 = arith.constant 528 : index
    %get3A_1170 = tpu.vector_load %arg13[%get3A_1169] {strides = array<i32>} : memref<640xi32, #tpu.memory_space<vmem>>, vector<16xi32>,
    %get3A_1171 = arith.constant 528 : index
    %get3A_1172 = tpu.vector_load %arg14[%get3A_1171] {strides = array<i32>} : memref<640xi32, #tpu.memory_space<vmem>>, vector<16xi32>,
    %add3A_1173 = arith.constant 1 : i32
    %add3A_1174 = vector.broadcast %add3A_1173 : i32 to vector<16xi32>
    %add3A_1175 = arith.addi %get3A_1168, %add3A_1174 : vector<16xi32>
    %mul3A_1176 = arith.constant 1156 : i32
    %mul3A_1177 = vector.broadcast %mul3A_1176 : i32 to vector<16xi32>
    %mul3A_1178 = arith.muli %add3A_1175, %mul3A_1177 : vector<16xi32>
    %add3A_1179 = arith.constant 1 : i32
    %add3A_1180 = vector.broadcast %add3A_1179 : i32 to vector<16xi32>
    %add3A_1181 = arith.addi %get3A_1170, %add3A_1180 : vector<16xi32>
    %mul3A_1182 = arith.constant 34 : i32
    %mul3A_1183 = vector.broadcast %mul3A_1182 : i32 to vector<16xi32>
    %mul3A_1184 = arith.muli %add3A_1181, %mul3A_1183 : vector<16xi32>
    %add3A_1185 = arith.addi %mul3A_1178, %mul3A_1184 : vector<16xi32>
    %add3A_1186 = arith.constant 1 : i32
    %add3A_1187 = vector.broadcast %add3A_1186 : i32 to vector<16xi32>
    %add3A_1188 = arith.addi %get3A_1172, %add3A_1187 : vector<16xi32>
    %add3A_1189 = arith.addi %add3A_1185, %add3A_1188 : vector<16xi32>
    %swap3A_1190 = arith.constant 4 : i32
    %swap3A_1191 = arith.index_cast %swap3A_1190 : i32 to index
    %swap3A_1192 = arith.constant 16 : index
    %swap3A_1193 = tpu.vector_load %arg7[%swap3A_1191, %swap3A_1192] {strides = array<i32>} : memref<5x128xi32, #tpu.memory_space<vmem>>, vector<16xi32>,
    tpu.vector_store %arg7[%swap3A_1191, %swap3A_1192], %add3A_1189 {strides = array<i32>} : memref<5x128xi32, #tpu.memory_space<vmem>>, vector<16xi32>,
    %add3A_1194 = arith.constant 528 : i32
    %add3A_1195 = arith.addi %mul3A_9, %add3A_1194 : i32
    %add3A_1196 = vector.broadcast %add3A_1195 : i32 to vector<16xi32>
    %add3A_1197 = arith.addi %add3A_1196, %iota3A : vector<16xi32>
    %swap3A_1198 = arith.constant 4 : i32
    %swap3A_1199 = arith.index_cast %swap3A_1198 : i32 to index
    %swap3A_1200 = arith.constant 16 : index
    %swap3A_1201 = tpu.vector_load %arg8[%swap3A_1199, %swap3A_1200] {strides = array<i32>} : memref<5x128xi32, #tpu.memory_space<vmem>>, vector<16xi32>,
    tpu.vector_store %arg8[%swap3A_1199, %swap3A_1200], %add3A_1197 {strides = array<i32>} : memref<5x128xi32, #tpu.memory_space<vmem>>, vector<16xi32>,
    %get3A_1202 = arith.constant 544 : index
    %get3A_1203 = tpu.vector_load %arg12[%get3A_1202] {strides = array<i32>} : memref<640xi32, #tpu.memory_space<vmem>>, vector<16xi32>,
    %get3A_1204 = arith.constant 544 : index
    %get3A_1205 = tpu.vector_load %arg13[%get3A_1204] {strides = array<i32>} : memref<640xi32, #tpu.memory_space<vmem>>, vector<16xi32>,
    %get3A_1206 = arith.constant 544 : index
    %get3A_1207 = tpu.vector_load %arg14[%get3A_1206] {strides = array<i32>} : memref<640xi32, #tpu.memory_space<vmem>>, vector<16xi32>,
    %add3A_1208 = arith.constant 1 : i32
    %add3A_1209 = vector.broadcast %add3A_1208 : i32 to vector<16xi32>
    %add3A_1210 = arith.addi %get3A_1203, %add3A_1209 : vector<16xi32>
    %mul3A_1211 = arith.constant 1156 : i32
    %mul3A_1212 = vector.broadcast %mul3A_1211 : i32 to vector<16xi32>
    %mul3A_1213 = arith.muli %add3A_1210, %mul3A_1212 : vector<16xi32>
    %add3A_1214 = arith.constant 1 : i32
    %add3A_1215 = vector.broadcast %add3A_1214 : i32 to vector<16xi32>
    %add3A_1216 = arith.addi %get3A_1205, %add3A_1215 : vector<16xi32>
    %mul3A_1217 = arith.constant 34 : i32
    %mul3A_1218 = vector.broadcast %mul3A_1217 : i32 to vector<16xi32>
    %mul3A_1219 = arith.muli %add3A_1216, %mul3A_1218 : vector<16xi32>
    %add3A_1220 = arith.addi %mul3A_1213, %mul3A_1219 : vector<16xi32>
    %add3A_1221 = arith.constant 1 : i32
    %add3A_1222 = vector.broadcast %add3A_1221 : i32 to vector<16xi32>
    %add3A_1223 = arith.addi %get3A_1207, %add3A_1222 : vector<16xi32>
    %add3A_1224 = arith.addi %add3A_1220, %add3A_1223 : vector<16xi32>
    %swap3A_1225 = arith.constant 4 : i32
    %swap3A_1226 = arith.index_cast %swap3A_1225 : i32 to index
    %swap3A_1227 = arith.constant 32 : index
    %swap3A_1228 = tpu.vector_load %arg7[%swap3A_1226, %swap3A_1227] {strides = array<i32>} : memref<5x128xi32, #tpu.memory_space<vmem>>, vector<16xi32>,
    tpu.vector_store %arg7[%swap3A_1226, %swap3A_1227], %add3A_1224 {strides = array<i32>} : memref<5x128xi32, #tpu.memory_space<vmem>>, vector<16xi32>,
    %add3A_1229 = arith.constant 544 : i32
    %add3A_1230 = arith.addi %mul3A_9, %add3A_1229 : i32
    %add3A_1231 = vector.broadcast %add3A_1230 : i32 to vector<16xi32>
    %add3A_1232 = arith.addi %add3A_1231, %iota3A : vector<16xi32>
    %swap3A_1233 = arith.constant 4 : i32
    %swap3A_1234 = arith.index_cast %swap3A_1233 : i32 to index
    %swap3A_1235 = arith.constant 32 : index
    %swap3A_1236 = tpu.vector_load %arg8[%swap3A_1234, %swap3A_1235] {strides = array<i32>} : memref<5x128xi32, #tpu.memory_space<vmem>>, vector<16xi32>,
    tpu.vector_store %arg8[%swap3A_1234, %swap3A_1235], %add3A_1232 {strides = array<i32>} : memref<5x128xi32, #tpu.memory_space<vmem>>, vector<16xi32>,
    %get3A_1237 = arith.constant 560 : index
    %get3A_1238 = tpu.vector_load %arg12[%get3A_1237] {strides = array<i32>} : memref<640xi32, #tpu.memory_space<vmem>>, vector<16xi32>,
    %get3A_1239 = arith.constant 560 : index
    %get3A_1240 = tpu.vector_load %arg13[%get3A_1239] {strides = array<i32>} : memref<640xi32, #tpu.memory_space<vmem>>, vector<16xi32>,
    %get3A_1241 = arith.constant 560 : index
    %get3A_1242 = tpu.vector_load %arg14[%get3A_1241] {strides = array<i32>} : memref<640xi32, #tpu.memory_space<vmem>>, vector<16xi32>,
    %add3A_1243 = arith.constant 1 : i32
    %add3A_1244 = vector.broadcast %add3A_1243 : i32 to vector<16xi32>
    %add3A_1245 = arith.addi %get3A_1238, %add3A_1244 : vector<16xi32>
    %mul3A_1246 = arith.constant 1156 : i32
    %mul3A_1247 = vector.broadcast %mul3A_1246 : i32 to vector<16xi32>
    %mul3A_1248 = arith.muli %add3A_1245, %mul3A_1247 : vector<16xi32>
    %add3A_1249 = arith.constant 1 : i32
    %add3A_1250 = vector.broadcast %add3A_1249 : i32 to vector<16xi32>
    %add3A_1251 = arith.addi %get3A_1240, %add3A_1250 : vector<16xi32>
    %mul3A_1252 = arith.constant 34 : i32
    %mul3A_1253 = vector.broadcast %mul3A_1252 : i32 to vector<16xi32>
    %mul3A_1254 = arith.muli %add3A_1251, %mul3A_1253 : vector<16xi32>
    %add3A_1255 = arith.addi %mul3A_1248, %mul3A_1254 : vector<16xi32>
    %add3A_1256 = arith.constant 1 : i32
    %add3A_1257 = vector.broadcast %add3A_1256 : i32 to vector<16xi32>
    %add3A_1258 = arith.addi %get3A_1242, %add3A_1257 : vector<16xi32>
    %add3A_1259 = arith.addi %add3A_1255, %add3A_1258 : vector<16xi32>
    %swap3A_1260 = arith.constant 4 : i32
    %swap3A_1261 = arith.index_cast %swap3A_1260 : i32 to index
    %swap3A_1262 = arith.constant 48 : index
    %swap3A_1263 = tpu.vector_load %arg7[%swap3A_1261, %swap3A_1262] {strides = array<i32>} : memref<5x128xi32, #tpu.memory_space<vmem>>, vector<16xi32>,
    tpu.vector_store %arg7[%swap3A_1261, %swap3A_1262], %add3A_1259 {strides = array<i32>} : memref<5x128xi32, #tpu.memory_space<vmem>>, vector<16xi32>,
    %add3A_1264 = arith.constant 560 : i32
    %add3A_1265 = arith.addi %mul3A_9, %add3A_1264 : i32
    %add3A_1266 = vector.broadcast %add3A_1265 : i32 to vector<16xi32>
    %add3A_1267 = arith.addi %add3A_1266, %iota3A : vector<16xi32>
    %swap3A_1268 = arith.constant 4 : i32
    %swap3A_1269 = arith.index_cast %swap3A_1268 : i32 to index
    %swap3A_1270 = arith.constant 48 : index
    %swap3A_1271 = tpu.vector_load %arg8[%swap3A_1269, %swap3A_1270] {strides = array<i32>} : memref<5x128xi32, #tpu.memory_space<vmem>>, vector<16xi32>,
    tpu.vector_store %arg8[%swap3A_1269, %swap3A_1270], %add3A_1267 {strides = array<i32>} : memref<5x128xi32, #tpu.memory_space<vmem>>, vector<16xi32>,
    %get3A_1272 = arith.constant 576 : index
    %get3A_1273 = tpu.vector_load %arg12[%get3A_1272] {strides = array<i32>} : memref<640xi32, #tpu.memory_space<vmem>>, vector<16xi32>,
    %get3A_1274 = arith.constant 576 : index
    %get3A_1275 = tpu.vector_load %arg13[%get3A_1274] {strides = array<i32>} : memref<640xi32, #tpu.memory_space<vmem>>, vector<16xi32>,
    %get3A_1276 = arith.constant 576 : index
    %get3A_1277 = tpu.vector_load %arg14[%get3A_1276] {strides = array<i32>} : memref<640xi32, #tpu.memory_space<vmem>>, vector<16xi32>,
    %add3A_1278 = arith.constant 1 : i32
    %add3A_1279 = vector.broadcast %add3A_1278 : i32 to vector<16xi32>
    %add3A_1280 = arith.addi %get3A_1273, %add3A_1279 : vector<16xi32>
    %mul3A_1281 = arith.constant 1156 : i32
    %mul3A_1282 = vector.broadcast %mul3A_1281 : i32 to vector<16xi32>
    %mul3A_1283 = arith.muli %add3A_1280, %mul3A_1282 : vector<16xi32>
    %add3A_1284 = arith.constant 1 : i32
    %add3A_1285 = vector.broadcast %add3A_1284 : i32 to vector<16xi32>
    %add3A_1286 = arith.addi %get3A_1275, %add3A_1285 : vector<16xi32>
    %mul3A_1287 = arith.constant 34 : i32
    %mul3A_1288 = vector.broadcast %mul3A_1287 : i32 to vector<16xi32>
    %mul3A_1289 = arith.muli %add3A_1286, %mul3A_1288 : vector<16xi32>
    %add3A_1290 = arith.addi %mul3A_1283, %mul3A_1289 : vector<16xi32>
    %add3A_1291 = arith.constant 1 : i32
    %add3A_1292 = vector.broadcast %add3A_1291 : i32 to vector<16xi32>
    %add3A_1293 = arith.addi %get3A_1277, %add3A_1292 : vector<16xi32>
    %add3A_1294 = arith.addi %add3A_1290, %add3A_1293 : vector<16xi32>
    %swap3A_1295 = arith.constant 4 : i32
    %swap3A_1296 = arith.index_cast %swap3A_1295 : i32 to index
    %swap3A_1297 = arith.constant 64 : index
    %swap3A_1298 = tpu.vector_load %arg7[%swap3A_1296, %swap3A_1297] {strides = array<i32>} : memref<5x128xi32, #tpu.memory_space<vmem>>, vector<16xi32>,
    tpu.vector_store %arg7[%swap3A_1296, %swap3A_1297], %add3A_1294 {strides = array<i32>} : memref<5x128xi32, #tpu.memory_space<vmem>>, vector<16xi32>,
    %add3A_1299 = arith.constant 576 : i32
    %add3A_1300 = arith.addi %mul3A_9, %add3A_1299 : i32
    %add3A_1301 = vector.broadcast %add3A_1300 : i32 to vector<16xi32>
    %add3A_1302 = arith.addi %add3A_1301, %iota3A : vector<16xi32>
    %swap3A_1303 = arith.constant 4 : i32
    %swap3A_1304 = arith.index_cast %swap3A_1303 : i32 to index
    %swap3A_1305 = arith.constant 64 : index
    %swap3A_1306 = tpu.vector_load %arg8[%swap3A_1304, %swap3A_1305] {strides = array<i32>} : memref<5x128xi32, #tpu.memory_space<vmem>>, vector<16xi32>,
    tpu.vector_store %arg8[%swap3A_1304, %swap3A_1305], %add3A_1302 {strides = array<i32>} : memref<5x128xi32, #tpu.memory_space<vmem>>, vector<16xi32>,
    %get3A_1307 = arith.constant 592 : index
    %get3A_1308 = tpu.vector_load %arg12[%get3A_1307] {strides = array<i32>} : memref<640xi32, #tpu.memory_space<vmem>>, vector<16xi32>,
    %get3A_1309 = arith.constant 592 : index
    %get3A_1310 = tpu.vector_load %arg13[%get3A_1309] {strides = array<i32>} : memref<640xi32, #tpu.memory_space<vmem>>, vector<16xi32>,
    %get3A_1311 = arith.constant 592 : index
    %get3A_1312 = tpu.vector_load %arg14[%get3A_1311] {strides = array<i32>} : memref<640xi32, #tpu.memory_space<vmem>>, vector<16xi32>,
    %add3A_1313 = arith.constant 1 : i32
    %add3A_1314 = vector.broadcast %add3A_1313 : i32 to vector<16xi32>
    %add3A_1315 = arith.addi %get3A_1308, %add3A_1314 : vector<16xi32>
    %mul3A_1316 = arith.constant 1156 : i32
    %mul3A_1317 = vector.broadcast %mul3A_1316 : i32 to vector<16xi32>
    %mul3A_1318 = arith.muli %add3A_1315, %mul3A_1317 : vector<16xi32>
    %add3A_1319 = arith.constant 1 : i32
    %add3A_1320 = vector.broadcast %add3A_1319 : i32 to vector<16xi32>
    %add3A_1321 = arith.addi %get3A_1310, %add3A_1320 : vector<16xi32>
    %mul3A_1322 = arith.constant 34 : i32
    %mul3A_1323 = vector.broadcast %mul3A_1322 : i32 to vector<16xi32>
    %mul3A_1324 = arith.muli %add3A_1321, %mul3A_1323 : vector<16xi32>
    %add3A_1325 = arith.addi %mul3A_1318, %mul3A_1324 : vector<16xi32>
    %add3A_1326 = arith.constant 1 : i32
    %add3A_1327 = vector.broadcast %add3A_1326 : i32 to vector<16xi32>
    %add3A_1328 = arith.addi %get3A_1312, %add3A_1327 : vector<16xi32>
    %add3A_1329 = arith.addi %add3A_1325, %add3A_1328 : vector<16xi32>
    %swap3A_1330 = arith.constant 4 : i32
    %swap3A_1331 = arith.index_cast %swap3A_1330 : i32 to index
    %swap3A_1332 = arith.constant 80 : index
    %swap3A_1333 = tpu.vector_load %arg7[%swap3A_1331, %swap3A_1332] {strides = array<i32>} : memref<5x128xi32, #tpu.memory_space<vmem>>, vector<16xi32>,
    tpu.vector_store %arg7[%swap3A_1331, %swap3A_1332], %add3A_1329 {strides = array<i32>} : memref<5x128xi32, #tpu.memory_space<vmem>>, vector<16xi32>,
    %add3A_1334 = arith.constant 592 : i32
    %add3A_1335 = arith.addi %mul3A_9, %add3A_1334 : i32
    %add3A_1336 = vector.broadcast %add3A_1335 : i32 to vector<16xi32>
    %add3A_1337 = arith.addi %add3A_1336, %iota3A : vector<16xi32>
    %swap3A_1338 = arith.constant 4 : i32
    %swap3A_1339 = arith.index_cast %swap3A_1338 : i32 to index
    %swap3A_1340 = arith.constant 80 : index
    %swap3A_1341 = tpu.vector_load %arg8[%swap3A_1339, %swap3A_1340] {strides = array<i32>} : memref<5x128xi32, #tpu.memory_space<vmem>>, vector<16xi32>,
    tpu.vector_store %arg8[%swap3A_1339, %swap3A_1340], %add3A_1337 {strides = array<i32>} : memref<5x128xi32, #tpu.memory_space<vmem>>, vector<16xi32>,
    %get3A_1342 = arith.constant 608 : index
    %get3A_1343 = tpu.vector_load %arg12[%get3A_1342] {strides = array<i32>} : memref<640xi32, #tpu.memory_space<vmem>>, vector<16xi32>,
    %get3A_1344 = arith.constant 608 : index
    %get3A_1345 = tpu.vector_load %arg13[%get3A_1344] {strides = array<i32>} : memref<640xi32, #tpu.memory_space<vmem>>, vector<16xi32>,
    %get3A_1346 = arith.constant 608 : index
    %get3A_1347 = tpu.vector_load %arg14[%get3A_1346] {strides = array<i32>} : memref<640xi32, #tpu.memory_space<vmem>>, vector<16xi32>,
    %add3A_1348 = arith.constant 1 : i32
    %add3A_1349 = vector.broadcast %add3A_1348 : i32 to vector<16xi32>
    %add3A_1350 = arith.addi %get3A_1343, %add3A_1349 : vector<16xi32>
    %mul3A_1351 = arith.constant 1156 : i32
    %mul3A_1352 = vector.broadcast %mul3A_1351 : i32 to vector<16xi32>
    %mul3A_1353 = arith.muli %add3A_1350, %mul3A_1352 : vector<16xi32>
    %add3A_1354 = arith.constant 1 : i32
    %add3A_1355 = vector.broadcast %add3A_1354 : i32 to vector<16xi32>
    %add3A_1356 = arith.addi %get3A_1345, %add3A_1355 : vector<16xi32>
    %mul3A_1357 = arith.constant 34 : i32
    %mul3A_1358 = vector.broadcast %mul3A_1357 : i32 to vector<16xi32>
    %mul3A_1359 = arith.muli %add3A_1356, %mul3A_1358 : vector<16xi32>
    %add3A_1360 = arith.addi %mul3A_1353, %mul3A_1359 : vector<16xi32>
    %add3A_1361 = arith.constant 1 : i32
    %add3A_1362 = vector.broadcast %add3A_1361 : i32 to vector<16xi32>
    %add3A_1363 = arith.addi %get3A_1347, %add3A_1362 : vector<16xi32>
    %add3A_1364 = arith.addi %add3A_1360, %add3A_1363 : vector<16xi32>
    %swap3A_1365 = arith.constant 4 : i32
    %swap3A_1366 = arith.index_cast %swap3A_1365 : i32 to index
    %swap3A_1367 = arith.constant 96 : index
    %swap3A_1368 = tpu.vector_load %arg7[%swap3A_1366, %swap3A_1367] {strides = array<i32>} : memref<5x128xi32, #tpu.memory_space<vmem>>, vector<16xi32>,
    tpu.vector_store %arg7[%swap3A_1366, %swap3A_1367], %add3A_1364 {strides = array<i32>} : memref<5x128xi32, #tpu.memory_space<vmem>>, vector<16xi32>,
    %add3A_1369 = arith.constant 608 : i32
    %add3A_1370 = arith.addi %mul3A_9, %add3A_1369 : i32
    %add3A_1371 = vector.broadcast %add3A_1370 : i32 to vector<16xi32>
    %add3A_1372 = arith.addi %add3A_1371, %iota3A : vector<16xi32>
    %swap3A_1373 = arith.constant 4 : i32
    %swap3A_1374 = arith.index_cast %swap3A_1373 : i32 to index
    %swap3A_1375 = arith.constant 96 : index
    %swap3A_1376 = tpu.vector_load %arg8[%swap3A_1374, %swap3A_1375] {strides = array<i32>} : memref<5x128xi32, #tpu.memory_space<vmem>>, vector<16xi32>,
    tpu.vector_store %arg8[%swap3A_1374, %swap3A_1375], %add3A_1372 {strides = array<i32>} : memref<5x128xi32, #tpu.memory_space<vmem>>, vector<16xi32>,
    %get3A_1377 = arith.constant 624 : index
    %get3A_1378 = tpu.vector_load %arg12[%get3A_1377] {strides = array<i32>} : memref<640xi32, #tpu.memory_space<vmem>>, vector<16xi32>,
    %get3A_1379 = arith.constant 624 : index
    %get3A_1380 = tpu.vector_load %arg13[%get3A_1379] {strides = array<i32>} : memref<640xi32, #tpu.memory_space<vmem>>, vector<16xi32>,
    %get3A_1381 = arith.constant 624 : index
    %get3A_1382 = tpu.vector_load %arg14[%get3A_1381] {strides = array<i32>} : memref<640xi32, #tpu.memory_space<vmem>>, vector<16xi32>,
    %add3A_1383 = arith.constant 1 : i32
    %add3A_1384 = vector.broadcast %add3A_1383 : i32 to vector<16xi32>
    %add3A_1385 = arith.addi %get3A_1378, %add3A_1384 : vector<16xi32>
    %mul3A_1386 = arith.constant 1156 : i32
    %mul3A_1387 = vector.broadcast %mul3A_1386 : i32 to vector<16xi32>
    %mul3A_1388 = arith.muli %add3A_1385, %mul3A_1387 : vector<16xi32>
    %add3A_1389 = arith.constant 1 : i32
    %add3A_1390 = vector.broadcast %add3A_1389 : i32 to vector<16xi32>
    %add3A_1391 = arith.addi %get3A_1380, %add3A_1390 : vector<16xi32>
    %mul3A_1392 = arith.constant 34 : i32
    %mul3A_1393 = vector.broadcast %mul3A_1392 : i32 to vector<16xi32>
    %mul3A_1394 = arith.muli %add3A_1391, %mul3A_1393 : vector<16xi32>
    %add3A_1395 = arith.addi %mul3A_1388, %mul3A_1394 : vector<16xi32>
    %add3A_1396 = arith.constant 1 : i32
    %add3A_1397 = vector.broadcast %add3A_1396 : i32 to vector<16xi32>
    %add3A_1398 = arith.addi %get3A_1382, %add3A_1397 : vector<16xi32>
    %add3A_1399 = arith.addi %add3A_1395, %add3A_1398 : vector<16xi32>
    %swap3A_1400 = arith.constant 4 : i32
    %swap3A_1401 = arith.index_cast %swap3A_1400 : i32 to index
    %swap3A_1402 = arith.constant 112 : index
    %swap3A_1403 = tpu.vector_load %arg7[%swap3A_1401, %swap3A_1402] {strides = array<i32>} : memref<5x128xi32, #tpu.memory_space<vmem>>, vector<16xi32>,
    tpu.vector_store %arg7[%swap3A_1401, %swap3A_1402], %add3A_1399 {strides = array<i32>} : memref<5x128xi32, #tpu.memory_space<vmem>>, vector<16xi32>,
    %add3A_1404 = arith.constant 624 : i32
    %add3A_1405 = arith.addi %mul3A_9, %add3A_1404 : i32
    %add3A_1406 = vector.broadcast %add3A_1405 : i32 to vector<16xi32>
    %add3A_1407 = arith.addi %add3A_1406, %iota3A : vector<16xi32>
    %swap3A_1408 = arith.constant 4 : i32
    %swap3A_1409 = arith.index_cast %swap3A_1408 : i32 to index
    %swap3A_1410 = arith.constant 112 : index
    %swap3A_1411 = tpu.vector_load %arg8[%swap3A_1409, %swap3A_1410] {strides = array<i32>} : memref<5x128xi32, #tpu.memory_space<vmem>>, vector<16xi32>,
    tpu.vector_store %arg8[%swap3A_1409, %swap3A_1410], %add3A_1407 {strides = array<i32>} : memref<5x128xi32, #tpu.memory_space<vmem>>, vector<16xi32>,
    %run_scoped3A = arith.constant 0 : i32
    %run_scoped3A_1412 = arith.constant 0 : i32
    "tpu.region"() ({
      %run_scoped3A_1443 = tpu.sem_alloc : memref<!tpu.dma_semaphore, #tpu.memory_space<semaphore_mem>>
      %dma_start3A = arith.constant 0 : i32
      %dma_start3A_1444 = tpu.memref_slice %arg8[%run_scoped3A, %dma_start3A] : memref<5x128xi32, #tpu.memory_space<vmem>> -> memref<1x128xi32, #tpu.memory_space<vmem>>
      %dma_start3A_1445 = tpu.memref_squeeze %dma_start3A_1444 : memref<1x128xi32, #tpu.memory_space<vmem>> -> memref<128xi32, #tpu.memory_space<vmem>>
      %dma_start3A_1446 = arith.constant 0 : i32
      %dma_start3A_1447 = tpu.memref_slice %arg7[%run_scoped3A_1412, %dma_start3A_1446] : memref<5x128xi32, #tpu.memory_space<vmem>> -> memref<1x128xi32, #tpu.memory_space<vmem>>
      %dma_start3A_1448 = tpu.memref_squeeze %dma_start3A_1447 : memref<1x128xi32, #tpu.memory_space<vmem>> -> memref<128xi32, #tpu.memory_space<vmem>>
      %dma_start3A_1449 = arith.constant 0 : i32
      %dma_start3A_1450 = tpu.memref_slice %arg5[%dma_start3A_1449] : memref<41984xi32, #tpu.memory_space<vmem_shared>> -> memref<41984xi32, #tpu.memory_space<vmem_shared>>
      tpu.enqueue_indirect_dma source(%dma_start3A_1445 : memref<128xi32, #tpu.memory_space<vmem>>) target(%dma_start3A_1450 : memref<41984xi32, #tpu.memory_space<vmem_shared>>) offsets(%dma_start3A_1448 : memref<128xi32, #tpu.memory_space<vmem>>) semaphore(%run_scoped3A_1443 : memref<!tpu.dma_semaphore, #tpu.memory_space<semaphore_mem>>)
      %dma_wait3A_1451 = arith.constant 0 : i32
      %dma_wait3A_1452 = tpu.memref_slice %arg8[%run_scoped3A, %dma_wait3A_1451] : memref<5x128xi32, #tpu.memory_space<vmem>> -> memref<1x128xi32, #tpu.memory_space<vmem>>
      %dma_wait3A_1453 = tpu.memref_squeeze %dma_wait3A_1452 : memref<1x128xi32, #tpu.memory_space<vmem>> -> memref<128xi32, #tpu.memory_space<vmem>>
      %dma_wait3A_1454 = arith.constant 0 : i32
      %dma_wait3A_1455 = tpu.memref_slice %arg7[%run_scoped3A_1412, %dma_wait3A_1454] : memref<5x128xi32, #tpu.memory_space<vmem>> -> memref<1x128xi32, #tpu.memory_space<vmem>>
      %dma_wait3A_1456 = tpu.memref_squeeze %dma_wait3A_1455 : memref<1x128xi32, #tpu.memory_space<vmem>> -> memref<128xi32, #tpu.memory_space<vmem>>
      %dma_wait3A_1457 = arith.constant 0 : i32
      %dma_wait3A_1458 = tpu.memref_slice %arg5[%dma_wait3A_1457] : memref<41984xi32, #tpu.memory_space<vmem_shared>> -> memref<41984xi32, #tpu.memory_space<vmem_shared>>
      tpu.wait_indirect_dma semaphore(%run_scoped3A_1443 : memref<!tpu.dma_semaphore, #tpu.memory_space<semaphore_mem>>) src(%dma_wait3A_1453 : memref<128xi32, #tpu.memory_space<vmem>>) dst(%dma_wait3A_1458 : memref<41984xi32, #tpu.memory_space<vmem_shared>>)
      tpu.yield
    }) : () -> ()
    %run_scoped3A_1413 = arith.constant 1 : i32
    %run_scoped3A_1414 = arith.constant 1 : i32
    "tpu.region"() ({
      %run_scoped3A_1443 = tpu.sem_alloc : memref<!tpu.dma_semaphore, #tpu.memory_space<semaphore_mem>>
      %dma_start3A = arith.constant 0 : i32
      %dma_start3A_1444 = tpu.memref_slice %arg8[%run_scoped3A_1413, %dma_start3A] : memref<5x128xi32, #tpu.memory_space<vmem>> -> memref<1x128xi32, #tpu.memory_space<vmem>>
      %dma_start3A_1445 = tpu.memref_squeeze %dma_start3A_1444 : memref<1x128xi32, #tpu.memory_space<vmem>> -> memref<128xi32, #tpu.memory_space<vmem>>
      %dma_start3A_1446 = arith.constant 0 : i32
      %dma_start3A_1447 = tpu.memref_slice %arg7[%run_scoped3A_1414, %dma_start3A_1446] : memref<5x128xi32, #tpu.memory_space<vmem>> -> memref<1x128xi32, #tpu.memory_space<vmem>>
      %dma_start3A_1448 = tpu.memref_squeeze %dma_start3A_1447 : memref<1x128xi32, #tpu.memory_space<vmem>> -> memref<128xi32, #tpu.memory_space<vmem>>
      %dma_start3A_1449 = arith.constant 0 : i32
      %dma_start3A_1450 = tpu.memref_slice %arg5[%dma_start3A_1449] : memref<41984xi32, #tpu.memory_space<vmem_shared>> -> memref<41984xi32, #tpu.memory_space<vmem_shared>>
      tpu.enqueue_indirect_dma source(%dma_start3A_1445 : memref<128xi32, #tpu.memory_space<vmem>>) target(%dma_start3A_1450 : memref<41984xi32, #tpu.memory_space<vmem_shared>>) offsets(%dma_start3A_1448 : memref<128xi32, #tpu.memory_space<vmem>>) semaphore(%run_scoped3A_1443 : memref<!tpu.dma_semaphore, #tpu.memory_space<semaphore_mem>>)
      %dma_wait3A_1451 = arith.constant 0 : i32
      %dma_wait3A_1452 = tpu.memref_slice %arg8[%run_scoped3A_1413, %dma_wait3A_1451] : memref<5x128xi32, #tpu.memory_space<vmem>> -> memref<1x128xi32, #tpu.memory_space<vmem>>
      %dma_wait3A_1453 = tpu.memref_squeeze %dma_wait3A_1452 : memref<1x128xi32, #tpu.memory_space<vmem>> -> memref<128xi32, #tpu.memory_space<vmem>>
      %dma_wait3A_1454 = arith.constant 0 : i32
      %dma_wait3A_1455 = tpu.memref_slice %arg7[%run_scoped3A_1414, %dma_wait3A_1454] : memref<5x128xi32, #tpu.memory_space<vmem>> -> memref<1x128xi32, #tpu.memory_space<vmem>>
      %dma_wait3A_1456 = tpu.memref_squeeze %dma_wait3A_1455 : memref<1x128xi32, #tpu.memory_space<vmem>> -> memref<128xi32, #tpu.memory_space<vmem>>
      %dma_wait3A_1457 = arith.constant 0 : i32
      %dma_wait3A_1458 = tpu.memref_slice %arg5[%dma_wait3A_1457] : memref<41984xi32, #tpu.memory_space<vmem_shared>> -> memref<41984xi32, #tpu.memory_space<vmem_shared>>
      tpu.wait_indirect_dma semaphore(%run_scoped3A_1443 : memref<!tpu.dma_semaphore, #tpu.memory_space<semaphore_mem>>) src(%dma_wait3A_1453 : memref<128xi32, #tpu.memory_space<vmem>>) dst(%dma_wait3A_1458 : memref<41984xi32, #tpu.memory_space<vmem_shared>>)
      tpu.yield
    }) : () -> ()
    %run_scoped3A_1415 = arith.constant 2 : i32
    %run_scoped3A_1416 = arith.constant 2 : i32
    "tpu.region"() ({
      %run_scoped3A_1443 = tpu.sem_alloc : memref<!tpu.dma_semaphore, #tpu.memory_space<semaphore_mem>>
      %dma_start3A = arith.constant 0 : i32
      %dma_start3A_1444 = tpu.memref_slice %arg8[%run_scoped3A_1415, %dma_start3A] : memref<5x128xi32, #tpu.memory_space<vmem>> -> memref<1x128xi32, #tpu.memory_space<vmem>>
      %dma_start3A_1445 = tpu.memref_squeeze %dma_start3A_1444 : memref<1x128xi32, #tpu.memory_space<vmem>> -> memref<128xi32, #tpu.memory_space<vmem>>
      %dma_start3A_1446 = arith.constant 0 : i32
      %dma_start3A_1447 = tpu.memref_slice %arg7[%run_scoped3A_1416, %dma_start3A_1446] : memref<5x128xi32, #tpu.memory_space<vmem>> -> memref<1x128xi32, #tpu.memory_space<vmem>>
      %dma_start3A_1448 = tpu.memref_squeeze %dma_start3A_1447 : memref<1x128xi32, #tpu.memory_space<vmem>> -> memref<128xi32, #tpu.memory_space<vmem>>
      %dma_start3A_1449 = arith.constant 0 : i32
      %dma_start3A_1450 = tpu.memref_slice %arg5[%dma_start3A_1449] : memref<41984xi32, #tpu.memory_space<vmem_shared>> -> memref<41984xi32, #tpu.memory_space<vmem_shared>>
      tpu.enqueue_indirect_dma source(%dma_start3A_1445 : memref<128xi32, #tpu.memory_space<vmem>>) target(%dma_start3A_1450 : memref<41984xi32, #tpu.memory_space<vmem_shared>>) offsets(%dma_start3A_1448 : memref<128xi32, #tpu.memory_space<vmem>>) semaphore(%run_scoped3A_1443 : memref<!tpu.dma_semaphore, #tpu.memory_space<semaphore_mem>>)
      %dma_wait3A_1451 = arith.constant 0 : i32
      %dma_wait3A_1452 = tpu.memref_slice %arg8[%run_scoped3A_1415, %dma_wait3A_1451] : memref<5x128xi32, #tpu.memory_space<vmem>> -> memref<1x128xi32, #tpu.memory_space<vmem>>
      %dma_wait3A_1453 = tpu.memref_squeeze %dma_wait3A_1452 : memref<1x128xi32, #tpu.memory_space<vmem>> -> memref<128xi32, #tpu.memory_space<vmem>>
      %dma_wait3A_1454 = arith.constant 0 : i32
      %dma_wait3A_1455 = tpu.memref_slice %arg7[%run_scoped3A_1416, %dma_wait3A_1454] : memref<5x128xi32, #tpu.memory_space<vmem>> -> memref<1x128xi32, #tpu.memory_space<vmem>>
      %dma_wait3A_1456 = tpu.memref_squeeze %dma_wait3A_1455 : memref<1x128xi32, #tpu.memory_space<vmem>> -> memref<128xi32, #tpu.memory_space<vmem>>
      %dma_wait3A_1457 = arith.constant 0 : i32
      %dma_wait3A_1458 = tpu.memref_slice %arg5[%dma_wait3A_1457] : memref<41984xi32, #tpu.memory_space<vmem_shared>> -> memref<41984xi32, #tpu.memory_space<vmem_shared>>
      tpu.wait_indirect_dma semaphore(%run_scoped3A_1443 : memref<!tpu.dma_semaphore, #tpu.memory_space<semaphore_mem>>) src(%dma_wait3A_1453 : memref<128xi32, #tpu.memory_space<vmem>>) dst(%dma_wait3A_1458 : memref<41984xi32, #tpu.memory_space<vmem_shared>>)
      tpu.yield
    }) : () -> ()
    %run_scoped3A_1417 = arith.constant 3 : i32
    %run_scoped3A_1418 = arith.constant 3 : i32
    "tpu.region"() ({
      %run_scoped3A_1443 = tpu.sem_alloc : memref<!tpu.dma_semaphore, #tpu.memory_space<semaphore_mem>>
      %dma_start3A = arith.constant 0 : i32
      %dma_start3A_1444 = tpu.memref_slice %arg8[%run_scoped3A_1417, %dma_start3A] : memref<5x128xi32, #tpu.memory_space<vmem>> -> memref<1x128xi32, #tpu.memory_space<vmem>>
      %dma_start3A_1445 = tpu.memref_squeeze %dma_start3A_1444 : memref<1x128xi32, #tpu.memory_space<vmem>> -> memref<128xi32, #tpu.memory_space<vmem>>
      %dma_start3A_1446 = arith.constant 0 : i32
      %dma_start3A_1447 = tpu.memref_slice %arg7[%run_scoped3A_1418, %dma_start3A_1446] : memref<5x128xi32, #tpu.memory_space<vmem>> -> memref<1x128xi32, #tpu.memory_space<vmem>>
      %dma_start3A_1448 = tpu.memref_squeeze %dma_start3A_1447 : memref<1x128xi32, #tpu.memory_space<vmem>> -> memref<128xi32, #tpu.memory_space<vmem>>
      %dma_start3A_1449 = arith.constant 0 : i32
      %dma_start3A_1450 = tpu.memref_slice %arg5[%dma_start3A_1449] : memref<41984xi32, #tpu.memory_space<vmem_shared>> -> memref<41984xi32, #tpu.memory_space<vmem_shared>>
      tpu.enqueue_indirect_dma source(%dma_start3A_1445 : memref<128xi32, #tpu.memory_space<vmem>>) target(%dma_start3A_1450 : memref<41984xi32, #tpu.memory_space<vmem_shared>>) offsets(%dma_start3A_1448 : memref<128xi32, #tpu.memory_space<vmem>>) semaphore(%run_scoped3A_1443 : memref<!tpu.dma_semaphore, #tpu.memory_space<semaphore_mem>>)
      %dma_wait3A_1451 = arith.constant 0 : i32
      %dma_wait3A_1452 = tpu.memref_slice %arg8[%run_scoped3A_1417, %dma_wait3A_1451] : memref<5x128xi32, #tpu.memory_space<vmem>> -> memref<1x128xi32, #tpu.memory_space<vmem>>
      %dma_wait3A_1453 = tpu.memref_squeeze %dma_wait3A_1452 : memref<1x128xi32, #tpu.memory_space<vmem>> -> memref<128xi32, #tpu.memory_space<vmem>>
      %dma_wait3A_1454 = arith.constant 0 : i32
      %dma_wait3A_1455 = tpu.memref_slice %arg7[%run_scoped3A_1418, %dma_wait3A_1454] : memref<5x128xi32, #tpu.memory_space<vmem>> -> memref<1x128xi32, #tpu.memory_space<vmem>>
      %dma_wait3A_1456 = tpu.memref_squeeze %dma_wait3A_1455 : memref<1x128xi32, #tpu.memory_space<vmem>> -> memref<128xi32, #tpu.memory_space<vmem>>
      %dma_wait3A_1457 = arith.constant 0 : i32
      %dma_wait3A_1458 = tpu.memref_slice %arg5[%dma_wait3A_1457] : memref<41984xi32, #tpu.memory_space<vmem_shared>> -> memref<41984xi32, #tpu.memory_space<vmem_shared>>
      tpu.wait_indirect_dma semaphore(%run_scoped3A_1443 : memref<!tpu.dma_semaphore, #tpu.memory_space<semaphore_mem>>) src(%dma_wait3A_1453 : memref<128xi32, #tpu.memory_space<vmem>>) dst(%dma_wait3A_1458 : memref<41984xi32, #tpu.memory_space<vmem_shared>>)
      tpu.yield
    }) : () -> ()
    %run_scoped3A_1419 = arith.constant 4 : i32
    %run_scoped3A_1420 = arith.constant 4 : i32
    "tpu.region"() ({
      %run_scoped3A_1443 = tpu.sem_alloc : memref<!tpu.dma_semaphore, #tpu.memory_space<semaphore_mem>>
      %dma_start3A = arith.constant 0 : i32
      %dma_start3A_1444 = tpu.memref_slice %arg8[%run_scoped3A_1419, %dma_start3A] : memref<5x128xi32, #tpu.memory_space<vmem>> -> memref<1x128xi32, #tpu.memory_space<vmem>>
      %dma_start3A_1445 = tpu.memref_squeeze %dma_start3A_1444 : memref<1x128xi32, #tpu.memory_space<vmem>> -> memref<128xi32, #tpu.memory_space<vmem>>
      %dma_start3A_1446 = arith.constant 0 : i32
      %dma_start3A_1447 = tpu.memref_slice %arg7[%run_scoped3A_1420, %dma_start3A_1446] : memref<5x128xi32, #tpu.memory_space<vmem>> -> memref<1x128xi32, #tpu.memory_space<vmem>>
      %dma_start3A_1448 = tpu.memref_squeeze %dma_start3A_1447 : memref<1x128xi32, #tpu.memory_space<vmem>> -> memref<128xi32, #tpu.memory_space<vmem>>
      %dma_start3A_1449 = arith.constant 0 : i32
      %dma_start3A_1450 = tpu.memref_slice %arg5[%dma_start3A_1449] : memref<41984xi32, #tpu.memory_space<vmem_shared>> -> memref<41984xi32, #tpu.memory_space<vmem_shared>>
      tpu.enqueue_indirect_dma source(%dma_start3A_1445 : memref<128xi32, #tpu.memory_space<vmem>>) target(%dma_start3A_1450 : memref<41984xi32, #tpu.memory_space<vmem_shared>>) offsets(%dma_start3A_1448 : memref<128xi32, #tpu.memory_space<vmem>>) semaphore(%run_scoped3A_1443 : memref<!tpu.dma_semaphore, #tpu.memory_space<semaphore_mem>>)
      %dma_wait3A_1451 = arith.constant 0 : i32
      %dma_wait3A_1452 = tpu.memref_slice %arg8[%run_scoped3A_1419, %dma_wait3A_1451] : memref<5x128xi32, #tpu.memory_space<vmem>> -> memref<1x128xi32, #tpu.memory_space<vmem>>
      %dma_wait3A_1453 = tpu.memref_squeeze %dma_wait3A_1452 : memref<1x128xi32, #tpu.memory_space<vmem>> -> memref<128xi32, #tpu.memory_space<vmem>>
      %dma_wait3A_1454 = arith.constant 0 : i32
      %dma_wait3A_1455 = tpu.memref_slice %arg7[%run_scoped3A_1420, %dma_wait3A_1454] : memref<5x128xi32, #tpu.memory_space<vmem>> -> memref<1x128xi32, #tpu.memory_space<vmem>>
      %dma_wait3A_1456 = tpu.memref_squeeze %dma_wait3A_1455 : memref<1x128xi32, #tpu.memory_space<vmem>> -> memref<128xi32, #tpu.memory_space<vmem>>
      %dma_wait3A_1457 = arith.constant 0 : i32
      %dma_wait3A_1458 = tpu.memref_slice %arg5[%dma_wait3A_1457] : memref<41984xi32, #tpu.memory_space<vmem_shared>> -> memref<41984xi32, #tpu.memory_space<vmem_shared>>
      tpu.wait_indirect_dma semaphore(%run_scoped3A_1443 : memref<!tpu.dma_semaphore, #tpu.memory_space<semaphore_mem>>) src(%dma_wait3A_1453 : memref<128xi32, #tpu.memory_space<vmem>>) dst(%dma_wait3A_1458 : memref<41984xi32, #tpu.memory_space<vmem_shared>>)
      tpu.yield
    }) : () -> ()
    %barrier3A_1421 = arith.constant 0 : index
    tpu.barrier barrier_id(%barrier3A_1421)
    "tpu.trace_stop"() : () -> ()
    "tpu.trace_start"() <{level = 10 : i32, message = "p2_nidx"}> : () -> ()
    "tpu.region"() ({
      %run_scoped3A_1443 = tpu.sem_alloc : memref<!tpu.dma_semaphore, #tpu.memory_space<semaphore_mem>>
      tpu.enqueue_dma source(%arg5 : memref<41984xi32, #tpu.memory_space<vmem_shared>>) target(%arg6 : memref<41984xi32, #tpu.memory_space<vmem>>) target_semaphore(%run_scoped3A_1443 : memref<!tpu.dma_semaphore, #tpu.memory_space<semaphore_mem>>)
      tpu.wait_dma2 semaphore(%run_scoped3A_1443 : memref<!tpu.dma_semaphore, #tpu.memory_space<semaphore_mem>>) src(%arg5 : memref<41984xi32, #tpu.memory_space<vmem_shared>>) dst(%arg6 : memref<41984xi32, #tpu.memory_space<vmem>>)
      tpu.yield
    }) : () -> ()
    %mul3A_1422 = arith.constant 320 : i32
    %mul3A_1423 = arith.muli %add3A, %mul3A_1422 : i32
    "tpu.region"() ({
      %run_scoped3A_1443 = tpu.sem_alloc : memref<!tpu.dma_semaphore, #tpu.memory_space<semaphore_mem>>
      %dma_start3A = tpu.memref_slice %arg2[%mul3A_1423] : memref<30720xi32, #tpu.memory_space<hbm>> -> memref<320xi32, #tpu.memory_space<hbm>>
      %dma_start3A_1444 = tpu.memref_slice %arg2[%mul3A_1423] : memref<30720xi32, #tpu.memory_space<hbm>> -> memref<320xi32, #tpu.memory_space<hbm>>
      tpu.enqueue_dma source(%dma_start3A_1444 : memref<320xi32, #tpu.memory_space<hbm>>) target(%arg15 : memref<320xi32, #tpu.memory_space<vmem>>) target_semaphore(%run_scoped3A_1443 : memref<!tpu.dma_semaphore, #tpu.memory_space<semaphore_mem>>)
      %dma_wait3A_1445 = tpu.memref_slice %arg2[%mul3A_1423] : memref<30720xi32, #tpu.memory_space<hbm>> -> memref<320xi32, #tpu.memory_space<hbm>>
      %dma_wait3A_1446 = tpu.memref_slice %arg2[%mul3A_1423] : memref<30720xi32, #tpu.memory_space<hbm>> -> memref<320xi32, #tpu.memory_space<hbm>>
      tpu.wait_dma2 semaphore(%run_scoped3A_1443 : memref<!tpu.dma_semaphore, #tpu.memory_space<semaphore_mem>>) src(%dma_wait3A_1446 : memref<320xi32, #tpu.memory_space<hbm>>) dst(%arg15 : memref<320xi32, #tpu.memory_space<vmem>>)
      tpu.yield
    }) : () -> ()
    %add3A_1424 = arith.constant 10240 : i32
    %add3A_1425 = arith.addi %add3A_1424, %mul3A_1423 : i32
    "tpu.region"() ({
      %run_scoped3A_1443 = tpu.sem_alloc : memref<!tpu.dma_semaphore, #tpu.memory_space<semaphore_mem>>
      %dma_start3A = tpu.memref_slice %arg2[%add3A_1425] : memref<30720xi32, #tpu.memory_space<hbm>> -> memref<320xi32, #tpu.memory_space<hbm>>
      %dma_start3A_1444 = tpu.memref_slice %arg2[%add3A_1425] : memref<30720xi32, #tpu.memory_space<hbm>> -> memref<320xi32, #tpu.memory_space<hbm>>
      tpu.enqueue_dma source(%dma_start3A_1444 : memref<320xi32, #tpu.memory_space<hbm>>) target(%arg16 : memref<320xi32, #tpu.memory_space<vmem>>) target_semaphore(%run_scoped3A_1443 : memref<!tpu.dma_semaphore, #tpu.memory_space<semaphore_mem>>)
      %dma_wait3A_1445 = tpu.memref_slice %arg2[%add3A_1425] : memref<30720xi32, #tpu.memory_space<hbm>> -> memref<320xi32, #tpu.memory_space<hbm>>
      %dma_wait3A_1446 = tpu.memref_slice %arg2[%add3A_1425] : memref<30720xi32, #tpu.memory_space<hbm>> -> memref<320xi32, #tpu.memory_space<hbm>>
      tpu.wait_dma2 semaphore(%run_scoped3A_1443 : memref<!tpu.dma_semaphore, #tpu.memory_space<semaphore_mem>>) src(%dma_wait3A_1446 : memref<320xi32, #tpu.memory_space<hbm>>) dst(%arg16 : memref<320xi32, #tpu.memory_space<vmem>>)
      tpu.yield
    }) : () -> ()
    %add3A_1426 = arith.constant 20480 : i32
    %add3A_1427 = arith.addi %add3A_1426, %mul3A_1423 : i32
    "tpu.region"() ({
      %run_scoped3A_1443 = tpu.sem_alloc : memref<!tpu.dma_semaphore, #tpu.memory_space<semaphore_mem>>
      %dma_start3A = tpu.memref_slice %arg2[%add3A_1427] : memref<30720xi32, #tpu.memory_space<hbm>> -> memref<320xi32, #tpu.memory_space<hbm>>
      %dma_start3A_1444 = tpu.memref_slice %arg2[%add3A_1427] : memref<30720xi32, #tpu.memory_space<hbm>> -> memref<320xi32, #tpu.memory_space<hbm>>
      tpu.enqueue_dma source(%dma_start3A_1444 : memref<320xi32, #tpu.memory_space<hbm>>) target(%arg17 : memref<320xi32, #tpu.memory_space<vmem>>) target_semaphore(%run_scoped3A_1443 : memref<!tpu.dma_semaphore, #tpu.memory_space<semaphore_mem>>)
      %dma_wait3A_1445 = tpu.memref_slice %arg2[%add3A_1427] : memref<30720xi32, #tpu.memory_space<hbm>> -> memref<320xi32, #tpu.memory_space<hbm>>
      %dma_wait3A_1446 = tpu.memref_slice %arg2[%add3A_1427] : memref<30720xi32, #tpu.memory_space<hbm>> -> memref<320xi32, #tpu.memory_space<hbm>>
      tpu.wait_dma2 semaphore(%run_scoped3A_1443 : memref<!tpu.dma_semaphore, #tpu.memory_space<semaphore_mem>>) src(%dma_wait3A_1446 : memref<320xi32, #tpu.memory_space<hbm>>) dst(%arg17 : memref<320xi32, #tpu.memory_space<vmem>>)
      tpu.yield
    }) : () -> ()
    %scan3A_1428 = arith.constant 0 : i32
    %scan3A_1429 = arith.constant 20 : i32
    %scan3A_1430 = arith.addi %scan3A_1428, %scan3A_1429 : i32
    %scan3A_1431 = arith.constant 1 : i32
    scf.for %scan3A_1443 = %scan3A_1428 to %scan3A_1430 step %scan3A_1431  : i32 {
      %mul3A_1444 = arith.constant 16 : i32
      %mul3A_1445 = arith.muli %scan3A_1443, %mul3A_1444 : i32
      %get3A_1446 = arith.index_cast %mul3A_1445 : i32 to index
      %get3A_1447 = tpu.vector_load %arg15[%get3A_1446] {strides = array<i32>} : memref<320xi32, #tpu.memory_space<vmem>>, vector<16xi32>,
      %get3A_1448 = arith.index_cast %mul3A_1445 : i32 to index
      %get3A_1449 = tpu.vector_load %arg16[%get3A_1448] {strides = array<i32>} : memref<320xi32, #tpu.memory_space<vmem>>, vector<16xi32>,
      %get3A_1450 = arith.index_cast %mul3A_1445 : i32 to index
      %get3A_1451 = tpu.vector_load %arg17[%get3A_1450] {strides = array<i32>} : memref<320xi32, #tpu.memory_space<vmem>>, vector<16xi32>,
      %add3A_1452 = arith.constant 1 : i32
      %add3A_1453 = vector.broadcast %add3A_1452 : i32 to vector<16xi32>
      %add3A_1454 = arith.addi %get3A_1447, %add3A_1453 : vector<16xi32>
      %mul3A_1455 = arith.constant 1156 : i32
      %mul3A_1456 = vector.broadcast %mul3A_1455 : i32 to vector<16xi32>
      %mul3A_1457 = arith.muli %add3A_1454, %mul3A_1456 : vector<16xi32>
      %add3A_1458 = arith.constant 1 : i32
      %add3A_1459 = vector.broadcast %add3A_1458 : i32 to vector<16xi32>
      %add3A_1460 = arith.addi %get3A_1449, %add3A_1459 : vector<16xi32>
      %mul3A_1461 = arith.constant 34 : i32
      %mul3A_1462 = vector.broadcast %mul3A_1461 : i32 to vector<16xi32>
      %mul3A_1463 = arith.muli %add3A_1460, %mul3A_1462 : vector<16xi32>
      %add3A_1464 = arith.addi %mul3A_1457, %mul3A_1463 : vector<16xi32>
      %add3A_1465 = arith.constant 1 : i32
      %add3A_1466 = vector.broadcast %add3A_1465 : i32 to vector<16xi32>
      %add3A_1467 = arith.addi %get3A_1451, %add3A_1466 : vector<16xi32>
      %add3A_1468 = arith.addi %add3A_1464, %add3A_1467 : vector<16xi32>
      %add3A_1469 = arith.addi %mul3A_1423, %mul3A_1445 : i32
      %add3A_1470 = vector.broadcast %add3A_1469 : i32 to vector<16xi32>
      %add3A_1471 = arith.addi %add3A_1470, %iota3A : vector<16xi32>
      %jit3A = arith.constant 240 : i32
      %eq3A = arith.constant 0 : i32
      %eq3A_1472 = arith.cmpi eq, %jit3A, %eq3A : i32
      %jit3A_1473 = arith.constant 1 : i32
      %select_n3A = arith.select %eq3A_1472, %jit3A_1473, %jit3A : i32
      %rem3A = vector.broadcast %select_n3A : i32 to vector<16xi32>
      %rem3A_1474 = arith.remsi %add3A_1471, %rem3A : vector<16xi32>
      %ne3A = arith.constant 0 : i32
      %ne3A_1475 = vector.broadcast %ne3A : i32 to vector<16xi32>
      %ne3A_1476 = arith.cmpi ne, %rem3A_1474, %ne3A_1475 : vector<16xi32>
      %lt3A = arith.constant 0 : i32
      %lt3A_1477 = vector.broadcast %lt3A : i32 to vector<16xi32>
      %lt3A_1478 = arith.cmpi slt, %rem3A_1474, %lt3A_1477 : vector<16xi32>
      %lt3A_1479 = arith.constant 0 : i32
      %lt3A_1480 = arith.cmpi slt, %select_n3A, %lt3A_1479 : i32
      %ne3A_1481 = vector.broadcast %lt3A_1480 : i1 to vector<16xi1>
      %ne3A_1482 = vector.broadcast %ne3A_1481 : vector<16xi1> to vector<16xi1>
      %ne3A_1483 = arith.xori %lt3A_1478, %ne3A_1482 : vector<16xi1>
      %and3A = arith.andi %ne3A_1483, %ne3A_1476 : vector<16xi1>
      %add3A_1484 = vector.broadcast %select_n3A : i32 to vector<16xi32>
      %add3A_1485 = arith.addi %rem3A_1474, %add3A_1484 : vector<16xi32>
      %select_n3A_1486 = arith.select %and3A, %add3A_1485, %rem3A_1474 : vector<16xi1>, vector<16xi32>
      %add3A_1487 = arith.constant -1191 : i32
      %add3A_1488 = vector.broadcast %add3A_1487 : i32 to vector<16xi32>
      %add3A_1489 = arith.addi %add3A_1468, %add3A_1488 : vector<16xi32>
      %gather3A = tpu.vector_load_idx %arg6[%add3A_1489] : memref<41984xi32, #tpu.memory_space<vmem>>[vector<16xi32>], vector<16xi32>,
      %ge3A = arith.constant 0 : i32
      %ge3A_1490 = vector.broadcast %ge3A : i32 to vector<16xi32>
      %ge3A_1491 = arith.cmpi sge, %gather3A, %ge3A_1490 : vector<16xi32>
      %add3A_1492 = arith.constant 0 : i32
      %add3A_1493 = vector.broadcast %add3A_1492 : i32 to vector<16xi32>
      %add3A_1494 = arith.addi %add3A_1493, %gather3A : vector<16xi32>
      %add3A_1495 = arith.constant 10000 : i32
      %add3A_1496 = vector.broadcast %add3A_1495 : i32 to vector<16xi32>
      %add3A_1497 = arith.addi %add3A_1496, %select_n3A_1486 : vector<16xi32>
      %select_n3A_1498 = arith.select %ge3A_1491, %add3A_1494, %add3A_1497 : vector<16xi1>, vector<16xi32>
      %add3A_1499 = arith.constant 0 : i32
      %add3A_1500 = arith.addi %add3A_1499, %mul3A_1445 : i32
      %swap3A_1501 = arith.index_cast %add3A_1500 : i32 to index
      %swap3A_1502 = tpu.vector_load %arg9[%swap3A_1501] {strides = array<i32>} : memref<8640xi32, #tpu.memory_space<vmem>>, vector<16xi32>,
      tpu.vector_store %arg9[%swap3A_1501], %select_n3A_1498 {strides = array<i32>} : memref<8640xi32, #tpu.memory_space<vmem>>, vector<16xi32>,
      %add3A_1503 = arith.constant -1190 : i32
      %add3A_1504 = vector.broadcast %add3A_1503 : i32 to vector<16xi32>
      %add3A_1505 = arith.addi %add3A_1468, %add3A_1504 : vector<16xi32>
      %gather3A_1506 = tpu.vector_load_idx %arg6[%add3A_1505] : memref<41984xi32, #tpu.memory_space<vmem>>[vector<16xi32>], vector<16xi32>,
      %ge3A_1507 = arith.constant 0 : i32
      %ge3A_1508 = vector.broadcast %ge3A_1507 : i32 to vector<16xi32>
      %ge3A_1509 = arith.cmpi sge, %gather3A_1506, %ge3A_1508 : vector<16xi32>
      %add3A_1510 = arith.constant 10240 : i32
      %add3A_1511 = vector.broadcast %add3A_1510 : i32 to vector<16xi32>
      %add3A_1512 = arith.addi %add3A_1511, %gather3A_1506 : vector<16xi32>
      %add3A_1513 = arith.constant 20240 : i32
      %add3A_1514 = vector.broadcast %add3A_1513 : i32 to vector<16xi32>
      %add3A_1515 = arith.addi %add3A_1514, %select_n3A_1486 : vector<16xi32>
      %select_n3A_1516 = arith.select %ge3A_1509, %add3A_1512, %add3A_1515 : vector<16xi1>, vector<16xi32>
      %add3A_1517 = arith.constant 320 : i32
      %add3A_1518 = arith.addi %add3A_1517, %mul3A_1445 : i32
      %swap3A_1519 = arith.index_cast %add3A_1518 : i32 to index
      %swap3A_1520 = tpu.vector_load %arg9[%swap3A_1519] {strides = array<i32>} : memref<8640xi32, #tpu.memory_space<vmem>>, vector<16xi32>,
      tpu.vector_store %arg9[%swap3A_1519], %select_n3A_1516 {strides = array<i32>} : memref<8640xi32, #tpu.memory_space<vmem>>, vector<16xi32>,
      %add3A_1521 = arith.constant -1189 : i32
      %add3A_1522 = vector.broadcast %add3A_1521 : i32 to vector<16xi32>
      %add3A_1523 = arith.addi %add3A_1468, %add3A_1522 : vector<16xi32>
      %gather3A_1524 = tpu.vector_load_idx %arg6[%add3A_1523] : memref<41984xi32, #tpu.memory_space<vmem>>[vector<16xi32>], vector<16xi32>,
      %ge3A_1525 = arith.constant 0 : i32
      %ge3A_1526 = vector.broadcast %ge3A_1525 : i32 to vector<16xi32>
      %ge3A_1527 = arith.cmpi sge, %gather3A_1524, %ge3A_1526 : vector<16xi32>
      %add3A_1528 = arith.constant 20480 : i32
      %add3A_1529 = vector.broadcast %add3A_1528 : i32 to vector<16xi32>
      %add3A_1530 = arith.addi %add3A_1529, %gather3A_1524 : vector<16xi32>
      %add3A_1531 = arith.constant 30480 : i32
      %add3A_1532 = vector.broadcast %add3A_1531 : i32 to vector<16xi32>
      %add3A_1533 = arith.addi %add3A_1532, %select_n3A_1486 : vector<16xi32>
      %select_n3A_1534 = arith.select %ge3A_1527, %add3A_1530, %add3A_1533 : vector<16xi1>, vector<16xi32>
      %add3A_1535 = arith.constant 640 : i32
      %add3A_1536 = arith.addi %add3A_1535, %mul3A_1445 : i32
      %swap3A_1537 = arith.index_cast %add3A_1536 : i32 to index
      %swap3A_1538 = tpu.vector_load %arg9[%swap3A_1537] {strides = array<i32>} : memref<8640xi32, #tpu.memory_space<vmem>>, vector<16xi32>,
      tpu.vector_store %arg9[%swap3A_1537], %select_n3A_1534 {strides = array<i32>} : memref<8640xi32, #tpu.memory_space<vmem>>, vector<16xi32>,
      %add3A_1539 = arith.constant -1157 : i32
      %add3A_1540 = vector.broadcast %add3A_1539 : i32 to vector<16xi32>
      %add3A_1541 = arith.addi %add3A_1468, %add3A_1540 : vector<16xi32>
      %gather3A_1542 = tpu.vector_load_idx %arg6[%add3A_1541] : memref<41984xi32, #tpu.memory_space<vmem>>[vector<16xi32>], vector<16xi32>,
      %ge3A_1543 = arith.constant 0 : i32
      %ge3A_1544 = vector.broadcast %ge3A_1543 : i32 to vector<16xi32>
      %ge3A_1545 = arith.cmpi sge, %gather3A_1542, %ge3A_1544 : vector<16xi32>
      %add3A_1546 = arith.constant 30720 : i32
      %add3A_1547 = vector.broadcast %add3A_1546 : i32 to vector<16xi32>
      %add3A_1548 = arith.addi %add3A_1547, %gather3A_1542 : vector<16xi32>
      %add3A_1549 = arith.constant 40720 : i32
      %add3A_1550 = vector.broadcast %add3A_1549 : i32 to vector<16xi32>
      %add3A_1551 = arith.addi %add3A_1550, %select_n3A_1486 : vector<16xi32>
      %select_n3A_1552 = arith.select %ge3A_1545, %add3A_1548, %add3A_1551 : vector<16xi1>, vector<16xi32>
      %add3A_1553 = arith.constant 960 : i32
      %add3A_1554 = arith.addi %add3A_1553, %mul3A_1445 : i32
      %swap3A_1555 = arith.index_cast %add3A_1554 : i32 to index
      %swap3A_1556 = tpu.vector_load %arg9[%swap3A_1555] {strides = array<i32>} : memref<8640xi32, #tpu.memory_space<vmem>>, vector<16xi32>,
      tpu.vector_store %arg9[%swap3A_1555], %select_n3A_1552 {strides = array<i32>} : memref<8640xi32, #tpu.memory_space<vmem>>, vector<16xi32>,
      %add3A_1557 = arith.constant -1156 : i32
      %add3A_1558 = vector.broadcast %add3A_1557 : i32 to vector<16xi32>
      %add3A_1559 = arith.addi %add3A_1468, %add3A_1558 : vector<16xi32>
      %gather3A_1560 = tpu.vector_load_idx %arg6[%add3A_1559] : memref<41984xi32, #tpu.memory_space<vmem>>[vector<16xi32>], vector<16xi32>,
      %ge3A_1561 = arith.constant 0 : i32
      %ge3A_1562 = vector.broadcast %ge3A_1561 : i32 to vector<16xi32>
      %ge3A_1563 = arith.cmpi sge, %gather3A_1560, %ge3A_1562 : vector<16xi32>
      %add3A_1564 = arith.constant 40960 : i32
      %add3A_1565 = vector.broadcast %add3A_1564 : i32 to vector<16xi32>
      %add3A_1566 = arith.addi %add3A_1565, %gather3A_1560 : vector<16xi32>
      %add3A_1567 = arith.constant 50960 : i32
      %add3A_1568 = vector.broadcast %add3A_1567 : i32 to vector<16xi32>
      %add3A_1569 = arith.addi %add3A_1568, %select_n3A_1486 : vector<16xi32>
      %select_n3A_1570 = arith.select %ge3A_1563, %add3A_1566, %add3A_1569 : vector<16xi1>, vector<16xi32>
      %add3A_1571 = arith.constant 1280 : i32
      %add3A_1572 = arith.addi %add3A_1571, %mul3A_1445 : i32
      %swap3A_1573 = arith.index_cast %add3A_1572 : i32 to index
      %swap3A_1574 = tpu.vector_load %arg9[%swap3A_1573] {strides = array<i32>} : memref<8640xi32, #tpu.memory_space<vmem>>, vector<16xi32>,
      tpu.vector_store %arg9[%swap3A_1573], %select_n3A_1570 {strides = array<i32>} : memref<8640xi32, #tpu.memory_space<vmem>>, vector<16xi32>,
      %add3A_1575 = arith.constant -1155 : i32
      %add3A_1576 = vector.broadcast %add3A_1575 : i32 to vector<16xi32>
      %add3A_1577 = arith.addi %add3A_1468, %add3A_1576 : vector<16xi32>
      %gather3A_1578 = tpu.vector_load_idx %arg6[%add3A_1577] : memref<41984xi32, #tpu.memory_space<vmem>>[vector<16xi32>], vector<16xi32>,
      %ge3A_1579 = arith.constant 0 : i32
      %ge3A_1580 = vector.broadcast %ge3A_1579 : i32 to vector<16xi32>
      %ge3A_1581 = arith.cmpi sge, %gather3A_1578, %ge3A_1580 : vector<16xi32>
      %add3A_1582 = arith.constant 51200 : i32
      %add3A_1583 = vector.broadcast %add3A_1582 : i32 to vector<16xi32>
      %add3A_1584 = arith.addi %add3A_1583, %gather3A_1578 : vector<16xi32>
      %add3A_1585 = arith.constant 61200 : i32
      %add3A_1586 = vector.broadcast %add3A_1585 : i32 to vector<16xi32>
      %add3A_1587 = arith.addi %add3A_1586, %select_n3A_1486 : vector<16xi32>
      %select_n3A_1588 = arith.select %ge3A_1581, %add3A_1584, %add3A_1587 : vector<16xi1>, vector<16xi32>
      %add3A_1589 = arith.constant 1600 : i32
      %add3A_1590 = arith.addi %add3A_1589, %mul3A_1445 : i32
      %swap3A_1591 = arith.index_cast %add3A_1590 : i32 to index
      %swap3A_1592 = tpu.vector_load %arg9[%swap3A_1591] {strides = array<i32>} : memref<8640xi32, #tpu.memory_space<vmem>>, vector<16xi32>,
      tpu.vector_store %arg9[%swap3A_1591], %select_n3A_1588 {strides = array<i32>} : memref<8640xi32, #tpu.memory_space<vmem>>, vector<16xi32>,
      %add3A_1593 = arith.constant -1123 : i32
      %add3A_1594 = vector.broadcast %add3A_1593 : i32 to vector<16xi32>
      %add3A_1595 = arith.addi %add3A_1468, %add3A_1594 : vector<16xi32>
      %gather3A_1596 = tpu.vector_load_idx %arg6[%add3A_1595] : memref<41984xi32, #tpu.memory_space<vmem>>[vector<16xi32>], vector<16xi32>,
      %ge3A_1597 = arith.constant 0 : i32
      %ge3A_1598 = vector.broadcast %ge3A_1597 : i32 to vector<16xi32>
      %ge3A_1599 = arith.cmpi sge, %gather3A_1596, %ge3A_1598 : vector<16xi32>
      %add3A_1600 = arith.constant 61440 : i32
      %add3A_1601 = vector.broadcast %add3A_1600 : i32 to vector<16xi32>
      %add3A_1602 = arith.addi %add3A_1601, %gather3A_1596 : vector<16xi32>
      %add3A_1603 = arith.constant 71440 : i32
      %add3A_1604 = vector.broadcast %add3A_1603 : i32 to vector<16xi32>
      %add3A_1605 = arith.addi %add3A_1604, %select_n3A_1486 : vector<16xi32>
      %select_n3A_1606 = arith.select %ge3A_1599, %add3A_1602, %add3A_1605 : vector<16xi1>, vector<16xi32>
      %add3A_1607 = arith.constant 1920 : i32
      %add3A_1608 = arith.addi %add3A_1607, %mul3A_1445 : i32
      %swap3A_1609 = arith.index_cast %add3A_1608 : i32 to index
      %swap3A_1610 = tpu.vector_load %arg9[%swap3A_1609] {strides = array<i32>} : memref<8640xi32, #tpu.memory_space<vmem>>, vector<16xi32>,
      tpu.vector_store %arg9[%swap3A_1609], %select_n3A_1606 {strides = array<i32>} : memref<8640xi32, #tpu.memory_space<vmem>>, vector<16xi32>,
      %add3A_1611 = arith.constant -1122 : i32
      %add3A_1612 = vector.broadcast %add3A_1611 : i32 to vector<16xi32>
      %add3A_1613 = arith.addi %add3A_1468, %add3A_1612 : vector<16xi32>
      %gather3A_1614 = tpu.vector_load_idx %arg6[%add3A_1613] : memref<41984xi32, #tpu.memory_space<vmem>>[vector<16xi32>], vector<16xi32>,
      %ge3A_1615 = arith.constant 0 : i32
      %ge3A_1616 = vector.broadcast %ge3A_1615 : i32 to vector<16xi32>
      %ge3A_1617 = arith.cmpi sge, %gather3A_1614, %ge3A_1616 : vector<16xi32>
      %add3A_1618 = arith.constant 71680 : i32
      %add3A_1619 = vector.broadcast %add3A_1618 : i32 to vector<16xi32>
      %add3A_1620 = arith.addi %add3A_1619, %gather3A_1614 : vector<16xi32>
      %add3A_1621 = arith.constant 81680 : i32
      %add3A_1622 = vector.broadcast %add3A_1621 : i32 to vector<16xi32>
      %add3A_1623 = arith.addi %add3A_1622, %select_n3A_1486 : vector<16xi32>
      %select_n3A_1624 = arith.select %ge3A_1617, %add3A_1620, %add3A_1623 : vector<16xi1>, vector<16xi32>
      %add3A_1625 = arith.constant 2240 : i32
      %add3A_1626 = arith.addi %add3A_1625, %mul3A_1445 : i32
      %swap3A_1627 = arith.index_cast %add3A_1626 : i32 to index
      %swap3A_1628 = tpu.vector_load %arg9[%swap3A_1627] {strides = array<i32>} : memref<8640xi32, #tpu.memory_space<vmem>>, vector<16xi32>,
      tpu.vector_store %arg9[%swap3A_1627], %select_n3A_1624 {strides = array<i32>} : memref<8640xi32, #tpu.memory_space<vmem>>, vector<16xi32>,
      %add3A_1629 = arith.constant -1121 : i32
      %add3A_1630 = vector.broadcast %add3A_1629 : i32 to vector<16xi32>
      %add3A_1631 = arith.addi %add3A_1468, %add3A_1630 : vector<16xi32>
      %gather3A_1632 = tpu.vector_load_idx %arg6[%add3A_1631] : memref<41984xi32, #tpu.memory_space<vmem>>[vector<16xi32>], vector<16xi32>,
      %ge3A_1633 = arith.constant 0 : i32
      %ge3A_1634 = vector.broadcast %ge3A_1633 : i32 to vector<16xi32>
      %ge3A_1635 = arith.cmpi sge, %gather3A_1632, %ge3A_1634 : vector<16xi32>
      %add3A_1636 = arith.constant 81920 : i32
      %add3A_1637 = vector.broadcast %add3A_1636 : i32 to vector<16xi32>
      %add3A_1638 = arith.addi %add3A_1637, %gather3A_1632 : vector<16xi32>
      %add3A_1639 = arith.constant 91920 : i32
      %add3A_1640 = vector.broadcast %add3A_1639 : i32 to vector<16xi32>
      %add3A_1641 = arith.addi %add3A_1640, %select_n3A_1486 : vector<16xi32>
      %select_n3A_1642 = arith.select %ge3A_1635, %add3A_1638, %add3A_1641 : vector<16xi1>, vector<16xi32>
      %add3A_1643 = arith.constant 2560 : i32
      %add3A_1644 = arith.addi %add3A_1643, %mul3A_1445 : i32
      %swap3A_1645 = arith.index_cast %add3A_1644 : i32 to index
      %swap3A_1646 = tpu.vector_load %arg9[%swap3A_1645] {strides = array<i32>} : memref<8640xi32, #tpu.memory_space<vmem>>, vector<16xi32>,
      tpu.vector_store %arg9[%swap3A_1645], %select_n3A_1642 {strides = array<i32>} : memref<8640xi32, #tpu.memory_space<vmem>>, vector<16xi32>,
      %add3A_1647 = arith.constant -35 : i32
      %add3A_1648 = vector.broadcast %add3A_1647 : i32 to vector<16xi32>
      %add3A_1649 = arith.addi %add3A_1468, %add3A_1648 : vector<16xi32>
      %gather3A_1650 = tpu.vector_load_idx %arg6[%add3A_1649] : memref<41984xi32, #tpu.memory_space<vmem>>[vector<16xi32>], vector<16xi32>,
      %ge3A_1651 = arith.constant 0 : i32
      %ge3A_1652 = vector.broadcast %ge3A_1651 : i32 to vector<16xi32>
      %ge3A_1653 = arith.cmpi sge, %gather3A_1650, %ge3A_1652 : vector<16xi32>
      %add3A_1654 = arith.constant 92160 : i32
      %add3A_1655 = vector.broadcast %add3A_1654 : i32 to vector<16xi32>
      %add3A_1656 = arith.addi %add3A_1655, %gather3A_1650 : vector<16xi32>
      %add3A_1657 = arith.constant 102160 : i32
      %add3A_1658 = vector.broadcast %add3A_1657 : i32 to vector<16xi32>
      %add3A_1659 = arith.addi %add3A_1658, %select_n3A_1486 : vector<16xi32>
      %select_n3A_1660 = arith.select %ge3A_1653, %add3A_1656, %add3A_1659 : vector<16xi1>, vector<16xi32>
      %add3A_1661 = arith.constant 2880 : i32
      %add3A_1662 = arith.addi %add3A_1661, %mul3A_1445 : i32
      %swap3A_1663 = arith.index_cast %add3A_1662 : i32 to index
      %swap3A_1664 = tpu.vector_load %arg9[%swap3A_1663] {strides = array<i32>} : memref<8640xi32, #tpu.memory_space<vmem>>, vector<16xi32>,
      tpu.vector_store %arg9[%swap3A_1663], %select_n3A_1660 {strides = array<i32>} : memref<8640xi32, #tpu.memory_space<vmem>>, vector<16xi32>,
      %add3A_1665 = arith.constant -34 : i32
      %add3A_1666 = vector.broadcast %add3A_1665 : i32 to vector<16xi32>
      %add3A_1667 = arith.addi %add3A_1468, %add3A_1666 : vector<16xi32>
      %gather3A_1668 = tpu.vector_load_idx %arg6[%add3A_1667] : memref<41984xi32, #tpu.memory_space<vmem>>[vector<16xi32>], vector<16xi32>,
      %ge3A_1669 = arith.constant 0 : i32
      %ge3A_1670 = vector.broadcast %ge3A_1669 : i32 to vector<16xi32>
      %ge3A_1671 = arith.cmpi sge, %gather3A_1668, %ge3A_1670 : vector<16xi32>
      %add3A_1672 = arith.constant 102400 : i32
      %add3A_1673 = vector.broadcast %add3A_1672 : i32 to vector<16xi32>
      %add3A_1674 = arith.addi %add3A_1673, %gather3A_1668 : vector<16xi32>
      %add3A_1675 = arith.constant 112400 : i32
      %add3A_1676 = vector.broadcast %add3A_1675 : i32 to vector<16xi32>
      %add3A_1677 = arith.addi %add3A_1676, %select_n3A_1486 : vector<16xi32>
      %select_n3A_1678 = arith.select %ge3A_1671, %add3A_1674, %add3A_1677 : vector<16xi1>, vector<16xi32>
      %add3A_1679 = arith.constant 3200 : i32
      %add3A_1680 = arith.addi %add3A_1679, %mul3A_1445 : i32
      %swap3A_1681 = arith.index_cast %add3A_1680 : i32 to index
      %swap3A_1682 = tpu.vector_load %arg9[%swap3A_1681] {strides = array<i32>} : memref<8640xi32, #tpu.memory_space<vmem>>, vector<16xi32>,
      tpu.vector_store %arg9[%swap3A_1681], %select_n3A_1678 {strides = array<i32>} : memref<8640xi32, #tpu.memory_space<vmem>>, vector<16xi32>,
      %add3A_1683 = arith.constant -33 : i32
      %add3A_1684 = vector.broadcast %add3A_1683 : i32 to vector<16xi32>
      %add3A_1685 = arith.addi %add3A_1468, %add3A_1684 : vector<16xi32>
      %gather3A_1686 = tpu.vector_load_idx %arg6[%add3A_1685] : memref<41984xi32, #tpu.memory_space<vmem>>[vector<16xi32>], vector<16xi32>,
      %ge3A_1687 = arith.constant 0 : i32
      %ge3A_1688 = vector.broadcast %ge3A_1687 : i32 to vector<16xi32>
      %ge3A_1689 = arith.cmpi sge, %gather3A_1686, %ge3A_1688 : vector<16xi32>
      %add3A_1690 = arith.constant 112640 : i32
      %add3A_1691 = vector.broadcast %add3A_1690 : i32 to vector<16xi32>
      %add3A_1692 = arith.addi %add3A_1691, %gather3A_1686 : vector<16xi32>
      %add3A_1693 = arith.constant 122640 : i32
      %add3A_1694 = vector.broadcast %add3A_1693 : i32 to vector<16xi32>
      %add3A_1695 = arith.addi %add3A_1694, %select_n3A_1486 : vector<16xi32>
      %select_n3A_1696 = arith.select %ge3A_1689, %add3A_1692, %add3A_1695 : vector<16xi1>, vector<16xi32>
      %add3A_1697 = arith.constant 3520 : i32
      %add3A_1698 = arith.addi %add3A_1697, %mul3A_1445 : i32
      %swap3A_1699 = arith.index_cast %add3A_1698 : i32 to index
      %swap3A_1700 = tpu.vector_load %arg9[%swap3A_1699] {strides = array<i32>} : memref<8640xi32, #tpu.memory_space<vmem>>, vector<16xi32>,
      tpu.vector_store %arg9[%swap3A_1699], %select_n3A_1696 {strides = array<i32>} : memref<8640xi32, #tpu.memory_space<vmem>>, vector<16xi32>,
      %add3A_1701 = arith.constant -1 : i32
      %add3A_1702 = vector.broadcast %add3A_1701 : i32 to vector<16xi32>
      %add3A_1703 = arith.addi %add3A_1468, %add3A_1702 : vector<16xi32>
      %gather3A_1704 = tpu.vector_load_idx %arg6[%add3A_1703] : memref<41984xi32, #tpu.memory_space<vmem>>[vector<16xi32>], vector<16xi32>,
      %ge3A_1705 = arith.constant 0 : i32
      %ge3A_1706 = vector.broadcast %ge3A_1705 : i32 to vector<16xi32>
      %ge3A_1707 = arith.cmpi sge, %gather3A_1704, %ge3A_1706 : vector<16xi32>
      %add3A_1708 = arith.constant 122880 : i32
      %add3A_1709 = vector.broadcast %add3A_1708 : i32 to vector<16xi32>
      %add3A_1710 = arith.addi %add3A_1709, %gather3A_1704 : vector<16xi32>
      %add3A_1711 = arith.constant 132880 : i32
      %add3A_1712 = vector.broadcast %add3A_1711 : i32 to vector<16xi32>
      %add3A_1713 = arith.addi %add3A_1712, %select_n3A_1486 : vector<16xi32>
      %select_n3A_1714 = arith.select %ge3A_1707, %add3A_1710, %add3A_1713 : vector<16xi1>, vector<16xi32>
      %add3A_1715 = arith.constant 3840 : i32
      %add3A_1716 = arith.addi %add3A_1715, %mul3A_1445 : i32
      %swap3A_1717 = arith.index_cast %add3A_1716 : i32 to index
      %swap3A_1718 = tpu.vector_load %arg9[%swap3A_1717] {strides = array<i32>} : memref<8640xi32, #tpu.memory_space<vmem>>, vector<16xi32>,
      tpu.vector_store %arg9[%swap3A_1717], %select_n3A_1714 {strides = array<i32>} : memref<8640xi32, #tpu.memory_space<vmem>>, vector<16xi32>,
      %add3A_1719 = arith.constant 0 : i32
      %add3A_1720 = vector.broadcast %add3A_1719 : i32 to vector<16xi32>
      %add3A_1721 = arith.addi %add3A_1468, %add3A_1720 : vector<16xi32>
      %gather3A_1722 = tpu.vector_load_idx %arg6[%add3A_1721] : memref<41984xi32, #tpu.memory_space<vmem>>[vector<16xi32>], vector<16xi32>,
      %ge3A_1723 = arith.constant 0 : i32
      %ge3A_1724 = vector.broadcast %ge3A_1723 : i32 to vector<16xi32>
      %ge3A_1725 = arith.cmpi sge, %gather3A_1722, %ge3A_1724 : vector<16xi32>
      %add3A_1726 = arith.constant 133120 : i32
      %add3A_1727 = vector.broadcast %add3A_1726 : i32 to vector<16xi32>
      %add3A_1728 = arith.addi %add3A_1727, %gather3A_1722 : vector<16xi32>
      %add3A_1729 = arith.constant 143120 : i32
      %add3A_1730 = vector.broadcast %add3A_1729 : i32 to vector<16xi32>
      %add3A_1731 = arith.addi %add3A_1730, %select_n3A_1486 : vector<16xi32>
      %select_n3A_1732 = arith.select %ge3A_1725, %add3A_1728, %add3A_1731 : vector<16xi1>, vector<16xi32>
      %add3A_1733 = arith.constant 4160 : i32
      %add3A_1734 = arith.addi %add3A_1733, %mul3A_1445 : i32
      %swap3A_1735 = arith.index_cast %add3A_1734 : i32 to index
      %swap3A_1736 = tpu.vector_load %arg9[%swap3A_1735] {strides = array<i32>} : memref<8640xi32, #tpu.memory_space<vmem>>, vector<16xi32>,
      tpu.vector_store %arg9[%swap3A_1735], %select_n3A_1732 {strides = array<i32>} : memref<8640xi32, #tpu.memory_space<vmem>>, vector<16xi32>,
      %add3A_1737 = arith.constant 1 : i32
      %add3A_1738 = vector.broadcast %add3A_1737 : i32 to vector<16xi32>
      %add3A_1739 = arith.addi %add3A_1468, %add3A_1738 : vector<16xi32>
      %gather3A_1740 = tpu.vector_load_idx %arg6[%add3A_1739] : memref<41984xi32, #tpu.memory_space<vmem>>[vector<16xi32>], vector<16xi32>,
      %ge3A_1741 = arith.constant 0 : i32
      %ge3A_1742 = vector.broadcast %ge3A_1741 : i32 to vector<16xi32>
      %ge3A_1743 = arith.cmpi sge, %gather3A_1740, %ge3A_1742 : vector<16xi32>
      %add3A_1744 = arith.constant 143360 : i32
      %add3A_1745 = vector.broadcast %add3A_1744 : i32 to vector<16xi32>
      %add3A_1746 = arith.addi %add3A_1745, %gather3A_1740 : vector<16xi32>
      %add3A_1747 = arith.constant 153360 : i32
      %add3A_1748 = vector.broadcast %add3A_1747 : i32 to vector<16xi32>
      %add3A_1749 = arith.addi %add3A_1748, %select_n3A_1486 : vector<16xi32>
      %select_n3A_1750 = arith.select %ge3A_1743, %add3A_1746, %add3A_1749 : vector<16xi1>, vector<16xi32>
      %add3A_1751 = arith.constant 4480 : i32
      %add3A_1752 = arith.addi %add3A_1751, %mul3A_1445 : i32
      %swap3A_1753 = arith.index_cast %add3A_1752 : i32 to index
      %swap3A_1754 = tpu.vector_load %arg9[%swap3A_1753] {strides = array<i32>} : memref<8640xi32, #tpu.memory_space<vmem>>, vector<16xi32>,
      tpu.vector_store %arg9[%swap3A_1753], %select_n3A_1750 {strides = array<i32>} : memref<8640xi32, #tpu.memory_space<vmem>>, vector<16xi32>,
      %add3A_1755 = arith.constant 33 : i32
      %add3A_1756 = vector.broadcast %add3A_1755 : i32 to vector<16xi32>
      %add3A_1757 = arith.addi %add3A_1468, %add3A_1756 : vector<16xi32>
      %gather3A_1758 = tpu.vector_load_idx %arg6[%add3A_1757] : memref<41984xi32, #tpu.memory_space<vmem>>[vector<16xi32>], vector<16xi32>,
      %ge3A_1759 = arith.constant 0 : i32
      %ge3A_1760 = vector.broadcast %ge3A_1759 : i32 to vector<16xi32>
      %ge3A_1761 = arith.cmpi sge, %gather3A_1758, %ge3A_1760 : vector<16xi32>
      %add3A_1762 = arith.constant 153600 : i32
      %add3A_1763 = vector.broadcast %add3A_1762 : i32 to vector<16xi32>
      %add3A_1764 = arith.addi %add3A_1763, %gather3A_1758 : vector<16xi32>
      %add3A_1765 = arith.constant 163600 : i32
      %add3A_1766 = vector.broadcast %add3A_1765 : i32 to vector<16xi32>
      %add3A_1767 = arith.addi %add3A_1766, %select_n3A_1486 : vector<16xi32>
      %select_n3A_1768 = arith.select %ge3A_1761, %add3A_1764, %add3A_1767 : vector<16xi1>, vector<16xi32>
      %add3A_1769 = arith.constant 4800 : i32
      %add3A_1770 = arith.addi %add3A_1769, %mul3A_1445 : i32
      %swap3A_1771 = arith.index_cast %add3A_1770 : i32 to index
      %swap3A_1772 = tpu.vector_load %arg9[%swap3A_1771] {strides = array<i32>} : memref<8640xi32, #tpu.memory_space<vmem>>, vector<16xi32>,
      tpu.vector_store %arg9[%swap3A_1771], %select_n3A_1768 {strides = array<i32>} : memref<8640xi32, #tpu.memory_space<vmem>>, vector<16xi32>,
      %add3A_1773 = arith.constant 34 : i32
      %add3A_1774 = vector.broadcast %add3A_1773 : i32 to vector<16xi32>
      %add3A_1775 = arith.addi %add3A_1468, %add3A_1774 : vector<16xi32>
      %gather3A_1776 = tpu.vector_load_idx %arg6[%add3A_1775] : memref<41984xi32, #tpu.memory_space<vmem>>[vector<16xi32>], vector<16xi32>,
      %ge3A_1777 = arith.constant 0 : i32
      %ge3A_1778 = vector.broadcast %ge3A_1777 : i32 to vector<16xi32>
      %ge3A_1779 = arith.cmpi sge, %gather3A_1776, %ge3A_1778 : vector<16xi32>
      %add3A_1780 = arith.constant 163840 : i32
      %add3A_1781 = vector.broadcast %add3A_1780 : i32 to vector<16xi32>
      %add3A_1782 = arith.addi %add3A_1781, %gather3A_1776 : vector<16xi32>
      %add3A_1783 = arith.constant 173840 : i32
      %add3A_1784 = vector.broadcast %add3A_1783 : i32 to vector<16xi32>
      %add3A_1785 = arith.addi %add3A_1784, %select_n3A_1486 : vector<16xi32>
      %select_n3A_1786 = arith.select %ge3A_1779, %add3A_1782, %add3A_1785 : vector<16xi1>, vector<16xi32>
      %add3A_1787 = arith.constant 5120 : i32
      %add3A_1788 = arith.addi %add3A_1787, %mul3A_1445 : i32
      %swap3A_1789 = arith.index_cast %add3A_1788 : i32 to index
      %swap3A_1790 = tpu.vector_load %arg9[%swap3A_1789] {strides = array<i32>} : memref<8640xi32, #tpu.memory_space<vmem>>, vector<16xi32>,
      tpu.vector_store %arg9[%swap3A_1789], %select_n3A_1786 {strides = array<i32>} : memref<8640xi32, #tpu.memory_space<vmem>>, vector<16xi32>,
      %add3A_1791 = arith.constant 35 : i32
      %add3A_1792 = vector.broadcast %add3A_1791 : i32 to vector<16xi32>
      %add3A_1793 = arith.addi %add3A_1468, %add3A_1792 : vector<16xi32>
      %gather3A_1794 = tpu.vector_load_idx %arg6[%add3A_1793] : memref<41984xi32, #tpu.memory_space<vmem>>[vector<16xi32>], vector<16xi32>,
      %ge3A_1795 = arith.constant 0 : i32
      %ge3A_1796 = vector.broadcast %ge3A_1795 : i32 to vector<16xi32>
      %ge3A_1797 = arith.cmpi sge, %gather3A_1794, %ge3A_1796 : vector<16xi32>
      %add3A_1798 = arith.constant 174080 : i32
      %add3A_1799 = vector.broadcast %add3A_1798 : i32 to vector<16xi32>
      %add3A_1800 = arith.addi %add3A_1799, %gather3A_1794 : vector<16xi32>
      %add3A_1801 = arith.constant 184080 : i32
      %add3A_1802 = vector.broadcast %add3A_1801 : i32 to vector<16xi32>
      %add3A_1803 = arith.addi %add3A_1802, %select_n3A_1486 : vector<16xi32>
      %select_n3A_1804 = arith.select %ge3A_1797, %add3A_1800, %add3A_1803 : vector<16xi1>, vector<16xi32>
      %add3A_1805 = arith.constant 5440 : i32
      %add3A_1806 = arith.addi %add3A_1805, %mul3A_1445 : i32
      %swap3A_1807 = arith.index_cast %add3A_1806 : i32 to index
      %swap3A_1808 = tpu.vector_load %arg9[%swap3A_1807] {strides = array<i32>} : memref<8640xi32, #tpu.memory_space<vmem>>, vector<16xi32>,
      tpu.vector_store %arg9[%swap3A_1807], %select_n3A_1804 {strides = array<i32>} : memref<8640xi32, #tpu.memory_space<vmem>>, vector<16xi32>,
      %add3A_1809 = arith.constant 1121 : i32
      %add3A_1810 = vector.broadcast %add3A_1809 : i32 to vector<16xi32>
      %add3A_1811 = arith.addi %add3A_1468, %add3A_1810 : vector<16xi32>
      %gather3A_1812 = tpu.vector_load_idx %arg6[%add3A_1811] : memref<41984xi32, #tpu.memory_space<vmem>>[vector<16xi32>], vector<16xi32>,
      %ge3A_1813 = arith.constant 0 : i32
      %ge3A_1814 = vector.broadcast %ge3A_1813 : i32 to vector<16xi32>
      %ge3A_1815 = arith.cmpi sge, %gather3A_1812, %ge3A_1814 : vector<16xi32>
      %add3A_1816 = arith.constant 184320 : i32
      %add3A_1817 = vector.broadcast %add3A_1816 : i32 to vector<16xi32>
      %add3A_1818 = arith.addi %add3A_1817, %gather3A_1812 : vector<16xi32>
      %add3A_1819 = arith.constant 194320 : i32
      %add3A_1820 = vector.broadcast %add3A_1819 : i32 to vector<16xi32>
      %add3A_1821 = arith.addi %add3A_1820, %select_n3A_1486 : vector<16xi32>
      %select_n3A_1822 = arith.select %ge3A_1815, %add3A_1818, %add3A_1821 : vector<16xi1>, vector<16xi32>
      %add3A_1823 = arith.constant 5760 : i32
      %add3A_1824 = arith.addi %add3A_1823, %mul3A_1445 : i32
      %swap3A_1825 = arith.index_cast %add3A_1824 : i32 to index
      %swap3A_1826 = tpu.vector_load %arg9[%swap3A_1825] {strides = array<i32>} : memref<8640xi32, #tpu.memory_space<vmem>>, vector<16xi32>,
      tpu.vector_store %arg9[%swap3A_1825], %select_n3A_1822 {strides = array<i32>} : memref<8640xi32, #tpu.memory_space<vmem>>, vector<16xi32>,
      %add3A_1827 = arith.constant 1122 : i32
      %add3A_1828 = vector.broadcast %add3A_1827 : i32 to vector<16xi32>
      %add3A_1829 = arith.addi %add3A_1468, %add3A_1828 : vector<16xi32>
      %gather3A_1830 = tpu.vector_load_idx %arg6[%add3A_1829] : memref<41984xi32, #tpu.memory_space<vmem>>[vector<16xi32>], vector<16xi32>,
      %ge3A_1831 = arith.constant 0 : i32
      %ge3A_1832 = vector.broadcast %ge3A_1831 : i32 to vector<16xi32>
      %ge3A_1833 = arith.cmpi sge, %gather3A_1830, %ge3A_1832 : vector<16xi32>
      %add3A_1834 = arith.constant 194560 : i32
      %add3A_1835 = vector.broadcast %add3A_1834 : i32 to vector<16xi32>
      %add3A_1836 = arith.addi %add3A_1835, %gather3A_1830 : vector<16xi32>
      %add3A_1837 = arith.constant 204560 : i32
      %add3A_1838 = vector.broadcast %add3A_1837 : i32 to vector<16xi32>
      %add3A_1839 = arith.addi %add3A_1838, %select_n3A_1486 : vector<16xi32>
      %select_n3A_1840 = arith.select %ge3A_1833, %add3A_1836, %add3A_1839 : vector<16xi1>, vector<16xi32>
      %add3A_1841 = arith.constant 6080 : i32
      %add3A_1842 = arith.addi %add3A_1841, %mul3A_1445 : i32
      %swap3A_1843 = arith.index_cast %add3A_1842 : i32 to index
      %swap3A_1844 = tpu.vector_load %arg9[%swap3A_1843] {strides = array<i32>} : memref<8640xi32, #tpu.memory_space<vmem>>, vector<16xi32>,
      tpu.vector_store %arg9[%swap3A_1843], %select_n3A_1840 {strides = array<i32>} : memref<8640xi32, #tpu.memory_space<vmem>>, vector<16xi32>,
      %add3A_1845 = arith.constant 1123 : i32
      %add3A_1846 = vector.broadcast %add3A_1845 : i32 to vector<16xi32>
      %add3A_1847 = arith.addi %add3A_1468, %add3A_1846 : vector<16xi32>
      %gather3A_1848 = tpu.vector_load_idx %arg6[%add3A_1847] : memref<41984xi32, #tpu.memory_space<vmem>>[vector<16xi32>], vector<16xi32>,
      %ge3A_1849 = arith.constant 0 : i32
      %ge3A_1850 = vector.broadcast %ge3A_1849 : i32 to vector<16xi32>
      %ge3A_1851 = arith.cmpi sge, %gather3A_1848, %ge3A_1850 : vector<16xi32>
      %add3A_1852 = arith.constant 204800 : i32
      %add3A_1853 = vector.broadcast %add3A_1852 : i32 to vector<16xi32>
      %add3A_1854 = arith.addi %add3A_1853, %gather3A_1848 : vector<16xi32>
      %add3A_1855 = arith.constant 214800 : i32
      %add3A_1856 = vector.broadcast %add3A_1855 : i32 to vector<16xi32>
      %add3A_1857 = arith.addi %add3A_1856, %select_n3A_1486 : vector<16xi32>
      %select_n3A_1858 = arith.select %ge3A_1851, %add3A_1854, %add3A_1857 : vector<16xi1>, vector<16xi32>
      %add3A_1859 = arith.constant 6400 : i32
      %add3A_1860 = arith.addi %add3A_1859, %mul3A_1445 : i32
      %swap3A_1861 = arith.index_cast %add3A_1860 : i32 to index
      %swap3A_1862 = tpu.vector_load %arg9[%swap3A_1861] {strides = array<i32>} : memref<8640xi32, #tpu.memory_space<vmem>>, vector<16xi32>,
      tpu.vector_store %arg9[%swap3A_1861], %select_n3A_1858 {strides = array<i32>} : memref<8640xi32, #tpu.memory_space<vmem>>, vector<16xi32>,
      %add3A_1863 = arith.constant 1155 : i32
      %add3A_1864 = vector.broadcast %add3A_1863 : i32 to vector<16xi32>
      %add3A_1865 = arith.addi %add3A_1468, %add3A_1864 : vector<16xi32>
      %gather3A_1866 = tpu.vector_load_idx %arg6[%add3A_1865] : memref<41984xi32, #tpu.memory_space<vmem>>[vector<16xi32>], vector<16xi32>,
      %ge3A_1867 = arith.constant 0 : i32
      %ge3A_1868 = vector.broadcast %ge3A_1867 : i32 to vector<16xi32>
      %ge3A_1869 = arith.cmpi sge, %gather3A_1866, %ge3A_1868 : vector<16xi32>
      %add3A_1870 = arith.constant 215040 : i32
      %add3A_1871 = vector.broadcast %add3A_1870 : i32 to vector<16xi32>
      %add3A_1872 = arith.addi %add3A_1871, %gather3A_1866 : vector<16xi32>
      %add3A_1873 = arith.constant 225040 : i32
      %add3A_1874 = vector.broadcast %add3A_1873 : i32 to vector<16xi32>
      %add3A_1875 = arith.addi %add3A_1874, %select_n3A_1486 : vector<16xi32>
      %select_n3A_1876 = arith.select %ge3A_1869, %add3A_1872, %add3A_1875 : vector<16xi1>, vector<16xi32>
      %add3A_1877 = arith.constant 6720 : i32
      %add3A_1878 = arith.addi %add3A_1877, %mul3A_1445 : i32
      %swap3A_1879 = arith.index_cast %add3A_1878 : i32 to index
      %swap3A_1880 = tpu.vector_load %arg9[%swap3A_1879] {strides = array<i32>} : memref<8640xi32, #tpu.memory_space<vmem>>, vector<16xi32>,
      tpu.vector_store %arg9[%swap3A_1879], %select_n3A_1876 {strides = array<i32>} : memref<8640xi32, #tpu.memory_space<vmem>>, vector<16xi32>,
      %add3A_1881 = arith.constant 1156 : i32
      %add3A_1882 = vector.broadcast %add3A_1881 : i32 to vector<16xi32>
      %add3A_1883 = arith.addi %add3A_1468, %add3A_1882 : vector<16xi32>
      %gather3A_1884 = tpu.vector_load_idx %arg6[%add3A_1883] : memref<41984xi32, #tpu.memory_space<vmem>>[vector<16xi32>], vector<16xi32>,
      %ge3A_1885 = arith.constant 0 : i32
      %ge3A_1886 = vector.broadcast %ge3A_1885 : i32 to vector<16xi32>
      %ge3A_1887 = arith.cmpi sge, %gather3A_1884, %ge3A_1886 : vector<16xi32>
      %add3A_1888 = arith.constant 225280 : i32
      %add3A_1889 = vector.broadcast %add3A_1888 : i32 to vector<16xi32>
      %add3A_1890 = arith.addi %add3A_1889, %gather3A_1884 : vector<16xi32>
      %add3A_1891 = arith.constant 235280 : i32
      %add3A_1892 = vector.broadcast %add3A_1891 : i32 to vector<16xi32>
      %add3A_1893 = arith.addi %add3A_1892, %select_n3A_1486 : vector<16xi32>
      %select_n3A_1894 = arith.select %ge3A_1887, %add3A_1890, %add3A_1893 : vector<16xi1>, vector<16xi32>
      %add3A_1895 = arith.constant 7040 : i32
      %add3A_1896 = arith.addi %add3A_1895, %mul3A_1445 : i32
      %swap3A_1897 = arith.index_cast %add3A_1896 : i32 to index
      %swap3A_1898 = tpu.vector_load %arg9[%swap3A_1897] {strides = array<i32>} : memref<8640xi32, #tpu.memory_space<vmem>>, vector<16xi32>,
      tpu.vector_store %arg9[%swap3A_1897], %select_n3A_1894 {strides = array<i32>} : memref<8640xi32, #tpu.memory_space<vmem>>, vector<16xi32>,
      %add3A_1899 = arith.constant 1157 : i32
      %add3A_1900 = vector.broadcast %add3A_1899 : i32 to vector<16xi32>
      %add3A_1901 = arith.addi %add3A_1468, %add3A_1900 : vector<16xi32>
      %gather3A_1902 = tpu.vector_load_idx %arg6[%add3A_1901] : memref<41984xi32, #tpu.memory_space<vmem>>[vector<16xi32>], vector<16xi32>,
      %ge3A_1903 = arith.constant 0 : i32
      %ge3A_1904 = vector.broadcast %ge3A_1903 : i32 to vector<16xi32>
      %ge3A_1905 = arith.cmpi sge, %gather3A_1902, %ge3A_1904 : vector<16xi32>
      %add3A_1906 = arith.constant 235520 : i32
      %add3A_1907 = vector.broadcast %add3A_1906 : i32 to vector<16xi32>
      %add3A_1908 = arith.addi %add3A_1907, %gather3A_1902 : vector<16xi32>
      %add3A_1909 = arith.constant 245520 : i32
      %add3A_1910 = vector.broadcast %add3A_1909 : i32 to vector<16xi32>
      %add3A_1911 = arith.addi %add3A_1910, %select_n3A_1486 : vector<16xi32>
      %select_n3A_1912 = arith.select %ge3A_1905, %add3A_1908, %add3A_1911 : vector<16xi1>, vector<16xi32>
      %add3A_1913 = arith.constant 7360 : i32
      %add3A_1914 = arith.addi %add3A_1913, %mul3A_1445 : i32
      %swap3A_1915 = arith.index_cast %add3A_1914 : i32 to index
      %swap3A_1916 = tpu.vector_load %arg9[%swap3A_1915] {strides = array<i32>} : memref<8640xi32, #tpu.memory_space<vmem>>, vector<16xi32>,
      tpu.vector_store %arg9[%swap3A_1915], %select_n3A_1912 {strides = array<i32>} : memref<8640xi32, #tpu.memory_space<vmem>>, vector<16xi32>,
      %add3A_1917 = arith.constant 1189 : i32
      %add3A_1918 = vector.broadcast %add3A_1917 : i32 to vector<16xi32>
      %add3A_1919 = arith.addi %add3A_1468, %add3A_1918 : vector<16xi32>
      %gather3A_1920 = tpu.vector_load_idx %arg6[%add3A_1919] : memref<41984xi32, #tpu.memory_space<vmem>>[vector<16xi32>], vector<16xi32>,
      %ge3A_1921 = arith.constant 0 : i32
      %ge3A_1922 = vector.broadcast %ge3A_1921 : i32 to vector<16xi32>
      %ge3A_1923 = arith.cmpi sge, %gather3A_1920, %ge3A_1922 : vector<16xi32>
      %add3A_1924 = arith.constant 245760 : i32
      %add3A_1925 = vector.broadcast %add3A_1924 : i32 to vector<16xi32>
      %add3A_1926 = arith.addi %add3A_1925, %gather3A_1920 : vector<16xi32>
      %add3A_1927 = arith.constant 255760 : i32
      %add3A_1928 = vector.broadcast %add3A_1927 : i32 to vector<16xi32>
      %add3A_1929 = arith.addi %add3A_1928, %select_n3A_1486 : vector<16xi32>
      %select_n3A_1930 = arith.select %ge3A_1923, %add3A_1926, %add3A_1929 : vector<16xi1>, vector<16xi32>
      %add3A_1931 = arith.constant 7680 : i32
      %add3A_1932 = arith.addi %add3A_1931, %mul3A_1445 : i32
      %swap3A_1933 = arith.index_cast %add3A_1932 : i32 to index
      %swap3A_1934 = tpu.vector_load %arg9[%swap3A_1933] {strides = array<i32>} : memref<8640xi32, #tpu.memory_space<vmem>>, vector<16xi32>,
      tpu.vector_store %arg9[%swap3A_1933], %select_n3A_1930 {strides = array<i32>} : memref<8640xi32, #tpu.memory_space<vmem>>, vector<16xi32>,
      %add3A_1935 = arith.constant 1190 : i32
      %add3A_1936 = vector.broadcast %add3A_1935 : i32 to vector<16xi32>
      %add3A_1937 = arith.addi %add3A_1468, %add3A_1936 : vector<16xi32>
      %gather3A_1938 = tpu.vector_load_idx %arg6[%add3A_1937] : memref<41984xi32, #tpu.memory_space<vmem>>[vector<16xi32>], vector<16xi32>,
      %ge3A_1939 = arith.constant 0 : i32
      %ge3A_1940 = vector.broadcast %ge3A_1939 : i32 to vector<16xi32>
      %ge3A_1941 = arith.cmpi sge, %gather3A_1938, %ge3A_1940 : vector<16xi32>
      %add3A_1942 = arith.constant 256000 : i32
      %add3A_1943 = vector.broadcast %add3A_1942 : i32 to vector<16xi32>
      %add3A_1944 = arith.addi %add3A_1943, %gather3A_1938 : vector<16xi32>
      %add3A_1945 = arith.constant 266000 : i32
      %add3A_1946 = vector.broadcast %add3A_1945 : i32 to vector<16xi32>
      %add3A_1947 = arith.addi %add3A_1946, %select_n3A_1486 : vector<16xi32>
      %select_n3A_1948 = arith.select %ge3A_1941, %add3A_1944, %add3A_1947 : vector<16xi1>, vector<16xi32>
      %add3A_1949 = arith.constant 8000 : i32
      %add3A_1950 = arith.addi %add3A_1949, %mul3A_1445 : i32
      %swap3A_1951 = arith.index_cast %add3A_1950 : i32 to index
      %swap3A_1952 = tpu.vector_load %arg9[%swap3A_1951] {strides = array<i32>} : memref<8640xi32, #tpu.memory_space<vmem>>, vector<16xi32>,
      tpu.vector_store %arg9[%swap3A_1951], %select_n3A_1948 {strides = array<i32>} : memref<8640xi32, #tpu.memory_space<vmem>>, vector<16xi32>,
      %add3A_1953 = arith.constant 1191 : i32
      %add3A_1954 = vector.broadcast %add3A_1953 : i32 to vector<16xi32>
      %add3A_1955 = arith.addi %add3A_1468, %add3A_1954 : vector<16xi32>
      %gather3A_1956 = tpu.vector_load_idx %arg6[%add3A_1955] : memref<41984xi32, #tpu.memory_space<vmem>>[vector<16xi32>], vector<16xi32>,
      %ge3A_1957 = arith.constant 0 : i32
      %ge3A_1958 = vector.broadcast %ge3A_1957 : i32 to vector<16xi32>
      %ge3A_1959 = arith.cmpi sge, %gather3A_1956, %ge3A_1958 : vector<16xi32>
      %add3A_1960 = arith.constant 266240 : i32
      %add3A_1961 = vector.broadcast %add3A_1960 : i32 to vector<16xi32>
      %add3A_1962 = arith.addi %add3A_1961, %gather3A_1956 : vector<16xi32>
      %add3A_1963 = arith.constant 276240 : i32
      %add3A_1964 = vector.broadcast %add3A_1963 : i32 to vector<16xi32>
      %add3A_1965 = arith.addi %add3A_1964, %select_n3A_1486 : vector<16xi32>
      %select_n3A_1966 = arith.select %ge3A_1959, %add3A_1962, %add3A_1965 : vector<16xi1>, vector<16xi32>
      %add3A_1967 = arith.constant 8320 : i32
      %add3A_1968 = arith.addi %add3A_1967, %mul3A_1445 : i32
      %swap3A_1969 = arith.index_cast %add3A_1968 : i32 to index
      %swap3A_1970 = tpu.vector_load %arg9[%swap3A_1969] {strides = array<i32>} : memref<8640xi32, #tpu.memory_space<vmem>>, vector<16xi32>,
      tpu.vector_store %arg9[%swap3A_1969], %select_n3A_1966 {strides = array<i32>} : memref<8640xi32, #tpu.memory_space<vmem>>, vector<16xi32>,
    }
    %scan3A_1432 = arith.constant 20 : i32
    "tpu.trace_stop"() : () -> ()
    "tpu.trace_start"() <{level = 10 : i32, message = "p3_accum"}> : () -> ()
    %scan3A_1433 = arith.constant 0 : i32
    %scan3A_1434 = arith.constant 5 : i32
    %scan3A_1435 = arith.addi %scan3A_1433, %scan3A_1434 : i32
    %scan3A_1436 = arith.constant 1 : i32
    scf.for %scan3A_1443 = %scan3A_1433 to %scan3A_1435 step %scan3A_1436  : i32 {
      %gt3A = arith.constant 0 : i32
      %gt3A_1444 = arith.cmpi sgt, %scan3A_1443, %gt3A : i32
      %convert_element_type3A = arith.extui %gt3A_1444 : i1 to i32
      %cond3A = arith.constant 0 : i32
      %cond3A_1445 = arith.cmpi ne, %convert_element_type3A, %cond3A : i32
      scf.if %cond3A_1445 {
        %dma_wait3A_1612 = arith.constant 0 : i32
        %dma_wait3A_1613 = arith.constant 0 : i32
        %dma_wait3A_1614 = tpu.memref_slice %arg3[%dma_wait3A_1612, %dma_wait3A_1613] : memref<276480x256xf32, #tpu.memory_space<hbm>> -> memref<64x256xf32, #tpu.memory_space<hbm>>
        %dma_wait3A_1615 = arith.constant 0 : i32
        %dma_wait3A_1616 = arith.constant 0 : i32
        %dma_wait3A_1617 = tpu.memref_slice %arg3[%dma_wait3A_1615, %dma_wait3A_1616] : memref<276480x256xf32, #tpu.memory_space<hbm>> -> memref<64x256xf32, #tpu.memory_space<hbm>>
        tpu.wait_dma2 semaphore(%arg23 : memref<!tpu.dma_semaphore, #tpu.memory_space<semaphore_mem>>) src(%dma_wait3A_1617 : memref<64x256xf32, #tpu.memory_space<hbm>>) dst(%arg20 : memref<64x256xf32, #tpu.memory_space<vmem>>)
      } else {
      }
      %mul3A_1446 = arith.constant 64 : i32
      %mul3A_1447 = arith.muli %scan3A_1443, %mul3A_1446 : i32
      %add3A_1448 = arith.constant 0 : i32
      %add3A_1449 = arith.addi %add3A_1448, %mul3A_1447 : i32
      %add3A_1450 = arith.constant 0 : i32
      %add3A_1451 = arith.addi %add3A_1449, %add3A_1450 : i32
      %get3A_1452 = arith.index_cast %add3A_1451 : i32 to index
      %get3A_1453 = tpu.vector_load %arg9[%get3A_1452] {strides = array<i32>} : memref<8640xi32, #tpu.memory_space<vmem>>, vector<16xi32>,
      %swap3A_1454 = arith.constant 0 : index
      %swap3A_1455 = tpu.vector_load %arg10[%swap3A_1454] {strides = array<i32>} : memref<64xi32, #tpu.memory_space<vmem>>, vector<16xi32>,
      tpu.vector_store %arg10[%swap3A_1454], %get3A_1453 {strides = array<i32>} : memref<64xi32, #tpu.memory_space<vmem>>, vector<16xi32>,
      %mul3A_1456 = arith.constant 64 : i32
      %mul3A_1457 = arith.muli %scan3A_1443, %mul3A_1456 : i32
      %add3A_1458 = arith.constant 0 : i32
      %add3A_1459 = arith.addi %add3A_1458, %mul3A_1457 : i32
      %add3A_1460 = arith.constant 16 : i32
      %add3A_1461 = arith.addi %add3A_1459, %add3A_1460 : i32
      %get3A_1462 = arith.index_cast %add3A_1461 : i32 to index
      %get3A_1463 = tpu.vector_load %arg9[%get3A_1462] {strides = array<i32>} : memref<8640xi32, #tpu.memory_space<vmem>>, vector<16xi32>,
      %swap3A_1464 = arith.constant 16 : index
      %swap3A_1465 = tpu.vector_load %arg10[%swap3A_1464] {strides = array<i32>} : memref<64xi32, #tpu.memory_space<vmem>>, vector<16xi32>,
      tpu.vector_store %arg10[%swap3A_1464], %get3A_1463 {strides = array<i32>} : memref<64xi32, #tpu.memory_space<vmem>>, vector<16xi32>,
      %mul3A_1466 = arith.constant 64 : i32
      %mul3A_1467 = arith.muli %scan3A_1443, %mul3A_1466 : i32
      %add3A_1468 = arith.constant 0 : i32
      %add3A_1469 = arith.addi %add3A_1468, %mul3A_1467 : i32
      %add3A_1470 = arith.constant 32 : i32
      %add3A_1471 = arith.addi %add3A_1469, %add3A_1470 : i32
      %get3A_1472 = arith.index_cast %add3A_1471 : i32 to index
      %get3A_1473 = tpu.vector_load %arg9[%get3A_1472] {strides = array<i32>} : memref<8640xi32, #tpu.memory_space<vmem>>, vector<16xi32>,
      %swap3A_1474 = arith.constant 32 : index
      %swap3A_1475 = tpu.vector_load %arg10[%swap3A_1474] {strides = array<i32>} : memref<64xi32, #tpu.memory_space<vmem>>, vector<16xi32>,
      tpu.vector_store %arg10[%swap3A_1474], %get3A_1473 {strides = array<i32>} : memref<64xi32, #tpu.memory_space<vmem>>, vector<16xi32>,
      %mul3A_1476 = arith.constant 64 : i32
      %mul3A_1477 = arith.muli %scan3A_1443, %mul3A_1476 : i32
      %add3A_1478 = arith.constant 0 : i32
      %add3A_1479 = arith.addi %add3A_1478, %mul3A_1477 : i32
      %add3A_1480 = arith.constant 48 : i32
      %add3A_1481 = arith.addi %add3A_1479, %add3A_1480 : i32
      %get3A_1482 = arith.index_cast %add3A_1481 : i32 to index
      %get3A_1483 = tpu.vector_load %arg9[%get3A_1482] {strides = array<i32>} : memref<8640xi32, #tpu.memory_space<vmem>>, vector<16xi32>,
      %swap3A_1484 = arith.constant 48 : index
      %swap3A_1485 = tpu.vector_load %arg10[%swap3A_1484] {strides = array<i32>} : memref<64xi32, #tpu.memory_space<vmem>>, vector<16xi32>,
      tpu.vector_store %arg10[%swap3A_1484], %get3A_1483 {strides = array<i32>} : memref<64xi32, #tpu.memory_space<vmem>>, vector<16xi32>,
      %dma_start3A = arith.constant 0 : i32
      %dma_start3A_1486 = arith.constant 0 : i32
      %dma_start3A_1487 = tpu.memref_slice %arg3[%dma_start3A, %dma_start3A_1486] : memref<276480x256xf32, #tpu.memory_space<hbm>> -> memref<276480x256xf32, #tpu.memory_space<hbm>>
      tpu.enqueue_indirect_dma source(%dma_start3A_1487 : memref<276480x256xf32, #tpu.memory_space<hbm>>) target(%arg18 : memref<64x256xf32, #tpu.memory_space<vmem>>) offsets(%arg10 : memref<64xi32, #tpu.memory_space<vmem>>) semaphore(%arg21 : memref<!tpu.dma_semaphore, #tpu.memory_space<semaphore_mem>>)
      %dma_wait3A_1488 = arith.constant 0 : i32
      %dma_wait3A_1489 = arith.constant 0 : i32
      %dma_wait3A_1490 = tpu.memref_slice %arg3[%dma_wait3A_1488, %dma_wait3A_1489] : memref<276480x256xf32, #tpu.memory_space<hbm>> -> memref<64x256xf32, #tpu.memory_space<hbm>>
      %dma_wait3A_1491 = arith.constant 0 : i32
      %dma_wait3A_1492 = arith.constant 0 : i32
      %dma_wait3A_1493 = tpu.memref_slice %arg3[%dma_wait3A_1491, %dma_wait3A_1492] : memref<276480x256xf32, #tpu.memory_space<hbm>> -> memref<64x256xf32, #tpu.memory_space<hbm>>
      tpu.wait_dma2 semaphore(%arg21 : memref<!tpu.dma_semaphore, #tpu.memory_space<semaphore_mem>>) src(%dma_wait3A_1493 : memref<64x256xf32, #tpu.memory_space<hbm>>) dst(%arg18 : memref<64x256xf32, #tpu.memory_space<vmem>>)
      %mul3A_1494 = arith.constant 64 : i32
      %mul3A_1495 = arith.muli %scan3A_1443, %mul3A_1494 : i32
      %add3A_1496 = arith.constant 320 : i32
      %add3A_1497 = arith.addi %add3A_1496, %mul3A_1495 : i32
      %add3A_1498 = arith.constant 0 : i32
      %add3A_1499 = arith.addi %add3A_1497, %add3A_1498 : i32
      %get3A_1500 = arith.index_cast %add3A_1499 : i32 to index
      %get3A_1501 = tpu.vector_load %arg9[%get3A_1500] {strides = array<i32>} : memref<8640xi32, #tpu.memory_space<vmem>>, vector<16xi32>,
      %swap3A_1502 = arith.constant 0 : index
      %swap3A_1503 = tpu.vector_load %arg11[%swap3A_1502] {strides = array<i32>} : memref<64xi32, #tpu.memory_space<vmem>>, vector<16xi32>,
      tpu.vector_store %arg11[%swap3A_1502], %get3A_1501 {strides = array<i32>} : memref<64xi32, #tpu.memory_space<vmem>>, vector<16xi32>,
      %mul3A_1504 = arith.constant 64 : i32
      %mul3A_1505 = arith.muli %scan3A_1443, %mul3A_1504 : i32
      %add3A_1506 = arith.constant 320 : i32
      %add3A_1507 = arith.addi %add3A_1506, %mul3A_1505 : i32
      %add3A_1508 = arith.constant 16 : i32
      %add3A_1509 = arith.addi %add3A_1507, %add3A_1508 : i32
      %get3A_1510 = arith.index_cast %add3A_1509 : i32 to index
      %get3A_1511 = tpu.vector_load %arg9[%get3A_1510] {strides = array<i32>} : memref<8640xi32, #tpu.memory_space<vmem>>, vector<16xi32>,
      %swap3A_1512 = arith.constant 16 : index
      %swap3A_1513 = tpu.vector_load %arg11[%swap3A_1512] {strides = array<i32>} : memref<64xi32, #tpu.memory_space<vmem>>, vector<16xi32>,
      tpu.vector_store %arg11[%swap3A_1512], %get3A_1511 {strides = array<i32>} : memref<64xi32, #tpu.memory_space<vmem>>, vector<16xi32>,
      %mul3A_1514 = arith.constant 64 : i32
      %mul3A_1515 = arith.muli %scan3A_1443, %mul3A_1514 : i32
      %add3A_1516 = arith.constant 320 : i32
      %add3A_1517 = arith.addi %add3A_1516, %mul3A_1515 : i32
      %add3A_1518 = arith.constant 32 : i32
      %add3A_1519 = arith.addi %add3A_1517, %add3A_1518 : i32
      %get3A_1520 = arith.index_cast %add3A_1519 : i32 to index
      %get3A_1521 = tpu.vector_load %arg9[%get3A_1520] {strides = array<i32>} : memref<8640xi32, #tpu.memory_space<vmem>>, vector<16xi32>,
      %swap3A_1522 = arith.constant 32 : index
      %swap3A_1523 = tpu.vector_load %arg11[%swap3A_1522] {strides = array<i32>} : memref<64xi32, #tpu.memory_space<vmem>>, vector<16xi32>,
      tpu.vector_store %arg11[%swap3A_1522], %get3A_1521 {strides = array<i32>} : memref<64xi32, #tpu.memory_space<vmem>>, vector<16xi32>,
      %mul3A_1524 = arith.constant 64 : i32
      %mul3A_1525 = arith.muli %scan3A_1443, %mul3A_1524 : i32
      %add3A_1526 = arith.constant 320 : i32
      %add3A_1527 = arith.addi %add3A_1526, %mul3A_1525 : i32
      %add3A_1528 = arith.constant 48 : i32
      %add3A_1529 = arith.addi %add3A_1527, %add3A_1528 : i32
      %get3A_1530 = arith.index_cast %add3A_1529 : i32 to index
      %get3A_1531 = tpu.vector_load %arg9[%get3A_1530] {strides = array<i32>} : memref<8640xi32, #tpu.memory_space<vmem>>, vector<16xi32>,
      %swap3A_1532 = arith.constant 48 : index
      %swap3A_1533 = tpu.vector_load %arg11[%swap3A_1532] {strides = array<i32>} : memref<64xi32, #tpu.memory_space<vmem>>, vector<16xi32>,
      tpu.vector_store %arg11[%swap3A_1532], %get3A_1531 {strides = array<i32>} : memref<64xi32, #tpu.memory_space<vmem>>, vector<16xi32>,
      %dma_start3A_1534 = arith.constant 0 : i32
      %dma_start3A_1535 = arith.constant 0 : i32
      %dma_start3A_1536 = tpu.memref_slice %arg3[%dma_start3A_1534, %dma_start3A_1535] : memref<276480x256xf32, #tpu.memory_space<hbm>> -> memref<276480x256xf32, #tpu.memory_space<hbm>>
      tpu.enqueue_indirect_dma source(%dma_start3A_1536 : memref<276480x256xf32, #tpu.memory_space<hbm>>) target(%arg19 : memref<64x256xf32, #tpu.memory_space<vmem>>) offsets(%arg11 : memref<64xi32, #tpu.memory_space<vmem>>) semaphore(%arg22 : memref<!tpu.dma_semaphore, #tpu.memory_space<semaphore_mem>>)
      %parallel_loop3A = arith.constant 0 : i32
      %parallel_loop3A_1537 = arith.constant 64 : i32
      %parallel_loop3A_1538 = arith.constant 1 : i32
      scf.for %parallel_loop3A_1612 = %parallel_loop3A to %parallel_loop3A_1537 step %parallel_loop3A_1538  : i32 {
        %parallel_loop3A_1613 = arith.index_cast %parallel_loop3A_1612 : i32 to index
        %parallel_loop3A_1614 = arith.constant 0 : index
        %parallel_loop3A_1615 = tpu.vector_load %arg18[%parallel_loop3A_1613, %parallel_loop3A_1614] {strides = array<i32>} : memref<64x256xf32, #tpu.memory_space<vmem>>, vector<16xf32>,
        %parallel_loop3A_1616 = arith.index_cast %parallel_loop3A_1612 : i32 to index
        %parallel_loop3A_1617 = arith.constant 0 : index
        %parallel_loop3A_1618 = tpu.vector_load %arg20[%parallel_loop3A_1616, %parallel_loop3A_1617] {strides = array<i32>} : memref<64x256xf32, #tpu.memory_space<vmem>>, vector<16xf32>,
        tpu.vector_store %arg20[%parallel_loop3A_1616, %parallel_loop3A_1617], %parallel_loop3A_1615 {strides = array<i32>} : memref<64x256xf32, #tpu.memory_space<vmem>>, vector<16xf32>,
        %parallel_loop3A_1619 = arith.index_cast %parallel_loop3A_1612 : i32 to index
        %parallel_loop3A_1620 = arith.constant 16 : index
        %parallel_loop3A_1621 = tpu.vector_load %arg18[%parallel_loop3A_1619, %parallel_loop3A_1620] {strides = array<i32>} : memref<64x256xf32, #tpu.memory_space<vmem>>, vector<16xf32>,
        %parallel_loop3A_1622 = arith.index_cast %parallel_loop3A_1612 : i32 to index
        %parallel_loop3A_1623 = arith.constant 16 : index
        %parallel_loop3A_1624 = tpu.vector_load %arg20[%parallel_loop3A_1622, %parallel_loop3A_1623] {strides = array<i32>} : memref<64x256xf32, #tpu.memory_space<vmem>>, vector<16xf32>,
        tpu.vector_store %arg20[%parallel_loop3A_1622, %parallel_loop3A_1623], %parallel_loop3A_1621 {strides = array<i32>} : memref<64x256xf32, #tpu.memory_space<vmem>>, vector<16xf32>,
        %parallel_loop3A_1625 = arith.index_cast %parallel_loop3A_1612 : i32 to index
        %parallel_loop3A_1626 = arith.constant 32 : index
        %parallel_loop3A_1627 = tpu.vector_load %arg18[%parallel_loop3A_1625, %parallel_loop3A_1626] {strides = array<i32>} : memref<64x256xf32, #tpu.memory_space<vmem>>, vector<16xf32>,
        %parallel_loop3A_1628 = arith.index_cast %parallel_loop3A_1612 : i32 to index
        %parallel_loop3A_1629 = arith.constant 32 : index
        %parallel_loop3A_1630 = tpu.vector_load %arg20[%parallel_loop3A_1628, %parallel_loop3A_1629] {strides = array<i32>} : memref<64x256xf32, #tpu.memory_space<vmem>>, vector<16xf32>,
        tpu.vector_store %arg20[%parallel_loop3A_1628, %parallel_loop3A_1629], %parallel_loop3A_1627 {strides = array<i32>} : memref<64x256xf32, #tpu.memory_space<vmem>>, vector<16xf32>,
        %parallel_loop3A_1631 = arith.index_cast %parallel_loop3A_1612 : i32 to index
        %parallel_loop3A_1632 = arith.constant 48 : index
        %parallel_loop3A_1633 = tpu.vector_load %arg18[%parallel_loop3A_1631, %parallel_loop3A_1632] {strides = array<i32>} : memref<64x256xf32, #tpu.memory_space<vmem>>, vector<16xf32>,
        %parallel_loop3A_1634 = arith.index_cast %parallel_loop3A_1612 : i32 to index
        %parallel_loop3A_1635 = arith.constant 48 : index
        %parallel_loop3A_1636 = tpu.vector_load %arg20[%parallel_loop3A_1634, %parallel_loop3A_1635] {strides = array<i32>} : memref<64x256xf32, #tpu.memory_space<vmem>>, vector<16xf32>,
        tpu.vector_store %arg20[%parallel_loop3A_1634, %parallel_loop3A_1635], %parallel_loop3A_1633 {strides = array<i32>} : memref<64x256xf32, #tpu.memory_space<vmem>>, vector<16xf32>,
        %parallel_loop3A_1637 = arith.index_cast %parallel_loop3A_1612 : i32 to index
        %parallel_loop3A_1638 = arith.constant 64 : index
        %parallel_loop3A_1639 = tpu.vector_load %arg18[%parallel_loop3A_1637, %parallel_loop3A_1638] {strides = array<i32>} : memref<64x256xf32, #tpu.memory_space<vmem>>, vector<16xf32>,
        %parallel_loop3A_1640 = arith.index_cast %parallel_loop3A_1612 : i32 to index
        %parallel_loop3A_1641 = arith.constant 64 : index
        %parallel_loop3A_1642 = tpu.vector_load %arg20[%parallel_loop3A_1640, %parallel_loop3A_1641] {strides = array<i32>} : memref<64x256xf32, #tpu.memory_space<vmem>>, vector<16xf32>,
        tpu.vector_store %arg20[%parallel_loop3A_1640, %parallel_loop3A_1641], %parallel_loop3A_1639 {strides = array<i32>} : memref<64x256xf32, #tpu.memory_space<vmem>>, vector<16xf32>,
        %parallel_loop3A_1643 = arith.index_cast %parallel_loop3A_1612 : i32 to index
        %parallel_loop3A_1644 = arith.constant 80 : index
        %parallel_loop3A_1645 = tpu.vector_load %arg18[%parallel_loop3A_1643, %parallel_loop3A_1644] {strides = array<i32>} : memref<64x256xf32, #tpu.memory_space<vmem>>, vector<16xf32>,
        %parallel_loop3A_1646 = arith.index_cast %parallel_loop3A_1612 : i32 to index
        %parallel_loop3A_1647 = arith.constant 80 : index
        %parallel_loop3A_1648 = tpu.vector_load %arg20[%parallel_loop3A_1646, %parallel_loop3A_1647] {strides = array<i32>} : memref<64x256xf32, #tpu.memory_space<vmem>>, vector<16xf32>,
        tpu.vector_store %arg20[%parallel_loop3A_1646, %parallel_loop3A_1647], %parallel_loop3A_1645 {strides = array<i32>} : memref<64x256xf32, #tpu.memory_space<vmem>>, vector<16xf32>,
        %parallel_loop3A_1649 = arith.index_cast %parallel_loop3A_1612 : i32 to index
        %parallel_loop3A_1650 = arith.constant 96 : index
        %parallel_loop3A_1651 = tpu.vector_load %arg18[%parallel_loop3A_1649, %parallel_loop3A_1650] {strides = array<i32>} : memref<64x256xf32, #tpu.memory_space<vmem>>, vector<16xf32>,
        %parallel_loop3A_1652 = arith.index_cast %parallel_loop3A_1612 : i32 to index
        %parallel_loop3A_1653 = arith.constant 96 : index
        %parallel_loop3A_1654 = tpu.vector_load %arg20[%parallel_loop3A_1652, %parallel_loop3A_1653] {strides = array<i32>} : memref<64x256xf32, #tpu.memory_space<vmem>>, vector<16xf32>,
        tpu.vector_store %arg20[%parallel_loop3A_1652, %parallel_loop3A_1653], %parallel_loop3A_1651 {strides = array<i32>} : memref<64x256xf32, #tpu.memory_space<vmem>>, vector<16xf32>,
        %parallel_loop3A_1655 = arith.index_cast %parallel_loop3A_1612 : i32 to index
        %parallel_loop3A_1656 = arith.constant 112 : index
        %parallel_loop3A_1657 = tpu.vector_load %arg18[%parallel_loop3A_1655, %parallel_loop3A_1656] {strides = array<i32>} : memref<64x256xf32, #tpu.memory_space<vmem>>, vector<16xf32>,
        %parallel_loop3A_1658 = arith.index_cast %parallel_loop3A_1612 : i32 to index
        %parallel_loop3A_1659 = arith.constant 112 : index
        %parallel_loop3A_1660 = tpu.vector_load %arg20[%parallel_loop3A_1658, %parallel_loop3A_1659] {strides = array<i32>} : memref<64x256xf32, #tpu.memory_space<vmem>>, vector<16xf32>,
        tpu.vector_store %arg20[%parallel_loop3A_1658, %parallel_loop3A_1659], %parallel_loop3A_1657 {strides = array<i32>} : memref<64x256xf32, #tpu.memory_space<vmem>>, vector<16xf32>,
        %parallel_loop3A_1661 = arith.index_cast %parallel_loop3A_1612 : i32 to index
        %parallel_loop3A_1662 = arith.constant 128 : index
        %parallel_loop3A_1663 = tpu.vector_load %arg18[%parallel_loop3A_1661, %parallel_loop3A_1662] {strides = array<i32>} : memref<64x256xf32, #tpu.memory_space<vmem>>, vector<16xf32>,
        %parallel_loop3A_1664 = arith.index_cast %parallel_loop3A_1612 : i32 to index
        %parallel_loop3A_1665 = arith.constant 128 : index
        %parallel_loop3A_1666 = tpu.vector_load %arg20[%parallel_loop3A_1664, %parallel_loop3A_1665] {strides = array<i32>} : memref<64x256xf32, #tpu.memory_space<vmem>>, vector<16xf32>,
        tpu.vector_store %arg20[%parallel_loop3A_1664, %parallel_loop3A_1665], %parallel_loop3A_1663 {strides = array<i32>} : memref<64x256xf32, #tpu.memory_space<vmem>>, vector<16xf32>,
        %parallel_loop3A_1667 = arith.index_cast %parallel_loop3A_1612 : i32 to index
        %parallel_loop3A_1668 = arith.constant 144 : index
        %parallel_loop3A_1669 = tpu.vector_load %arg18[%parallel_loop3A_1667, %parallel_loop3A_1668] {strides = array<i32>} : memref<64x256xf32, #tpu.memory_space<vmem>>, vector<16xf32>,
        %parallel_loop3A_1670 = arith.index_cast %parallel_loop3A_1612 : i32 to index
        %parallel_loop3A_1671 = arith.constant 144 : index
        %parallel_loop3A_1672 = tpu.vector_load %arg20[%parallel_loop3A_1670, %parallel_loop3A_1671] {strides = array<i32>} : memref<64x256xf32, #tpu.memory_space<vmem>>, vector<16xf32>,
        tpu.vector_store %arg20[%parallel_loop3A_1670, %parallel_loop3A_1671], %parallel_loop3A_1669 {strides = array<i32>} : memref<64x256xf32, #tpu.memory_space<vmem>>, vector<16xf32>,
        %parallel_loop3A_1673 = arith.index_cast %parallel_loop3A_1612 : i32 to index
        %parallel_loop3A_1674 = arith.constant 160 : index
        %parallel_loop3A_1675 = tpu.vector_load %arg18[%parallel_loop3A_1673, %parallel_loop3A_1674] {strides = array<i32>} : memref<64x256xf32, #tpu.memory_space<vmem>>, vector<16xf32>,
        %parallel_loop3A_1676 = arith.index_cast %parallel_loop3A_1612 : i32 to index
        %parallel_loop3A_1677 = arith.constant 160 : index
        %parallel_loop3A_1678 = tpu.vector_load %arg20[%parallel_loop3A_1676, %parallel_loop3A_1677] {strides = array<i32>} : memref<64x256xf32, #tpu.memory_space<vmem>>, vector<16xf32>,
        tpu.vector_store %arg20[%parallel_loop3A_1676, %parallel_loop3A_1677], %parallel_loop3A_1675 {strides = array<i32>} : memref<64x256xf32, #tpu.memory_space<vmem>>, vector<16xf32>,
        %parallel_loop3A_1679 = arith.index_cast %parallel_loop3A_1612 : i32 to index
        %parallel_loop3A_1680 = arith.constant 176 : index
        %parallel_loop3A_1681 = tpu.vector_load %arg18[%parallel_loop3A_1679, %parallel_loop3A_1680] {strides = array<i32>} : memref<64x256xf32, #tpu.memory_space<vmem>>, vector<16xf32>,
        %parallel_loop3A_1682 = arith.index_cast %parallel_loop3A_1612 : i32 to index
        %parallel_loop3A_1683 = arith.constant 176 : index
        %parallel_loop3A_1684 = tpu.vector_load %arg20[%parallel_loop3A_1682, %parallel_loop3A_1683] {strides = array<i32>} : memref<64x256xf32, #tpu.memory_space<vmem>>, vector<16xf32>,
        tpu.vector_store %arg20[%parallel_loop3A_1682, %parallel_loop3A_1683], %parallel_loop3A_1681 {strides = array<i32>} : memref<64x256xf32, #tpu.memory_space<vmem>>, vector<16xf32>,
        %parallel_loop3A_1685 = arith.index_cast %parallel_loop3A_1612 : i32 to index
        %parallel_loop3A_1686 = arith.constant 192 : index
        %parallel_loop3A_1687 = tpu.vector_load %arg18[%parallel_loop3A_1685, %parallel_loop3A_1686] {strides = array<i32>} : memref<64x256xf32, #tpu.memory_space<vmem>>, vector<16xf32>,
        %parallel_loop3A_1688 = arith.index_cast %parallel_loop3A_1612 : i32 to index
        %parallel_loop3A_1689 = arith.constant 192 : index
        %parallel_loop3A_1690 = tpu.vector_load %arg20[%parallel_loop3A_1688, %parallel_loop3A_1689] {strides = array<i32>} : memref<64x256xf32, #tpu.memory_space<vmem>>, vector<16xf32>,
        tpu.vector_store %arg20[%parallel_loop3A_1688, %parallel_loop3A_1689], %parallel_loop3A_1687 {strides = array<i32>} : memref<64x256xf32, #tpu.memory_space<vmem>>, vector<16xf32>,
        %parallel_loop3A_1691 = arith.index_cast %parallel_loop3A_1612 : i32 to index
        %parallel_loop3A_1692 = arith.constant 208 : index
        %parallel_loop3A_1693 = tpu.vector_load %arg18[%parallel_loop3A_1691, %parallel_loop3A_1692] {strides = array<i32>} : memref<64x256xf32, #tpu.memory_space<vmem>>, vector<16xf32>,
        %parallel_loop3A_1694 = arith.index_cast %parallel_loop3A_1612 : i32 to index
        %parallel_loop3A_1695 = arith.constant 208 : index
        %parallel_loop3A_1696 = tpu.vector_load %arg20[%parallel_loop3A_1694, %parallel_loop3A_1695] {strides = array<i32>} : memref<64x256xf32, #tpu.memory_space<vmem>>, vector<16xf32>,
        tpu.vector_store %arg20[%parallel_loop3A_1694, %parallel_loop3A_1695], %parallel_loop3A_1693 {strides = array<i32>} : memref<64x256xf32, #tpu.memory_space<vmem>>, vector<16xf32>,
        %parallel_loop3A_1697 = arith.index_cast %parallel_loop3A_1612 : i32 to index
        %parallel_loop3A_1698 = arith.constant 224 : index
        %parallel_loop3A_1699 = tpu.vector_load %arg18[%parallel_loop3A_1697, %parallel_loop3A_1698] {strides = array<i32>} : memref<64x256xf32, #tpu.memory_space<vmem>>, vector<16xf32>,
        %parallel_loop3A_1700 = arith.index_cast %parallel_loop3A_1612 : i32 to index
        %parallel_loop3A_1701 = arith.constant 224 : index
        %parallel_loop3A_1702 = tpu.vector_load %arg20[%parallel_loop3A_1700, %parallel_loop3A_1701] {strides = array<i32>} : memref<64x256xf32, #tpu.memory_space<vmem>>, vector<16xf32>,
        tpu.vector_store %arg20[%parallel_loop3A_1700, %parallel_loop3A_1701], %parallel_loop3A_1699 {strides = array<i32>} : memref<64x256xf32, #tpu.memory_space<vmem>>, vector<16xf32>,
        %parallel_loop3A_1703 = arith.index_cast %parallel_loop3A_1612 : i32 to index
        %parallel_loop3A_1704 = arith.constant 240 : index
        %parallel_loop3A_1705 = tpu.vector_load %arg18[%parallel_loop3A_1703, %parallel_loop3A_1704] {strides = array<i32>} : memref<64x256xf32, #tpu.memory_space<vmem>>, vector<16xf32>,
        %parallel_loop3A_1706 = arith.index_cast %parallel_loop3A_1612 : i32 to index
        %parallel_loop3A_1707 = arith.constant 240 : index
        %parallel_loop3A_1708 = tpu.vector_load %arg20[%parallel_loop3A_1706, %parallel_loop3A_1707] {strides = array<i32>} : memref<64x256xf32, #tpu.memory_space<vmem>>, vector<16xf32>,
        tpu.vector_store %arg20[%parallel_loop3A_1706, %parallel_loop3A_1707], %parallel_loop3A_1705 {strides = array<i32>} : memref<64x256xf32, #tpu.memory_space<vmem>>, vector<16xf32>,
      } {sc.loop_unroll_factor = 1 : i64, sc.parallel_access}
      %mul3A_1539 = arith.constant 64 : i32
      %mul3A_1540 = arith.muli %scan3A_1443, %mul3A_1539 : i32
      %add3A_1541 = arith.constant 640 : i32
      %add3A_1542 = arith.addi %add3A_1541, %mul3A_1540 : i32
      %add3A_1543 = arith.constant 0 : i32
      %add3A_1544 = arith.addi %add3A_1542, %add3A_1543 : i32
      %get3A_1545 = arith.index_cast %add3A_1544 : i32 to index
      %get3A_1546 = tpu.vector_load %arg9[%get3A_1545] {strides = array<i32>} : memref<8640xi32, #tpu.memory_space<vmem>>, vector<16xi32>,
      %swap3A_1547 = arith.constant 0 : index
      %swap3A_1548 = tpu.vector_load %arg10[%swap3A_1547] {strides = array<i32>} : memref<64xi32, #tpu.memory_space<vmem>>, vector<16xi32>,
      tpu.vector_store %arg10[%swap3A_1547], %get3A_1546 {strides = array<i32>} : memref<64xi32, #tpu.memory_space<vmem>>, vector<16xi32>,
      %mul3A_1549 = arith.constant 64 : i32
      %mul3A_1550 = arith.muli %scan3A_1443, %mul3A_1549 : i32
      %add3A_1551 = arith.constant 640 : i32
      %add3A_1552 = arith.addi %add3A_1551, %mul3A_1550 : i32
      %add3A_1553 = arith.constant 16 : i32
      %add3A_1554 = arith.addi %add3A_1552, %add3A_1553 : i32
      %get3A_1555 = arith.index_cast %add3A_1554 : i32 to index
      %get3A_1556 = tpu.vector_load %arg9[%get3A_1555] {strides = array<i32>} : memref<8640xi32, #tpu.memory_space<vmem>>, vector<16xi32>,
      %swap3A_1557 = arith.constant 16 : index
      %swap3A_1558 = tpu.vector_load %arg10[%swap3A_1557] {strides = array<i32>} : memref<64xi32, #tpu.memory_space<vmem>>, vector<16xi32>,
      tpu.vector_store %arg10[%swap3A_1557], %get3A_1556 {strides = array<i32>} : memref<64xi32, #tpu.memory_space<vmem>>, vector<16xi32>,
      %mul3A_1559 = arith.constant 64 : i32
      %mul3A_1560 = arith.muli %scan3A_1443, %mul3A_1559 : i32
      %add3A_1561 = arith.constant 640 : i32
      %add3A_1562 = arith.addi %add3A_1561, %mul3A_1560 : i32
      %add3A_1563 = arith.constant 32 : i32
      %add3A_1564 = arith.addi %add3A_1562, %add3A_1563 : i32
      %get3A_1565 = arith.index_cast %add3A_1564 : i32 to index
      %get3A_1566 = tpu.vector_load %arg9[%get3A_1565] {strides = array<i32>} : memref<8640xi32, #tpu.memory_space<vmem>>, vector<16xi32>,
      %swap3A_1567 = arith.constant 32 : index
      %swap3A_1568 = tpu.vector_load %arg10[%swap3A_1567] {strides = array<i32>} : memref<64xi32, #tpu.memory_space<vmem>>, vector<16xi32>,
      tpu.vector_store %arg10[%swap3A_1567], %get3A_1566 {strides = array<i32>} : memref<64xi32, #tpu.memory_space<vmem>>, vector<16xi32>,
      %mul3A_1569 = arith.constant 64 : i32
      %mul3A_1570 = arith.muli %scan3A_1443, %mul3A_1569 : i32
      %add3A_1571 = arith.constant 640 : i32
      %add3A_1572 = arith.addi %add3A_1571, %mul3A_1570 : i32
      %add3A_1573 = arith.constant 48 : i32
      %add3A_1574 = arith.addi %add3A_1572, %add3A_1573 : i32
      %get3A_1575 = arith.index_cast %add3A_1574 : i32 to index
      %get3A_1576 = tpu.vector_load %arg9[%get3A_1575] {strides = array<i32>} : memref<8640xi32, #tpu.memory_space<vmem>>, vector<16xi32>,
      %swap3A_1577 = arith.constant 48 : index
      %swap3A_1578 = tpu.vector_load %arg10[%swap3A_1577] {strides = array<i32>} : memref<64xi32, #tpu.memory_space<vmem>>, vector<16xi32>,
      tpu.vector_store %arg10[%swap3A_1577], %get3A_1576 {strides = array<i32>} : memref<64xi32, #tpu.memory_space<vmem>>, vector<16xi32>,
      %dma_start3A_1579 = arith.constant 0 : i32
      %dma_start3A_1580 = arith.constant 0 : i32
      %dma_start3A_1581 = tpu.memref_slice %arg3[%dma_start3A_1579, %dma_start3A_1580] : memref<276480x256xf32, #tpu.memory_space<hbm>> -> memref<276480x256xf32, #tpu.memory_space<hbm>>
      tpu.enqueue_indirect_dma source(%dma_start3A_1581 : memref<276480x256xf32, #tpu.memory_space<hbm>>) target(%arg18 : memref<64x256xf32, #tpu.memory_space<vmem>>) offsets(%arg10 : memref<64xi32, #tpu.memory_space<vmem>>) semaphore(%arg21 : memref<!tpu.dma_semaphore, #tpu.memory_space<semaphore_mem>>)
      %scan3A_1582 = arith.constant 0 : i32
      %scan3A_1583 = arith.constant 12 : i32
      %scan3A_1584 = arith.addi %scan3A_1582, %scan3A_1583 : i32
      %scan3A_1585 = arith.constant 1 : i32
      scf.for %scan3A_1612 = %scan3A_1582 to %scan3A_1584 step %scan3A_1585  : i32 {
        %mul3A_1613 = arith.constant 2 : i32
        %mul3A_1614 = arith.muli %mul3A_1613, %scan3A_1612 : i32
        %add3A_1615 = arith.constant 1 : i32
        %add3A_1616 = arith.addi %mul3A_1614, %add3A_1615 : i32
        %dma_wait3A_1617 = arith.constant 0 : i32
        %dma_wait3A_1618 = arith.constant 0 : i32
        %dma_wait3A_1619 = tpu.memref_slice %arg3[%dma_wait3A_1617, %dma_wait3A_1618] : memref<276480x256xf32, #tpu.memory_space<hbm>> -> memref<64x256xf32, #tpu.memory_space<hbm>>
        %dma_wait3A_1620 = arith.constant 0 : i32
        %dma_wait3A_1621 = arith.constant 0 : i32
        %dma_wait3A_1622 = tpu.memref_slice %arg3[%dma_wait3A_1620, %dma_wait3A_1621] : memref<276480x256xf32, #tpu.memory_space<hbm>> -> memref<64x256xf32, #tpu.memory_space<hbm>>
        tpu.wait_dma2 semaphore(%arg22 : memref<!tpu.dma_semaphore, #tpu.memory_space<semaphore_mem>>) src(%dma_wait3A_1622 : memref<64x256xf32, #tpu.memory_space<hbm>>) dst(%arg19 : memref<64x256xf32, #tpu.memory_space<vmem>>)
        %parallel_loop3A_1623 = arith.constant 0 : i32
        %parallel_loop3A_1624 = arith.constant 64 : i32
        %parallel_loop3A_1625 = arith.constant 1 : i32
        scf.for %parallel_loop3A_1648 = %parallel_loop3A_1623 to %parallel_loop3A_1624 step %parallel_loop3A_1625  : i32 {
          %parallel_loop3A_1649 = arith.index_cast %parallel_loop3A_1648 : i32 to index
          %parallel_loop3A_1650 = arith.constant 0 : index
          %parallel_loop3A_1651 = tpu.vector_load %arg19[%parallel_loop3A_1649, %parallel_loop3A_1650] {strides = array<i32>} : memref<64x256xf32, #tpu.memory_space<vmem>>, vector<16xf32>,
          %parallel_loop3A_1652 = arith.index_cast %parallel_loop3A_1648 : i32 to index
          %parallel_loop3A_1653 = arith.constant 0 : index
          %parallel_loop3A_1654 = tpu.vector_load %arg20[%parallel_loop3A_1652, %parallel_loop3A_1653] {strides = array<i32>} : memref<64x256xf32, #tpu.memory_space<vmem>>, vector<16xf32>,
          tpu.vector_store %arg20[%parallel_loop3A_1652, %parallel_loop3A_1653], %parallel_loop3A_1651 {add = true, strides = array<i32>} : memref<64x256xf32, #tpu.memory_space<vmem>>, vector<16xf32>,
          %parallel_loop3A_1655 = arith.index_cast %parallel_loop3A_1648 : i32 to index
          %parallel_loop3A_1656 = arith.constant 16 : index
          %parallel_loop3A_1657 = tpu.vector_load %arg19[%parallel_loop3A_1655, %parallel_loop3A_1656] {strides = array<i32>} : memref<64x256xf32, #tpu.memory_space<vmem>>, vector<16xf32>,
          %parallel_loop3A_1658 = arith.index_cast %parallel_loop3A_1648 : i32 to index
          %parallel_loop3A_1659 = arith.constant 16 : index
          %parallel_loop3A_1660 = tpu.vector_load %arg20[%parallel_loop3A_1658, %parallel_loop3A_1659] {strides = array<i32>} : memref<64x256xf32, #tpu.memory_space<vmem>>, vector<16xf32>,
          tpu.vector_store %arg20[%parallel_loop3A_1658, %parallel_loop3A_1659], %parallel_loop3A_1657 {add = true, strides = array<i32>} : memref<64x256xf32, #tpu.memory_space<vmem>>, vector<16xf32>,
          %parallel_loop3A_1661 = arith.index_cast %parallel_loop3A_1648 : i32 to index
          %parallel_loop3A_1662 = arith.constant 32 : index
          %parallel_loop3A_1663 = tpu.vector_load %arg19[%parallel_loop3A_1661, %parallel_loop3A_1662] {strides = array<i32>} : memref<64x256xf32, #tpu.memory_space<vmem>>, vector<16xf32>,
          %parallel_loop3A_1664 = arith.index_cast %parallel_loop3A_1648 : i32 to index
          %parallel_loop3A_1665 = arith.constant 32 : index
          %parallel_loop3A_1666 = tpu.vector_load %arg20[%parallel_loop3A_1664, %parallel_loop3A_1665] {strides = array<i32>} : memref<64x256xf32, #tpu.memory_space<vmem>>, vector<16xf32>,
          tpu.vector_store %arg20[%parallel_loop3A_1664, %parallel_loop3A_1665], %parallel_loop3A_1663 {add = true, strides = array<i32>} : memref<64x256xf32, #tpu.memory_space<vmem>>, vector<16xf32>,
          %parallel_loop3A_1667 = arith.index_cast %parallel_loop3A_1648 : i32 to index
          %parallel_loop3A_1668 = arith.constant 48 : index
          %parallel_loop3A_1669 = tpu.vector_load %arg19[%parallel_loop3A_1667, %parallel_loop3A_1668] {strides = array<i32>} : memref<64x256xf32, #tpu.memory_space<vmem>>, vector<16xf32>,
          %parallel_loop3A_1670 = arith.index_cast %parallel_loop3A_1648 : i32 to index
          %parallel_loop3A_1671 = arith.constant 48 : index
          %parallel_loop3A_1672 = tpu.vector_load %arg20[%parallel_loop3A_1670, %parallel_loop3A_1671] {strides = array<i32>} : memref<64x256xf32, #tpu.memory_space<vmem>>, vector<16xf32>,
          tpu.vector_store %arg20[%parallel_loop3A_1670, %parallel_loop3A_1671], %parallel_loop3A_1669 {add = true, strides = array<i32>} : memref<64x256xf32, #tpu.memory_space<vmem>>, vector<16xf32>,
          %parallel_loop3A_1673 = arith.index_cast %parallel_loop3A_1648 : i32 to index
          %parallel_loop3A_1674 = arith.constant 64 : index
          %parallel_loop3A_1675 = tpu.vector_load %arg19[%parallel_loop3A_1673, %parallel_loop3A_1674] {strides = array<i32>} : memref<64x256xf32, #tpu.memory_space<vmem>>, vector<16xf32>,
          %parallel_loop3A_1676 = arith.index_cast %parallel_loop3A_1648 : i32 to index
          %parallel_loop3A_1677 = arith.constant 64 : index
          %parallel_loop3A_1678 = tpu.vector_load %arg20[%parallel_loop3A_1676, %parallel_loop3A_1677] {strides = array<i32>} : memref<64x256xf32, #tpu.memory_space<vmem>>, vector<16xf32>,
          tpu.vector_store %arg20[%parallel_loop3A_1676, %parallel_loop3A_1677], %parallel_loop3A_1675 {add = true, strides = array<i32>} : memref<64x256xf32, #tpu.memory_space<vmem>>, vector<16xf32>,
          %parallel_loop3A_1679 = arith.index_cast %parallel_loop3A_1648 : i32 to index
          %parallel_loop3A_1680 = arith.constant 80 : index
          %parallel_loop3A_1681 = tpu.vector_load %arg19[%parallel_loop3A_1679, %parallel_loop3A_1680] {strides = array<i32>} : memref<64x256xf32, #tpu.memory_space<vmem>>, vector<16xf32>,
          %parallel_loop3A_1682 = arith.index_cast %parallel_loop3A_1648 : i32 to index
          %parallel_loop3A_1683 = arith.constant 80 : index
          %parallel_loop3A_1684 = tpu.vector_load %arg20[%parallel_loop3A_1682, %parallel_loop3A_1683] {strides = array<i32>} : memref<64x256xf32, #tpu.memory_space<vmem>>, vector<16xf32>,
          tpu.vector_store %arg20[%parallel_loop3A_1682, %parallel_loop3A_1683], %parallel_loop3A_1681 {add = true, strides = array<i32>} : memref<64x256xf32, #tpu.memory_space<vmem>>, vector<16xf32>,
          %parallel_loop3A_1685 = arith.index_cast %parallel_loop3A_1648 : i32 to index
          %parallel_loop3A_1686 = arith.constant 96 : index
          %parallel_loop3A_1687 = tpu.vector_load %arg19[%parallel_loop3A_1685, %parallel_loop3A_1686] {strides = array<i32>} : memref<64x256xf32, #tpu.memory_space<vmem>>, vector<16xf32>,
          %parallel_loop3A_1688 = arith.index_cast %parallel_loop3A_1648 : i32 to index
          %parallel_loop3A_1689 = arith.constant 96 : index
          %parallel_loop3A_1690 = tpu.vector_load %arg20[%parallel_loop3A_1688, %parallel_loop3A_1689] {strides = array<i32>} : memref<64x256xf32, #tpu.memory_space<vmem>>, vector<16xf32>,
          tpu.vector_store %arg20[%parallel_loop3A_1688, %parallel_loop3A_1689], %parallel_loop3A_1687 {add = true, strides = array<i32>} : memref<64x256xf32, #tpu.memory_space<vmem>>, vector<16xf32>,
          %parallel_loop3A_1691 = arith.index_cast %parallel_loop3A_1648 : i32 to index
          %parallel_loop3A_1692 = arith.constant 112 : index
          %parallel_loop3A_1693 = tpu.vector_load %arg19[%parallel_loop3A_1691, %parallel_loop3A_1692] {strides = array<i32>} : memref<64x256xf32, #tpu.memory_space<vmem>>, vector<16xf32>,
          %parallel_loop3A_1694 = arith.index_cast %parallel_loop3A_1648 : i32 to index
          %parallel_loop3A_1695 = arith.constant 112 : index
          %parallel_loop3A_1696 = tpu.vector_load %arg20[%parallel_loop3A_1694, %parallel_loop3A_1695] {strides = array<i32>} : memref<64x256xf32, #tpu.memory_space<vmem>>, vector<16xf32>,
          tpu.vector_store %arg20[%parallel_loop3A_1694, %parallel_loop3A_1695], %parallel_loop3A_1693 {add = true, strides = array<i32>} : memref<64x256xf32, #tpu.memory_space<vmem>>, vector<16xf32>,
          %parallel_loop3A_1697 = arith.index_cast %parallel_loop3A_1648 : i32 to index
          %parallel_loop3A_1698 = arith.constant 128 : index
          %parallel_loop3A_1699 = tpu.vector_load %arg19[%parallel_loop3A_1697, %parallel_loop3A_1698] {strides = array<i32>} : memref<64x256xf32, #tpu.memory_space<vmem>>, vector<16xf32>,
          %parallel_loop3A_1700 = arith.index_cast %parallel_loop3A_1648 : i32 to index
          %parallel_loop3A_1701 = arith.constant 128 : index
          %parallel_loop3A_1702 = tpu.vector_load %arg20[%parallel_loop3A_1700, %parallel_loop3A_1701] {strides = array<i32>} : memref<64x256xf32, #tpu.memory_space<vmem>>, vector<16xf32>,
          tpu.vector_store %arg20[%parallel_loop3A_1700, %parallel_loop3A_1701], %parallel_loop3A_1699 {add = true, strides = array<i32>} : memref<64x256xf32, #tpu.memory_space<vmem>>, vector<16xf32>,
          %parallel_loop3A_1703 = arith.index_cast %parallel_loop3A_1648 : i32 to index
          %parallel_loop3A_1704 = arith.constant 144 : index
          %parallel_loop3A_1705 = tpu.vector_load %arg19[%parallel_loop3A_1703, %parallel_loop3A_1704] {strides = array<i32>} : memref<64x256xf32, #tpu.memory_space<vmem>>, vector<16xf32>,
          %parallel_loop3A_1706 = arith.index_cast %parallel_loop3A_1648 : i32 to index
          %parallel_loop3A_1707 = arith.constant 144 : index
          %parallel_loop3A_1708 = tpu.vector_load %arg20[%parallel_loop3A_1706, %parallel_loop3A_1707] {strides = array<i32>} : memref<64x256xf32, #tpu.memory_space<vmem>>, vector<16xf32>,
          tpu.vector_store %arg20[%parallel_loop3A_1706, %parallel_loop3A_1707], %parallel_loop3A_1705 {add = true, strides = array<i32>} : memref<64x256xf32, #tpu.memory_space<vmem>>, vector<16xf32>,
          %parallel_loop3A_1709 = arith.index_cast %parallel_loop3A_1648 : i32 to index
          %parallel_loop3A_1710 = arith.constant 160 : index
          %parallel_loop3A_1711 = tpu.vector_load %arg19[%parallel_loop3A_1709, %parallel_loop3A_1710] {strides = array<i32>} : memref<64x256xf32, #tpu.memory_space<vmem>>, vector<16xf32>,
          %parallel_loop3A_1712 = arith.index_cast %parallel_loop3A_1648 : i32 to index
          %parallel_loop3A_1713 = arith.constant 160 : index
          %parallel_loop3A_1714 = tpu.vector_load %arg20[%parallel_loop3A_1712, %parallel_loop3A_1713] {strides = array<i32>} : memref<64x256xf32, #tpu.memory_space<vmem>>, vector<16xf32>,
          tpu.vector_store %arg20[%parallel_loop3A_1712, %parallel_loop3A_1713], %parallel_loop3A_1711 {add = true, strides = array<i32>} : memref<64x256xf32, #tpu.memory_space<vmem>>, vector<16xf32>,
          %parallel_loop3A_1715 = arith.index_cast %parallel_loop3A_1648 : i32 to index
          %parallel_loop3A_1716 = arith.constant 176 : index
          %parallel_loop3A_1717 = tpu.vector_load %arg19[%parallel_loop3A_1715, %parallel_loop3A_1716] {strides = array<i32>} : memref<64x256xf32, #tpu.memory_space<vmem>>, vector<16xf32>,
          %parallel_loop3A_1718 = arith.index_cast %parallel_loop3A_1648 : i32 to index
          %parallel_loop3A_1719 = arith.constant 176 : index
          %parallel_loop3A_1720 = tpu.vector_load %arg20[%parallel_loop3A_1718, %parallel_loop3A_1719] {strides = array<i32>} : memref<64x256xf32, #tpu.memory_space<vmem>>, vector<16xf32>,
          tpu.vector_store %arg20[%parallel_loop3A_1718, %parallel_loop3A_1719], %parallel_loop3A_1717 {add = true, strides = array<i32>} : memref<64x256xf32, #tpu.memory_space<vmem>>, vector<16xf32>,
          %parallel_loop3A_1721 = arith.index_cast %parallel_loop3A_1648 : i32 to index
          %parallel_loop3A_1722 = arith.constant 192 : index
          %parallel_loop3A_1723 = tpu.vector_load %arg19[%parallel_loop3A_1721, %parallel_loop3A_1722] {strides = array<i32>} : memref<64x256xf32, #tpu.memory_space<vmem>>, vector<16xf32>,
          %parallel_loop3A_1724 = arith.index_cast %parallel_loop3A_1648 : i32 to index
          %parallel_loop3A_1725 = arith.constant 192 : index
          %parallel_loop3A_1726 = tpu.vector_load %arg20[%parallel_loop3A_1724, %parallel_loop3A_1725] {strides = array<i32>} : memref<64x256xf32, #tpu.memory_space<vmem>>, vector<16xf32>,
          tpu.vector_store %arg20[%parallel_loop3A_1724, %parallel_loop3A_1725], %parallel_loop3A_1723 {add = true, strides = array<i32>} : memref<64x256xf32, #tpu.memory_space<vmem>>, vector<16xf32>,
          %parallel_loop3A_1727 = arith.index_cast %parallel_loop3A_1648 : i32 to index
          %parallel_loop3A_1728 = arith.constant 208 : index
          %parallel_loop3A_1729 = tpu.vector_load %arg19[%parallel_loop3A_1727, %parallel_loop3A_1728] {strides = array<i32>} : memref<64x256xf32, #tpu.memory_space<vmem>>, vector<16xf32>,
          %parallel_loop3A_1730 = arith.index_cast %parallel_loop3A_1648 : i32 to index
          %parallel_loop3A_1731 = arith.constant 208 : index
          %parallel_loop3A_1732 = tpu.vector_load %arg20[%parallel_loop3A_1730, %parallel_loop3A_1731] {strides = array<i32>} : memref<64x256xf32, #tpu.memory_space<vmem>>, vector<16xf32>,
          tpu.vector_store %arg20[%parallel_loop3A_1730, %parallel_loop3A_1731], %parallel_loop3A_1729 {add = true, strides = array<i32>} : memref<64x256xf32, #tpu.memory_space<vmem>>, vector<16xf32>,
          %parallel_loop3A_1733 = arith.index_cast %parallel_loop3A_1648 : i32 to index
          %parallel_loop3A_1734 = arith.constant 224 : index
          %parallel_loop3A_1735 = tpu.vector_load %arg19[%parallel_loop3A_1733, %parallel_loop3A_1734] {strides = array<i32>} : memref<64x256xf32, #tpu.memory_space<vmem>>, vector<16xf32>,
          %parallel_loop3A_1736 = arith.index_cast %parallel_loop3A_1648 : i32 to index
          %parallel_loop3A_1737 = arith.constant 224 : index
          %parallel_loop3A_1738 = tpu.vector_load %arg20[%parallel_loop3A_1736, %parallel_loop3A_1737] {strides = array<i32>} : memref<64x256xf32, #tpu.memory_space<vmem>>, vector<16xf32>,
          tpu.vector_store %arg20[%parallel_loop3A_1736, %parallel_loop3A_1737], %parallel_loop3A_1735 {add = true, strides = array<i32>} : memref<64x256xf32, #tpu.memory_space<vmem>>, vector<16xf32>,
          %parallel_loop3A_1739 = arith.index_cast %parallel_loop3A_1648 : i32 to index
          %parallel_loop3A_1740 = arith.constant 240 : index
          %parallel_loop3A_1741 = tpu.vector_load %arg19[%parallel_loop3A_1739, %parallel_loop3A_1740] {strides = array<i32>} : memref<64x256xf32, #tpu.memory_space<vmem>>, vector<16xf32>,
          %parallel_loop3A_1742 = arith.index_cast %parallel_loop3A_1648 : i32 to index
          %parallel_loop3A_1743 = arith.constant 240 : index
          %parallel_loop3A_1744 = tpu.vector_load %arg20[%parallel_loop3A_1742, %parallel_loop3A_1743] {strides = array<i32>} : memref<64x256xf32, #tpu.memory_space<vmem>>, vector<16xf32>,
          tpu.vector_store %arg20[%parallel_loop3A_1742, %parallel_loop3A_1743], %parallel_loop3A_1741 {add = true, strides = array<i32>} : memref<64x256xf32, #tpu.memory_space<vmem>>, vector<16xf32>,
        } {sc.loop_unroll_factor = 2 : i64, sc.parallel_access}
        %add3A_1626 = arith.constant 2 : i32
        %add3A_1627 = arith.addi %add3A_1616, %add3A_1626 : i32
        %lt3A = arith.constant 27 : i32
        %lt3A_1628 = arith.cmpi slt, %add3A_1627, %lt3A : i32
        %convert_element_type3A_1629 = arith.extui %lt3A_1628 : i1 to i32
        %cond3A_1630 = arith.constant 0 : i32
        %cond3A_1631 = arith.cmpi ne, %convert_element_type3A_1629, %cond3A_1630 : i32
        scf.if %cond3A_1631 {
          %add3A_1648 = arith.constant 2 : i32
          %add3A_1649 = arith.addi %add3A_1616, %add3A_1648 : i32
          %mul3A_1650 = arith.constant 320 : i32
          %mul3A_1651 = arith.muli %add3A_1649, %mul3A_1650 : i32
          %mul3A_1652 = arith.constant 64 : i32
          %mul3A_1653 = arith.muli %scan3A_1443, %mul3A_1652 : i32
          %add3A_1654 = arith.addi %mul3A_1651, %mul3A_1653 : i32
          %add3A_1655 = arith.constant 0 : i32
          %add3A_1656 = arith.addi %add3A_1654, %add3A_1655 : i32
          %get3A_1657 = arith.index_cast %add3A_1656 : i32 to index
          %get3A_1658 = tpu.vector_load %arg9[%get3A_1657] {strides = array<i32>} : memref<8640xi32, #tpu.memory_space<vmem>>, vector<16xi32>,
          %swap3A_1659 = arith.constant 0 : index
          %swap3A_1660 = tpu.vector_load %arg11[%swap3A_1659] {strides = array<i32>} : memref<64xi32, #tpu.memory_space<vmem>>, vector<16xi32>,
          tpu.vector_store %arg11[%swap3A_1659], %get3A_1658 {strides = array<i32>} : memref<64xi32, #tpu.memory_space<vmem>>, vector<16xi32>,
          %mul3A_1661 = arith.constant 320 : i32
          %mul3A_1662 = arith.muli %add3A_1649, %mul3A_1661 : i32
          %mul3A_1663 = arith.constant 64 : i32
          %mul3A_1664 = arith.muli %scan3A_1443, %mul3A_1663 : i32
          %add3A_1665 = arith.addi %mul3A_1662, %mul3A_1664 : i32
          %add3A_1666 = arith.constant 16 : i32
          %add3A_1667 = arith.addi %add3A_1665, %add3A_1666 : i32
          %get3A_1668 = arith.index_cast %add3A_1667 : i32 to index
          %get3A_1669 = tpu.vector_load %arg9[%get3A_1668] {strides = array<i32>} : memref<8640xi32, #tpu.memory_space<vmem>>, vector<16xi32>,
          %swap3A_1670 = arith.constant 16 : index
          %swap3A_1671 = tpu.vector_load %arg11[%swap3A_1670] {strides = array<i32>} : memref<64xi32, #tpu.memory_space<vmem>>, vector<16xi32>,
          tpu.vector_store %arg11[%swap3A_1670], %get3A_1669 {strides = array<i32>} : memref<64xi32, #tpu.memory_space<vmem>>, vector<16xi32>,
          %mul3A_1672 = arith.constant 320 : i32
          %mul3A_1673 = arith.muli %add3A_1649, %mul3A_1672 : i32
          %mul3A_1674 = arith.constant 64 : i32
          %mul3A_1675 = arith.muli %scan3A_1443, %mul3A_1674 : i32
          %add3A_1676 = arith.addi %mul3A_1673, %mul3A_1675 : i32
          %add3A_1677 = arith.constant 32 : i32
          %add3A_1678 = arith.addi %add3A_1676, %add3A_1677 : i32
          %get3A_1679 = arith.index_cast %add3A_1678 : i32 to index
          %get3A_1680 = tpu.vector_load %arg9[%get3A_1679] {strides = array<i32>} : memref<8640xi32, #tpu.memory_space<vmem>>, vector<16xi32>,
          %swap3A_1681 = arith.constant 32 : index
          %swap3A_1682 = tpu.vector_load %arg11[%swap3A_1681] {strides = array<i32>} : memref<64xi32, #tpu.memory_space<vmem>>, vector<16xi32>,
          tpu.vector_store %arg11[%swap3A_1681], %get3A_1680 {strides = array<i32>} : memref<64xi32, #tpu.memory_space<vmem>>, vector<16xi32>,
          %mul3A_1683 = arith.constant 320 : i32
          %mul3A_1684 = arith.muli %add3A_1649, %mul3A_1683 : i32
          %mul3A_1685 = arith.constant 64 : i32
          %mul3A_1686 = arith.muli %scan3A_1443, %mul3A_1685 : i32
          %add3A_1687 = arith.addi %mul3A_1684, %mul3A_1686 : i32
          %add3A_1688 = arith.constant 48 : i32
          %add3A_1689 = arith.addi %add3A_1687, %add3A_1688 : i32
          %get3A_1690 = arith.index_cast %add3A_1689 : i32 to index
          %get3A_1691 = tpu.vector_load %arg9[%get3A_1690] {strides = array<i32>} : memref<8640xi32, #tpu.memory_space<vmem>>, vector<16xi32>,
          %swap3A_1692 = arith.constant 48 : index
          %swap3A_1693 = tpu.vector_load %arg11[%swap3A_1692] {strides = array<i32>} : memref<64xi32, #tpu.memory_space<vmem>>, vector<16xi32>,
          tpu.vector_store %arg11[%swap3A_1692], %get3A_1691 {strides = array<i32>} : memref<64xi32, #tpu.memory_space<vmem>>, vector<16xi32>,
          %dma_start3A_1694 = arith.constant 0 : i32
          %dma_start3A_1695 = arith.constant 0 : i32
          %dma_start3A_1696 = tpu.memref_slice %arg3[%dma_start3A_1694, %dma_start3A_1695] : memref<276480x256xf32, #tpu.memory_space<hbm>> -> memref<276480x256xf32, #tpu.memory_space<hbm>>
          tpu.enqueue_indirect_dma source(%dma_start3A_1696 : memref<276480x256xf32, #tpu.memory_space<hbm>>) target(%arg19 : memref<64x256xf32, #tpu.memory_space<vmem>>) offsets(%arg11 : memref<64xi32, #tpu.memory_space<vmem>>) semaphore(%arg22 : memref<!tpu.dma_semaphore, #tpu.memory_space<semaphore_mem>>)
        } else {
        }
        %dma_wait3A_1632 = arith.constant 0 : i32
        %dma_wait3A_1633 = arith.constant 0 : i32
        %dma_wait3A_1634 = tpu.memref_slice %arg3[%dma_wait3A_1632, %dma_wait3A_1633] : memref<276480x256xf32, #tpu.memory_space<hbm>> -> memref<64x256xf32, #tpu.memory_space<hbm>>
        %dma_wait3A_1635 = arith.constant 0 : i32
        %dma_wait3A_1636 = arith.constant 0 : i32
        %dma_wait3A_1637 = tpu.memref_slice %arg3[%dma_wait3A_1635, %dma_wait3A_1636] : memref<276480x256xf32, #tpu.memory_space<hbm>> -> memref<64x256xf32, #tpu.memory_space<hbm>>
        tpu.wait_dma2 semaphore(%arg21 : memref<!tpu.dma_semaphore, #tpu.memory_space<semaphore_mem>>) src(%dma_wait3A_1637 : memref<64x256xf32, #tpu.memory_space<hbm>>) dst(%arg18 : memref<64x256xf32, #tpu.memory_space<vmem>>)
        %parallel_loop3A_1638 = arith.constant 0 : i32
        %parallel_loop3A_1639 = arith.constant 64 : i32
        %parallel_loop3A_1640 = arith.constant 1 : i32
        scf.for %parallel_loop3A_1648 = %parallel_loop3A_1638 to %parallel_loop3A_1639 step %parallel_loop3A_1640  : i32 {
          %parallel_loop3A_1649 = arith.index_cast %parallel_loop3A_1648 : i32 to index
          %parallel_loop3A_1650 = arith.constant 0 : index
          %parallel_loop3A_1651 = tpu.vector_load %arg18[%parallel_loop3A_1649, %parallel_loop3A_1650] {strides = array<i32>} : memref<64x256xf32, #tpu.memory_space<vmem>>, vector<16xf32>,
          %parallel_loop3A_1652 = arith.index_cast %parallel_loop3A_1648 : i32 to index
          %parallel_loop3A_1653 = arith.constant 0 : index
          %parallel_loop3A_1654 = tpu.vector_load %arg20[%parallel_loop3A_1652, %parallel_loop3A_1653] {strides = array<i32>} : memref<64x256xf32, #tpu.memory_space<vmem>>, vector<16xf32>,
          tpu.vector_store %arg20[%parallel_loop3A_1652, %parallel_loop3A_1653], %parallel_loop3A_1651 {add = true, strides = array<i32>} : memref<64x256xf32, #tpu.memory_space<vmem>>, vector<16xf32>,
          %parallel_loop3A_1655 = arith.index_cast %parallel_loop3A_1648 : i32 to index
          %parallel_loop3A_1656 = arith.constant 16 : index
          %parallel_loop3A_1657 = tpu.vector_load %arg18[%parallel_loop3A_1655, %parallel_loop3A_1656] {strides = array<i32>} : memref<64x256xf32, #tpu.memory_space<vmem>>, vector<16xf32>,
          %parallel_loop3A_1658 = arith.index_cast %parallel_loop3A_1648 : i32 to index
          %parallel_loop3A_1659 = arith.constant 16 : index
          %parallel_loop3A_1660 = tpu.vector_load %arg20[%parallel_loop3A_1658, %parallel_loop3A_1659] {strides = array<i32>} : memref<64x256xf32, #tpu.memory_space<vmem>>, vector<16xf32>,
          tpu.vector_store %arg20[%parallel_loop3A_1658, %parallel_loop3A_1659], %parallel_loop3A_1657 {add = true, strides = array<i32>} : memref<64x256xf32, #tpu.memory_space<vmem>>, vector<16xf32>,
          %parallel_loop3A_1661 = arith.index_cast %parallel_loop3A_1648 : i32 to index
          %parallel_loop3A_1662 = arith.constant 32 : index
          %parallel_loop3A_1663 = tpu.vector_load %arg18[%parallel_loop3A_1661, %parallel_loop3A_1662] {strides = array<i32>} : memref<64x256xf32, #tpu.memory_space<vmem>>, vector<16xf32>,
          %parallel_loop3A_1664 = arith.index_cast %parallel_loop3A_1648 : i32 to index
          %parallel_loop3A_1665 = arith.constant 32 : index
          %parallel_loop3A_1666 = tpu.vector_load %arg20[%parallel_loop3A_1664, %parallel_loop3A_1665] {strides = array<i32>} : memref<64x256xf32, #tpu.memory_space<vmem>>, vector<16xf32>,
          tpu.vector_store %arg20[%parallel_loop3A_1664, %parallel_loop3A_1665], %parallel_loop3A_1663 {add = true, strides = array<i32>} : memref<64x256xf32, #tpu.memory_space<vmem>>, vector<16xf32>,
          %parallel_loop3A_1667 = arith.index_cast %parallel_loop3A_1648 : i32 to index
          %parallel_loop3A_1668 = arith.constant 48 : index
          %parallel_loop3A_1669 = tpu.vector_load %arg18[%parallel_loop3A_1667, %parallel_loop3A_1668] {strides = array<i32>} : memref<64x256xf32, #tpu.memory_space<vmem>>, vector<16xf32>,
          %parallel_loop3A_1670 = arith.index_cast %parallel_loop3A_1648 : i32 to index
          %parallel_loop3A_1671 = arith.constant 48 : index
          %parallel_loop3A_1672 = tpu.vector_load %arg20[%parallel_loop3A_1670, %parallel_loop3A_1671] {strides = array<i32>} : memref<64x256xf32, #tpu.memory_space<vmem>>, vector<16xf32>,
          tpu.vector_store %arg20[%parallel_loop3A_1670, %parallel_loop3A_1671], %parallel_loop3A_1669 {add = true, strides = array<i32>} : memref<64x256xf32, #tpu.memory_space<vmem>>, vector<16xf32>,
          %parallel_loop3A_1673 = arith.index_cast %parallel_loop3A_1648 : i32 to index
          %parallel_loop3A_1674 = arith.constant 64 : index
          %parallel_loop3A_1675 = tpu.vector_load %arg18[%parallel_loop3A_1673, %parallel_loop3A_1674] {strides = array<i32>} : memref<64x256xf32, #tpu.memory_space<vmem>>, vector<16xf32>,
          %parallel_loop3A_1676 = arith.index_cast %parallel_loop3A_1648 : i32 to index
          %parallel_loop3A_1677 = arith.constant 64 : index
          %parallel_loop3A_1678 = tpu.vector_load %arg20[%parallel_loop3A_1676, %parallel_loop3A_1677] {strides = array<i32>} : memref<64x256xf32, #tpu.memory_space<vmem>>, vector<16xf32>,
          tpu.vector_store %arg20[%parallel_loop3A_1676, %parallel_loop3A_1677], %parallel_loop3A_1675 {add = true, strides = array<i32>} : memref<64x256xf32, #tpu.memory_space<vmem>>, vector<16xf32>,
          %parallel_loop3A_1679 = arith.index_cast %parallel_loop3A_1648 : i32 to index
          %parallel_loop3A_1680 = arith.constant 80 : index
          %parallel_loop3A_1681 = tpu.vector_load %arg18[%parallel_loop3A_1679, %parallel_loop3A_1680] {strides = array<i32>} : memref<64x256xf32, #tpu.memory_space<vmem>>, vector<16xf32>,
          %parallel_loop3A_1682 = arith.index_cast %parallel_loop3A_1648 : i32 to index
          %parallel_loop3A_1683 = arith.constant 80 : index
          %parallel_loop3A_1684 = tpu.vector_load %arg20[%parallel_loop3A_1682, %parallel_loop3A_1683] {strides = array<i32>} : memref<64x256xf32, #tpu.memory_space<vmem>>, vector<16xf32>,
          tpu.vector_store %arg20[%parallel_loop3A_1682, %parallel_loop3A_1683], %parallel_loop3A_1681 {add = true, strides = array<i32>} : memref<64x256xf32, #tpu.memory_space<vmem>>, vector<16xf32>,
          %parallel_loop3A_1685 = arith.index_cast %parallel_loop3A_1648 : i32 to index
          %parallel_loop3A_1686 = arith.constant 96 : index
          %parallel_loop3A_1687 = tpu.vector_load %arg18[%parallel_loop3A_1685, %parallel_loop3A_1686] {strides = array<i32>} : memref<64x256xf32, #tpu.memory_space<vmem>>, vector<16xf32>,
          %parallel_loop3A_1688 = arith.index_cast %parallel_loop3A_1648 : i32 to index
          %parallel_loop3A_1689 = arith.constant 96 : index
          %parallel_loop3A_1690 = tpu.vector_load %arg20[%parallel_loop3A_1688, %parallel_loop3A_1689] {strides = array<i32>} : memref<64x256xf32, #tpu.memory_space<vmem>>, vector<16xf32>,
          tpu.vector_store %arg20[%parallel_loop3A_1688, %parallel_loop3A_1689], %parallel_loop3A_1687 {add = true, strides = array<i32>} : memref<64x256xf32, #tpu.memory_space<vmem>>, vector<16xf32>,
          %parallel_loop3A_1691 = arith.index_cast %parallel_loop3A_1648 : i32 to index
          %parallel_loop3A_1692 = arith.constant 112 : index
          %parallel_loop3A_1693 = tpu.vector_load %arg18[%parallel_loop3A_1691, %parallel_loop3A_1692] {strides = array<i32>} : memref<64x256xf32, #tpu.memory_space<vmem>>, vector<16xf32>,
          %parallel_loop3A_1694 = arith.index_cast %parallel_loop3A_1648 : i32 to index
          %parallel_loop3A_1695 = arith.constant 112 : index
          %parallel_loop3A_1696 = tpu.vector_load %arg20[%parallel_loop3A_1694, %parallel_loop3A_1695] {strides = array<i32>} : memref<64x256xf32, #tpu.memory_space<vmem>>, vector<16xf32>,
          tpu.vector_store %arg20[%parallel_loop3A_1694, %parallel_loop3A_1695], %parallel_loop3A_1693 {add = true, strides = array<i32>} : memref<64x256xf32, #tpu.memory_space<vmem>>, vector<16xf32>,
          %parallel_loop3A_1697 = arith.index_cast %parallel_loop3A_1648 : i32 to index
          %parallel_loop3A_1698 = arith.constant 128 : index
          %parallel_loop3A_1699 = tpu.vector_load %arg18[%parallel_loop3A_1697, %parallel_loop3A_1698] {strides = array<i32>} : memref<64x256xf32, #tpu.memory_space<vmem>>, vector<16xf32>,
          %parallel_loop3A_1700 = arith.index_cast %parallel_loop3A_1648 : i32 to index
          %parallel_loop3A_1701 = arith.constant 128 : index
          %parallel_loop3A_1702 = tpu.vector_load %arg20[%parallel_loop3A_1700, %parallel_loop3A_1701] {strides = array<i32>} : memref<64x256xf32, #tpu.memory_space<vmem>>, vector<16xf32>,
          tpu.vector_store %arg20[%parallel_loop3A_1700, %parallel_loop3A_1701], %parallel_loop3A_1699 {add = true, strides = array<i32>} : memref<64x256xf32, #tpu.memory_space<vmem>>, vector<16xf32>,
          %parallel_loop3A_1703 = arith.index_cast %parallel_loop3A_1648 : i32 to index
          %parallel_loop3A_1704 = arith.constant 144 : index
          %parallel_loop3A_1705 = tpu.vector_load %arg18[%parallel_loop3A_1703, %parallel_loop3A_1704] {strides = array<i32>} : memref<64x256xf32, #tpu.memory_space<vmem>>, vector<16xf32>,
          %parallel_loop3A_1706 = arith.index_cast %parallel_loop3A_1648 : i32 to index
          %parallel_loop3A_1707 = arith.constant 144 : index
          %parallel_loop3A_1708 = tpu.vector_load %arg20[%parallel_loop3A_1706, %parallel_loop3A_1707] {strides = array<i32>} : memref<64x256xf32, #tpu.memory_space<vmem>>, vector<16xf32>,
          tpu.vector_store %arg20[%parallel_loop3A_1706, %parallel_loop3A_1707], %parallel_loop3A_1705 {add = true, strides = array<i32>} : memref<64x256xf32, #tpu.memory_space<vmem>>, vector<16xf32>,
          %parallel_loop3A_1709 = arith.index_cast %parallel_loop3A_1648 : i32 to index
          %parallel_loop3A_1710 = arith.constant 160 : index
          %parallel_loop3A_1711 = tpu.vector_load %arg18[%parallel_loop3A_1709, %parallel_loop3A_1710] {strides = array<i32>} : memref<64x256xf32, #tpu.memory_space<vmem>>, vector<16xf32>,
          %parallel_loop3A_1712 = arith.index_cast %parallel_loop3A_1648 : i32 to index
          %parallel_loop3A_1713 = arith.constant 160 : index
          %parallel_loop3A_1714 = tpu.vector_load %arg20[%parallel_loop3A_1712, %parallel_loop3A_1713] {strides = array<i32>} : memref<64x256xf32, #tpu.memory_space<vmem>>, vector<16xf32>,
          tpu.vector_store %arg20[%parallel_loop3A_1712, %parallel_loop3A_1713], %parallel_loop3A_1711 {add = true, strides = array<i32>} : memref<64x256xf32, #tpu.memory_space<vmem>>, vector<16xf32>,
          %parallel_loop3A_1715 = arith.index_cast %parallel_loop3A_1648 : i32 to index
          %parallel_loop3A_1716 = arith.constant 176 : index
          %parallel_loop3A_1717 = tpu.vector_load %arg18[%parallel_loop3A_1715, %parallel_loop3A_1716] {strides = array<i32>} : memref<64x256xf32, #tpu.memory_space<vmem>>, vector<16xf32>,
          %parallel_loop3A_1718 = arith.index_cast %parallel_loop3A_1648 : i32 to index
          %parallel_loop3A_1719 = arith.constant 176 : index
          %parallel_loop3A_1720 = tpu.vector_load %arg20[%parallel_loop3A_1718, %parallel_loop3A_1719] {strides = array<i32>} : memref<64x256xf32, #tpu.memory_space<vmem>>, vector<16xf32>,
          tpu.vector_store %arg20[%parallel_loop3A_1718, %parallel_loop3A_1719], %parallel_loop3A_1717 {add = true, strides = array<i32>} : memref<64x256xf32, #tpu.memory_space<vmem>>, vector<16xf32>,
          %parallel_loop3A_1721 = arith.index_cast %parallel_loop3A_1648 : i32 to index
          %parallel_loop3A_1722 = arith.constant 192 : index
          %parallel_loop3A_1723 = tpu.vector_load %arg18[%parallel_loop3A_1721, %parallel_loop3A_1722] {strides = array<i32>} : memref<64x256xf32, #tpu.memory_space<vmem>>, vector<16xf32>,
          %parallel_loop3A_1724 = arith.index_cast %parallel_loop3A_1648 : i32 to index
          %parallel_loop3A_1725 = arith.constant 192 : index
          %parallel_loop3A_1726 = tpu.vector_load %arg20[%parallel_loop3A_1724, %parallel_loop3A_1725] {strides = array<i32>} : memref<64x256xf32, #tpu.memory_space<vmem>>, vector<16xf32>,
          tpu.vector_store %arg20[%parallel_loop3A_1724, %parallel_loop3A_1725], %parallel_loop3A_1723 {add = true, strides = array<i32>} : memref<64x256xf32, #tpu.memory_space<vmem>>, vector<16xf32>,
          %parallel_loop3A_1727 = arith.index_cast %parallel_loop3A_1648 : i32 to index
          %parallel_loop3A_1728 = arith.constant 208 : index
          %parallel_loop3A_1729 = tpu.vector_load %arg18[%parallel_loop3A_1727, %parallel_loop3A_1728] {strides = array<i32>} : memref<64x256xf32, #tpu.memory_space<vmem>>, vector<16xf32>,
          %parallel_loop3A_1730 = arith.index_cast %parallel_loop3A_1648 : i32 to index
          %parallel_loop3A_1731 = arith.constant 208 : index
          %parallel_loop3A_1732 = tpu.vector_load %arg20[%parallel_loop3A_1730, %parallel_loop3A_1731] {strides = array<i32>} : memref<64x256xf32, #tpu.memory_space<vmem>>, vector<16xf32>,
          tpu.vector_store %arg20[%parallel_loop3A_1730, %parallel_loop3A_1731], %parallel_loop3A_1729 {add = true, strides = array<i32>} : memref<64x256xf32, #tpu.memory_space<vmem>>, vector<16xf32>,
          %parallel_loop3A_1733 = arith.index_cast %parallel_loop3A_1648 : i32 to index
          %parallel_loop3A_1734 = arith.constant 224 : index
          %parallel_loop3A_1735 = tpu.vector_load %arg18[%parallel_loop3A_1733, %parallel_loop3A_1734] {strides = array<i32>} : memref<64x256xf32, #tpu.memory_space<vmem>>, vector<16xf32>,
          %parallel_loop3A_1736 = arith.index_cast %parallel_loop3A_1648 : i32 to index
          %parallel_loop3A_1737 = arith.constant 224 : index
          %parallel_loop3A_1738 = tpu.vector_load %arg20[%parallel_loop3A_1736, %parallel_loop3A_1737] {strides = array<i32>} : memref<64x256xf32, #tpu.memory_space<vmem>>, vector<16xf32>,
          tpu.vector_store %arg20[%parallel_loop3A_1736, %parallel_loop3A_1737], %parallel_loop3A_1735 {add = true, strides = array<i32>} : memref<64x256xf32, #tpu.memory_space<vmem>>, vector<16xf32>,
          %parallel_loop3A_1739 = arith.index_cast %parallel_loop3A_1648 : i32 to index
          %parallel_loop3A_1740 = arith.constant 240 : index
          %parallel_loop3A_1741 = tpu.vector_load %arg18[%parallel_loop3A_1739, %parallel_loop3A_1740] {strides = array<i32>} : memref<64x256xf32, #tpu.memory_space<vmem>>, vector<16xf32>,
          %parallel_loop3A_1742 = arith.index_cast %parallel_loop3A_1648 : i32 to index
          %parallel_loop3A_1743 = arith.constant 240 : index
          %parallel_loop3A_1744 = tpu.vector_load %arg20[%parallel_loop3A_1742, %parallel_loop3A_1743] {strides = array<i32>} : memref<64x256xf32, #tpu.memory_space<vmem>>, vector<16xf32>,
          tpu.vector_store %arg20[%parallel_loop3A_1742, %parallel_loop3A_1743], %parallel_loop3A_1741 {add = true, strides = array<i32>} : memref<64x256xf32, #tpu.memory_space<vmem>>, vector<16xf32>,
        } {sc.loop_unroll_factor = 2 : i64, sc.parallel_access}
        %add3A_1641 = arith.constant 3 : i32
        %add3A_1642 = arith.addi %add3A_1616, %add3A_1641 : i32
        %lt3A_1643 = arith.constant 27 : i32
        %lt3A_1644 = arith.cmpi slt, %add3A_1642, %lt3A_1643 : i32
        %convert_element_type3A_1645 = arith.extui %lt3A_1644 : i1 to i32
        %cond3A_1646 = arith.constant 0 : i32
        %cond3A_1647 = arith.cmpi ne, %convert_element_type3A_1645, %cond3A_1646 : i32
        scf.if %cond3A_1647 {
          %add3A_1648 = arith.constant 3 : i32
          %add3A_1649 = arith.addi %add3A_1616, %add3A_1648 : i32
          %mul3A_1650 = arith.constant 320 : i32
          %mul3A_1651 = arith.muli %add3A_1649, %mul3A_1650 : i32
          %mul3A_1652 = arith.constant 64 : i32
          %mul3A_1653 = arith.muli %scan3A_1443, %mul3A_1652 : i32
          %add3A_1654 = arith.addi %mul3A_1651, %mul3A_1653 : i32
          %add3A_1655 = arith.constant 0 : i32
          %add3A_1656 = arith.addi %add3A_1654, %add3A_1655 : i32
          %get3A_1657 = arith.index_cast %add3A_1656 : i32 to index
          %get3A_1658 = tpu.vector_load %arg9[%get3A_1657] {strides = array<i32>} : memref<8640xi32, #tpu.memory_space<vmem>>, vector<16xi32>,
          %swap3A_1659 = arith.constant 0 : index
          %swap3A_1660 = tpu.vector_load %arg10[%swap3A_1659] {strides = array<i32>} : memref<64xi32, #tpu.memory_space<vmem>>, vector<16xi32>,
          tpu.vector_store %arg10[%swap3A_1659], %get3A_1658 {strides = array<i32>} : memref<64xi32, #tpu.memory_space<vmem>>, vector<16xi32>,
          %mul3A_1661 = arith.constant 320 : i32
          %mul3A_1662 = arith.muli %add3A_1649, %mul3A_1661 : i32
          %mul3A_1663 = arith.constant 64 : i32
          %mul3A_1664 = arith.muli %scan3A_1443, %mul3A_1663 : i32
          %add3A_1665 = arith.addi %mul3A_1662, %mul3A_1664 : i32
          %add3A_1666 = arith.constant 16 : i32
          %add3A_1667 = arith.addi %add3A_1665, %add3A_1666 : i32
          %get3A_1668 = arith.index_cast %add3A_1667 : i32 to index
          %get3A_1669 = tpu.vector_load %arg9[%get3A_1668] {strides = array<i32>} : memref<8640xi32, #tpu.memory_space<vmem>>, vector<16xi32>,
          %swap3A_1670 = arith.constant 16 : index
          %swap3A_1671 = tpu.vector_load %arg10[%swap3A_1670] {strides = array<i32>} : memref<64xi32, #tpu.memory_space<vmem>>, vector<16xi32>,
          tpu.vector_store %arg10[%swap3A_1670], %get3A_1669 {strides = array<i32>} : memref<64xi32, #tpu.memory_space<vmem>>, vector<16xi32>,
          %mul3A_1672 = arith.constant 320 : i32
          %mul3A_1673 = arith.muli %add3A_1649, %mul3A_1672 : i32
          %mul3A_1674 = arith.constant 64 : i32
          %mul3A_1675 = arith.muli %scan3A_1443, %mul3A_1674 : i32
          %add3A_1676 = arith.addi %mul3A_1673, %mul3A_1675 : i32
          %add3A_1677 = arith.constant 32 : i32
          %add3A_1678 = arith.addi %add3A_1676, %add3A_1677 : i32
          %get3A_1679 = arith.index_cast %add3A_1678 : i32 to index
          %get3A_1680 = tpu.vector_load %arg9[%get3A_1679] {strides = array<i32>} : memref<8640xi32, #tpu.memory_space<vmem>>, vector<16xi32>,
          %swap3A_1681 = arith.constant 32 : index
          %swap3A_1682 = tpu.vector_load %arg10[%swap3A_1681] {strides = array<i32>} : memref<64xi32, #tpu.memory_space<vmem>>, vector<16xi32>,
          tpu.vector_store %arg10[%swap3A_1681], %get3A_1680 {strides = array<i32>} : memref<64xi32, #tpu.memory_space<vmem>>, vector<16xi32>,
          %mul3A_1683 = arith.constant 320 : i32
          %mul3A_1684 = arith.muli %add3A_1649, %mul3A_1683 : i32
          %mul3A_1685 = arith.constant 64 : i32
          %mul3A_1686 = arith.muli %scan3A_1443, %mul3A_1685 : i32
          %add3A_1687 = arith.addi %mul3A_1684, %mul3A_1686 : i32
          %add3A_1688 = arith.constant 48 : i32
          %add3A_1689 = arith.addi %add3A_1687, %add3A_1688 : i32
          %get3A_1690 = arith.index_cast %add3A_1689 : i32 to index
          %get3A_1691 = tpu.vector_load %arg9[%get3A_1690] {strides = array<i32>} : memref<8640xi32, #tpu.memory_space<vmem>>, vector<16xi32>,
          %swap3A_1692 = arith.constant 48 : index
          %swap3A_1693 = tpu.vector_load %arg10[%swap3A_1692] {strides = array<i32>} : memref<64xi32, #tpu.memory_space<vmem>>, vector<16xi32>,
          tpu.vector_store %arg10[%swap3A_1692], %get3A_1691 {strides = array<i32>} : memref<64xi32, #tpu.memory_space<vmem>>, vector<16xi32>,
          %dma_start3A_1694 = arith.constant 0 : i32
          %dma_start3A_1695 = arith.constant 0 : i32
          %dma_start3A_1696 = tpu.memref_slice %arg3[%dma_start3A_1694, %dma_start3A_1695] : memref<276480x256xf32, #tpu.memory_space<hbm>> -> memref<276480x256xf32, #tpu.memory_space<hbm>>
          tpu.enqueue_indirect_dma source(%dma_start3A_1696 : memref<276480x256xf32, #tpu.memory_space<hbm>>) target(%arg18 : memref<64x256xf32, #tpu.memory_space<vmem>>) offsets(%arg10 : memref<64xi32, #tpu.memory_space<vmem>>) semaphore(%arg21 : memref<!tpu.dma_semaphore, #tpu.memory_space<semaphore_mem>>)
        } else {
        }
      }
      %scan3A_1586 = arith.constant 12 : i32
      %dma_wait3A_1587 = arith.constant 0 : i32
      %dma_wait3A_1588 = arith.constant 0 : i32
      %dma_wait3A_1589 = tpu.memref_slice %arg3[%dma_wait3A_1587, %dma_wait3A_1588] : memref<276480x256xf32, #tpu.memory_space<hbm>> -> memref<64x256xf32, #tpu.memory_space<hbm>>
      %dma_wait3A_1590 = arith.constant 0 : i32
      %dma_wait3A_1591 = arith.constant 0 : i32
      %dma_wait3A_1592 = tpu.memref_slice %arg3[%dma_wait3A_1590, %dma_wait3A_1591] : memref<276480x256xf32, #tpu.memory_space<hbm>> -> memref<64x256xf32, #tpu.memory_space<hbm>>
      tpu.wait_dma2 semaphore(%arg22 : memref<!tpu.dma_semaphore, #tpu.memory_space<semaphore_mem>>) src(%dma_wait3A_1592 : memref<64x256xf32, #tpu.memory_space<hbm>>) dst(%arg19 : memref<64x256xf32, #tpu.memory_space<vmem>>)
      %parallel_loop3A_1593 = arith.constant 0 : i32
      %parallel_loop3A_1594 = arith.constant 64 : i32
      %parallel_loop3A_1595 = arith.constant 1 : i32
      scf.for %parallel_loop3A_1612 = %parallel_loop3A_1593 to %parallel_loop3A_1594 step %parallel_loop3A_1595  : i32 {
        %parallel_loop3A_1613 = arith.index_cast %parallel_loop3A_1612 : i32 to index
        %parallel_loop3A_1614 = arith.constant 0 : index
        %parallel_loop3A_1615 = tpu.vector_load %arg19[%parallel_loop3A_1613, %parallel_loop3A_1614] {strides = array<i32>} : memref<64x256xf32, #tpu.memory_space<vmem>>, vector<16xf32>,
        %parallel_loop3A_1616 = arith.index_cast %parallel_loop3A_1612 : i32 to index
        %parallel_loop3A_1617 = arith.constant 0 : index
        %parallel_loop3A_1618 = tpu.vector_load %arg20[%parallel_loop3A_1616, %parallel_loop3A_1617] {strides = array<i32>} : memref<64x256xf32, #tpu.memory_space<vmem>>, vector<16xf32>,
        tpu.vector_store %arg20[%parallel_loop3A_1616, %parallel_loop3A_1617], %parallel_loop3A_1615 {add = true, strides = array<i32>} : memref<64x256xf32, #tpu.memory_space<vmem>>, vector<16xf32>,
        %parallel_loop3A_1619 = arith.index_cast %parallel_loop3A_1612 : i32 to index
        %parallel_loop3A_1620 = arith.constant 16 : index
        %parallel_loop3A_1621 = tpu.vector_load %arg19[%parallel_loop3A_1619, %parallel_loop3A_1620] {strides = array<i32>} : memref<64x256xf32, #tpu.memory_space<vmem>>, vector<16xf32>,
        %parallel_loop3A_1622 = arith.index_cast %parallel_loop3A_1612 : i32 to index
        %parallel_loop3A_1623 = arith.constant 16 : index
        %parallel_loop3A_1624 = tpu.vector_load %arg20[%parallel_loop3A_1622, %parallel_loop3A_1623] {strides = array<i32>} : memref<64x256xf32, #tpu.memory_space<vmem>>, vector<16xf32>,
        tpu.vector_store %arg20[%parallel_loop3A_1622, %parallel_loop3A_1623], %parallel_loop3A_1621 {add = true, strides = array<i32>} : memref<64x256xf32, #tpu.memory_space<vmem>>, vector<16xf32>,
        %parallel_loop3A_1625 = arith.index_cast %parallel_loop3A_1612 : i32 to index
        %parallel_loop3A_1626 = arith.constant 32 : index
        %parallel_loop3A_1627 = tpu.vector_load %arg19[%parallel_loop3A_1625, %parallel_loop3A_1626] {strides = array<i32>} : memref<64x256xf32, #tpu.memory_space<vmem>>, vector<16xf32>,
        %parallel_loop3A_1628 = arith.index_cast %parallel_loop3A_1612 : i32 to index
        %parallel_loop3A_1629 = arith.constant 32 : index
        %parallel_loop3A_1630 = tpu.vector_load %arg20[%parallel_loop3A_1628, %parallel_loop3A_1629] {strides = array<i32>} : memref<64x256xf32, #tpu.memory_space<vmem>>, vector<16xf32>,
        tpu.vector_store %arg20[%parallel_loop3A_1628, %parallel_loop3A_1629], %parallel_loop3A_1627 {add = true, strides = array<i32>} : memref<64x256xf32, #tpu.memory_space<vmem>>, vector<16xf32>,
        %parallel_loop3A_1631 = arith.index_cast %parallel_loop3A_1612 : i32 to index
        %parallel_loop3A_1632 = arith.constant 48 : index
        %parallel_loop3A_1633 = tpu.vector_load %arg19[%parallel_loop3A_1631, %parallel_loop3A_1632] {strides = array<i32>} : memref<64x256xf32, #tpu.memory_space<vmem>>, vector<16xf32>,
        %parallel_loop3A_1634 = arith.index_cast %parallel_loop3A_1612 : i32 to index
        %parallel_loop3A_1635 = arith.constant 48 : index
        %parallel_loop3A_1636 = tpu.vector_load %arg20[%parallel_loop3A_1634, %parallel_loop3A_1635] {strides = array<i32>} : memref<64x256xf32, #tpu.memory_space<vmem>>, vector<16xf32>,
        tpu.vector_store %arg20[%parallel_loop3A_1634, %parallel_loop3A_1635], %parallel_loop3A_1633 {add = true, strides = array<i32>} : memref<64x256xf32, #tpu.memory_space<vmem>>, vector<16xf32>,
        %parallel_loop3A_1637 = arith.index_cast %parallel_loop3A_1612 : i32 to index
        %parallel_loop3A_1638 = arith.constant 64 : index
        %parallel_loop3A_1639 = tpu.vector_load %arg19[%parallel_loop3A_1637, %parallel_loop3A_1638] {strides = array<i32>} : memref<64x256xf32, #tpu.memory_space<vmem>>, vector<16xf32>,
        %parallel_loop3A_1640 = arith.index_cast %parallel_loop3A_1612 : i32 to index
        %parallel_loop3A_1641 = arith.constant 64 : index
        %parallel_loop3A_1642 = tpu.vector_load %arg20[%parallel_loop3A_1640, %parallel_loop3A_1641] {strides = array<i32>} : memref<64x256xf32, #tpu.memory_space<vmem>>, vector<16xf32>,
        tpu.vector_store %arg20[%parallel_loop3A_1640, %parallel_loop3A_1641], %parallel_loop3A_1639 {add = true, strides = array<i32>} : memref<64x256xf32, #tpu.memory_space<vmem>>, vector<16xf32>,
        %parallel_loop3A_1643 = arith.index_cast %parallel_loop3A_1612 : i32 to index
        %parallel_loop3A_1644 = arith.constant 80 : index
        %parallel_loop3A_1645 = tpu.vector_load %arg19[%parallel_loop3A_1643, %parallel_loop3A_1644] {strides = array<i32>} : memref<64x256xf32, #tpu.memory_space<vmem>>, vector<16xf32>,
        %parallel_loop3A_1646 = arith.index_cast %parallel_loop3A_1612 : i32 to index
        %parallel_loop3A_1647 = arith.constant 80 : index
        %parallel_loop3A_1648 = tpu.vector_load %arg20[%parallel_loop3A_1646, %parallel_loop3A_1647] {strides = array<i32>} : memref<64x256xf32, #tpu.memory_space<vmem>>, vector<16xf32>,
        tpu.vector_store %arg20[%parallel_loop3A_1646, %parallel_loop3A_1647], %parallel_loop3A_1645 {add = true, strides = array<i32>} : memref<64x256xf32, #tpu.memory_space<vmem>>, vector<16xf32>,
        %parallel_loop3A_1649 = arith.index_cast %parallel_loop3A_1612 : i32 to index
        %parallel_loop3A_1650 = arith.constant 96 : index
        %parallel_loop3A_1651 = tpu.vector_load %arg19[%parallel_loop3A_1649, %parallel_loop3A_1650] {strides = array<i32>} : memref<64x256xf32, #tpu.memory_space<vmem>>, vector<16xf32>,
        %parallel_loop3A_1652 = arith.index_cast %parallel_loop3A_1612 : i32 to index
        %parallel_loop3A_1653 = arith.constant 96 : index
        %parallel_loop3A_1654 = tpu.vector_load %arg20[%parallel_loop3A_1652, %parallel_loop3A_1653] {strides = array<i32>} : memref<64x256xf32, #tpu.memory_space<vmem>>, vector<16xf32>,
        tpu.vector_store %arg20[%parallel_loop3A_1652, %parallel_loop3A_1653], %parallel_loop3A_1651 {add = true, strides = array<i32>} : memref<64x256xf32, #tpu.memory_space<vmem>>, vector<16xf32>,
        %parallel_loop3A_1655 = arith.index_cast %parallel_loop3A_1612 : i32 to index
        %parallel_loop3A_1656 = arith.constant 112 : index
        %parallel_loop3A_1657 = tpu.vector_load %arg19[%parallel_loop3A_1655, %parallel_loop3A_1656] {strides = array<i32>} : memref<64x256xf32, #tpu.memory_space<vmem>>, vector<16xf32>,
        %parallel_loop3A_1658 = arith.index_cast %parallel_loop3A_1612 : i32 to index
        %parallel_loop3A_1659 = arith.constant 112 : index
        %parallel_loop3A_1660 = tpu.vector_load %arg20[%parallel_loop3A_1658, %parallel_loop3A_1659] {strides = array<i32>} : memref<64x256xf32, #tpu.memory_space<vmem>>, vector<16xf32>,
        tpu.vector_store %arg20[%parallel_loop3A_1658, %parallel_loop3A_1659], %parallel_loop3A_1657 {add = true, strides = array<i32>} : memref<64x256xf32, #tpu.memory_space<vmem>>, vector<16xf32>,
        %parallel_loop3A_1661 = arith.index_cast %parallel_loop3A_1612 : i32 to index
        %parallel_loop3A_1662 = arith.constant 128 : index
        %parallel_loop3A_1663 = tpu.vector_load %arg19[%parallel_loop3A_1661, %parallel_loop3A_1662] {strides = array<i32>} : memref<64x256xf32, #tpu.memory_space<vmem>>, vector<16xf32>,
        %parallel_loop3A_1664 = arith.index_cast %parallel_loop3A_1612 : i32 to index
        %parallel_loop3A_1665 = arith.constant 128 : index
        %parallel_loop3A_1666 = tpu.vector_load %arg20[%parallel_loop3A_1664, %parallel_loop3A_1665] {strides = array<i32>} : memref<64x256xf32, #tpu.memory_space<vmem>>, vector<16xf32>,
        tpu.vector_store %arg20[%parallel_loop3A_1664, %parallel_loop3A_1665], %parallel_loop3A_1663 {add = true, strides = array<i32>} : memref<64x256xf32, #tpu.memory_space<vmem>>, vector<16xf32>,
        %parallel_loop3A_1667 = arith.index_cast %parallel_loop3A_1612 : i32 to index
        %parallel_loop3A_1668 = arith.constant 144 : index
        %parallel_loop3A_1669 = tpu.vector_load %arg19[%parallel_loop3A_1667, %parallel_loop3A_1668] {strides = array<i32>} : memref<64x256xf32, #tpu.memory_space<vmem>>, vector<16xf32>,
        %parallel_loop3A_1670 = arith.index_cast %parallel_loop3A_1612 : i32 to index
        %parallel_loop3A_1671 = arith.constant 144 : index
        %parallel_loop3A_1672 = tpu.vector_load %arg20[%parallel_loop3A_1670, %parallel_loop3A_1671] {strides = array<i32>} : memref<64x256xf32, #tpu.memory_space<vmem>>, vector<16xf32>,
        tpu.vector_store %arg20[%parallel_loop3A_1670, %parallel_loop3A_1671], %parallel_loop3A_1669 {add = true, strides = array<i32>} : memref<64x256xf32, #tpu.memory_space<vmem>>, vector<16xf32>,
        %parallel_loop3A_1673 = arith.index_cast %parallel_loop3A_1612 : i32 to index
        %parallel_loop3A_1674 = arith.constant 160 : index
        %parallel_loop3A_1675 = tpu.vector_load %arg19[%parallel_loop3A_1673, %parallel_loop3A_1674] {strides = array<i32>} : memref<64x256xf32, #tpu.memory_space<vmem>>, vector<16xf32>,
        %parallel_loop3A_1676 = arith.index_cast %parallel_loop3A_1612 : i32 to index
        %parallel_loop3A_1677 = arith.constant 160 : index
        %parallel_loop3A_1678 = tpu.vector_load %arg20[%parallel_loop3A_1676, %parallel_loop3A_1677] {strides = array<i32>} : memref<64x256xf32, #tpu.memory_space<vmem>>, vector<16xf32>,
        tpu.vector_store %arg20[%parallel_loop3A_1676, %parallel_loop3A_1677], %parallel_loop3A_1675 {add = true, strides = array<i32>} : memref<64x256xf32, #tpu.memory_space<vmem>>, vector<16xf32>,
        %parallel_loop3A_1679 = arith.index_cast %parallel_loop3A_1612 : i32 to index
        %parallel_loop3A_1680 = arith.constant 176 : index
        %parallel_loop3A_1681 = tpu.vector_load %arg19[%parallel_loop3A_1679, %parallel_loop3A_1680] {strides = array<i32>} : memref<64x256xf32, #tpu.memory_space<vmem>>, vector<16xf32>,
        %parallel_loop3A_1682 = arith.index_cast %parallel_loop3A_1612 : i32 to index
        %parallel_loop3A_1683 = arith.constant 176 : index
        %parallel_loop3A_1684 = tpu.vector_load %arg20[%parallel_loop3A_1682, %parallel_loop3A_1683] {strides = array<i32>} : memref<64x256xf32, #tpu.memory_space<vmem>>, vector<16xf32>,
        tpu.vector_store %arg20[%parallel_loop3A_1682, %parallel_loop3A_1683], %parallel_loop3A_1681 {add = true, strides = array<i32>} : memref<64x256xf32, #tpu.memory_space<vmem>>, vector<16xf32>,
        %parallel_loop3A_1685 = arith.index_cast %parallel_loop3A_1612 : i32 to index
        %parallel_loop3A_1686 = arith.constant 192 : index
        %parallel_loop3A_1687 = tpu.vector_load %arg19[%parallel_loop3A_1685, %parallel_loop3A_1686] {strides = array<i32>} : memref<64x256xf32, #tpu.memory_space<vmem>>, vector<16xf32>,
        %parallel_loop3A_1688 = arith.index_cast %parallel_loop3A_1612 : i32 to index
        %parallel_loop3A_1689 = arith.constant 192 : index
        %parallel_loop3A_1690 = tpu.vector_load %arg20[%parallel_loop3A_1688, %parallel_loop3A_1689] {strides = array<i32>} : memref<64x256xf32, #tpu.memory_space<vmem>>, vector<16xf32>,
        tpu.vector_store %arg20[%parallel_loop3A_1688, %parallel_loop3A_1689], %parallel_loop3A_1687 {add = true, strides = array<i32>} : memref<64x256xf32, #tpu.memory_space<vmem>>, vector<16xf32>,
        %parallel_loop3A_1691 = arith.index_cast %parallel_loop3A_1612 : i32 to index
        %parallel_loop3A_1692 = arith.constant 208 : index
        %parallel_loop3A_1693 = tpu.vector_load %arg19[%parallel_loop3A_1691, %parallel_loop3A_1692] {strides = array<i32>} : memref<64x256xf32, #tpu.memory_space<vmem>>, vector<16xf32>,
        %parallel_loop3A_1694 = arith.index_cast %parallel_loop3A_1612 : i32 to index
        %parallel_loop3A_1695 = arith.constant 208 : index
        %parallel_loop3A_1696 = tpu.vector_load %arg20[%parallel_loop3A_1694, %parallel_loop3A_1695] {strides = array<i32>} : memref<64x256xf32, #tpu.memory_space<vmem>>, vector<16xf32>,
        tpu.vector_store %arg20[%parallel_loop3A_1694, %parallel_loop3A_1695], %parallel_loop3A_1693 {add = true, strides = array<i32>} : memref<64x256xf32, #tpu.memory_space<vmem>>, vector<16xf32>,
        %parallel_loop3A_1697 = arith.index_cast %parallel_loop3A_1612 : i32 to index
        %parallel_loop3A_1698 = arith.constant 224 : index
        %parallel_loop3A_1699 = tpu.vector_load %arg19[%parallel_loop3A_1697, %parallel_loop3A_1698] {strides = array<i32>} : memref<64x256xf32, #tpu.memory_space<vmem>>, vector<16xf32>,
        %parallel_loop3A_1700 = arith.index_cast %parallel_loop3A_1612 : i32 to index
        %parallel_loop3A_1701 = arith.constant 224 : index
        %parallel_loop3A_1702 = tpu.vector_load %arg20[%parallel_loop3A_1700, %parallel_loop3A_1701] {strides = array<i32>} : memref<64x256xf32, #tpu.memory_space<vmem>>, vector<16xf32>,
        tpu.vector_store %arg20[%parallel_loop3A_1700, %parallel_loop3A_1701], %parallel_loop3A_1699 {add = true, strides = array<i32>} : memref<64x256xf32, #tpu.memory_space<vmem>>, vector<16xf32>,
        %parallel_loop3A_1703 = arith.index_cast %parallel_loop3A_1612 : i32 to index
        %parallel_loop3A_1704 = arith.constant 240 : index
        %parallel_loop3A_1705 = tpu.vector_load %arg19[%parallel_loop3A_1703, %parallel_loop3A_1704] {strides = array<i32>} : memref<64x256xf32, #tpu.memory_space<vmem>>, vector<16xf32>,
        %parallel_loop3A_1706 = arith.index_cast %parallel_loop3A_1612 : i32 to index
        %parallel_loop3A_1707 = arith.constant 240 : index
        %parallel_loop3A_1708 = tpu.vector_load %arg20[%parallel_loop3A_1706, %parallel_loop3A_1707] {strides = array<i32>} : memref<64x256xf32, #tpu.memory_space<vmem>>, vector<16xf32>,
        tpu.vector_store %arg20[%parallel_loop3A_1706, %parallel_loop3A_1707], %parallel_loop3A_1705 {add = true, strides = array<i32>} : memref<64x256xf32, #tpu.memory_space<vmem>>, vector<16xf32>,
      } {sc.loop_unroll_factor = 2 : i64, sc.parallel_access}
      %dma_wait3A_1596 = arith.constant 0 : i32
      %dma_wait3A_1597 = arith.constant 0 : i32
      %dma_wait3A_1598 = tpu.memref_slice %arg3[%dma_wait3A_1596, %dma_wait3A_1597] : memref<276480x256xf32, #tpu.memory_space<hbm>> -> memref<64x256xf32, #tpu.memory_space<hbm>>
      %dma_wait3A_1599 = arith.constant 0 : i32
      %dma_wait3A_1600 = arith.constant 0 : i32
      %dma_wait3A_1601 = tpu.memref_slice %arg3[%dma_wait3A_1599, %dma_wait3A_1600] : memref<276480x256xf32, #tpu.memory_space<hbm>> -> memref<64x256xf32, #tpu.memory_space<hbm>>
      tpu.wait_dma2 semaphore(%arg21 : memref<!tpu.dma_semaphore, #tpu.memory_space<semaphore_mem>>) src(%dma_wait3A_1601 : memref<64x256xf32, #tpu.memory_space<hbm>>) dst(%arg18 : memref<64x256xf32, #tpu.memory_space<vmem>>)
      %parallel_loop3A_1602 = arith.constant 0 : i32
      %parallel_loop3A_1603 = arith.constant 64 : i32
      %parallel_loop3A_1604 = arith.constant 1 : i32
      scf.for %parallel_loop3A_1612 = %parallel_loop3A_1602 to %parallel_loop3A_1603 step %parallel_loop3A_1604  : i32 {
        %parallel_loop3A_1613 = arith.index_cast %parallel_loop3A_1612 : i32 to index
        %parallel_loop3A_1614 = arith.constant 0 : index
        %parallel_loop3A_1615 = tpu.vector_load %arg18[%parallel_loop3A_1613, %parallel_loop3A_1614] {strides = array<i32>} : memref<64x256xf32, #tpu.memory_space<vmem>>, vector<16xf32>,
        %parallel_loop3A_1616 = arith.index_cast %parallel_loop3A_1612 : i32 to index
        %parallel_loop3A_1617 = arith.constant 0 : index
        %parallel_loop3A_1618 = tpu.vector_load %arg20[%parallel_loop3A_1616, %parallel_loop3A_1617] {strides = array<i32>} : memref<64x256xf32, #tpu.memory_space<vmem>>, vector<16xf32>,
        tpu.vector_store %arg20[%parallel_loop3A_1616, %parallel_loop3A_1617], %parallel_loop3A_1615 {add = true, strides = array<i32>} : memref<64x256xf32, #tpu.memory_space<vmem>>, vector<16xf32>,
        %parallel_loop3A_1619 = arith.index_cast %parallel_loop3A_1612 : i32 to index
        %parallel_loop3A_1620 = arith.constant 16 : index
        %parallel_loop3A_1621 = tpu.vector_load %arg18[%parallel_loop3A_1619, %parallel_loop3A_1620] {strides = array<i32>} : memref<64x256xf32, #tpu.memory_space<vmem>>, vector<16xf32>,
        %parallel_loop3A_1622 = arith.index_cast %parallel_loop3A_1612 : i32 to index
        %parallel_loop3A_1623 = arith.constant 16 : index
        %parallel_loop3A_1624 = tpu.vector_load %arg20[%parallel_loop3A_1622, %parallel_loop3A_1623] {strides = array<i32>} : memref<64x256xf32, #tpu.memory_space<vmem>>, vector<16xf32>,
        tpu.vector_store %arg20[%parallel_loop3A_1622, %parallel_loop3A_1623], %parallel_loop3A_1621 {add = true, strides = array<i32>} : memref<64x256xf32, #tpu.memory_space<vmem>>, vector<16xf32>,
        %parallel_loop3A_1625 = arith.index_cast %parallel_loop3A_1612 : i32 to index
        %parallel_loop3A_1626 = arith.constant 32 : index
        %parallel_loop3A_1627 = tpu.vector_load %arg18[%parallel_loop3A_1625, %parallel_loop3A_1626] {strides = array<i32>} : memref<64x256xf32, #tpu.memory_space<vmem>>, vector<16xf32>,
        %parallel_loop3A_1628 = arith.index_cast %parallel_loop3A_1612 : i32 to index
        %parallel_loop3A_1629 = arith.constant 32 : index
        %parallel_loop3A_1630 = tpu.vector_load %arg20[%parallel_loop3A_1628, %parallel_loop3A_1629] {strides = array<i32>} : memref<64x256xf32, #tpu.memory_space<vmem>>, vector<16xf32>,
        tpu.vector_store %arg20[%parallel_loop3A_1628, %parallel_loop3A_1629], %parallel_loop3A_1627 {add = true, strides = array<i32>} : memref<64x256xf32, #tpu.memory_space<vmem>>, vector<16xf32>,
        %parallel_loop3A_1631 = arith.index_cast %parallel_loop3A_1612 : i32 to index
        %parallel_loop3A_1632 = arith.constant 48 : index
        %parallel_loop3A_1633 = tpu.vector_load %arg18[%parallel_loop3A_1631, %parallel_loop3A_1632] {strides = array<i32>} : memref<64x256xf32, #tpu.memory_space<vmem>>, vector<16xf32>,
        %parallel_loop3A_1634 = arith.index_cast %parallel_loop3A_1612 : i32 to index
        %parallel_loop3A_1635 = arith.constant 48 : index
        %parallel_loop3A_1636 = tpu.vector_load %arg20[%parallel_loop3A_1634, %parallel_loop3A_1635] {strides = array<i32>} : memref<64x256xf32, #tpu.memory_space<vmem>>, vector<16xf32>,
        tpu.vector_store %arg20[%parallel_loop3A_1634, %parallel_loop3A_1635], %parallel_loop3A_1633 {add = true, strides = array<i32>} : memref<64x256xf32, #tpu.memory_space<vmem>>, vector<16xf32>,
        %parallel_loop3A_1637 = arith.index_cast %parallel_loop3A_1612 : i32 to index
        %parallel_loop3A_1638 = arith.constant 64 : index
        %parallel_loop3A_1639 = tpu.vector_load %arg18[%parallel_loop3A_1637, %parallel_loop3A_1638] {strides = array<i32>} : memref<64x256xf32, #tpu.memory_space<vmem>>, vector<16xf32>,
        %parallel_loop3A_1640 = arith.index_cast %parallel_loop3A_1612 : i32 to index
        %parallel_loop3A_1641 = arith.constant 64 : index
        %parallel_loop3A_1642 = tpu.vector_load %arg20[%parallel_loop3A_1640, %parallel_loop3A_1641] {strides = array<i32>} : memref<64x256xf32, #tpu.memory_space<vmem>>, vector<16xf32>,
        tpu.vector_store %arg20[%parallel_loop3A_1640, %parallel_loop3A_1641], %parallel_loop3A_1639 {add = true, strides = array<i32>} : memref<64x256xf32, #tpu.memory_space<vmem>>, vector<16xf32>,
        %parallel_loop3A_1643 = arith.index_cast %parallel_loop3A_1612 : i32 to index
        %parallel_loop3A_1644 = arith.constant 80 : index
        %parallel_loop3A_1645 = tpu.vector_load %arg18[%parallel_loop3A_1643, %parallel_loop3A_1644] {strides = array<i32>} : memref<64x256xf32, #tpu.memory_space<vmem>>, vector<16xf32>,
        %parallel_loop3A_1646 = arith.index_cast %parallel_loop3A_1612 : i32 to index
        %parallel_loop3A_1647 = arith.constant 80 : index
        %parallel_loop3A_1648 = tpu.vector_load %arg20[%parallel_loop3A_1646, %parallel_loop3A_1647] {strides = array<i32>} : memref<64x256xf32, #tpu.memory_space<vmem>>, vector<16xf32>,
        tpu.vector_store %arg20[%parallel_loop3A_1646, %parallel_loop3A_1647], %parallel_loop3A_1645 {add = true, strides = array<i32>} : memref<64x256xf32, #tpu.memory_space<vmem>>, vector<16xf32>,
        %parallel_loop3A_1649 = arith.index_cast %parallel_loop3A_1612 : i32 to index
        %parallel_loop3A_1650 = arith.constant 96 : index
        %parallel_loop3A_1651 = tpu.vector_load %arg18[%parallel_loop3A_1649, %parallel_loop3A_1650] {strides = array<i32>} : memref<64x256xf32, #tpu.memory_space<vmem>>, vector<16xf32>,
        %parallel_loop3A_1652 = arith.index_cast %parallel_loop3A_1612 : i32 to index
        %parallel_loop3A_1653 = arith.constant 96 : index
        %parallel_loop3A_1654 = tpu.vector_load %arg20[%parallel_loop3A_1652, %parallel_loop3A_1653] {strides = array<i32>} : memref<64x256xf32, #tpu.memory_space<vmem>>, vector<16xf32>,
        tpu.vector_store %arg20[%parallel_loop3A_1652, %parallel_loop3A_1653], %parallel_loop3A_1651 {add = true, strides = array<i32>} : memref<64x256xf32, #tpu.memory_space<vmem>>, vector<16xf32>,
        %parallel_loop3A_1655 = arith.index_cast %parallel_loop3A_1612 : i32 to index
        %parallel_loop3A_1656 = arith.constant 112 : index
        %parallel_loop3A_1657 = tpu.vector_load %arg18[%parallel_loop3A_1655, %parallel_loop3A_1656] {strides = array<i32>} : memref<64x256xf32, #tpu.memory_space<vmem>>, vector<16xf32>,
        %parallel_loop3A_1658 = arith.index_cast %parallel_loop3A_1612 : i32 to index
        %parallel_loop3A_1659 = arith.constant 112 : index
        %parallel_loop3A_1660 = tpu.vector_load %arg20[%parallel_loop3A_1658, %parallel_loop3A_1659] {strides = array<i32>} : memref<64x256xf32, #tpu.memory_space<vmem>>, vector<16xf32>,
        tpu.vector_store %arg20[%parallel_loop3A_1658, %parallel_loop3A_1659], %parallel_loop3A_1657 {add = true, strides = array<i32>} : memref<64x256xf32, #tpu.memory_space<vmem>>, vector<16xf32>,
        %parallel_loop3A_1661 = arith.index_cast %parallel_loop3A_1612 : i32 to index
        %parallel_loop3A_1662 = arith.constant 128 : index
        %parallel_loop3A_1663 = tpu.vector_load %arg18[%parallel_loop3A_1661, %parallel_loop3A_1662] {strides = array<i32>} : memref<64x256xf32, #tpu.memory_space<vmem>>, vector<16xf32>,
        %parallel_loop3A_1664 = arith.index_cast %parallel_loop3A_1612 : i32 to index
        %parallel_loop3A_1665 = arith.constant 128 : index
        %parallel_loop3A_1666 = tpu.vector_load %arg20[%parallel_loop3A_1664, %parallel_loop3A_1665] {strides = array<i32>} : memref<64x256xf32, #tpu.memory_space<vmem>>, vector<16xf32>,
        tpu.vector_store %arg20[%parallel_loop3A_1664, %parallel_loop3A_1665], %parallel_loop3A_1663 {add = true, strides = array<i32>} : memref<64x256xf32, #tpu.memory_space<vmem>>, vector<16xf32>,
        %parallel_loop3A_1667 = arith.index_cast %parallel_loop3A_1612 : i32 to index
        %parallel_loop3A_1668 = arith.constant 144 : index
        %parallel_loop3A_1669 = tpu.vector_load %arg18[%parallel_loop3A_1667, %parallel_loop3A_1668] {strides = array<i32>} : memref<64x256xf32, #tpu.memory_space<vmem>>, vector<16xf32>,
        %parallel_loop3A_1670 = arith.index_cast %parallel_loop3A_1612 : i32 to index
        %parallel_loop3A_1671 = arith.constant 144 : index
        %parallel_loop3A_1672 = tpu.vector_load %arg20[%parallel_loop3A_1670, %parallel_loop3A_1671] {strides = array<i32>} : memref<64x256xf32, #tpu.memory_space<vmem>>, vector<16xf32>,
        tpu.vector_store %arg20[%parallel_loop3A_1670, %parallel_loop3A_1671], %parallel_loop3A_1669 {add = true, strides = array<i32>} : memref<64x256xf32, #tpu.memory_space<vmem>>, vector<16xf32>,
        %parallel_loop3A_1673 = arith.index_cast %parallel_loop3A_1612 : i32 to index
        %parallel_loop3A_1674 = arith.constant 160 : index
        %parallel_loop3A_1675 = tpu.vector_load %arg18[%parallel_loop3A_1673, %parallel_loop3A_1674] {strides = array<i32>} : memref<64x256xf32, #tpu.memory_space<vmem>>, vector<16xf32>,
        %parallel_loop3A_1676 = arith.index_cast %parallel_loop3A_1612 : i32 to index
        %parallel_loop3A_1677 = arith.constant 160 : index
        %parallel_loop3A_1678 = tpu.vector_load %arg20[%parallel_loop3A_1676, %parallel_loop3A_1677] {strides = array<i32>} : memref<64x256xf32, #tpu.memory_space<vmem>>, vector<16xf32>,
        tpu.vector_store %arg20[%parallel_loop3A_1676, %parallel_loop3A_1677], %parallel_loop3A_1675 {add = true, strides = array<i32>} : memref<64x256xf32, #tpu.memory_space<vmem>>, vector<16xf32>,
        %parallel_loop3A_1679 = arith.index_cast %parallel_loop3A_1612 : i32 to index
        %parallel_loop3A_1680 = arith.constant 176 : index
        %parallel_loop3A_1681 = tpu.vector_load %arg18[%parallel_loop3A_1679, %parallel_loop3A_1680] {strides = array<i32>} : memref<64x256xf32, #tpu.memory_space<vmem>>, vector<16xf32>,
        %parallel_loop3A_1682 = arith.index_cast %parallel_loop3A_1612 : i32 to index
        %parallel_loop3A_1683 = arith.constant 176 : index
        %parallel_loop3A_1684 = tpu.vector_load %arg20[%parallel_loop3A_1682, %parallel_loop3A_1683] {strides = array<i32>} : memref<64x256xf32, #tpu.memory_space<vmem>>, vector<16xf32>,
        tpu.vector_store %arg20[%parallel_loop3A_1682, %parallel_loop3A_1683], %parallel_loop3A_1681 {add = true, strides = array<i32>} : memref<64x256xf32, #tpu.memory_space<vmem>>, vector<16xf32>,
        %parallel_loop3A_1685 = arith.index_cast %parallel_loop3A_1612 : i32 to index
        %parallel_loop3A_1686 = arith.constant 192 : index
        %parallel_loop3A_1687 = tpu.vector_load %arg18[%parallel_loop3A_1685, %parallel_loop3A_1686] {strides = array<i32>} : memref<64x256xf32, #tpu.memory_space<vmem>>, vector<16xf32>,
        %parallel_loop3A_1688 = arith.index_cast %parallel_loop3A_1612 : i32 to index
        %parallel_loop3A_1689 = arith.constant 192 : index
        %parallel_loop3A_1690 = tpu.vector_load %arg20[%parallel_loop3A_1688, %parallel_loop3A_1689] {strides = array<i32>} : memref<64x256xf32, #tpu.memory_space<vmem>>, vector<16xf32>,
        tpu.vector_store %arg20[%parallel_loop3A_1688, %parallel_loop3A_1689], %parallel_loop3A_1687 {add = true, strides = array<i32>} : memref<64x256xf32, #tpu.memory_space<vmem>>, vector<16xf32>,
        %parallel_loop3A_1691 = arith.index_cast %parallel_loop3A_1612 : i32 to index
        %parallel_loop3A_1692 = arith.constant 208 : index
        %parallel_loop3A_1693 = tpu.vector_load %arg18[%parallel_loop3A_1691, %parallel_loop3A_1692] {strides = array<i32>} : memref<64x256xf32, #tpu.memory_space<vmem>>, vector<16xf32>,
        %parallel_loop3A_1694 = arith.index_cast %parallel_loop3A_1612 : i32 to index
        %parallel_loop3A_1695 = arith.constant 208 : index
        %parallel_loop3A_1696 = tpu.vector_load %arg20[%parallel_loop3A_1694, %parallel_loop3A_1695] {strides = array<i32>} : memref<64x256xf32, #tpu.memory_space<vmem>>, vector<16xf32>,
        tpu.vector_store %arg20[%parallel_loop3A_1694, %parallel_loop3A_1695], %parallel_loop3A_1693 {add = true, strides = array<i32>} : memref<64x256xf32, #tpu.memory_space<vmem>>, vector<16xf32>,
        %parallel_loop3A_1697 = arith.index_cast %parallel_loop3A_1612 : i32 to index
        %parallel_loop3A_1698 = arith.constant 224 : index
        %parallel_loop3A_1699 = tpu.vector_load %arg18[%parallel_loop3A_1697, %parallel_loop3A_1698] {strides = array<i32>} : memref<64x256xf32, #tpu.memory_space<vmem>>, vector<16xf32>,
        %parallel_loop3A_1700 = arith.index_cast %parallel_loop3A_1612 : i32 to index
        %parallel_loop3A_1701 = arith.constant 224 : index
        %parallel_loop3A_1702 = tpu.vector_load %arg20[%parallel_loop3A_1700, %parallel_loop3A_1701] {strides = array<i32>} : memref<64x256xf32, #tpu.memory_space<vmem>>, vector<16xf32>,
        tpu.vector_store %arg20[%parallel_loop3A_1700, %parallel_loop3A_1701], %parallel_loop3A_1699 {add = true, strides = array<i32>} : memref<64x256xf32, #tpu.memory_space<vmem>>, vector<16xf32>,
        %parallel_loop3A_1703 = arith.index_cast %parallel_loop3A_1612 : i32 to index
        %parallel_loop3A_1704 = arith.constant 240 : index
        %parallel_loop3A_1705 = tpu.vector_load %arg18[%parallel_loop3A_1703, %parallel_loop3A_1704] {strides = array<i32>} : memref<64x256xf32, #tpu.memory_space<vmem>>, vector<16xf32>,
        %parallel_loop3A_1706 = arith.index_cast %parallel_loop3A_1612 : i32 to index
        %parallel_loop3A_1707 = arith.constant 240 : index
        %parallel_loop3A_1708 = tpu.vector_load %arg20[%parallel_loop3A_1706, %parallel_loop3A_1707] {strides = array<i32>} : memref<64x256xf32, #tpu.memory_space<vmem>>, vector<16xf32>,
        tpu.vector_store %arg20[%parallel_loop3A_1706, %parallel_loop3A_1707], %parallel_loop3A_1705 {add = true, strides = array<i32>} : memref<64x256xf32, #tpu.memory_space<vmem>>, vector<16xf32>,
      } {sc.loop_unroll_factor = 2 : i64, sc.parallel_access}
      %mul3A_1605 = arith.constant 64 : i32
      %mul3A_1606 = arith.muli %scan3A_1443, %mul3A_1605 : i32
      %add3A_1607 = arith.addi %mul3A_1423, %mul3A_1606 : i32
      %dma_start3A_1608 = arith.constant 0 : i32
      %dma_start3A_1609 = tpu.memref_slice %arg4[%add3A_1607, %dma_start3A_1608] : memref<10240x256xf32, #tpu.memory_space<hbm>> -> memref<64x256xf32, #tpu.memory_space<hbm>>
      %dma_start3A_1610 = arith.constant 0 : i32
      %dma_start3A_1611 = tpu.memref_slice %arg4[%add3A_1607, %dma_start3A_1610] : memref<10240x256xf32, #tpu.memory_space<hbm>> -> memref<64x256xf32, #tpu.memory_space<hbm>>
      tpu.enqueue_dma source(%arg20 : memref<64x256xf32, #tpu.memory_space<vmem>>) target(%dma_start3A_1611 : memref<64x256xf32, #tpu.memory_space<hbm>>) target_semaphore(%arg23 : memref<!tpu.dma_semaphore, #tpu.memory_space<semaphore_mem>>)
    }
    %scan3A_1437 = arith.constant 5 : i32
    %dma_wait3A = arith.constant 0 : i32
    %dma_wait3A_1438 = arith.constant 0 : i32
    %dma_wait3A_1439 = tpu.memref_slice %arg3[%dma_wait3A, %dma_wait3A_1438] : memref<276480x256xf32, #tpu.memory_space<hbm>> -> memref<64x256xf32, #tpu.memory_space<hbm>>
    %dma_wait3A_1440 = arith.constant 0 : i32
    %dma_wait3A_1441 = arith.constant 0 : i32
    %dma_wait3A_1442 = tpu.memref_slice %arg3[%dma_wait3A_1440, %dma_wait3A_1441] : memref<276480x256xf32, #tpu.memory_space<hbm>> -> memref<64x256xf32, #tpu.memory_space<hbm>>
    tpu.wait_dma2 semaphore(%arg23 : memref<!tpu.dma_semaphore, #tpu.memory_space<semaphore_mem>>) src(%dma_wait3A_1442 : memref<64x256xf32, #tpu.memory_space<hbm>>) dst(%arg20 : memref<64x256xf32, #tpu.memory_space<vmem>>)
    "tpu.trace_stop"() : () -> ()
    return
  }
}

module attributes {stable_mosaic.version = 14 : i64} {
  func.func @_mm_body(%arg0: i32, %arg1: memref<10240x256xbf16, #tpu.memory_space<vmem>>, %arg2: memref<1x256x256xbf16, #tpu.memory_space<vmem>>, %arg3: memref<1x10240x256xf32, #tpu.memory_space<vmem>>) attributes {dimension_semantics = [#tpu.dimension_semantics<arbitrary>], iteration_bounds = array<i64: 27>, scalar_prefetch = 0 : i64, scratch_operands = 0 : i64, tpu.core_type = #tpu.core_type<tc>, window_params = [{pipeline_mode = #tpu.pipeline_mode<synchronous>, transform_indices = @transform_0, window_bounds = array<i64: 10240, 256>}, {transform_indices = @transform_1, window_bounds = array<i64: 1, 256, 256>}, {transform_indices = @transform_2, window_bounds = array<i64: 1, 10240, 256>}]} {
    %get3A = arith.constant 0 : index
    %get3A_0 = arith.constant 0 : index
    %get3A_1 = vector.load %arg1[%get3A, %get3A_0] : memref<10240x256xbf16, #tpu.memory_space<vmem>>, vector<10240x256xbf16>
    %get3A_2 = arith.constant 0 : index
    %get3A_3 = arith.constant 0 : index
    %get3A_4 = arith.constant 0 : index
    %get3A_5 = vector.load %arg2[%get3A_2, %get3A_3, %get3A_4] : memref<1x256x256xbf16, #tpu.memory_space<vmem>>, vector<1x256x256xbf16>
    %get3A_6 = vector.shape_cast %get3A_5 : vector<1x256x256xbf16> to vector<256x256xbf16>
    %dot_general3A = arith.constant dense<0.000000e+00> : vector<10240x256xf32>
    %dot_general3A_7 = tpu.matmul %get3A_1, %get3A_6, %dot_general3A {dimension_numbers = #tpu.dot_dimension_numbers<[1], [0], [0], [1], [0, 0, 1, 1], [], []>, transpose_lhs_hint = false} : vector<10240x256xbf16>, vector<256x256xbf16>, vector<10240x256xf32> -> vector<10240x256xf32>
    %swap3A = arith.constant 0 : index
    %swap3A_8 = arith.constant 0 : index
    %swap3A_9 = arith.constant 0 : index
    %swap3A_10 = vector.load %arg3[%swap3A, %swap3A_8, %swap3A_9] : memref<1x10240x256xf32, #tpu.memory_space<vmem>>, vector<1x10240x256xf32>
    %swap3A_11 = vector.shape_cast %swap3A_10 : vector<1x10240x256xf32> to vector<10240x256xf32>
    %swap3A_12 = vector.shape_cast %dot_general3A_7 : vector<10240x256xf32> to vector<1x10240x256xf32>
    tpu.vector_store %arg3[%swap3A, %swap3A_8, %swap3A_9], %swap3A_12 {strides = array<i32>} : memref<1x10240x256xf32, #tpu.memory_space<vmem>>, vector<1x10240x256xf32>,
    return
  }
  func.func @transform_0(%arg0: i32) -> (i32, i32) {
    %c0_i32 = arith.constant 0 : i32
    %c0_i32_0 = arith.constant 0 : i32
    %c0_i32_1 = arith.constant 0 : i32
    return %c0_i32, %c0_i32_0 : i32, i32
  }
  func.func @transform_1(%arg0: i32) -> (i32, i32, i32) {
    %c0_i32 = arith.constant 0 : i32
    %c0_i32_0 = arith.constant 0 : i32
    %c0_i32_1 = arith.constant 0 : i32
    return %arg0, %c0_i32, %c0_i32_0 : i32, i32, i32
  }
  func.func @transform_2(%arg0: i32) -> (i32, i32, i32) {
    %c0_i32 = arith.constant 0 : i32
    %c0_i32_0 = arith.constant 0 : i32
    %c0_i32_1 = arith.constant 0 : i32
    return %arg0, %c0_i32, %c0_i32_0 : i32, i32, i32
  }
}

</mosaic_0001>

<sc_bundles>
// kernel: kernel.4.cloned.1.call-start
scs
__scs_entry_jumppad:
0x0: {  	(pc) =	sbr.rel $0x88, $3  }
0x1: {  	(tag) =	ssettag $0x0;
	lr =	simm.s32 $0x1  }
0x2: {  	[smem:$0x3F9D] =	sst lr;
	_ =	strace $0xD0000000  }
0x3: {  	_ = 	snop  }
0x4: {  	_ = 	snop  }
0x5: {  	_ = 	snop  }
0x6: {  	_ = 	snop  }
0x7: {  	_ = 	snop  }
__scs_overlays_trampoline_lowered:
0x8: {  	[smem:$0x3FAC] =	sst s0  }
0x9: {  	[smem:$0x3FAD] =	sst s1  }
0xa: {  	[smem:$0x3FAE] =	sst s2  }
0xb: {  	[smem:$0x3FAF] =	sst s3  }
0xc: {  	[smem:$0x3FB0] =	sst s4  }
0xd: {  	[smem:$0x3FB1] =	sst s5  }
0xe: {  	[smem:$0x3FB2] =	sst s6  }
0xf: {  	[smem:$0x3FB3] =	sst s7  }
0x10: {  	[smem:$0x3FB4] =	sst s8  }
0x11: {  	[smem:$0x3FB5] =	sst s9;
	s0 =	simm.s32 @!p0 $0x0  }
0x12: {  	s1 =	sld [smem:$0x3F9B];
	s0 =	simm.s32 @p0 $0x1  }
0x13: {  	[smem:$0x3FB6] =	sst s0;
	s0 =	simm.s32 @!p1 $0x0  }
0x14: {  	s2 =	sld [smem:$0x3F9A];
	s0 =	simm.s32 @p1 $0x1  }
0x15: {  	[smem:$0x3FB7] =	sst s0;
	s0 =	simm.s32 @!p2 $0x0  }
0x16: {  	s3 =	sld [smem:$0x3FDB];
	s0 =	simm.s32 @p2 $0x1  }
0x17: {  	s4 =	simm.s32 $0x1BF5;
	[smem:$0x3FB9] =	sst s0  }
0x18: {  	s0 =	sld [smem:$0x3F9C];
	_ =	swait.ge [sflag:s4], $0x0  }
0x19: {  	s7 =	sld [smem:$0x3F9D]  }
0x1a: {  	s8 =	sadd.s32 $0xFFFFE003, lr  }
0x1b: {  	s9 =	sadd.s32 $0xFFFFFEF7, lr;
	s5 =	simm.s32 $0xFFFFFFFF;
	p2 =	slt.u32 s8, $0xFFFFF086  }
0x1c: {  	p1 =	slt.u32 s9, $0xF7A;
	s5 =	simm.s32 @!p2 $0x0  }
0x1d: {  	s5 =	simm.s32 @p1 $0x1;
	p0 =	seq.s32 s7, s2  }
0x1e: {  	s7 =	smul.u32 @!p0 $0xF7A, s2;
	p2 =	seq.s32 @!p0 s5, $0x0  }
0x1f: {  	s9 =	smul.u32 $0xF7A, s1;
	s8 =	simm.s32 @!p0 $0x1BF5;
	p2 =	por !p2, p0  }
0x20: {  	[sflag:s8] =	ssyncset.s32 @!p0 $0xFFFFF086;
	s6 =	sadd.s32 @!p0 s3, s7;
	s7 =	simm.s32 @!p0 $0x108  }
0x21: {  	s3 =	sadd.s32 s3, s9;
	s6 =	sadd.s32 @!p0 $0x88, s6;
	s7 =	simm.s32 @p2 $0x1082  }
0x22: {  	[simem:s7], [sflag:s8] =	dma.local @!p0 [hbm:s6], $0xF7A  }
0x23: {  	s9 =	sor.u32 $0xD0000000, s2;
	s6 =	simm.s32 $0x108;
	_ =	swait.ge @!p0 [sflag:s8], $0x0  }
0x24: {  	s3 =	sadd.s32 $0x88, s3;
	s6 =	simm.s32 @!p1 $0x1082;
	[sflag:s4] =	ssyncset.s32 $0xFFFFF086  }
0x25: {  	[simem:s6], [sflag:s4] =	dma.local [hbm:s3], $0xF7A  }
0x26: {  	[smem:$0x3F9D] =	sst s1;
	(tag) =	ssettag s2;
	_ =	strace s9  }
0x27: {  	s1 =	sld [smem:$0x3FAD]  }
0x28: {  	s2 =	sld [smem:$0x3FAE]  }
0x29: {  	s4 =	sld [smem:$0x3FB0]  }
0x2a: {  	p0 =	seq.s32 s5, $0x0;
	s5 =	sld [smem:$0x3FB1]  }
0x2b: {  	s6 =	sld [smem:$0x3FB2]  }
0x2c: {  	s7 =	sld [smem:$0x3FB3]  }
0x2d: {  	s3 =	simm.s32 $0x108;
	s8 =	sld [smem:$0x3FB4]  }
0x2e: {  	s3 =	simm.s32 @!p0 $0x1082;
	s9 =	sld [smem:$0x3FB5]  }
0x2f: {  	lr =	sadd.s32 s0, s3;
	s0 =	sld [smem:$0x3FAC]  }
0x30: {  	s3 =	sld [smem:$0x3FAF]  }
0x31: {  	[smem:$0x3FB8] =	sst s10  }
0x32: {  	s10 =	sld [smem:$0x3FB6];
	_ =	sdelay $0x3  }
0x33: {  	p0 =	seq.s32 s10, $0x1;
	s10 =	sld [smem:$0x3FB8];
	_ =	sdelay $0x3  }
0x34: {  	[smem:$0x3FB8] =	sst s10  }
0x35: {  	s10 =	sld [smem:$0x3FB7];
	_ =	sdelay $0x3  }
0x36: {  	p1 =	seq.s32 s10, $0x1;
	s10 =	sld [smem:$0x3FB8];
	_ =	sdelay $0x3  }
0x37: {  	[smem:$0x3FB8] =	sst s10  }
0x38: {  	s10 =	sld [smem:$0x3FB9]  }
0x39: {  	_ = 	snop;
	(pc) =	sbr.ind lr, $3  }
0x3a: {  	_ = 	snop  }
0x3b: {  	_ = 	snop  }
0x3c: {  	p2 =	seq.s32 s10, $0x1;
	s10 =	sld [smem:$0x3FB8]  }
0x3d: {  	_ =	shalt  }
0x3e: {  	_ =	shalt  }
0x3f: {  	_ =	shalt  }
0x40: {  	_ =	shalt  }
0x41: {  	_ =	shalt  }
0x42: {  	_ =	shalt  }
0x43: {  	_ =	shalt  }
0x44: {  	_ =	shalt  }
0x45: {  	_ =	shalt  }
0x46: {  	_ =	shalt  }
0x47: {  	_ =	shalt  }
0x48: {  	_ =	shalt  }
0x49: {  	_ =	shalt  }
0x4a: {  	_ =	shalt  }
0x4b: {  	_ =	shalt  }
0x4c: {  	_ =	shalt  }
0x4d: {  	_ =	shalt  }
0x4e: {  	_ =	shalt  }
0x4f: {  	_ =	shalt  }
0x50: {  	_ =	shalt  }
0x51: {  	_ =	shalt  }
0x52: {  	_ =	shalt  }
0x53: {  	_ =	shalt  }
0x54: {  	_ =	shalt  }
0x55: {  	_ =	shalt  }
0x56: {  	_ =	shalt  }
0x57: {  	_ =	shalt  }
0x58: {  	_ =	shalt  }
0x59: {  	_ =	shalt  }
0x5a: {  	_ =	shalt  }
0x5b: {  	_ =	shalt  }
0x5c: {  	_ =	shalt  }
0x5d: {  	_ =	shalt  }
0x5e: {  	_ =	shalt  }
0x5f: {  	_ =	shalt  }
0x60: {  	_ =	shalt  }
0x61: {  	_ =	shalt  }
0x62: {  	_ =	shalt  }
0x63: {  	_ =	shalt  }
0x64: {  	_ =	shalt  }
0x65: {  	_ =	shalt  }
0x66: {  	_ =	shalt  }
0x67: {  	_ =	shalt  }
0x68: {  	_ =	shalt  }
0x69: {  	_ =	shalt  }
0x6a: {  	_ =	shalt  }
0x6b: {  	_ =	shalt  }
0x6c: {  	_ =	shalt  }
0x6d: {  	_ =	shalt  }
0x6e: {  	_ =	shalt  }
0x6f: {  	_ =	shalt  }
0x70: {  	_ =	shalt  }
0x71: {  	_ =	shalt  }
0x72: {  	_ =	shalt  }
0x73: {  	_ =	shalt  }
0x74: {  	_ =	shalt  }
0x75: {  	_ =	shalt  }
0x76: {  	_ =	shalt  }
0x77: {  	_ =	shalt  }
0x78: {  	_ =	shalt  }
0x79: {  	_ =	shalt  }
0x7a: {  	_ =	shalt  }
0x7b: {  	_ =	shalt  }
0x7c: {  	_ =	shalt  }
0x7d: {  	_ =	shalt  }
0x7e: {  	_ =	shalt  }
0x7f: {  	_ =	shalt  }
0x80: {  	_ =	shalt  }
0x81: {  	_ =	shalt  }
0x82: {  	_ =	shalt  }
0x83: {  	_ =	shalt  }
0x84: {  	_ =	shalt  }
0x85: {  	_ =	shalt  }
0x86: {  	_ =	shalt  }
0x87: {  	_ =	shalt  }
.Lfunc_end0:
.L_simem_size_0:
called_computation_lowered:
.L_overlay_start_0:
0x88: {  	s2 =	sld [smem:$0x3FD9]  }
0x89: {  	s3 =	sld [smem:$0x3FFE];
	_ =	sdelay $0x1  }
0x8a: {  	s1 =	srdreg.scid  }
0x8b: {  	s0 =	sand.u32 $0x1, s1  }
0x8c: {  	s17 =	sshll.u32 s0, $0xA;
	s2 =	sadd.s32 s3, s2  }
0x8d: {  	s2 =	sadd.s32 s2, s17  }
0x8e: {  	[smem:$0x3FC4] =	sst s2  }
0x8f: {  	_ = 	snop  }
0x90: {  	s2 =	sld [smem:$0x3FD0];
	(tm) =	ssettm $0x1  }
0x91: {  	s18 =	sld [smem:$0x3FFB];
	_ =	sdelay $0x3  }
0x92: {  	_ =	strace s18  }
0x93: {  	s3 =	sld [smem:$0x3FFC];
	_ =	sdelay $0x3  }
0x94: {  	_ =	strace s3  }
0x95: {  	s3 =	sld [smem:$0x3FFD];
	_ =	sdelay $0x3  }
0x96: {  	_ =	strace s3  }
0x97: {  	_ =	strace $0x8FFFFFFF  }
0x98: {  	s19 =	sld [smem:$0x3FDB];
	_ =	sdelay $0x1  }
0x99: {  	s4 =	simm.s32 $_scs_section_size  }
0x9a: {  	s5 =	simm.s32 $_size__tile_overlayer_lowered;
	s6 =	simm.s32 $_tile_overlayer_lowered  }
0x9b: {  	s22 =	simm.s32 $0x1BFF;
	s21 =	sshll.u32 s6, $0x1;
	s3 =	sadd.s32 s4, s19  }
0x9c: {  	s7 =	simm.s32 $0x0;
	s20 =	sshll.u32 s5, $0x1;
	s5 =	sadd.s32 s21, s3  }
0x9d: {  	[timem:s7], [sflag:s22] =	dma.local [hbm:s5], s20  }
0x9e: {  	_ =	swait.ge [sflag:s22], s20  }
0x9f: {  	s4 =	ssub.s32 $0x0, s20;
	[sflag:s22] =	ssyncset.done $0x0  }
0xa0: {  	[sflag:s22] =	ssyncadd.s32 s4;
	_ =	sdelay $0x1  }
0xa1: {  	s23 =	simm.s32 $0x1B8B  }
0xa2: {  	_ =	swait.ge [sflag:s23], $0x1  }
0xa3: {  	[sflag:s23] =	ssyncset.done $0x0  }
0xa4: {  	s25 =	simm.s32 $0x1B8E;
	s24 =	sld [smem:$0x3FFE];
	[sflag:s23] =	ssyncadd.s32 $0xFFFFFFFF  }
0xa5: {  	s26 =	simm.s32 $execute0_lowered;
	[smem:$0x3FD2] =	sst s25  }
0xa6: {  	s5 =	sshll.u32 s26, $0x1;
	_ =	strace $0x80000046;
	[dreg:$0x1] =	wrdreg $0xFFFFFFFF  }
0xa7: {  	s28 =	simm.s32 $_size_execute0_lowered;
	s3 =	sadd.s32 s3, s5;
	[dreg:$0x0] =	wrdreg $0x0  }
0xa8: {  	s5 =	sshll.u32 s28, $0x1;
	[dreg:$0x2] =	wrdreg s3  }
0xa9: {  	[dreg:$0x3] =	wrdreg s5  }
0xaa: {  	[dreg:$0x4] =	wrdreg $0xC0  }
0xab: {  	_ =	task [dreg:s7], $0x5FFFF  }
0xac: {  	[dreg:$0x1] =	wrdreg $0xFFFFFFFF  }
0xad: {  	[dreg:$0x0] =	wrdreg $0x60  }
0xae: {  	[dreg:$0x2] =	wrdreg s2  }
0xaf: {  	[dreg:$0x3] =	wrdreg s24  }
0xb0: {  	[dreg:$0x4] =	wrdreg $0x0  }
0xb1: {  	[dreg:$0x5] =	wrdreg $0x9  }
0xb2: {  	_ =	task.clear_ibuf [dreg:s7], $0x6FFFF;
	_ =	strace $0x90000046  }
0xb3: {  	s29 =	simm.s32 $0x9;
	_ =	strace $0x8000004C  }
0xb4: {  	_ =	swait.ge [sflag:s29], $0x1  }
0xb5: {  	[sflag:s29] =	ssyncadd.s32 $0xFFFFFFFF  }
0xb6: {  	_ =	strace $0x9000004C  }
0xb7: {  	_ =	sfence  }
0xb8: {  	s30 =	sld [smem:$0x0];
	_ =	sdelay $0x2  }
0xb9: {  	s31 =	sshll.u32 s1, $0xD;
	s1 =	sshrl.u32 s1, $0x2  }
0xba: {  	s3 =	sand.u32 $0x4000, s31;
	s1 =	sadd.s32 s1, s30  }
0xbb: {  	s0 =	sor.u32 s3, s0;
	s1 =	sshll.u32 s1, $0x11  }
0xbc: {  	s0 =	sor.u32 s1, s0  }
0xbd: {  	s0 =	sadd.s32 $0x8F2B, s0  }
0xbe: {  	[sflag:s0] =	ssyncadd.remote.s32 $0x1  }
0xbf: {  	_ =	sfence.sel $0xFFFF  }
0xc0: {  	[dreg:$0x0] =	wrdreg $0xFFFFFFFF;
	(pc) =	sbr.abs _section_cstart, $3  }
0xc1: {  	[dreg:$0x1] =	wrdreg $0xFFFFFFFF  }
0xc2: {  	_ =	task.clear_ibuf [dreg:s7], $0x2FFFF;
	_ =	strace $0x9FFFFFFF  }
0xc3: {  	(tm) =	ssettm $0x7FFFFFFF  }
tec
execute0_lowered:
.L_overlay_start_1:
0x0: {  	(tag) =	ssettag $0x1  }
0x1: {  	s0 =	rddreg [dreg:$0x0]  }
0x2: {  	s1 =	rddreg [dreg:$0x1]  }
0x3: {  	s9 =	rddreg [dreg:$0x2]  }
0x4: {  	s3 =	simm.s32 $0x0;
	s2 =	srdreg.scid;
	s10 =	stileid.u32  }
0x5: {  	[smem:$0x7FF] =	sst s3;
	s2 =	sand.u32 $0x1, s2;
	s6 =	smul.u32 $0x2900, s10  }
0x6: {  	s4 =	sadd.s32 $0x200, s1;
	s8 =	smul.u32 $0x280, s10;
	s1 =	sadd.s32 $0x870200, s1  }
0x7: {  	_ =	strace $0x80000047;
	s5 =	ssub.s32 $0x2, s2;
	[dreg:$0x4] =	wrdreg s1  }
0x8: {  	s7 =	sshrl.u32 s5, $0x1;
	s11 =	sshrl.u32 s6, $0x2;
	s16 =	sadd.s32 $0x180, s8  }
0x9: {  	s19 =	ssub.s32 s5, s7;
	s5 =	sadd.s32 s11, s9;
	[dreg:$0x1c] =	wrdreg s16  }
0xa: {  	s16 =	sadd.s32 $0x190, s8;
	[dreg:$0x5] =	wrdreg s5  }
0xb: {  	v0 =	vlaneseq.u32;
	s17 =	sadd.s32 $0x160, s8;
	[dreg:$0x19] =	wrdreg s16  }
0xc: {  	s12 =	sshrl.u32 s8, $0x3;
	v23 =	vor.u32 s17, v0;
	s16 =	sadd.s32 $0x1A0, s8;
	s17 =	rddreg [dreg:$0x1c]  }
0xd: {  	s7 =	sshll.u32 s2, $0x4;
	s5 =	sadd.s32 s0, s12;
	[dreg:$0x1a] =	wrdreg s16  }
0xe: {  	s18 =	sadd.s32 $0x170, s8;
	s1 =	sor.u32 s10, s7;
	[dreg:$0x6] =	wrdreg s5  }
0xf: {  	v24 =	vor.u32 s18, v0;
	s13 =	smul.u32 $0x140, s1;
	s16 =	sadd.s32 $0x1B0, s8;
	s18 =	rddreg [dreg:$0x19]  }
0x10: {  	s7 =	sor.u32 $0x10, s8;
	[dreg:$0x1b] =	wrdreg s16  }
0x11: {  	s11 =	sor.u32 $0x20, s8;
	v1 =	vor.u32 s7, v0;
	s16 =	sadd.s32 $0x1C0, s8;
	[dreg:$0x7] =	wrdreg s13  }
0x12: {  	s20 =	sor.u32 $0x30, s8;
	[tilespmem:$0x1FEC0] =	vst v1;
	v1 =	vor.u32 s11, v0;
	[dreg:$0x16] =	wrdreg s16  }
0x13: {  	s16 =	sadd.s32 $0x1D0, s8;
	[tilespmem:$0x1FED0] =	vst v1;
	v1 =	vor.u32 s20, v0;
	s20 =	smax.u32 s19, $0x1;
	s19 =	rddreg [dreg:$0x1a]  }
0x14: {  	s15 =	smul.u32 $0x140, s10;
	[dreg:$0x17] =	wrdreg s16  }
0x15: {  	s14 =	smul.u32 $0x1400, s2;
	[dreg:$0x9] =	wrdreg s20  }
0x16: {  	s6 =	sshrl.u32 s13, $0x3;
	s16 =	sadd.s32 $0x1E0, s8;
	s20 =	rddreg [dreg:$0x1b]  }
0x17: {  	s21 =	sor.u32 $0x40, s8;
	s0 =	sadd.s32 s0, s6;
	[dreg:$0x18] =	wrdreg s16  }
0x18: {  	s22 =	sor.u32 $0x50, s8;
	s23 =	sor.u32 $0x60, s8;
	[tilespmem:$0x1FEE0] =	vst v1;
	v1 =	vor.u32 s8, v0;
	[dreg:$0x8] =	wrdreg s0  }
0x19: {  	s24 =	sor.u32 $0x70, s8;
	s16 =	sadd.s32 $0x1F0, s8;
	[tilespmem:$0x1FEF0] =	vst v1;
	v1 =	vor.u32 s21, v0;
	s21 =	rddreg [dreg:$0x16]  }
0x1a: {  	s25 =	sadd.s32 $0x80, s8;
	s26 =	sadd.s32 $0xA0, s8;
	[dreg:$0x13] =	wrdreg s16  }
0x1b: {  	s28 =	sadd.s32 $0xB0, s8;
	s16 =	sadd.s32 $0x200, s8;
	[tilespmem:$0x1FF00] =	vst v1;
	v1 =	vor.u32 s22, v0;
	s22 =	rddreg [dreg:$0x17]  }
0x1c: {  	s29 =	sadd.s32 $0xC0, s8;
	[dreg:$0x14] =	wrdreg s16;
	s16 =	sadd.s32 $0x210, s8  }
0x1d: {  	s30 =	sadd.s32 $0xD0, s8;
	[tilespmem:$0x1FF10] =	vst v1;
	v1 =	vor.u32 s23, v0;
	s23 =	sadd.s32 $0x500, s5;
	[dreg:$0x15] =	wrdreg s16  }
0x1e: {  	s31 =	sadd.s32 $0xE0, s8;
	s5 =	sadd.s32 $0xA00, s5;
	[dreg:$0xa] =	wrdreg s23  }
0x1f: {  	s2 =	sadd.s32 $0x90, s8;
	s9 =	sadd.s32 $0x120, s8;
	[dreg:$0xb] =	wrdreg s5  }
0x20: {  	s10 =	sadd.s32 s15, s14;
	s12 =	sadd.s32 $0x100, s8;
	s23 =	rddreg [dreg:$0x18]  }
0x21: {  	s14 =	sadd.s32 $0x130, s8;
	s16 =	sadd.s32 $0x220, s8;
	[tilespmem:$0x1FF20] =	vst v1;
	v1 =	vor.u32 s24, v0;
	s24 =	rddreg [dreg:$0x13]  }
0x22: {  	s15 =	sadd.s32 $0x140, s8;
	s1 =	sadd.s32 $0xF0, s8;
	[dreg:$0x10] =	wrdreg s16;
	[tilespmem:$0x1FF30] =	vst v1;
	v1 =	vor.u32 s25, v0  }
0x23: {  	v41 =	vimm.s32 $0xFFFFFFFF;
	s7 =	sadd.s32 $0x260, s8;
	s16 =	sadd.s32 $0x230, s8;
	s25 =	rddreg [dreg:$0x14];
	[tilespmem:$0x1FF40] =	vst v1;
	v1 =	vor.u32 s2, v0  }
0x24: {  	vm0 =	vmmov $0xffff;
	v26 =	vor.u32 s18, v0;
	s18 =	simm.s32 $0xED40;
	[dreg:$0x11] =	wrdreg s16;
	s16 =	sadd.s32 $0x240, s8;
	[tilespmem:$0x1FF50] =	vst v1;
	v1 =	vor.u32 s26, v0  }
0x25: {  	v42 =	vand.u32 $0x7, v0;
	v43 =	vshrl.u32 v0, $0x3;
	s11 =	simm.s32 $0x15540;
	s13 =	sadd.s32 $0x150, s8;
	[dreg:$0x12] =	wrdreg s16;
	[tilespmem:$0x1FF60] =	vst v1;
	v1 =	vor.u32 s28, v0  }
0x26: {  	v44 =	vor.u32 $0x8, v0;
	v43 =	vmul.u32 $0x8, v43;
	s6 =	sadd.s32 $0x110, s8;
	s16 =	sadd.s32 $0x250, s8;
	s26 =	rddreg [dreg:$0x15];
	[tilespmem:$0x1FF70] =	vst v1;
	v1 =	vor.u32 s29, v0  }
0x27: {  	v22 =	vor.u32 s13, v0;
	v27 =	vor.u32 s19, v0;
	s19 =	simm.s32 $0xF540;
	s13 =	simm.s32 $0x2;
	[dreg:$0xf] =	wrdreg s16;
	[tilespmem:$0x1FF80] =	vst v1;
	v1 =	vor.u32 s30, v0  }
0x28: {  	v21 =	vor.u32 s15, v0;
	v28 =	vor.u32 s20, v0;
	s20 =	simm.s32 $0xFD40;
	s16 =	sadd.s32 $0x500, s0;
	s28 =	rddreg [dreg:$0x10];
	[tilespmem:$0x1FF90] =	vst v1;
	v1 =	vor.u32 s31, v0  }
0x29: {  	v25 =	vor.u32 s17, v0;
	v30 =	vor.u32 s22, v0;
	s22 =	simm.s32 $0x10540;
	s0 =	sadd.s32 $0xA00, s0;
	[dreg:$0xc] =	wrdreg s16;
	[tilespmem:$0x1FFA0] =	vst v1;
	v1 =	vor.u32 s1, v0  }
0x2a: {  	v39 =	vor.u32 s7, v0;
	s5 =	simm.s32 $0x0;
	v31 =	vor.u32 s23, v0;
	s23 =	simm.s32 $0x10D40;
	[dreg:$0xd] =	wrdreg s0;
	[tilespmem:$0x1FFB0] =	vst v1;
	v1 =	vor.u32 s12, v0  }
0x2b: {  	v29 =	vor.u32 s21, v0;
	v32 =	vor.u32 s24, v0;
	s24 =	simm.s32 $0x11540;
	s2 =	simm.s32 $0xA40;
	s29 =	rddreg [dreg:$0x11];
	[tilespmem:$0x1FFC0] =	vst v1;
	v1 =	vor.u32 s6, v0  }
0x2c: {  	v33 =	vor.u32 s25, v0;
	s25 =	simm.s32 $0x11D40;
	s8 =	sadd.s32 $0x270, s8;
	v34 =	vor.u32 s26, v0;
	s30 =	rddreg [dreg:$0x12];
	[tilespmem:$0x1FFD0] =	vst v1;
	v1 =	vor.u32 s9, v0  }
0x2d: {  	s26 =	simm.s32 $0x1;
	v40 =	vor.u32 s8, v0;
	s16 =	simm.s32 $0xE540;
	v35 =	vor.u32 s28, v0;
	s31 =	rddreg [dreg:$0xf];
	[tilespmem:$0x1FFE0] =	vst v1;
	v1 =	vor.u32 s14, v0  }
0x2e: {  	s0 =	simm.s32 $0x14540;
	v36 =	vor.u32 s29, v0;
	v37 =	vor.u32 s30, v0;
	v38 =	vor.u32 s31, v0;
	s12 =	simm.s32 $0x15D40;
	s6 =	simm.s32 $0x14D40;
	[tilespmem:$0x1FFF0] =	vst v1  }
.LBB2_1:
0x2f: {  	[dreg:$0xe] =	wrdreg s5  }
0x30: {  	s1 =	simm.s32 $0x40;
	s5 =	simm.s32 $0x0;
	_ =	strace $0x80000048  }
.LBB2_2:
0x31: {  	p0 =	sne.s32 s1, $0x28C0;
	[tilespmem:s5+$0xB640] =	vst v41;
	s5 =	smov.u32 s1;
	s1 =	sadd.s32 $0x40, s1  }
.Ltmp0:
0x32: {  	(pc) =	sbr.rel @p0 .LBB2_2-.Ltmp0, $2  }
0x33: {  	_ =	sdelay $0x2  }
0x34: {  	s5 =	sshra.s32 s5, $0x2  }
0x35: {  	[tilespmem:s5+$0xB640] =	vst v41;
	s1 =	rddreg [dreg:$0x5];
	s30 =	simm.s32 $0xB640;
	s7 =	simm.s32 $0x4  }
0x36: {  	[spmem:s1] =	stream.linear.scatter [tilespmem:s30], [sflag:$0x4], $0xA40, $0x200038;
	[tilespmem:$0x1A540] =	vst v63  }
0x37: {  	_ =	swait.ge [sflag:s7], $0xA40  }
0x38: {  	[sflag:s7] =	ssyncset.done $0x0  }
0x39: {  	[sflag:s7] =	ssyncadd.s32 $0xFFFFF5C0  }
0x3a: {  	[bflag:$0x0] =	sbarrier.arrive $0xFFFF  }
0x3b: {  	_ =	strace $0x90000048  }
0x3c: {  	_ =	strace $0x80000049  }
0x3d: {  	s8 =	simm.s32 $0xD940;
	s1 =	simm.s32 $0x0;
	s31 =	rddreg [dreg:$0x6]  }
0x3e: {  	[tilespmem:s8], [sflag:$0x4] =	stream.linear.gather [hbm4b:s31+s1], $0x280, $0x200038;
	[tilespmem:$0x1A540] =	vst v63  }
0x3f: {  	_ =	swait.ge [sflag:s7], $0x280  }
0x40: {  	[sflag:s7] =	ssyncset.done $0x0  }
0x41: {  	s9 =	simm.s32 $0xDBC0;
	s8 =	rddreg [dreg:$0xa];
	[sflag:s7] =	ssyncadd.s32 $0xFFFFFD80  }
0x42: {  	[tilespmem:s9], [sflag:$0x4] =	stream.linear.gather [hbm4b:s8+s1], $0x280, $0x200038;
	[tilespmem:$0x1A540] =	vst v63  }
0x43: {  	_ =	swait.ge [sflag:s7], $0x280  }
0x44: {  	[sflag:s7] =	ssyncset.done $0x0  }
0x45: {  	s15 =	simm.s32 $0xDE40;
	s14 =	rddreg [dreg:$0xb];
	[sflag:s7] =	ssyncadd.s32 $0xFFFFFD80  }
0x46: {  	[tilespmem:s15], [sflag:$0x4] =	stream.linear.gather [hbm4b:s14+s1], $0x280, $0x200038;
	[tilespmem:$0x1A540] =	vst v63  }
0x47: {  	_ =	swait.ge [sflag:s7], $0x280  }
0x48: {  	[sflag:s7] =	ssyncset.done $0x0  }
0x49: {  	[sflag:s7] =	ssyncadd.s32 $0xFFFFFD80  }
0x4a: {  	v45 =	vld [tilespmem:$0xD940]  }
0x4b: {  	v46 =	vld [tilespmem:$0xDBC0]  }
0x4c: {  	v47 =	vld [tilespmem:$0xDE40]  }
0x4d: {  	v48 =	vld [tilespmem:$0xD950]  }
0x4e: {  	v49 =	vld [tilespmem:$0xDBD0]  }
0x4f: {  	v50 =	vld [tilespmem:$0xDE50]  }
0x50: {  	v51 =	vld [tilespmem:$0xD960]  }
0x51: {  	v52 =	vld [tilespmem:$0xDBE0]  }
0x52: {  	v53 =	vld [tilespmem:$0xDE60]  }
0x53: {  	v54 =	vld [tilespmem:$0xD970]  }
0x54: {  	v55 =	vld [tilespmem:$0xDBF0]  }
0x55: {  	v56 =	vld [tilespmem:$0xDE70]  }
0x56: {  	v57 =	vld [tilespmem:$0xD980]  }
0x57: {  	v58 =	vld [tilespmem:$0xDC00]  }
0x58: {  	v59 =	vld [tilespmem:$0xDE80]  }
0x59: {  	v60 =	vld [tilespmem:$0xD990]  }
0x5a: {  	v61 =	vld [tilespmem:$0xDC10]  }
0x5b: {  	v62 =	vld [tilespmem:$0xDE90]  }
0x5c: {  	v63 =	vld [tilespmem:$0xD9A0]  }
0x5d: {  	v1 =	vld [tilespmem:$0xDC20]  }
0x5e: {  	v2 =	vld [tilespmem:$0xDEA0]  }
0x5f: {  	v3 =	vld [tilespmem:$0xD9B0]  }
0x60: {  	v4 =	vld [tilespmem:$0xDC30]  }
0x61: {  	v5 =	vld [tilespmem:$0xDEB0]  }
0x62: {  	v6 =	vld [tilespmem:$0xD9C0]  }
0x63: {  	v7 =	vld [tilespmem:$0xDC40]  }
0x64: {  	v8 =	vld [tilespmem:$0xDEC0]  }
0x65: {  	v9 =	vld [tilespmem:$0xD9D0]  }
0x66: {  	v10 =	vld [tilespmem:$0xDC50]  }
0x67: {  	v11 =	vld [tilespmem:$0xDED0]  }
0x68: {  	v12 =	vld [tilespmem:$0xD9E0]  }
0x69: {  	v13 =	vld [tilespmem:$0xDC60]  }
0x6a: {  	v14 =	vld [tilespmem:$0xDEE0]  }
0x6b: {  	v15 =	vld [tilespmem:$0xD9F0]  }
0x6c: {  	v16 =	vld [tilespmem:$0xDC70]  }
0x6d: {  	v17 =	vld [tilespmem:$0xDEF0]  }
0x6e: {  	v18 =	vld [tilespmem:$0xDA00];
	v45 =	vmul.u32 $0x484, v45  }
0x6f: {  	v19 =	vld [tilespmem:$0xDC80];
	v46 =	vmul.u32 $0x22, v46;
	v48 =	vmul.u32 $0x484, v48;
	v49 =	vmul.u32 $0x22, v49  }
0x70: {  	v20 =	vld [tilespmem:$0xDF00];
	v51 =	vmul.u32 $0x484, v51  }
0x71: {  	v52 =	vmul.u32 $0x22, v52;
	v45 =	vadd.s32 v46, v45;
	v46 =	vadd.s32 v49, v48;
	v49 =	vld [tilespmem:$0xDA10]  }
0x72: {  	v3 =	vmul.u32 $0x484, v3;
	v4 =	vmul.u32 $0x22, v4;
	v48 =	vld [tilespmem:$0xDC90]  }
0x73: {  	v52 =	vadd.s32 v52, v51;
	v51 =	vmul.u32 $0x22, v55;
	v55 =	vmul.u32 $0x484, v60;
	v60 =	vld [tilespmem:$0xDCA0]  }
0x74: {  	v3 =	vadd.s32 v4, v3;
	v45 =	vadd.s32 v47, v45;
	v47 =	vadd.s32 v53, v52;
	v53 =	vld [tilespmem:$0xDF10]  }
0x75: {  	v46 =	vadd.s32 v50, v46;
	v50 =	vmul.u32 $0x484, v54;
	v54 =	vmul.u32 $0x22, v58;
	v58 =	vld [tilespmem:$0xDA20]  }
0x76: {  	v52 =	vmul.u32 $0x484, v57;
	v57 =	vmul.u32 $0x22, v61;
	v61 =	vmul.u32 $0x22, v7;
	v7 =	vld [tilespmem:$0xDF30]  }
0x77: {  	v3 =	vadd.s32 v5, v3;
	v5 =	vld [tilespmem:$0xDA40]  }
0x78: {  	v46 =	vadd.s32 $0x4A7, v46;
	v57 =	vadd.s32 v57, v55;
	v55 =	vld [tilespmem:$0xDF20]  }
0x79: {  	v50 =	vadd.s32 v51, v50;
	v51 =	vmul.u32 $0x484, v63;
	v63 =	vmul.u32 $0x22, v10;
	v10 =	vld [tilespmem:$0xDCC0]  }
0x7a: {  	v45 =	vadd.s32 $0x4A7, v45;
	[tilespmem:$0xAE50] =	vst v46;
	v46 =	vmul.u32 $0x484, v15;
	v15 =	vld [tilespmem:$0xDF80]  }
0x7b: {  	v1 =	vmul.u32 $0x22, v1;
	[tilespmem:$0xAE40] =	vst v45;
	v45 =	vld [tilespmem:$0x1FF20]  }
0x7c: {  	v50 =	vadd.s32 v56, v50;
	v56 =	vadd.s32 $0x4A7, v47;
	v47 =	vmul.u32 $0x22, v16;
	v16 =	vld [tilespmem:$0xDA60]  }
0x7d: {  	v52 =	vadd.s32 v54, v52;
	v1 =	vadd.s32 v1, v51;
	v51 =	vld [tilespmem:$0xDA30]  }
0x7e: {  	v52 =	vadd.s32 v59, v52;
	v59 =	vmul.u32 $0x484, v6;
	[tilespmem:$0xAE60] =	vst v56;
	v56 =	vmul.u32 $0x22, v19;
	v19 =	vld [tilespmem:$0xDA70]  }
0x7f: {  	v54 =	vadd.s32 v62, v57;
	v1 =	vadd.s32 v2, v1;
	v2 =	vld [tilespmem:$0xDCB0]  }
0x80: {  	v62 =	vmul.u32 $0x484, v9;
	v4 =	vadd.s32 v61, v59;
	v61 =	vmul.u32 $0x22, v13;
	v13 =	vld [tilespmem:$0xDA50]  }
0x81: {  	v57 =	vadd.s32 $0x4A7, v50;
	v59 =	vmul.u32 $0x484, v12;
	v12 =	vld [tilespmem:$0xDF50]  }
0x82: {  	v6 =	vadd.s32 v63, v62;
	v63 =	vadd.s32 $0x4A7, v54;
	v54 =	vmul.u32 $0x484, v18;
	v18 =	vld [tilespmem:$0xDF60]  }
0x83: {  	v3 =	vadd.s32 $0x4A7, v3;
	[tilespmem:$0xAE70] =	vst v57;
	v57 =	vmul.u32 $0x22, v48;
	v48 =	vld [tilespmem:$0xDA80]  }
0x84: {  	[tilespmem:$0xAEB0] =	vst v3;
	v3 =	vadd.s32 v47, v46;
	v46 =	vld [tilespmem:$0xDFC0]  }
0x85: {  	v4 =	vadd.s32 v8, v4;
	v8 =	vld [tilespmem:$0xDF40]  }
0x86: {  	v6 =	vadd.s32 v11, v6;
	v11 =	vld [tilespmem:$0xDCD0]  }
0x87: {  	v62 =	vadd.s32 $0x4A7, v52;
	[tilespmem:$0xAE90] =	vst v63;
	v63 =	vld [tilespmem:$0xDCF0]  }
0x88: {  	[tilespmem:$0xAE80] =	vst v62;
	v62 =	vmul.u32 $0x22, v60;
	v60 =	vld [tilespmem:$0x1FF10]  }
0x89: {  	v50 =	vadd.s32 $0x4A7, v6;
	v6 =	vld [tilespmem:$0xDF70]  }
0x8a: {  	v9 =	vadd.s32 v61, v59;
	v59 =	vadd.s32 v56, v54;
	v54 =	vld [tilespmem:$0xDAA0]  }
0x8b: {  	v1 =	vadd.s32 $0x4A7, v1;
	v56 =	vld [tilespmem:$0xDD20]  }
0x8c: {  	[tilespmem:$0xAEA0] =	vst v1;
	v61 =	vmul.u32 $0x484, v58;
	v58 =	vld [tilespmem:$0x1FF00]  }
0x8d: {  	v1 =	vadd.s32 $0x4A7, v4;
	[tilespmem:$0xB2A0] =	vst v45;
	v45 =	vld [tilespmem:$0x1FFA0]  }
0x8e: {  	[tilespmem:$0xAEC0] =	vst v1;
	v1 =	vadd.s32 v17, v3;
	v3 =	vmul.u32 $0x484, v49;
	v49 =	vld [tilespmem:$0xDD00]  }
0x8f: {  	[tilespmem:$0xAED0] =	vst v50;
	v50 =	vmul.u32 $0x22, v10;
	v10 =	vld [tilespmem:$0xDA90]  }
0x90: {  	v4 =	vadd.s32 v20, v59;
	v59 =	vld [tilespmem:$0xDD30]  }
0x91: {  	v9 =	vadd.s32 v14, v9;
	v17 =	vld [tilespmem:$0xDB50]  }
0x92: {  	v52 =	vadd.s32 $0x4A7, v9;
	v9 =	vld [tilespmem:$0xDCE0]  }
0x93: {  	v47 =	vadd.s32 v62, v61;
	v62 =	vld [tilespmem:$0xDAC0]  }
0x94: {  	[tilespmem:$0xAEE0] =	vst v52;
	v52 =	vld [tilespmem:$0x1FEC0]  }
0x95: {  	v1 =	vadd.s32 $0x4A7, v1;
	v3 =	vadd.s32 v57, v3;
	v57 =	vld [tilespmem:$0x1FEE0]  }
0x96: {  	[tilespmem:$0xAEF0] =	vst v1;
	v1 =	vadd.s32 v53, v3;
	v53 =	vld [tilespmem:$0x1FED0]  }
0x97: {  	v3 =	vadd.s32 $0x4A7, v4;
	v61 =	vmul.u32 $0x22, v63;
	v63 =	vld [tilespmem:$0xDD40]  }
0x98: {  	[tilespmem:$0xAF00] =	vst v3;
	v1 =	vadd.s32 $0x4A7, v1;
	v3 =	vadd.s32 v55, v47;
	v47 =	vld [tilespmem:$0x1FF30]  }
0x99: {  	[tilespmem:$0xAF10] =	vst v1;
	v1 =	vadd.s32 $0x4A7, v3;
	v3 =	vmul.u32 $0x484, v51;
	v51 =	vld [tilespmem:$0x1FEF0]  }
0x9a: {  	v4 =	vmul.u32 $0x22, v49;
	v49 =	vld [tilespmem:$0x1FF40]  }
0x9b: {  	v2 =	vmul.u32 $0x22, v2;
	[tilespmem:$0xB280] =	vst v58;
	v58 =	vmul.u32 $0x22, v59;
	v59 =	vld [tilespmem:$0xDD70]  }
0x9c: {  	[tilespmem:$0xAF20] =	vst v1;
	v1 =	vmul.u32 $0x484, v5;
	v5 =	vld [tilespmem:$0xDF90]  }
0x9d: {  	[tilespmem:$0xB290] =	vst v60;
	v2 =	vadd.s32 v2, v3;
	v3 =	vld [tilespmem:$0xDD10]  }
0x9e: {  	[tilespmem:$0xB250] =	vst v52;
	v52 =	vld [tilespmem:$0xDAE0]  }
0x9f: {  	[tilespmem:$0xB270] =	vst v57;
	v57 =	vld [tilespmem:$0xDAF0];
	v2 =	vadd.s32 v7, v2;
	v1 =	vadd.s32 v50, v1  }
0xa0: {  	[tilespmem:$0xB260] =	vst v53;
	v50 =	vld [tilespmem:$0xDD50];
	v2 =	vadd.s32 $0x4A7, v2;
	v1 =	vadd.s32 v8, v1  }
0xa1: {  	v55 =	vmul.u32 $0x22, v11;
	v53 =	vld [tilespmem:$0x1FF50];
	[tilespmem:$0xAF30] =	vst v2;
	v1 =	vadd.s32 $0x4A7, v1;
	v2 =	vmul.u32 $0x484, v13  }
0xa2: {  	v9 =	vmul.u32 $0x22, v9;
	v60 =	vmul.u32 $0x22, v63;
	v63 =	vld [tilespmem:$0xDB00];
	[tilespmem:$0xAF40] =	vst v1;
	v1 =	vmul.u32 $0x484, v16  }
0xa3: {  	v8 =	vld [tilespmem:$0xDAB0];
	v2 =	vadd.s32 v55, v2  }
0xa4: {  	[tilespmem:$0xB240] =	vst v51;
	v13 =	vld [tilespmem:$0xDFA0];
	v2 =	vadd.s32 v12, v2;
	v1 =	vadd.s32 v9, v1  }
0xa5: {  	[tilespmem:$0xB2C0] =	vst v49;
	v51 =	vmul.u32 $0x22, v56;
	v56 =	vld [tilespmem:$0x1FF70];
	v2 =	vadd.s32 $0x4A7, v2;
	v1 =	vadd.s32 v18, v1  }
0xa6: {  	v49 =	vld [tilespmem:$0xDD90];
	[tilespmem:$0xAF50] =	vst v2;
	v1 =	vadd.s32 $0x4A7, v1;
	v2 =	vmul.u32 $0x484, v19  }
0xa7: {  	v16 =	vld [tilespmem:$0xE040];
	[tilespmem:$0xAF60] =	vst v1;
	v1 =	vmul.u32 $0x484, v48  }
0xa8: {  	v55 =	vld [tilespmem:$0xDFE0];
	v2 =	vadd.s32 v61, v2  }
0xa9: {  	[tilespmem:$0xB2B0] =	vst v47;
	v12 =	vld [tilespmem:$0xDFB0];
	v2 =	vadd.s32 v6, v2;
	v1 =	vadd.s32 v4, v1  }
0xaa: {  	[tilespmem:$0xB2D0] =	vst v53;
	v47 =	vmul.u32 $0x22, v50;
	v50 =	vld [tilespmem:$0x1FFB0];
	v2 =	vadd.s32 $0x4A7, v2;
	v1 =	vadd.s32 v15, v1  }
0xab: {  	v3 =	vmul.u32 $0x22, v3;
	v53 =	vld [tilespmem:$0x1FFD0];
	[tilespmem:$0xAF70] =	vst v2;
	v1 =	vadd.s32 $0x4A7, v1;
	v2 =	vmul.u32 $0x484, v10  }
0xac: {  	v18 =	vld [tilespmem:$0x1FF90];
	[tilespmem:$0xAF80] =	vst v1;
	v1 =	vmul.u32 $0x484, v54  }
0xad: {  	[tilespmem:$0xB380] =	vst v21;
	v19 =	vld [tilespmem:$0xDD80];
	v2 =	vadd.s32 v3, v2  }
0xae: {  	[tilespmem:$0xB2F0] =	vst v56;
	v56 =	vld [tilespmem:$0xE020];
	v2 =	vadd.s32 v5, v2;
	v1 =	vadd.s32 v51, v1  }
0xaf: {  	[tilespmem:$0xB390] =	vst v22;
	v14 =	vmul.u32 $0x22, v49;
	v49 =	vld [tilespmem:$0xDDF0];
	v2 =	vadd.s32 $0x4A7, v2;
	v1 =	vadd.s32 v13, v1  }
0xb0: {  	v48 =	vld [tilespmem:$0xDAD0];
	[tilespmem:$0xAF90] =	vst v2;
	v1 =	vadd.s32 $0x4A7, v1;
	v2 =	vmul.u32 $0x484, v8  }
0xb1: {  	v3 =	vld [tilespmem:$0xDD60];
	[tilespmem:$0xAFA0] =	vst v1;
	v1 =	vmul.u32 $0x484, v62  }
0xb2: {  	[tilespmem:$0xB3A0] =	vst v23;
	v10 =	vld [tilespmem:$0xDFD0];
	v2 =	vadd.s32 v58, v2  }
0xb3: {  	[tilespmem:$0xB330] =	vst v50;
	v54 =	vld [tilespmem:$0x1FF60];
	v2 =	vadd.s32 v12, v2;
	v1 =	vadd.s32 v60, v1  }
0xb4: {  	v61 =	vld [tilespmem:$0xDFF0];
	[tilespmem:$0xB350] =	vst v53;
	v2 =	vadd.s32 $0x4A7, v2;
	v1 =	vadd.s32 v46, v1  }
0xb5: {  	v50 =	vld [tilespmem:$0xDB80];
	[tilespmem:$0xAFB0] =	vst v2;
	v1 =	vadd.s32 $0x4A7, v1;
	v2 =	vmul.u32 $0x484, v48  }
0xb6: {  	v53 =	vld [tilespmem:$0xE080];
	v3 =	vmul.u32 $0x22, v3;
	[tilespmem:$0xAFC0] =	vst v1;
	v1 =	vmul.u32 $0x484, v52  }
0xb7: {  	[tilespmem:$0xB3B0] =	vst v24;
	v15 =	vld [tilespmem:$0xDDC0];
	v2 =	vadd.s32 v47, v2  }
0xb8: {  	[tilespmem:$0xB2E0] =	vst v54;
	v54 =	vld [tilespmem:$0xDDA0];
	v2 =	vadd.s32 v10, v2;
	v1 =	vadd.s32 v3, v1  }
0xb9: {  	[tilespmem:$0xB3C0] =	vst v25;
	v46 =	vld [tilespmem:$0xE000];
	v2 =	vadd.s32 $0x4A7, v2;
	v1 =	vadd.s32 v55, v1  }
0xba: {  	v48 =	vld [tilespmem:$0xDB10];
	v55 =	vmul.u32 $0x22, v59;
	[tilespmem:$0xAFD0] =	vst v2;
	v1 =	vadd.s32 $0x4A7, v1;
	v2 =	vmul.u32 $0x484, v57  }
0xbb: {  	v3 =	vld [tilespmem:$0xDB20];
	v57 =	vmul.u32 $0x22, v19;
	[tilespmem:$0xAFE0] =	vst v1;
	v1 =	vmul.u32 $0x484, v63  }
0xbc: {  	[tilespmem:$0xB3D0] =	vst v26;
	v51 =	vld [tilespmem:$0xE010];
	v2 =	vadd.s32 v55, v2  }
0xbd: {  	[tilespmem:$0xB3E0] =	vst v27;
	v62 =	vld [tilespmem:$0x1FF80];
	v2 =	vadd.s32 v61, v2;
	v1 =	vadd.s32 v57, v1  }
0xbe: {  	[tilespmem:$0xB3F0] =	vst v28;
	v58 =	vld [tilespmem:$0xDB30];
	v2 =	vadd.s32 $0x4A7, v2;
	v1 =	vadd.s32 v46, v1  }
0xbf: {  	v60 =	vld [tilespmem:$0xDDB0];
	[tilespmem:$0xAFF0] =	vst v2;
	v1 =	vadd.s32 $0x4A7, v1;
	v2 =	vmul.u32 $0x484, v48  }
0xc0: {  	v63 =	vld [tilespmem:$0xDB40];
	[tilespmem:$0xB000] =	vst v1;
	v1 =	vmul.u32 $0x484, v3;
	v3 =	vmul.u32 $0x22, v54  }
0xc1: {  	[tilespmem:$0xB400] =	vst v29;
	v52 =	vld [tilespmem:$0x1FFC0];
	v2 =	vadd.s32 v14, v2  }
0xc2: {  	[tilespmem:$0xB300] =	vst v62;
	v62 =	vld [tilespmem:$0xE030];
	v2 =	vadd.s32 v51, v2;
	v1 =	vadd.s32 v3, v1  }
0xc3: {  	[tilespmem:$0xB320] =	vst v45;
	v19 =	vld [tilespmem:$0xDB60];
	v2 =	vadd.s32 $0x4A7, v2;
	v1 =	vadd.s32 v56, v1  }
0xc4: {  	v7 =	vmul.u32 $0x22, v60;
	v3 =	vld [tilespmem:$0xDDD0];
	[tilespmem:$0xB010] =	vst v2;
	v1 =	vadd.s32 $0x4A7, v1;
	v2 =	vmul.u32 $0x484, v58  }
0xc5: {  	v45 =	vmul.u32 $0x22, v15;
	v46 =	vld [tilespmem:$0xDDE0];
	[tilespmem:$0xB020] =	vst v1;
	v1 =	vmul.u32 $0x484, v63  }
0xc6: {  	[tilespmem:$0xB310] =	vst v18;
	v18 =	vld [tilespmem:$0xE050];
	v2 =	vadd.s32 v7, v2  }
0xc7: {  	[tilespmem:$0xB410] =	vst v30;
	v47 =	vld [tilespmem:$0xE060];
	v2 =	vadd.s32 v62, v2;
	v1 =	vadd.s32 v45, v1  }
0xc8: {  	v59 =	vld [tilespmem:$0x1FFE0];
	[tilespmem:$0xB340] =	vst v52;
	v2 =	vadd.s32 $0x4A7, v2;
	v1 =	vadd.s32 v16, v1  }
0xc9: {  	v48 =	vld [tilespmem:$0xDB70];
	v3 =	vmul.u32 $0x22, v3;
	[tilespmem:$0xB030] =	vst v2;
	v1 =	vadd.s32 $0x4A7, v1;
	v2 =	vmul.u32 $0x484, v17  }
0xca: {  	v52 =	vld [tilespmem:$0xDE00];
	v51 =	vmul.u32 $0x22, v46;
	[tilespmem:$0xB040] =	vst v1;
	v1 =	vmul.u32 $0x484, v19  }
0xcb: {  	[tilespmem:$0xB420] =	vst v31;
	v55 =	vld [tilespmem:$0xDE10];
	v2 =	vadd.s32 v3, v2  }
0xcc: {  	[tilespmem:$0xB430] =	vst v32;
	v3 =	vld [tilespmem:$0xE070];
	v2 =	vadd.s32 v18, v2;
	v1 =	vadd.s32 v51, v1  }
0xcd: {  	[tilespmem:$0xB440] =	vst v33;
	v61 =	vld [tilespmem:$0x1FFF0];
	v2 =	vadd.s32 $0x4A7, v2;
	v1 =	vadd.s32 v47, v1  }
0xce: {  	v5 =	vmul.u32 $0x22, v49;
	v57 =	vld [tilespmem:$0xDBA0];
	[tilespmem:$0xB050] =	vst v2;
	v1 =	vadd.s32 $0x4A7, v1;
	v2 =	vmul.u32 $0x484, v48  }
0xcf: {  	v54 =	vld [tilespmem:$0xDB90];
	v56 =	vmul.u32 $0x22, v52;
	[tilespmem:$0xB060] =	vst v1;
	v1 =	vmul.u32 $0x484, v50  }
0xd0: {  	[tilespmem:$0xB360] =	vst v59;
	v59 =	vld [tilespmem:$0xDBB0];
	v2 =	vadd.s32 v5, v2  }
0xd1: {  	[tilespmem:$0xB450] =	vst v34;
	v58 =	vld [tilespmem:$0xDE20];
	v2 =	vadd.s32 v3, v2;
	v1 =	vadd.s32 v56, v1  }
0xd2: {  	[tilespmem:$0xB370] =	vst v61;
	v3 =	vld [tilespmem:$0xE090];
	v2 =	vadd.s32 $0x4A7, v2;
	v1 =	vadd.s32 v53, v1  }
0xd3: {  	[tilespmem:$0xB070] =	vst v2;
	v1 =	vadd.s32 $0x4A7, v1;
	v2 =	vld [tilespmem:$0xDE30]  }
0xd4: {  	v60 =	vmul.u32 $0x22, v55;
	v61 =	vld [tilespmem:$0xE0A0];
	[tilespmem:$0xB080] =	vst v1;
	v1 =	vmul.u32 $0x484, v54  }
0xd5: {  	[tilespmem:$0xB460] =	vst v35  }
0xd6: {  	[tilespmem:$0xB470] =	vst v36;
	v63 =	vld [tilespmem:$0xE0B0];
	v62 =	vmul.u32 $0x484, v57;
	v5 =	vmul.u32 $0x22, v58;
	v1 =	vadd.s32 v60, v1  }
0xd7: {  	[tilespmem:$0xB480] =	vst v37;
	v4 =	vmul.u32 $0x484, v59;
	v1 =	vadd.s32 v3, v1  }
0xd8: {  	[tilespmem:$0xB490] =	vst v38;
	v3 =	vadd.s32 v5, v62;
	v1 =	vadd.s32 $0x4A7, v1;
	v2 =	vmul.u32 $0x22, v2  }
0xd9: {  	[tilespmem:$0xB090] =	vst v1;
	v1 =	vadd.s32 v61, v3  }
0xda: {  	[tilespmem:$0xB4A0] =	vst v39;
	v1 =	vadd.s32 $0x4A7, v1;
	v2 =	vadd.s32 v2, v4  }
0xdb: {  	[tilespmem:$0xB0A0] =	vst v1;
	v1 =	vadd.s32 v63, v2  }
0xdc: {  	s8 =	simm.s32 $0x80;
	[tilespmem:$0xB4B0] =	vst v40;
	v1 =	vadd.s32 $0x4A7, v1  }
0xdd: {  	s9 =	simm.s32 $0xAE40;
	s14 =	simm.s32 $0xB240;
	s5 =	rddreg [dreg:$0x2];
	[tilespmem:$0xB0B0] =	vst v1  }
0xde: {  	[spmem:s5] =	stream.indirect.scatter [tilespmem:s14], [sflag:$0x4], $0x1, s9, s8, $0x2000b8;
	[tilespmem:$0x1A540] =	vst v63  }
0xdf: {  	_ =	swait.ge [sflag:s7], $0x80  }
0xe0: {  	[sflag:s7] =	ssyncset.done $0x0  }
0xe1: {  	s17 =	simm.s32 $0xAEC0;
	s21 =	simm.s32 $0xB2C0;
	[sflag:s7] =	ssyncadd.s32 $0xFFFFFF80  }
0xe2: {  	[spmem:s5] =	stream.indirect.scatter [tilespmem:s21], [sflag:$0x4], $0x1, s17, s8, $0x2000b8;
	[tilespmem:$0x1A540] =	vst v63  }
0xe3: {  	_ =	swait.ge [sflag:s7], $0x80  }
0xe4: {  	[sflag:s7] =	ssyncset.done $0x0  }
0xe5: {  	s28 =	simm.s32 $0xAF40;
	s29 =	simm.s32 $0xB340;
	[sflag:s7] =	ssyncadd.s32 $0xFFFFFF80  }
0xe6: {  	[spmem:s5] =	stream.indirect.scatter [tilespmem:s29], [sflag:$0x4], $0x1, s28, s8, $0x2000b8;
	[tilespmem:$0x1A540] =	vst v63  }
0xe7: {  	_ =	swait.ge [sflag:s7], $0x80  }
0xe8: {  	[sflag:s7] =	ssyncset.done $0x0  }
0xe9: {  	s30 =	simm.s32 $0xAFC0;
	s31 =	simm.s32 $0xB3C0;
	[sflag:s7] =	ssyncadd.s32 $0xFFFFFF80  }
0xea: {  	[spmem:s5] =	stream.indirect.scatter [tilespmem:s31], [sflag:$0x4], $0x1, s30, s8, $0x2000b8;
	[tilespmem:$0x1A540] =	vst v63  }
0xeb: {  	_ =	swait.ge [sflag:s7], $0x80  }
0xec: {  	[sflag:s7] =	ssyncset.done $0x0  }
0xed: {  	s15 =	simm.s32 $0xB040;
	s17 =	simm.s32 $0xB440;
	[sflag:s7] =	ssyncadd.s32 $0xFFFFFF80  }
0xee: {  	[spmem:s5] =	stream.indirect.scatter [tilespmem:s17], [sflag:$0x4], $0x1, s15, s8, $0x2000b8;
	[tilespmem:$0x1A540] =	vst v63  }
0xef: {  	_ =	swait.ge [sflag:s7], $0x80  }
0xf0: {  	[sflag:s7] =	ssyncset.done $0x0  }
0xf1: {  	[sflag:s7] =	ssyncadd.s32 $0xFFFFFF80  }
0xf2: {  	[bflag:$0x0] =	sbarrier.arrive $0xFFFF  }
0xf3: {  	_ =	strace $0x90000049  }
0xf4: {  	_ =	strace $0x8000004A  }
0xf5: {  	[tilespmem:s2], [sflag:$0x4] =	stream.linear.gather [spmem:s5], $0xA400, $0x200038;
	[tilespmem:$0x1A540] =	vst v63  }
0xf6: {  	_ =	swait.ge [sflag:s7], $0xA400  }
0xf7: {  	[sflag:s7] =	ssyncset.done $0x0  }
0xf8: {  	s9 =	simm.s32 $0xE0C0;
	s21 =	rddreg [dreg:$0x8];
	[sflag:s7] =	ssyncadd.s32 $0xFFFF5C00  }
0xf9: {  	[tilespmem:s9], [sflag:$0x4] =	stream.linear.gather [hbm4b:s21+s1], $0x140, $0x200038;
	[tilespmem:$0x1A540] =	vst v63  }
0xfa: {  	_ =	swait.ge [sflag:s7], $0x140  }
0xfb: {  	[sflag:s7] =	ssyncset.done $0x0  }
0xfc: {  	s15 =	simm.s32 $0xE240;
	s28 =	rddreg [dreg:$0xc];
	[sflag:s7] =	ssyncadd.s32 $0xFFFFFEC0  }
0xfd: {  	[tilespmem:s15], [sflag:$0x4] =	stream.linear.gather [hbm4b:s28+s1], $0x140, $0x200038;
	[tilespmem:$0x1A540] =	vst v63  }
0xfe: {  	_ =	swait.ge [sflag:s7], $0x140  }
0xff: {  	[sflag:s7] =	ssyncset.done $0x0  }
0x100: {  	s21 =	simm.s32 $0xE3C0;
	s29 =	rddreg [dreg:$0xd];
	[sflag:s7] =	ssyncadd.s32 $0xFFFFFEC0  }
0x101: {  	[tilespmem:s21], [sflag:$0x4] =	stream.linear.gather [hbm4b:s29+s1], $0x140, $0x200038;
	[tilespmem:$0x1A540] =	vst v63  }
0x102: {  	_ =	swait.ge [sflag:s7], $0x140  }
0x103: {  	[sflag:s7] =	ssyncset.done $0x0  }
0x104: {  	[sflag:s7] =	ssyncadd.s32 $0xFFFFFEC0  }
0x105: {  	v1 =	vld [tilespmem:s9+$0x0]  }
0x106: {  	v2 =	vld [tilespmem:s15+$0x0];
	_ =	sdelay $0x2  }
0x107: {  	v3 =	vld [tilespmem:s21+$0x0];
	_ =	sdelay $0x1  }
0x108: {  	v1 =	vmul.u32 $0x484, v1;
	v2 =	vmul.u32 $0x22, v2;
	_ =	sdelay $0x1  }
0x109: {  	v1 =	vadd.s32 v1, v2  }
0x10a: {  	v9 =	vadd.s32 v3, v1;
	_ =	sdelay $0x1  }
0x10b: {  	s30 =	sadd.s32 $0x0, s10  }
0x10c: {  	v1 =	vor.u32 s30, v0  }
0x10d: {  	v2 =	vmulhi.u32 $0x88888889, v1  }
0x10e: {  	v3 =	vld.idx.msk [tilespmem:v9+s2+$0x0], $0xffff  }
0x10f: {  	v2 =	vshrl.u32 v2, $0x7  }
0x110: {  	v2 =	vmul.u32 $0xF0, v2  }
0x111: {  	v10 =	vadd.s32 $0x1, v9  }
0x112: {  	v11 =	vsub.s32 v1, v2  }
0x113: {  	v1 =	vadd.s32 $0x2710, v11;
	vm1 =	vlt.s32 v3, $0x0  }
0x114: {  	s31 =	simm.s32 $0xC680;
	v1 =	vsel vm1, v1, v3  }
0x115: {  	[tilespmem:s31+$0xFFFFEFC0] =	vst v1  }
0x116: {  	v1 =	vld.idx.msk [tilespmem:v10+s2+$0x0], $0xffff;
	_ =	sdelay $0x2  }
0x117: {  	v2 =	vadd.s32 $0x2, v9;
	_ =	sdelay $0x1  }
0x118: {  	v12 =	vadd.s32 $0x4F10, v11;
	v3 =	vadd.s32 $0x2800, v1;
	vm1 =	vlt.s32 v1, $0x0  }
0x119: {  	v1 =	vsel vm1, v12, v3  }
0x11a: {  	[tilespmem:s31+$0xFFFFF100] =	vst v1  }
0x11b: {  	v1 =	vld.idx.msk [tilespmem:v2+s2+$0x0], $0xffff;
	_ =	sdelay $0x2  }
0x11c: {  	v2 =	vadd.s32 $0x22, v9;
	_ =	sdelay $0x1  }
0x11d: {  	v13 =	vadd.s32 $0x7710, v11;
	v3 =	vadd.s32 $0x5000, v1;
	vm1 =	vlt.s32 v1, $0x0  }
0x11e: {  	s1 =	sand.u32 $0x1F0, s1;
	v1 =	vsel vm1, v13, v3  }
0x11f: {  	[tilespmem:s1+$0xB8C0] =	vst v1  }
0x120: {  	v1 =	vld.idx.msk [tilespmem:v2+s2+$0x0], $0xffff;
	_ =	sdelay $0x2  }
0x121: {  	v2 =	vadd.s32 $0x23, v9;
	_ =	sdelay $0x1  }
0x122: {  	v14 =	vadd.s32 $0x9F10, v11;
	v3 =	vadd.s32 $0x7800, v1;
	vm1 =	vlt.s32 v1, $0x0  }
0x123: {  	v1 =	vsel vm1, v14, v3  }
0x124: {  	[tilespmem:s31+$0xFFFFF380] =	vst v1  }
0x125: {  	v1 =	vld.idx.msk [tilespmem:v2+s2+$0x0], $0xffff;
	_ =	sdelay $0x2  }
0x126: {  	v2 =	vadd.s32 $0x24, v9;
	_ =	sdelay $0x1  }
0x127: {  	v15 =	vadd.s32 $0xC710, v11;
	v3 =	vadd.s32 $0xA000, v1;
	vm1 =	vlt.s32 v1, $0x0  }
0x128: {  	v1 =	vsel vm1, v15, v3  }
0x129: {  	[tilespmem:s1+$0xBB40] =	vst v1  }
0x12a: {  	v1 =	vld.idx.msk [tilespmem:v2+s2+$0x0], $0xffff;
	_ =	sdelay $0x2  }
0x12b: {  	v2 =	vadd.s32 $0x44, v9;
	_ =	sdelay $0x1  }
0x12c: {  	v16 =	vadd.s32 $0xEF10, v11;
	v3 =	vadd.s32 $0xC800, v1;
	vm1 =	vlt.s32 v1, $0x0  }
0x12d: {  	v1 =	vsel vm1, v16, v3  }
0x12e: {  	[tilespmem:s31+$0xFFFFF600] =	vst v1  }
0x12f: {  	v1 =	vld.idx.msk [tilespmem:v2+s2+$0x0], $0xffff;
	_ =	sdelay $0x2  }
0x130: {  	v2 =	vadd.s32 $0x45, v9;
	_ =	sdelay $0x1  }
0x131: {  	v17 =	vadd.s32 $0x11710, v11;
	v3 =	vadd.s32 $0xF000, v1;
	vm1 =	vlt.s32 v1, $0x0  }
0x132: {  	v1 =	vsel vm1, v17, v3  }
0x133: {  	[tilespmem:s1+$0xBDC0] =	vst v1  }
0x134: {  	v1 =	vld.idx.msk [tilespmem:v2+s2+$0x0], $0xffff;
	_ =	sdelay $0x2  }
0x135: {  	v2 =	vadd.s32 $0x46, v9;
	_ =	sdelay $0x1  }
0x136: {  	v18 =	vadd.s32 $0x13F10, v11;
	v3 =	vadd.s32 $0x11800, v1;
	vm1 =	vlt.s32 v1, $0x0  }
0x137: {  	v1 =	vsel vm1, v18, v3  }
0x138: {  	[tilespmem:s31+$0xFFFFF880] =	vst v1  }
0x139: {  	v1 =	vld.idx.msk [tilespmem:v2+s2+$0x0], $0xffff;
	_ =	sdelay $0x2  }
0x13a: {  	v2 =	vadd.s32 $0x484, v9;
	_ =	sdelay $0x1  }
0x13b: {  	v19 =	vadd.s32 $0x16710, v11;
	v3 =	vadd.s32 $0x14000, v1;
	vm1 =	vlt.s32 v1, $0x0  }
0x13c: {  	v1 =	vsel vm1, v19, v3  }
0x13d: {  	[tilespmem:s1+$0xC040] =	vst v1  }
0x13e: {  	v1 =	vld.idx.msk [tilespmem:v2+s2+$0x0], $0xffff;
	_ =	sdelay $0x2  }
0x13f: {  	v2 =	vadd.s32 $0x485, v9;
	_ =	sdelay $0x1  }
0x140: {  	v47 =	vadd.s32 $0x18F10, v11;
	v3 =	vadd.s32 $0x16800, v1;
	vm1 =	vlt.s32 v1, $0x0  }
0x141: {  	v1 =	vsel vm1, v47, v3  }
0x142: {  	[tilespmem:s31+$0xFFFFFB00] =	vst v1  }
0x143: {  	v1 =	vld.idx.msk [tilespmem:v2+s2+$0x0], $0xffff;
	_ =	sdelay $0x2  }
0x144: {  	v2 =	vadd.s32 $0x486, v9;
	_ =	sdelay $0x1  }
0x145: {  	v48 =	vadd.s32 $0x1B710, v11;
	v3 =	vadd.s32 $0x19000, v1;
	vm1 =	vlt.s32 v1, $0x0  }
0x146: {  	v1 =	vsel vm1, v48, v3  }
0x147: {  	[tilespmem:s1+$0xC2C0] =	vst v1  }
0x148: {  	v1 =	vld.idx.msk [tilespmem:v2+s2+$0x0], $0xffff;
	_ =	sdelay $0x2  }
0x149: {  	v2 =	vadd.s32 $0x4A6, v9;
	_ =	sdelay $0x1  }
0x14a: {  	v49 =	vadd.s32 $0x1DF10, v11;
	v3 =	vadd.s32 $0x1B800, v1;
	vm1 =	vlt.s32 v1, $0x0  }
0x14b: {  	v1 =	vsel vm1, v49, v3  }
0x14c: {  	[tilespmem:s31+$0xFFFFFD80] =	vst v1  }
0x14d: {  	v1 =	vld.idx.msk [tilespmem:v2+s2+$0x0], $0xffff;
	_ =	sdelay $0x2  }
0x14e: {  	v2 =	vadd.s32 $0x4A7, v9;
	_ =	sdelay $0x1  }
0x14f: {  	v50 =	vadd.s32 $0x20710, v11;
	v3 =	vadd.s32 $0x1E000, v1;
	vm1 =	vlt.s32 v1, $0x0  }
0x150: {  	v1 =	vsel vm1, v50, v3  }
0x151: {  	[tilespmem:s1+$0xC540] =	vst v1  }
0x152: {  	v1 =	vld.idx.msk [tilespmem:v2+s2+$0x0], $0xffff;
	_ =	sdelay $0x2  }
0x153: {  	v2 =	vadd.s32 $0x4A8, v9;
	_ =	sdelay $0x1  }
0x154: {  	v51 =	vadd.s32 $0x22F10, v11;
	v3 =	vadd.s32 $0x20800, v1;
	vm1 =	vlt.s32 v1, $0x0  }
0x155: {  	v1 =	vsel vm1, v51, v3  }
0x156: {  	[tilespmem:s31+$0x0] =	vst v1  }
0x157: {  	v1 =	vld.idx.msk [tilespmem:v2+s2+$0x0], $0xffff;
	_ =	sdelay $0x2  }
0x158: {  	v2 =	vadd.s32 $0x4C8, v9;
	_ =	sdelay $0x1  }
0x159: {  	v52 =	vadd.s32 $0x25710, v11;
	v3 =	vadd.s32 $0x23000, v1;
	vm1 =	vlt.s32 v1, $0x0  }
0x15a: {  	v1 =	vsel vm1, v52, v3  }
0x15b: {  	[tilespmem:s1+$0xC7C0] =	vst v1  }
0x15c: {  	v1 =	vld.idx.msk [tilespmem:v2+s2+$0x0], $0xffff;
	_ =	sdelay $0x2  }
0x15d: {  	v2 =	vadd.s32 $0x4C9, v9;
	_ =	sdelay $0x1  }
0x15e: {  	v53 =	vadd.s32 $0x27F10, v11;
	v3 =	vadd.s32 $0x25800, v1;
	vm1 =	vlt.s32 v1, $0x0  }
0x15f: {  	v1 =	vsel vm1, v53, v3  }
0x160: {  	[tilespmem:s31+$0x280] =	vst v1  }
0x161: {  	v1 =	vld.idx.msk [tilespmem:v2+s2+$0x0], $0xffff;
	_ =	sdelay $0x2  }
0x162: {  	v2 =	vadd.s32 $0x4CA, v9;
	_ =	sdelay $0x1  }
0x163: {  	v54 =	vadd.s32 $0x2A710, v11;
	v3 =	vadd.s32 $0x28000, v1;
	vm1 =	vlt.s32 v1, $0x0  }
0x164: {  	v1 =	vsel vm1, v54, v3  }
0x165: {  	[tilespmem:s1+$0xCA40] =	vst v1  }
0x166: {  	v1 =	vld.idx.msk [tilespmem:v2+s2+$0x0], $0xffff;
	_ =	sdelay $0x2  }
0x167: {  	v2 =	vadd.s32 $0x908, v9;
	_ =	sdelay $0x1  }
0x168: {  	v55 =	vadd.s32 $0x2CF10, v11;
	v3 =	vadd.s32 $0x2A800, v1;
	vm1 =	vlt.s32 v1, $0x0  }
0x169: {  	v1 =	vsel vm1, v55, v3  }
0x16a: {  	[tilespmem:s31+$0x500] =	vst v1  }
0x16b: {  	v1 =	vld.idx.msk [tilespmem:v2+s2+$0x0], $0xffff;
	_ =	sdelay $0x2  }
0x16c: {  	v2 =	vadd.s32 $0x909, v9;
	_ =	sdelay $0x1  }
0x16d: {  	v56 =	vadd.s32 $0x2F710, v11;
	v3 =	vadd.s32 $0x2D000, v1;
	vm1 =	vlt.s32 v1, $0x0  }
0x16e: {  	v1 =	vsel vm1, v56, v3  }
0x16f: {  	[tilespmem:s1+$0xCCC0] =	vst v1  }
0x170: {  	v1 =	vld.idx.msk [tilespmem:v2+s2+$0x0], $0xffff;
	_ =	sdelay $0x2  }
0x171: {  	v2 =	vadd.s32 $0x90A, v9;
	_ =	sdelay $0x1  }
0x172: {  	v57 =	vadd.s32 $0x31F10, v11;
	v3 =	vadd.s32 $0x2F800, v1;
	vm1 =	vlt.s32 v1, $0x0  }
0x173: {  	v1 =	vsel vm1, v57, v3  }
0x174: {  	[tilespmem:s31+$0x780] =	vst v1  }
0x175: {  	v1 =	vld.idx.msk [tilespmem:v2+s2+$0x0], $0xffff;
	_ =	sdelay $0x2  }
0x176: {  	v2 =	vadd.s32 $0x92A, v9;
	_ =	sdelay $0x1  }
0x177: {  	v58 =	vadd.s32 $0x34710, v11;
	v3 =	vadd.s32 $0x32000, v1;
	vm1 =	vlt.s32 v1, $0x0  }
0x178: {  	v1 =	vsel vm1, v58, v3  }
0x179: {  	[tilespmem:s1+$0xCF40] =	vst v1  }
0x17a: {  	v1 =	vld.idx.msk [tilespmem:v2+s2+$0x0], $0xffff;
	_ =	sdelay $0x2  }
0x17b: {  	v2 =	vadd.s32 $0x92B, v9;
	_ =	sdelay $0x1  }
0x17c: {  	v59 =	vadd.s32 $0x36F10, v11;
	v3 =	vadd.s32 $0x34800, v1;
	vm1 =	vlt.s32 v1, $0x0  }
0x17d: {  	v1 =	vsel vm1, v59, v3  }
0x17e: {  	[tilespmem:s31+$0xA00] =	vst v1  }
0x17f: {  	v1 =	vld.idx.msk [tilespmem:v2+s2+$0x0], $0xffff;
	_ =	sdelay $0x2  }
0x180: {  	v2 =	vadd.s32 $0x92C, v9;
	_ =	sdelay $0x1  }
0x181: {  	v60 =	vadd.s32 $0x39710, v11;
	v3 =	vadd.s32 $0x37000, v1;
	vm1 =	vlt.s32 v1, $0x0  }
0x182: {  	v1 =	vsel vm1, v60, v3  }
0x183: {  	[tilespmem:s1+$0xD1C0] =	vst v1  }
0x184: {  	v1 =	vld.idx.msk [tilespmem:v2+s2+$0x0], $0xffff;
	_ =	sdelay $0x2  }
0x185: {  	v2 =	vadd.s32 $0x94C, v9;
	_ =	sdelay $0x1  }
0x186: {  	v61 =	vadd.s32 $0x3BF10, v11;
	v3 =	vadd.s32 $0x39800, v1;
	vm1 =	vlt.s32 v1, $0x0  }
0x187: {  	v1 =	vsel vm1, v61, v3  }
0x188: {  	[tilespmem:s31+$0xC80] =	vst v1  }
0x189: {  	v1 =	vld.idx.msk [tilespmem:v2+s2+$0x0], $0xffff;
	_ =	sdelay $0x2  }
0x18a: {  	v2 =	vadd.s32 $0x94D, v9;
	_ =	sdelay $0x1  }
0x18b: {  	v62 =	vadd.s32 $0x3E710, v11;
	v3 =	vadd.s32 $0x3C000, v1;
	vm1 =	vlt.s32 v1, $0x0  }
0x18c: {  	v1 =	vsel vm1, v62, v3  }
0x18d: {  	[tilespmem:s1+$0xD440] =	vst v1  }
0x18e: {  	v1 =	vld.idx.msk [tilespmem:v2+s2+$0x0], $0xffff;
	_ =	sdelay $0x2  }
0x18f: {  	v2 =	vadd.s32 $0x94E, v9;
	_ =	sdelay $0x1  }
0x190: {  	v63 =	vadd.s32 $0x40F10, v11;
	v3 =	vadd.s32 $0x3E800, v1;
	vm1 =	vlt.s32 v1, $0x0  }
0x191: {  	v1 =	vsel vm1, v63, v3  }
0x192: {  	[tilespmem:s31+$0xF00] =	vst v1  }
0x193: {  	v1 =	vld.idx.msk [tilespmem:v2+s2+$0x0], $0xffff;
	_ =	sdelay $0x4  }
0x194: {  	v3 =	vadd.s32 $0x43710, v11;
	v2 =	vadd.s32 $0x41000, v1;
	vm1 =	vlt.s32 v1, $0x0  }
0x195: {  	s14 =	simm.s32 $0xC690;
	s7 =	simm.s32 $0x10;
	v45 =	vsel vm1, v3, v2  }
.LBB2_4:
0x196: {  	[tilespmem:s1+$0xD6C0] =	vst v45;
	s9 =	sadd.s32 $0x10, s9;
	s15 =	sadd.s32 $0x10, s15;
	s21 =	sadd.s32 $0x10, s21  }
0x197: {  	p0 =	sne.s32 s7, $0x130;
	s1 =	smov.u32 s7;
	s7 =	sadd.s32 $0x10, s7;
	v1 =	vld [tilespmem:s9+$0x0]  }
0x198: {  	v2 =	vld [tilespmem:s15+$0x0];
	_ =	sdelay $0x2  }
0x199: {  	v3 =	vld [tilespmem:s21+$0x0];
	_ =	sdelay $0x1  }
0x19a: {  	v1 =	vmul.u32 $0x484, v1;
	v2 =	vmul.u32 $0x22, v2;
	_ =	sdelay $0x1  }
0x19b: {  	v1 =	vadd.s32 v1, v2  }
0x19c: {  	v46 =	vadd.s32 v3, v1;
	_ =	sdelay $0x2  }
0x19d: {  	s5 =	sadd.s32 s1, s10  }
0x19e: {  	v1 =	vor.u32 s5, v0  }
0x19f: {  	v2 =	vmulhi.u32 $0x88888889, v1;
	v3 =	vld.idx.msk [tilespmem:v46+s2+$0x0], $0xffff;
	_ =	sdelay $0x1  }
0x1a0: {  	v2 =	vshrl.u32 v2, $0x7  }
0x1a1: {  	v2 =	vmul.u32 $0xF0, v2  }
0x1a2: {  	v4 =	vadd.s32 $0x1, v46  }
0x1a3: {  	v45 =	vsub.s32 v1, v2  }
0x1a4: {  	v1 =	vadd.s32 $0x2710, v45;
	vm1 =	vlt.s32 v3, $0x0  }
0x1a5: {  	v1 =	vsel vm1, v1, v3  }
0x1a6: {  	[tilespmem:s14+$0xFFFFEFC0] =	vst v1  }
0x1a7: {  	v1 =	vld.idx.msk [tilespmem:v4+s2+$0x0], $0xffff;
	_ =	sdelay $0x3  }
0x1a8: {  	v2 =	vadd.s32 $0x2, v46;
	_ =	sdelay $0x1  }
0x1a9: {  	v4 =	vadd.s32 $0x4F10, v45;
	v3 =	vadd.s32 $0x2800, v1;
	vm1 =	vlt.s32 v1, $0x0  }
0x1aa: {  	v1 =	vsel vm1, v4, v3  }
0x1ab: {  	[tilespmem:s14+$0xFFFFF100] =	vst v1  }
0x1ac: {  	v1 =	vld.idx.msk [tilespmem:v2+s2+$0x0], $0xffff;
	_ =	sdelay $0x3  }
0x1ad: {  	v2 =	vadd.s32 $0x22, v46;
	_ =	sdelay $0x1  }
0x1ae: {  	v4 =	vadd.s32 $0x7710, v45;
	v3 =	vadd.s32 $0x5000, v1;
	vm1 =	vlt.s32 v1, $0x0  }
0x1af: {  	s1 =	sand.u32 $0x1F0, s1;
	v1 =	vsel vm1, v4, v3  }
0x1b0: {  	[tilespmem:s1+$0xB8C0] =	vst v1  }
0x1b1: {  	v1 =	vld.idx.msk [tilespmem:v2+s2+$0x0], $0xffff;
	_ =	sdelay $0x3  }
0x1b2: {  	v2 =	vadd.s32 $0x23, v46;
	_ =	sdelay $0x1  }
0x1b3: {  	v4 =	vadd.s32 $0x9F10, v45;
	v3 =	vadd.s32 $0x7800, v1;
	vm1 =	vlt.s32 v1, $0x0  }
0x1b4: {  	v1 =	vsel vm1, v4, v3  }
0x1b5: {  	[tilespmem:s14+$0xFFFFF380] =	vst v1  }
0x1b6: {  	v1 =	vld.idx.msk [tilespmem:v2+s2+$0x0], $0xffff;
	_ =	sdelay $0x3  }
0x1b7: {  	v2 =	vadd.s32 $0x24, v46;
	_ =	sdelay $0x1  }
0x1b8: {  	v4 =	vadd.s32 $0xC710, v45;
	v3 =	vadd.s32 $0xA000, v1;
	vm1 =	vlt.s32 v1, $0x0  }
0x1b9: {  	v1 =	vsel vm1, v4, v3  }
0x1ba: {  	[tilespmem:s1+$0xBB40] =	vst v1  }
0x1bb: {  	v1 =	vld.idx.msk [tilespmem:v2+s2+$0x0], $0xffff;
	_ =	sdelay $0x3  }
0x1bc: {  	v2 =	vadd.s32 $0x44, v46;
	_ =	sdelay $0x1  }
0x1bd: {  	v4 =	vadd.s32 $0xEF10, v45;
	v3 =	vadd.s32 $0xC800, v1;
	vm1 =	vlt.s32 v1, $0x0  }
0x1be: {  	v1 =	vsel vm1, v4, v3  }
0x1bf: {  	[tilespmem:s14+$0xFFFFF600] =	vst v1  }
0x1c0: {  	v1 =	vld.idx.msk [tilespmem:v2+s2+$0x0], $0xffff;
	_ =	sdelay $0x3  }
0x1c1: {  	v2 =	vadd.s32 $0x45, v46;
	_ =	sdelay $0x1  }
0x1c2: {  	v4 =	vadd.s32 $0x11710, v45;
	v3 =	vadd.s32 $0xF000, v1;
	vm1 =	vlt.s32 v1, $0x0  }
0x1c3: {  	v1 =	vsel vm1, v4, v3  }
0x1c4: {  	[tilespmem:s1+$0xBDC0] =	vst v1  }
0x1c5: {  	v1 =	vld.idx.msk [tilespmem:v2+s2+$0x0], $0xffff;
	_ =	sdelay $0x3  }
0x1c6: {  	v2 =	vadd.s32 $0x46, v46;
	_ =	sdelay $0x1  }
0x1c7: {  	v4 =	vadd.s32 $0x13F10, v45;
	v3 =	vadd.s32 $0x11800, v1;
	vm1 =	vlt.s32 v1, $0x0  }
0x1c8: {  	v1 =	vsel vm1, v4, v3  }
0x1c9: {  	[tilespmem:s14+$0xFFFFF880] =	vst v1  }
0x1ca: {  	v1 =	vld.idx.msk [tilespmem:v2+s2+$0x0], $0xffff;
	_ =	sdelay $0x3  }
0x1cb: {  	v2 =	vadd.s32 $0x484, v46;
	_ =	sdelay $0x1  }
0x1cc: {  	v4 =	vadd.s32 $0x16710, v45;
	v3 =	vadd.s32 $0x14000, v1;
	vm1 =	vlt.s32 v1, $0x0  }
0x1cd: {  	v1 =	vsel vm1, v4, v3  }
0x1ce: {  	[tilespmem:s1+$0xC040] =	vst v1  }
0x1cf: {  	v1 =	vld.idx.msk [tilespmem:v2+s2+$0x0], $0xffff;
	_ =	sdelay $0x3  }
0x1d0: {  	v2 =	vadd.s32 $0x485, v46;
	_ =	sdelay $0x1  }
0x1d1: {  	v4 =	vadd.s32 $0x18F10, v45;
	v3 =	vadd.s32 $0x16800, v1;
	vm1 =	vlt.s32 v1, $0x0  }
0x1d2: {  	v1 =	vsel vm1, v4, v3  }
0x1d3: {  	[tilespmem:s14+$0xFFFFFB00] =	vst v1  }
0x1d4: {  	v1 =	vld.idx.msk [tilespmem:v2+s2+$0x0], $0xffff;
	_ =	sdelay $0x3  }
0x1d5: {  	v2 =	vadd.s32 $0x486, v46;
	_ =	sdelay $0x1  }
0x1d6: {  	v4 =	vadd.s32 $0x1B710, v45;
	v3 =	vadd.s32 $0x19000, v1;
	vm1 =	vlt.s32 v1, $0x0  }
0x1d7: {  	v1 =	vsel vm1, v4, v3  }
0x1d8: {  	[tilespmem:s1+$0xC2C0] =	vst v1  }
0x1d9: {  	v1 =	vld.idx.msk [tilespmem:v2+s2+$0x0], $0xffff;
	_ =	sdelay $0x3  }
0x1da: {  	v2 =	vadd.s32 $0x4A6, v46;
	_ =	sdelay $0x1  }
0x1db: {  	v4 =	vadd.s32 $0x1DF10, v45;
	v3 =	vadd.s32 $0x1B800, v1;
	vm1 =	vlt.s32 v1, $0x0  }
0x1dc: {  	v1 =	vsel vm1, v4, v3  }
0x1dd: {  	[tilespmem:s14+$0xFFFFFD80] =	vst v1  }
0x1de: {  	v1 =	vld.idx.msk [tilespmem:v2+s2+$0x0], $0xffff;
	_ =	sdelay $0x3  }
0x1df: {  	v2 =	vadd.s32 $0x4A7, v46;
	_ =	sdelay $0x1  }
0x1e0: {  	v4 =	vadd.s32 $0x20710, v45;
	v3 =	vadd.s32 $0x1E000, v1;
	vm1 =	vlt.s32 v1, $0x0  }
0x1e1: {  	v1 =	vsel vm1, v4, v3  }
0x1e2: {  	[tilespmem:s1+$0xC540] =	vst v1  }
0x1e3: {  	v1 =	vld.idx.msk [tilespmem:v2+s2+$0x0], $0xffff;
	_ =	sdelay $0x3  }
0x1e4: {  	v2 =	vadd.s32 $0x4A8, v46;
	_ =	sdelay $0x1  }
0x1e5: {  	v4 =	vadd.s32 $0x22F10, v45;
	v3 =	vadd.s32 $0x20800, v1;
	vm1 =	vlt.s32 v1, $0x0  }
0x1e6: {  	v1 =	vsel vm1, v4, v3  }
0x1e7: {  	[tilespmem:s14+$0x0] =	vst v1  }
0x1e8: {  	v1 =	vld.idx.msk [tilespmem:v2+s2+$0x0], $0xffff;
	_ =	sdelay $0x3  }
0x1e9: {  	v2 =	vadd.s32 $0x4C8, v46;
	_ =	sdelay $0x1  }
0x1ea: {  	v4 =	vadd.s32 $0x25710, v45;
	v3 =	vadd.s32 $0x23000, v1;
	vm1 =	vlt.s32 v1, $0x0  }
0x1eb: {  	v1 =	vsel vm1, v4, v3  }
0x1ec: {  	[tilespmem:s1+$0xC7C0] =	vst v1  }
0x1ed: {  	v1 =	vld.idx.msk [tilespmem:v2+s2+$0x0], $0xffff;
	_ =	sdelay $0x3  }
0x1ee: {  	v2 =	vadd.s32 $0x4C9, v46;
	_ =	sdelay $0x1  }
0x1ef: {  	v4 =	vadd.s32 $0x27F10, v45;
	v3 =	vadd.s32 $0x25800, v1;
	vm1 =	vlt.s32 v1, $0x0  }
0x1f0: {  	v1 =	vsel vm1, v4, v3  }
0x1f1: {  	[tilespmem:s14+$0x280] =	vst v1  }
0x1f2: {  	v1 =	vld.idx.msk [tilespmem:v2+s2+$0x0], $0xffff;
	_ =	sdelay $0x3  }
0x1f3: {  	v2 =	vadd.s32 $0x4CA, v46;
	_ =	sdelay $0x1  }
0x1f4: {  	v4 =	vadd.s32 $0x2A710, v45;
	v3 =	vadd.s32 $0x28000, v1;
	vm1 =	vlt.s32 v1, $0x0  }
0x1f5: {  	v1 =	vsel vm1, v4, v3  }
0x1f6: {  	[tilespmem:s1+$0xCA40] =	vst v1  }
0x1f7: {  	v1 =	vld.idx.msk [tilespmem:v2+s2+$0x0], $0xffff;
	_ =	sdelay $0x3  }
0x1f8: {  	v2 =	vadd.s32 $0x908, v46;
	_ =	sdelay $0x1  }
0x1f9: {  	v4 =	vadd.s32 $0x2CF10, v45;
	v3 =	vadd.s32 $0x2A800, v1;
	vm1 =	vlt.s32 v1, $0x0  }
0x1fa: {  	v1 =	vsel vm1, v4, v3  }
0x1fb: {  	[tilespmem:s14+$0x500] =	vst v1  }
0x1fc: {  	v1 =	vld.idx.msk [tilespmem:v2+s2+$0x0], $0xffff;
	_ =	sdelay $0x3  }
0x1fd: {  	v2 =	vadd.s32 $0x909, v46;
	_ =	sdelay $0x1  }
0x1fe: {  	v4 =	vadd.s32 $0x2F710, v45;
	v3 =	vadd.s32 $0x2D000, v1;
	vm1 =	vlt.s32 v1, $0x0  }
0x1ff: {  	v1 =	vsel vm1, v4, v3  }
0x200: {  	[tilespmem:s1+$0xCCC0] =	vst v1  }
0x201: {  	v1 =	vld.idx.msk [tilespmem:v2+s2+$0x0], $0xffff;
	_ =	sdelay $0x3  }
0x202: {  	v2 =	vadd.s32 $0x90A, v46;
	_ =	sdelay $0x1  }
0x203: {  	v4 =	vadd.s32 $0x31F10, v45;
	v3 =	vadd.s32 $0x2F800, v1;
	vm1 =	vlt.s32 v1, $0x0  }
0x204: {  	v1 =	vsel vm1, v4, v3  }
0x205: {  	[tilespmem:s14+$0x780] =	vst v1  }
0x206: {  	v1 =	vld.idx.msk [tilespmem:v2+s2+$0x0], $0xffff;
	_ =	sdelay $0x3  }
0x207: {  	v2 =	vadd.s32 $0x92A, v46;
	_ =	sdelay $0x1  }
0x208: {  	v4 =	vadd.s32 $0x34710, v45;
	v3 =	vadd.s32 $0x32000, v1;
	vm1 =	vlt.s32 v1, $0x0  }
0x209: {  	v1 =	vsel vm1, v4, v3  }
0x20a: {  	[tilespmem:s1+$0xCF40] =	vst v1  }
0x20b: {  	v1 =	vld.idx.msk [tilespmem:v2+s2+$0x0], $0xffff;
	_ =	sdelay $0x3  }
0x20c: {  	v2 =	vadd.s32 $0x92B, v46;
	_ =	sdelay $0x1  }
0x20d: {  	v4 =	vadd.s32 $0x36F10, v45;
	v3 =	vadd.s32 $0x34800, v1;
	vm1 =	vlt.s32 v1, $0x0  }
0x20e: {  	v1 =	vsel vm1, v4, v3  }
0x20f: {  	[tilespmem:s14+$0xA00] =	vst v1  }
0x210: {  	v1 =	vld.idx.msk [tilespmem:v2+s2+$0x0], $0xffff;
	_ =	sdelay $0x3  }
0x211: {  	v2 =	vadd.s32 $0x92C, v46;
	_ =	sdelay $0x1  }
0x212: {  	v4 =	vadd.s32 $0x39710, v45;
	v3 =	vadd.s32 $0x37000, v1;
	vm1 =	vlt.s32 v1, $0x0  }
0x213: {  	v1 =	vsel vm1, v4, v3  }
0x214: {  	[tilespmem:s1+$0xD1C0] =	vst v1  }
0x215: {  	v1 =	vld.idx.msk [tilespmem:v2+s2+$0x0], $0xffff;
	_ =	sdelay $0x3  }
0x216: {  	v2 =	vadd.s32 $0x94C, v46;
	_ =	sdelay $0x1  }
0x217: {  	v4 =	vadd.s32 $0x3BF10, v45;
	v3 =	vadd.s32 $0x39800, v1;
	vm1 =	vlt.s32 v1, $0x0  }
0x218: {  	v1 =	vsel vm1, v4, v3  }
0x219: {  	[tilespmem:s14+$0xC80] =	vst v1  }
0x21a: {  	v1 =	vld.idx.msk [tilespmem:v2+s2+$0x0], $0xffff;
	_ =	sdelay $0x3  }
0x21b: {  	v2 =	vadd.s32 $0x94D, v46;
	_ =	sdelay $0x1  }
0x21c: {  	v4 =	vadd.s32 $0x3E710, v45;
	v3 =	vadd.s32 $0x3C000, v1;
	vm1 =	vlt.s32 v1, $0x0  }
0x21d: {  	v1 =	vsel vm1, v4, v3  }
0x21e: {  	[tilespmem:s1+$0xD440] =	vst v1  }
0x21f: {  	v1 =	vld.idx.msk [tilespmem:v2+s2+$0x0], $0xffff;
	_ =	sdelay $0x3  }
0x220: {  	v2 =	vadd.s32 $0x94E, v46;
	_ =	sdelay $0x1  }
0x221: {  	v4 =	vadd.s32 $0x40F10, v45;
	v3 =	vadd.s32 $0x3E800, v1;
	vm1 =	vlt.s32 v1, $0x0  }
0x222: {  	v1 =	vsel vm1, v4, v3  }
0x223: {  	[tilespmem:s14+$0xF00] =	vst v1  }
0x224: {  	v1 =	vld.idx.msk [tilespmem:v2+s2+$0x0], $0xffff;
	_ =	sdelay $0x2  }
.Ltmp1:
0x225: {  	(pc) =	sbr.rel @p0 .LBB2_4-.Ltmp1, $3  }
0x226: {  	_ =	sdelay $0x1  }
0x227: {  	v3 =	vadd.s32 $0x43710, v45;
	v2 =	vadd.s32 $0x41000, v1;
	vm1 =	vlt.s32 v1, $0x0  }
0x228: {  	s14 =	sadd.s32 $0x10, s14;
	v45 =	vsel vm1, v3, v2  }
0x229: {  	[tilespmem:s1+$0xD6C0] =	vst v45  }
0x22a: {  	_ =	strace $0x9000004A  }
0x22b: {  	s9 =	simm.s32 $0x0;
	s15 =	simm.s32 $0x0;
	_ =	strace $0x8000004B  }
.LBB2_6:
0x22c: {  	p0 =	seq.s32 s15, $0x0  }
0x22d: {  	s1 =	simm.s32 @!p0 $0x3  }
0x22e: {  	_ =	swait.ge @!p0 [sflag:s1], $0x4000  }
0x22f: {  	[sflag:s1] =	ssyncset.done @!p0 $0x0  }
0x230: {  	s21 =	sshll.u32 s15, $0x6;
	[sflag:s1] =	ssyncadd.s32 @!p0 $0xFFFFC000  }
0x231: {  	v1 =	vld [tilespmem:s21+$0xB640];
	_ =	sdelay $0x4  }
0x232: {  	[tilespmem:$0xD840] =	vst v1  }
0x233: {  	v2 =	vld [tilespmem:s21+$0xB650];
	_ =	sdelay $0x4  }
0x234: {  	[tilespmem:$0xD850] =	vst v2  }
0x235: {  	v2 =	vld [tilespmem:s21+$0xB660];
	_ =	sdelay $0x1  }
0x236: {  	v3 =	vshll.u32 v1, $0x1  }
0x237: {  	v1 =	vand.u32 $0x7, v1;
	v3 =	vand.u32 $0xFFFFFFF0, v3  }
0x238: {  	v1 =	vor.u32 v1, v3  }
0x239: {  	[tilespmem:$0xD860] =	vst v2;
	v2 =	vperm.xlane v1, v42  }
0x23a: {  	v3 =	vld [tilespmem:s21+$0xB670]  }
0x23b: {  	v1 =	vperm.xlane v1, v44;
	v2 =	vadd.s32 v43, v2;
	_ =	sdelay $0x1  }
0x23c: {  	v1 =	vadd.s32 v43, v1;
	_ =	sdelay $0x1  }
0x23d: {  	[tilespmem:$0xD870] =	vst v3  }
0x23e: {  	[tilespmem:s16], [sflag:$0x1] =	stream.indirect_vreg.gather [hbm4b:s4+s9], $0x80, v2, vm0, $0x2000b8;
	[tilespmem:$0x1A540] =	vst v63  }
0x23f: {  	_ = 	snop  }
0x240: {  	[tilespmem:s18], [sflag:$0x1] =	stream.indirect_vreg.gather [hbm4b:s4+s9], $0x80, v1, vm0, $0x2000b8;
	[tilespmem:$0x1A540] =	vst v63  }
0x241: {  	v1 =	vld [tilespmem:$0xD850];
	_ =	sdelay $0x4  }
0x242: {  	v2 =	vshll.u32 v1, $0x1  }
0x243: {  	v1 =	vand.u32 $0x7, v1;
	v2 =	vand.u32 $0xFFFFFFF0, v2  }
0x244: {  	v1 =	vor.u32 v1, v2  }
0x245: {  	v2 =	vperm.xlane v1, v42;
	_ =	sdelay $0x1  }
0x246: {  	v1 =	vperm.xlane v1, v44;
	v2 =	vadd.s32 v43, v2;
	_ =	sdelay $0x1  }
0x247: {  	v1 =	vadd.s32 v43, v1;
	_ =	sdelay $0x2  }
0x248: {  	[tilespmem:s19], [sflag:$0x1] =	stream.indirect_vreg.gather [hbm4b:s4+s9], $0x80, v2, vm0, $0x2000b8;
	[tilespmem:$0x1A540] =	vst v63  }
0x249: {  	_ = 	snop  }
0x24a: {  	[tilespmem:s20], [sflag:$0x1] =	stream.indirect_vreg.gather [hbm4b:s4+s9], $0x80, v1, vm0, $0x2000b8;
	[tilespmem:$0x1A540] =	vst v63  }
0x24b: {  	v1 =	vld [tilespmem:$0xD860];
	_ =	sdelay $0x4  }
0x24c: {  	v2 =	vshll.u32 v1, $0x1  }
0x24d: {  	v1 =	vand.u32 $0x7, v1;
	v2 =	vand.u32 $0xFFFFFFF0, v2  }
0x24e: {  	v1 =	vor.u32 v1, v2  }
0x24f: {  	v2 =	vperm.xlane v1, v42;
	_ =	sdelay $0x1  }
0x250: {  	v1 =	vperm.xlane v1, v44;
	v2 =	vadd.s32 v43, v2;
	_ =	sdelay $0x1  }
0x251: {  	v1 =	vadd.s32 v43, v1;
	_ =	sdelay $0x2  }
0x252: {  	[tilespmem:s22], [sflag:$0x1] =	stream.indirect_vreg.gather [hbm4b:s4+s9], $0x80, v2, vm0, $0x2000b8;
	[tilespmem:$0x1A540] =	vst v63  }
0x253: {  	_ = 	snop  }
0x254: {  	[tilespmem:s23], [sflag:$0x1] =	stream.indirect_vreg.gather [hbm4b:s4+s9], $0x80, v1, vm0, $0x2000b8;
	[tilespmem:$0x1A540] =	vst v63  }
0x255: {  	v1 =	vld [tilespmem:$0xD870];
	_ =	sdelay $0x4  }
0x256: {  	v2 =	vshll.u32 v1, $0x1  }
0x257: {  	v1 =	vand.u32 $0x7, v1;
	v2 =	vand.u32 $0xFFFFFFF0, v2  }
0x258: {  	v1 =	vor.u32 v1, v2  }
0x259: {  	v2 =	vperm.xlane v1, v42;
	_ =	sdelay $0x1  }
0x25a: {  	v1 =	vperm.xlane v1, v44;
	v2 =	vadd.s32 v43, v2;
	_ =	sdelay $0x1  }
0x25b: {  	v1 =	vadd.s32 v43, v1;
	_ =	sdelay $0x2  }
0x25c: {  	[tilespmem:s24], [sflag:$0x1] =	stream.indirect_vreg.gather [hbm4b:s4+s9], $0x80, v2, vm0, $0x2000b8;
	[tilespmem:$0x1A540] =	vst v63  }
0x25d: {  	_ = 	snop  }
0x25e: {  	[tilespmem:s25], [sflag:$0x1] =	stream.indirect_vreg.gather [hbm4b:s4+s9], $0x80, v1, vm0, $0x2000b8;
	[tilespmem:$0x1A540] =	vst v63  }
0x25f: {  	_ =	swait.ge [sflag:s26], $0x4000  }
0x260: {  	[sflag:s26] =	ssyncset.done $0x0  }
0x261: {  	[sflag:s26] =	ssyncadd.s32 $0xFFFFC000  }
0x262: {  	v1 =	vld [tilespmem:s21+$0xB780];
	_ =	sdelay $0x4  }
0x263: {  	[tilespmem:$0xD8C0] =	vst v1  }
0x264: {  	v2 =	vld [tilespmem:s21+$0xB790];
	_ =	sdelay $0x4  }
0x265: {  	[tilespmem:$0xD8D0] =	vst v2  }
0x266: {  	v2 =	vld [tilespmem:s21+$0xB7A0];
	_ =	sdelay $0x1  }
0x267: {  	v3 =	vshll.u32 v1, $0x1  }
0x268: {  	v1 =	vand.u32 $0x7, v1;
	v3 =	vand.u32 $0xFFFFFFF0, v3  }
0x269: {  	v1 =	vor.u32 v1, v3  }
0x26a: {  	[tilespmem:$0xD8E0] =	vst v2;
	v2 =	vperm.xlane v1, v42  }
0x26b: {  	v3 =	vld [tilespmem:s21+$0xB7B0]  }
0x26c: {  	v1 =	vperm.xlane v1, v44;
	v2 =	vadd.s32 v43, v2;
	_ =	sdelay $0x1  }
0x26d: {  	v1 =	vadd.s32 v43, v1;
	_ =	sdelay $0x1  }
0x26e: {  	s17 =	simm.s32 $0x12540;
	[tilespmem:$0xD8F0] =	vst v3  }
0x26f: {  	[tilespmem:s17], [sflag:$0x2] =	stream.indirect_vreg.gather [hbm4b:s4+s9], $0x80, v2, vm0, $0x2000b8;
	[tilespmem:$0x1A540] =	vst v63  }
0x270: {  	s28 =	simm.s32 $0x12D40  }
0x271: {  	[tilespmem:s28], [sflag:$0x2] =	stream.indirect_vreg.gather [hbm4b:s4+s9], $0x80, v1, vm0, $0x2000b8;
	[tilespmem:$0x1A540] =	vst v63  }
0x272: {  	v1 =	vld [tilespmem:$0xD8D0];
	_ =	sdelay $0x4  }
0x273: {  	v2 =	vshll.u32 v1, $0x1  }
0x274: {  	v1 =	vand.u32 $0x7, v1;
	v2 =	vand.u32 $0xFFFFFFF0, v2  }
0x275: {  	v1 =	vor.u32 v1, v2  }
0x276: {  	v2 =	vperm.xlane v1, v42;
	_ =	sdelay $0x1  }
0x277: {  	v1 =	vperm.xlane v1, v44;
	v2 =	vadd.s32 v43, v2;
	_ =	sdelay $0x1  }
0x278: {  	v1 =	vadd.s32 v43, v1;
	_ =	sdelay $0x1  }
0x279: {  	s29 =	simm.s32 $0x13540  }
0x27a: {  	[tilespmem:s29], [sflag:$0x2] =	stream.indirect_vreg.gather [hbm4b:s4+s9], $0x80, v2, vm0, $0x2000b8;
	[tilespmem:$0x1A540] =	vst v63  }
0x27b: {  	s30 =	simm.s32 $0x13D40  }
0x27c: {  	[tilespmem:s30], [sflag:$0x2] =	stream.indirect_vreg.gather [hbm4b:s4+s9], $0x80, v1, vm0, $0x2000b8;
	[tilespmem:$0x1A540] =	vst v63  }
0x27d: {  	v1 =	vld [tilespmem:$0xD8E0];
	_ =	sdelay $0x4  }
0x27e: {  	v2 =	vshll.u32 v1, $0x1  }
0x27f: {  	v1 =	vand.u32 $0x7, v1;
	v2 =	vand.u32 $0xFFFFFFF0, v2  }
0x280: {  	v1 =	vor.u32 v1, v2  }
0x281: {  	v2 =	vperm.xlane v1, v42;
	_ =	sdelay $0x1  }
0x282: {  	v1 =	vperm.xlane v1, v44;
	v2 =	vadd.s32 v43, v2;
	_ =	sdelay $0x1  }
0x283: {  	v1 =	vadd.s32 v43, v1;
	_ =	sdelay $0x2  }
0x284: {  	[tilespmem:s0], [sflag:$0x2] =	stream.indirect_vreg.gather [hbm4b:s4+s9], $0x80, v2, vm0, $0x2000b8;
	[tilespmem:$0x1A540] =	vst v63  }
0x285: {  	_ = 	snop  }
0x286: {  	[tilespmem:s6], [sflag:$0x2] =	stream.indirect_vreg.gather [hbm4b:s4+s9], $0x80, v1, vm0, $0x2000b8;
	[tilespmem:$0x1A540] =	vst v63  }
0x287: {  	v1 =	vld [tilespmem:$0xD8F0];
	_ =	sdelay $0x4  }
0x288: {  	v2 =	vshll.u32 v1, $0x1  }
0x289: {  	v1 =	vand.u32 $0x7, v1;
	v2 =	vand.u32 $0xFFFFFFF0, v2  }
0x28a: {  	v1 =	vor.u32 v1, v2  }
0x28b: {  	v2 =	vperm.xlane v1, v42;
	_ =	sdelay $0x1  }
0x28c: {  	v1 =	vperm.xlane v1, v44;
	v2 =	vadd.s32 v43, v2;
	_ =	sdelay $0x1  }
0x28d: {  	v1 =	vadd.s32 v43, v1;
	_ =	sdelay $0x1  }
0x28e: {  	s31 =	sand.u32 $0x3800, s9;
	s5 =	sand.u32 $0x380, s9  }
0x28f: {  	[tilespmem:s11], [sflag:$0x2] =	stream.indirect_vreg.gather [hbm4b:s4+s9], $0x80, v2, vm0, $0x2000b8;
	[tilespmem:$0x1A540] =	vst v63  }
0x290: {  	s1 =	sor.u32 s5, s31  }
0x291: {  	[tilespmem:s12], [sflag:$0x2] =	stream.indirect_vreg.gather [hbm4b:s4+s9], $0x80, v1, vm0, $0x2000b8;
	[tilespmem:$0x1A540] =	vst v63  }
0x292: {  	v1 =	vld [tilespmem:s1+$0xE9B0]  }
0x293: {  	v2 =	vld [tilespmem:s1+$0xE540]  }
0x294: {  	v3 =	vld [tilespmem:s1+$0xE550]  }
0x295: {  	v4 =	vld [tilespmem:s1+$0xE560]  }
0x296: {  	v5 =	vld [tilespmem:s1+$0xE570]  }
0x297: {  	v6 =	vld [tilespmem:s1+$0xE580];
	[tilespmem:s1+$0x169B0] =	vst v1  }
0x298: {  	v63 =	vld [tilespmem:s1+$0xE940];
	[tilespmem:s1+$0x16540] =	vst v2  }
0x299: {  	v1 =	vld [tilespmem:s1+$0xE590];
	[tilespmem:s1+$0x16550] =	vst v3  }
0x29a: {  	v2 =	vld [tilespmem:s1+$0xE5A0];
	[tilespmem:s1+$0x16560] =	vst v4  }
0x29b: {  	v3 =	vld [tilespmem:s1+$0xE5B0];
	[tilespmem:s1+$0x16570] =	vst v5  }
0x29c: {  	v48 =	vld [tilespmem:s1+$0xE950];
	[tilespmem:s1+$0x16580] =	vst v6  }
0x29d: {  	v45 =	vld [tilespmem:s1+$0xE960];
	[tilespmem:s1+$0x16940] =	vst v63  }
0x29e: {  	v46 =	vld [tilespmem:s1+$0xE970];
	[tilespmem:s1+$0x16590] =	vst v1  }
0x29f: {  	s7 =	simm.s32 $0x100;
	s5 =	simm.s32 $0x80;
	v47 =	vld [tilespmem:s1+$0xE980];
	[tilespmem:s1+$0x165A0] =	vst v2  }
0x2a0: {  	s8 =	sand.u32 $0x3800, s7;
	s7 =	simm.s32 $0x200;
	s14 =	sand.u32 $0x380, s5;
	v49 =	vld [tilespmem:s1+$0xE990];
	[tilespmem:s1+$0x165B0] =	vst v3  }
.LBB2_7:
0x2a1: {  	p0 =	sne.s32 s7, $0x3F00;
	s8 =	sor.u32 s14, s8;
	[tilespmem:s1+$0x16950] =	vst v48;
	v1 =	vld [tilespmem:s1+$0xE9A0]  }
0x2a2: {  	v2 =	vld [tilespmem:s8+$0xE9B0];
	[tilespmem:s1+$0x16960] =	vst v45  }
0x2a3: {  	v3 =	vld [tilespmem:s8+$0xE540];
	[tilespmem:s1+$0x16970] =	vst v46  }
0x2a4: {  	v4 =	vld [tilespmem:s8+$0xE550];
	[tilespmem:s1+$0x16980] =	vst v47  }
0x2a5: {  	v5 =	vld [tilespmem:s8+$0xE560];
	[tilespmem:s1+$0x16990] =	vst v49  }
0x2a6: {  	v6 =	vld [tilespmem:s8+$0xE570];
	[tilespmem:s1+$0x169A0] =	vst v1;
	s1 =	smov.u32 s8  }
0x2a7: {  	v1 =	vld [tilespmem:s1+$0xE580];
	[tilespmem:s1+$0x169B0] =	vst v2  }
0x2a8: {  	[tilespmem:s1+$0x16540] =	vst v3;
	v2 =	vld [tilespmem:s1+$0xE590]  }
0x2a9: {  	[tilespmem:s1+$0x16550] =	vst v4;
	v3 =	vld [tilespmem:s1+$0xE5A0]  }
0x2aa: {  	[tilespmem:s1+$0x16560] =	vst v5;
	v4 =	vld [tilespmem:s1+$0xE5B0]  }
0x2ab: {  	[tilespmem:s1+$0x16570] =	vst v6;
	v5 =	vld [tilespmem:s1+$0xE940]  }
.Ltmp2:
0x2ac: {  	[tilespmem:s1+$0x16580] =	vst v1;
	v48 =	vld [tilespmem:s1+$0xE950];
	(pc) =	sbr.rel @p0 .LBB2_7-.Ltmp2, $4  }
0x2ad: {  	[tilespmem:s1+$0x16590] =	vst v2;
	v45 =	vld [tilespmem:s1+$0xE960]  }
0x2ae: {  	[tilespmem:s1+$0x165A0] =	vst v3;
	v46 =	vld [tilespmem:s1+$0xE970]  }
0x2af: {  	s5 =	sadd.s32 $0x80, s5;
	[tilespmem:s1+$0x165B0] =	vst v4;
	v47 =	vld [tilespmem:s1+$0xE980]  }
0x2b0: {  	s14 =	sand.u32 $0x380, s5;
	s8 =	sand.u32 $0x3800, s7;
	s7 =	sadd.s32 $0x100, s7;
	[tilespmem:s1+$0x16940] =	vst v5;
	v49 =	vld [tilespmem:s1+$0xE990]  }
0x2b1: {  	[tilespmem:s1+$0x16950] =	vst v48;
	s5 =	sor.u32 s14, s8;
	v1 =	vld [tilespmem:s1+$0xE9A0]  }
0x2b2: {  	v2 =	vld [tilespmem:s5+$0xE9B0];
	[tilespmem:s1+$0x16960] =	vst v45  }
0x2b3: {  	v3 =	vld [tilespmem:s5+$0xE540];
	[tilespmem:s1+$0x16970] =	vst v46  }
0x2b4: {  	v4 =	vld [tilespmem:s5+$0xE550];
	[tilespmem:s1+$0x16980] =	vst v47  }
0x2b5: {  	v5 =	vld [tilespmem:s5+$0xE560];
	[tilespmem:s1+$0x16990] =	vst v49  }
0x2b6: {  	v6 =	vld [tilespmem:s5+$0xE570];
	[tilespmem:s1+$0x169A0] =	vst v1  }
0x2b7: {  	v1 =	vld [tilespmem:s5+$0xE580];
	[tilespmem:s5+$0x169B0] =	vst v2  }
0x2b8: {  	v60 =	vld [tilespmem:s5+$0xE5B0];
	[tilespmem:s5+$0x16540] =	vst v3  }
0x2b9: {  	v61 =	vld [tilespmem:s5+$0xE940];
	[tilespmem:s5+$0x16550] =	vst v4  }
0x2ba: {  	v2 =	vld [tilespmem:s5+$0xE590];
	[tilespmem:s5+$0x16560] =	vst v5  }
0x2bb: {  	v3 =	vld [tilespmem:s5+$0xE5A0];
	[tilespmem:s5+$0x16570] =	vst v6  }
0x2bc: {  	[tilespmem:s5+$0x16580] =	vst v1;
	v1 =	vld [tilespmem:s5+$0xE950]  }
0x2bd: {  	v62 =	vld [tilespmem:s5+$0xE980];
	[tilespmem:s5+$0x165B0] =	vst v60  }
0x2be: {  	v63 =	vld [tilespmem:s5+$0xE990];
	[tilespmem:s5+$0x16940] =	vst v61  }
0x2bf: {  	[tilespmem:s5+$0x16590] =	vst v2;
	v2 =	vld [tilespmem:s5+$0xE960]  }
0x2c0: {  	[tilespmem:s5+$0x165A0] =	vst v3;
	v3 =	vld [tilespmem:s5+$0xE970]  }
0x2c1: {  	[tilespmem:s5+$0x16950] =	vst v1;
	v1 =	vld [tilespmem:s5+$0xE9A0]  }
0x2c2: {  	[tilespmem:s5+$0x16980] =	vst v62  }
0x2c3: {  	[tilespmem:s5+$0x16990] =	vst v63  }
0x2c4: {  	[tilespmem:s5+$0x16960] =	vst v2  }
0x2c5: {  	[tilespmem:s5+$0x16970] =	vst v3  }
0x2c6: {  	s30 =	sand.u32 $0x1C0, s21;
	[tilespmem:s5+$0x169A0] =	vst v1  }
0x2c7: {  	v1 =	vld [tilespmem:s30+$0xB8C0];
	_ =	sdelay $0x4  }
0x2c8: {  	[tilespmem:$0xD840] =	vst v1  }
0x2c9: {  	v2 =	vld [tilespmem:s21+$0xB8D0];
	_ =	sdelay $0x4  }
0x2ca: {  	[tilespmem:$0xD850] =	vst v2  }
0x2cb: {  	v2 =	vld [tilespmem:s21+$0xB8E0];
	_ =	sdelay $0x1  }
0x2cc: {  	v3 =	vshll.u32 v1, $0x1  }
0x2cd: {  	v1 =	vand.u32 $0x7, v1;
	v3 =	vand.u32 $0xFFFFFFF0, v3  }
0x2ce: {  	v1 =	vor.u32 v1, v3  }
0x2cf: {  	[tilespmem:$0xD860] =	vst v2;
	v2 =	vperm.xlane v1, v42  }
0x2d0: {  	v3 =	vld [tilespmem:s21+$0xB8F0]  }
0x2d1: {  	v1 =	vperm.xlane v1, v44;
	v2 =	vadd.s32 v43, v2;
	_ =	sdelay $0x1  }
0x2d2: {  	v1 =	vadd.s32 v43, v1;
	_ =	sdelay $0x1  }
0x2d3: {  	s1 =	simm.s32 $0x0;
	[tilespmem:$0xD870] =	vst v3  }
0x2d4: {  	[tilespmem:s16], [sflag:$0x1] =	stream.indirect_vreg.gather [hbm4b:s4+s1], $0x80, v2, vm0, $0x2000b8;
	[tilespmem:$0x1A540] =	vst v63  }
0x2d5: {  	_ = 	snop  }
0x2d6: {  	[tilespmem:s18], [sflag:$0x1] =	stream.indirect_vreg.gather [hbm4b:s4+s1], $0x80, v1, vm0, $0x2000b8;
	[tilespmem:$0x1A540] =	vst v63  }
0x2d7: {  	v1 =	vld [tilespmem:$0xD850];
	_ =	sdelay $0x4  }
0x2d8: {  	v2 =	vshll.u32 v1, $0x1  }
0x2d9: {  	v1 =	vand.u32 $0x7, v1;
	v2 =	vand.u32 $0xFFFFFFF0, v2  }
0x2da: {  	v1 =	vor.u32 v1, v2  }
0x2db: {  	v2 =	vperm.xlane v1, v42;
	_ =	sdelay $0x1  }
0x2dc: {  	v1 =	vperm.xlane v1, v44;
	v2 =	vadd.s32 v43, v2;
	_ =	sdelay $0x1  }
0x2dd: {  	v1 =	vadd.s32 v43, v1;
	_ =	sdelay $0x2  }
0x2de: {  	[tilespmem:s19], [sflag:$0x1] =	stream.indirect_vreg.gather [hbm4b:s4+s1], $0x80, v2, vm0, $0x2000b8;
	[tilespmem:$0x1A540] =	vst v63  }
0x2df: {  	_ = 	snop  }
0x2e0: {  	[tilespmem:s20], [sflag:$0x1] =	stream.indirect_vreg.gather [hbm4b:s4+s1], $0x80, v1, vm0, $0x2000b8;
	[tilespmem:$0x1A540] =	vst v63  }
0x2e1: {  	v1 =	vld [tilespmem:$0xD860];
	_ =	sdelay $0x4  }
0x2e2: {  	v2 =	vshll.u32 v1, $0x1  }
0x2e3: {  	v1 =	vand.u32 $0x7, v1;
	v2 =	vand.u32 $0xFFFFFFF0, v2  }
0x2e4: {  	v1 =	vor.u32 v1, v2  }
0x2e5: {  	v2 =	vperm.xlane v1, v42;
	_ =	sdelay $0x1  }
0x2e6: {  	v1 =	vperm.xlane v1, v44;
	v2 =	vadd.s32 v43, v2;
	_ =	sdelay $0x1  }
0x2e7: {  	v1 =	vadd.s32 v43, v1;
	_ =	sdelay $0x2  }
0x2e8: {  	[tilespmem:s22], [sflag:$0x1] =	stream.indirect_vreg.gather [hbm4b:s4+s1], $0x80, v2, vm0, $0x2000b8;
	[tilespmem:$0x1A540] =	vst v63  }
0x2e9: {  	_ = 	snop  }
0x2ea: {  	[tilespmem:s23], [sflag:$0x1] =	stream.indirect_vreg.gather [hbm4b:s4+s1], $0x80, v1, vm0, $0x2000b8;
	[tilespmem:$0x1A540] =	vst v63  }
0x2eb: {  	v1 =	vld [tilespmem:$0xD870];
	_ =	sdelay $0x4  }
0x2ec: {  	v2 =	vshll.u32 v1, $0x1  }
0x2ed: {  	v1 =	vand.u32 $0x7, v1;
	v2 =	vand.u32 $0xFFFFFFF0, v2  }
0x2ee: {  	v1 =	vor.u32 v1, v2  }
0x2ef: {  	v2 =	vperm.xlane v1, v42;
	_ =	sdelay $0x1  }
0x2f0: {  	v1 =	vperm.xlane v1, v44;
	v2 =	vadd.s32 v43, v2;
	_ =	sdelay $0x1  }
0x2f1: {  	v1 =	vadd.s32 v43, v1;
	_ =	sdelay $0x1  }
0x2f2: {  	s31 =	sand.u32 $0x40, s21  }
0x2f3: {  	[tilespmem:s24], [sflag:$0x1] =	stream.indirect_vreg.gather [hbm4b:s4+s1], $0x80, v2, vm0, $0x2000b8;
	[tilespmem:$0x1A540] =	vst v63  }
0x2f4: {  	s7 =	sadd.s32 $0x500, s21;
	s14 =	simm.s32 $0x0;
	s5 =	sadd.s32 $0xB640, s31  }
0x2f5: {  	v45 =	vmov s21;
	v46 =	vmov s5;
	[tilespmem:s25], [sflag:$0x1] =	stream.indirect_vreg.gather [hbm4b:s4+s1], $0x80, v1, vm0, $0x2000b8;
	[tilespmem:$0x1A540] =	vst v63  }
.LBB2_9:
0x2f6: {  	_ =	swait.ge [sflag:s13], $0x4000  }
0x2f7: {  	s5 =	sand.u32 $0x3800, s1;
	s8 =	sand.u32 $0x300, s1;
	[sflag:s13] =	ssyncset.done $0x0  }
0x2f8: {  	s5 =	sor.u32 s8, s5;
	[sflag:s13] =	ssyncadd.s32 $0xFFFFC000  }
0x2f9: {  	v1 =	vld [tilespmem:s5+$0x12A30]  }
0x2fa: {  	v2 =	vld [tilespmem:s5+$0x12540]  }
0x2fb: {  	v3 =	vld [tilespmem:s5+$0x12550]  }
0x2fc: {  	v4 =	vld [tilespmem:s5+$0x12560]  }
0x2fd: {  	v5 =	vld [tilespmem:s5+$0x12570]  }
0x2fe: {  	v6 =	vld [tilespmem:s5+$0x12590]  }
0x2ff: {  	v7 =	vld [tilespmem:s5+$0x125A0]  }
0x300: {  	v8 =	vld [tilespmem:s5+$0x125B0]  }
0x301: {  	v9 =	vld [tilespmem:s5+$0x12940]  }
0x302: {  	v10 =	vld [tilespmem:s5+$0x12950]  }
0x303: {  	v11 =	vld [tilespmem:s5+$0x12960]  }
0x304: {  	v12 =	vld [tilespmem:s5+$0x12970]  }
0x305: {  	v13 =	vld [tilespmem:s5+$0x12980]  }
0x306: {  	v14 =	vld [tilespmem:s5+$0x12990]  }
0x307: {  	v15 =	vld [tilespmem:s5+$0x129A0]  }
0x308: {  	v16 =	vld [tilespmem:s5+$0x129B0]  }
0x309: {  	v17 =	vld [tilespmem:s5+$0x125C0]  }
0x30a: {  	v18 =	vld [tilespmem:s5+$0x125D0]  }
0x30b: {  	v19 =	vld [tilespmem:s5+$0x125E0]  }
0x30c: {  	v20 =	vld [tilespmem:s5+$0x125F0]  }
0x30d: {  	v49 =	vld [tilespmem:s5+$0x12600]  }
0x30e: {  	v50 =	vld [tilespmem:s5+$0x12610]  }
0x30f: {  	v51 =	vld [tilespmem:s5+$0x12620]  }
0x310: {  	v52 =	vld [tilespmem:s5+$0x12630]  }
0x311: {  	v53 =	vld [tilespmem:s5+$0x129C0]  }
0x312: {  	v54 =	vld [tilespmem:s5+$0x129D0]  }
0x313: {  	v55 =	vld [tilespmem:s5+$0x129E0]  }
0x314: {  	v56 =	vld [tilespmem:s5+$0x129F0]  }
0x315: {  	v57 =	vld [tilespmem:s5+$0x12A00]  }
0x316: {  	v48 =	vld [tilespmem:s5+$0x12A10]  }
0x317: {  	v47 =	vld [tilespmem:s5+$0x12A20]  }
0x318: {  	[tilespmem:s5+$0x16A30] =	vst.add.f32.msk $0xffff, v1  }
0x319: {  	v1 =	vld [tilespmem:s5+$0x12580]  }
0x31a: {  	[tilespmem:s5+$0x16540] =	vst.add.f32.msk $0xffff, v2  }
0x31b: {  	[tilespmem:s5+$0x16550] =	vst.add.f32.msk $0xffff, v3  }
0x31c: {  	[tilespmem:s5+$0x16560] =	vst.add.f32.msk $0xffff, v4  }
0x31d: {  	[tilespmem:s5+$0x16570] =	vst.add.f32.msk $0xffff, v5  }
0x31e: {  	[tilespmem:s5+$0x16590] =	vst.add.f32.msk $0xffff, v6  }
0x31f: {  	[tilespmem:s5+$0x165A0] =	vst.add.f32.msk $0xffff, v7  }
0x320: {  	[tilespmem:s5+$0x165B0] =	vst.add.f32.msk $0xffff, v8  }
0x321: {  	[tilespmem:s5+$0x16940] =	vst.add.f32.msk $0xffff, v9  }
0x322: {  	[tilespmem:s5+$0x16950] =	vst.add.f32.msk $0xffff, v10  }
0x323: {  	[tilespmem:s5+$0x16960] =	vst.add.f32.msk $0xffff, v11  }
0x324: {  	[tilespmem:s5+$0x16970] =	vst.add.f32.msk $0xffff, v12  }
0x325: {  	[tilespmem:s5+$0x16980] =	vst.add.f32.msk $0xffff, v13  }
0x326: {  	[tilespmem:s5+$0x16990] =	vst.add.f32.msk $0xffff, v14  }
0x327: {  	[tilespmem:s5+$0x169A0] =	vst.add.f32.msk $0xffff, v15  }
0x328: {  	[tilespmem:s5+$0x169B0] =	vst.add.f32.msk $0xffff, v16  }
0x329: {  	[tilespmem:s5+$0x165C0] =	vst.add.f32.msk $0xffff, v17  }
0x32a: {  	[tilespmem:s5+$0x165D0] =	vst.add.f32.msk $0xffff, v18  }
0x32b: {  	[tilespmem:s5+$0x165E0] =	vst.add.f32.msk $0xffff, v19  }
0x32c: {  	[tilespmem:s5+$0x165F0] =	vst.add.f32.msk $0xffff, v20  }
0x32d: {  	[tilespmem:s5+$0x16600] =	vst.add.f32.msk $0xffff, v49  }
0x32e: {  	[tilespmem:s5+$0x16610] =	vst.add.f32.msk $0xffff, v50  }
0x32f: {  	[tilespmem:s5+$0x16620] =	vst.add.f32.msk $0xffff, v51  }
0x330: {  	[tilespmem:s5+$0x16630] =	vst.add.f32.msk $0xffff, v52  }
0x331: {  	[tilespmem:s5+$0x169C0] =	vst.add.f32.msk $0xffff, v53  }
0x332: {  	[tilespmem:s5+$0x169D0] =	vst.add.f32.msk $0xffff, v54  }
0x333: {  	[tilespmem:s5+$0x169E0] =	vst.add.f32.msk $0xffff, v55  }
0x334: {  	[tilespmem:s5+$0x169F0] =	vst.add.f32.msk $0xffff, v56  }
0x335: {  	[tilespmem:s5+$0x16A00] =	vst.add.f32.msk $0xffff, v57  }
0x336: {  	s17 =	simm.s32 $0x0;
	s28 =	simm.s32 $0x200;
	s8 =	simm.s32 $0x100;
	[tilespmem:s5+$0x16580] =	vst.add.f32.msk $0xffff, v1  }
.LBB2_10:
0x337: {  	s29 =	sand.u32 $0x3800, s28;
	s30 =	sand.u32 $0x300, s8;
	s17 =	sadd.s32 $0x2, s17;
	[tilespmem:s5+$0x16A10] =	vst.add.f32.msk $0xffff, v48  }
0x338: {  	p0 =	slt.u32 s17, $0x3E;
	[tilespmem:s5+$0x16A20] =	vst.add.f32.msk $0xffff, v47;
	s5 =	sor.u32 s30, s29  }
0x339: {  	v1 =	vld [tilespmem:s5+$0x12A30]  }
0x33a: {  	v2 =	vld [tilespmem:s5+$0x12540]  }
0x33b: {  	v3 =	vld [tilespmem:s5+$0x12550]  }
0x33c: {  	v4 =	vld [tilespmem:s5+$0x12560]  }
0x33d: {  	v5 =	vld [tilespmem:s5+$0x12570]  }
0x33e: {  	[tilespmem:s5+$0x16A30] =	vst.add.f32.msk $0xffff, v1  }
0x33f: {  	v1 =	vld [tilespmem:s5+$0x12580]  }
0x340: {  	v6 =	vld [tilespmem:s5+$0x12590]  }
0x341: {  	v7 =	vld [tilespmem:s5+$0x125A0]  }
0x342: {  	v8 =	vld [tilespmem:s5+$0x125B0]  }
0x343: {  	v9 =	vld [tilespmem:s5+$0x12940]  }
0x344: {  	v10 =	vld [tilespmem:s5+$0x12950]  }
0x345: {  	v11 =	vld [tilespmem:s5+$0x12960]  }
0x346: {  	v12 =	vld [tilespmem:s5+$0x12970]  }
0x347: {  	v13 =	vld [tilespmem:s5+$0x12980]  }
0x348: {  	v14 =	vld [tilespmem:s5+$0x12990]  }
0x349: {  	v15 =	vld [tilespmem:s5+$0x129A0]  }
0x34a: {  	v16 =	vld [tilespmem:s5+$0x129B0]  }
0x34b: {  	v17 =	vld [tilespmem:s5+$0x125C0]  }
0x34c: {  	v18 =	vld [tilespmem:s5+$0x125D0]  }
0x34d: {  	v19 =	vld [tilespmem:s5+$0x125E0]  }
0x34e: {  	v20 =	vld [tilespmem:s5+$0x125F0]  }
0x34f: {  	v49 =	vld [tilespmem:s5+$0x12600]  }
0x350: {  	v50 =	vld [tilespmem:s5+$0x12610]  }
0x351: {  	v51 =	vld [tilespmem:s5+$0x12620]  }
0x352: {  	v52 =	vld [tilespmem:s5+$0x12630]  }
0x353: {  	v53 =	vld [tilespmem:s5+$0x129C0]  }
0x354: {  	v54 =	vld [tilespmem:s5+$0x129D0]  }
0x355: {  	v55 =	vld [tilespmem:s5+$0x129E0]  }
0x356: {  	v56 =	vld [tilespmem:s5+$0x129F0]  }
0x357: {  	v57 =	vld [tilespmem:s5+$0x12A00]  }
0x358: {  	v48 =	vld [tilespmem:s5+$0x12A10]  }
0x359: {  	v47 =	vld [tilespmem:s5+$0x12A20]  }
0x35a: {  	[tilespmem:s5+$0x16540] =	vst.add.f32.msk $0xffff, v2  }
0x35b: {  	[tilespmem:s5+$0x16550] =	vst.add.f32.msk $0xffff, v3  }
0x35c: {  	[tilespmem:s5+$0x16560] =	vst.add.f32.msk $0xffff, v4  }
0x35d: {  	[tilespmem:s5+$0x16570] =	vst.add.f32.msk $0xffff, v5  }
0x35e: {  	[tilespmem:s5+$0x16580] =	vst.add.f32.msk $0xffff, v1  }
0x35f: {  	[tilespmem:s5+$0x16590] =	vst.add.f32.msk $0xffff, v6  }
0x360: {  	[tilespmem:s5+$0x165A0] =	vst.add.f32.msk $0xffff, v7  }
0x361: {  	[tilespmem:s5+$0x165B0] =	vst.add.f32.msk $0xffff, v8  }
0x362: {  	[tilespmem:s5+$0x16940] =	vst.add.f32.msk $0xffff, v9  }
0x363: {  	[tilespmem:s5+$0x16950] =	vst.add.f32.msk $0xffff, v10  }
0x364: {  	[tilespmem:s5+$0x16960] =	vst.add.f32.msk $0xffff, v11  }
0x365: {  	[tilespmem:s5+$0x16970] =	vst.add.f32.msk $0xffff, v12  }
0x366: {  	[tilespmem:s5+$0x16980] =	vst.add.f32.msk $0xffff, v13  }
0x367: {  	[tilespmem:s5+$0x16990] =	vst.add.f32.msk $0xffff, v14  }
0x368: {  	[tilespmem:s5+$0x169A0] =	vst.add.f32.msk $0xffff, v15  }
0x369: {  	[tilespmem:s5+$0x169B0] =	vst.add.f32.msk $0xffff, v16  }
0x36a: {  	[tilespmem:s5+$0x165C0] =	vst.add.f32.msk $0xffff, v17  }
0x36b: {  	[tilespmem:s5+$0x165D0] =	vst.add.f32.msk $0xffff, v18  }
0x36c: {  	[tilespmem:s5+$0x165E0] =	vst.add.f32.msk $0xffff, v19  }
0x36d: {  	[tilespmem:s5+$0x165F0] =	vst.add.f32.msk $0xffff, v20  }
0x36e: {  	[tilespmem:s5+$0x16600] =	vst.add.f32.msk $0xffff, v49  }
0x36f: {  	[tilespmem:s5+$0x16610] =	vst.add.f32.msk $0xffff, v50  }
0x370: {  	[tilespmem:s5+$0x16620] =	vst.add.f32.msk $0xffff, v51  }
0x371: {  	[tilespmem:s5+$0x16630] =	vst.add.f32.msk $0xffff, v52  }
.Ltmp3:
0x372: {  	[tilespmem:s5+$0x169C0] =	vst.add.f32.msk $0xffff, v53;
	(pc) =	sbr.rel @p0 .LBB2_10-.Ltmp3, $4  }
0x373: {  	[tilespmem:s5+$0x169D0] =	vst.add.f32.msk $0xffff, v54  }
0x374: {  	[tilespmem:s5+$0x169E0] =	vst.add.f32.msk $0xffff, v55  }
0x375: {  	[tilespmem:s5+$0x169F0] =	vst.add.f32.msk $0xffff, v56  }
0x376: {  	s8 =	sadd.s32 $0x100, s8;
	s28 =	sadd.s32 $0x200, s28;
	[tilespmem:s5+$0x16A00] =	vst.add.f32.msk $0xffff, v57  }
0x377: {  	_ =	sdelay $0x1  }
0x378: {  	[tilespmem:s5+$0x16A10] =	vst.add.f32.msk $0xffff, v48;
	s17 =	smul.u32 $0x280, s14  }
0x379: {  	[tilespmem:s5+$0x16A20] =	vst.add.f32.msk $0xffff, v47  }
0x37a: {  	v1 =	vld.idx.msk [tilespmem:v45+s17+$0xBA00 ss:$0x1], $0xffff;
	_ =	sdelay $0x4  }
0x37b: {  	[tilespmem:$0xD8C0] =	vst v1  }
0x37c: {  	v2 =	vld.idx.msk [tilespmem:v45+s17+$0xBA10 ss:$0x1], $0xffff;
	_ =	sdelay $0x4  }
0x37d: {  	[tilespmem:$0xD8D0] =	vst v2  }
0x37e: {  	v2 =	vld.idx.msk [tilespmem:v45+s17+$0xBA20 ss:$0x1], $0xffff;
	_ =	sdelay $0x1  }
0x37f: {  	v3 =	vshll.u32 v1, $0x1  }
0x380: {  	v1 =	vand.u32 $0x7, v1;
	v3 =	vand.u32 $0xFFFFFFF0, v3  }
0x381: {  	v1 =	vor.u32 v1, v3  }
0x382: {  	[tilespmem:$0xD8E0] =	vst v2;
	v2 =	vperm.xlane v1, v42  }
0x383: {  	v3 =	vld.idx.msk [tilespmem:v45+s17+$0xBA30 ss:$0x1], $0xffff  }
0x384: {  	v1 =	vperm.xlane v1, v44;
	v2 =	vadd.s32 v43, v2;
	_ =	sdelay $0x1  }
0x385: {  	v1 =	vadd.s32 v43, v1;
	_ =	sdelay $0x1  }
0x386: {  	s5 =	simm.s32 $0x0;
	s8 =	simm.s32 $0x12540;
	[tilespmem:$0xD8F0] =	vst v3  }
0x387: {  	[tilespmem:s8], [sflag:$0x2] =	stream.indirect_vreg.gather [hbm4b:s4+s5], $0x80, v2, vm0, $0x2000b8;
	[tilespmem:$0x1A540] =	vst v63  }
0x388: {  	s30 =	simm.s32 $0x12D40  }
0x389: {  	[tilespmem:s30], [sflag:$0x2] =	stream.indirect_vreg.gather [hbm4b:s4+s5], $0x80, v1, vm0, $0x2000b8;
	[tilespmem:$0x1A540] =	vst v63  }
0x38a: {  	v1 =	vld [tilespmem:$0xD8D0];
	_ =	sdelay $0x4  }
0x38b: {  	v2 =	vshll.u32 v1, $0x1  }
0x38c: {  	v1 =	vand.u32 $0x7, v1;
	v2 =	vand.u32 $0xFFFFFFF0, v2  }
0x38d: {  	v1 =	vor.u32 v1, v2  }
0x38e: {  	v2 =	vperm.xlane v1, v42;
	_ =	sdelay $0x1  }
0x38f: {  	v1 =	vperm.xlane v1, v44;
	v2 =	vadd.s32 v43, v2;
	_ =	sdelay $0x1  }
0x390: {  	v1 =	vadd.s32 v43, v1;
	_ =	sdelay $0x1  }
0x391: {  	s31 =	simm.s32 $0x13540  }
0x392: {  	[tilespmem:s31], [sflag:$0x2] =	stream.indirect_vreg.gather [hbm4b:s4+s5], $0x80, v2, vm0, $0x2000b8;
	[tilespmem:$0x1A540] =	vst v63  }
0x393: {  	s30 =	simm.s32 $0x13D40  }
0x394: {  	[tilespmem:s30], [sflag:$0x2] =	stream.indirect_vreg.gather [hbm4b:s4+s5], $0x80, v1, vm0, $0x2000b8;
	[tilespmem:$0x1A540] =	vst v63  }
0x395: {  	v1 =	vld [tilespmem:$0xD8E0];
	_ =	sdelay $0x4  }
0x396: {  	v2 =	vshll.u32 v1, $0x1  }
0x397: {  	v1 =	vand.u32 $0x7, v1;
	v2 =	vand.u32 $0xFFFFFFF0, v2  }
0x398: {  	v1 =	vor.u32 v1, v2  }
0x399: {  	v2 =	vperm.xlane v1, v42;
	_ =	sdelay $0x1  }
0x39a: {  	v1 =	vperm.xlane v1, v44;
	v2 =	vadd.s32 v43, v2;
	_ =	sdelay $0x1  }
0x39b: {  	v1 =	vadd.s32 v43, v1;
	_ =	sdelay $0x2  }
0x39c: {  	[tilespmem:s0], [sflag:$0x2] =	stream.indirect_vreg.gather [hbm4b:s4+s5], $0x80, v2, vm0, $0x2000b8;
	[tilespmem:$0x1A540] =	vst v63  }
0x39d: {  	_ = 	snop  }
0x39e: {  	[tilespmem:s6], [sflag:$0x2] =	stream.indirect_vreg.gather [hbm4b:s4+s5], $0x80, v1, vm0, $0x2000b8;
	[tilespmem:$0x1A540] =	vst v63  }
0x39f: {  	v1 =	vld [tilespmem:$0xD8F0];
	_ =	sdelay $0x4  }
0x3a0: {  	v2 =	vshll.u32 v1, $0x1  }
0x3a1: {  	v1 =	vand.u32 $0x7, v1;
	v2 =	vand.u32 $0xFFFFFFF0, v2  }
0x3a2: {  	v1 =	vor.u32 v1, v2  }
0x3a3: {  	v2 =	vperm.xlane v1, v42;
	_ =	sdelay $0x1  }
0x3a4: {  	v1 =	vperm.xlane v1, v44;
	v2 =	vadd.s32 v43, v2;
	_ =	sdelay $0x1  }
0x3a5: {  	v1 =	vadd.s32 v43, v1;
	_ =	sdelay $0x2  }
0x3a6: {  	[tilespmem:s11], [sflag:$0x2] =	stream.indirect_vreg.gather [hbm4b:s4+s5], $0x80, v2, vm0, $0x2000b8;
	[tilespmem:$0x1A540] =	vst v63  }
0x3a7: {  	_ = 	snop  }
0x3a8: {  	[tilespmem:s12], [sflag:$0x2] =	stream.indirect_vreg.gather [hbm4b:s4+s5], $0x80, v1, vm0, $0x2000b8;
	[tilespmem:$0x1A540] =	vst v63  }
0x3a9: {  	_ =	swait.ge [sflag:s26], $0x4000  }
0x3aa: {  	s31 =	sand.u32 $0x3800, s5;
	s5 =	sand.u32 $0x300, s5;
	[sflag:s26] =	ssyncset.done $0x0  }
0x3ab: {  	s5 =	sor.u32 s5, s31;
	[sflag:s26] =	ssyncadd.s32 $0xFFFFC000  }
0x3ac: {  	v1 =	vld [tilespmem:s5+$0xEA30]  }
0x3ad: {  	v2 =	vld [tilespmem:s5+$0xE540]  }
0x3ae: {  	v3 =	vld [tilespmem:s5+$0xE550]  }
0x3af: {  	v4 =	vld [tilespmem:s5+$0xE560]  }
0x3b0: {  	v5 =	vld [tilespmem:s5+$0xE570]  }
0x3b1: {  	v6 =	vld [tilespmem:s5+$0xE590]  }
0x3b2: {  	v7 =	vld [tilespmem:s5+$0xE5A0]  }
0x3b3: {  	v8 =	vld [tilespmem:s5+$0xE5B0]  }
0x3b4: {  	v9 =	vld [tilespmem:s5+$0xE940]  }
0x3b5: {  	v10 =	vld [tilespmem:s5+$0xE950]  }
0x3b6: {  	v11 =	vld [tilespmem:s5+$0xE960]  }
0x3b7: {  	v12 =	vld [tilespmem:s5+$0xE970]  }
0x3b8: {  	v13 =	vld [tilespmem:s5+$0xE980]  }
0x3b9: {  	v14 =	vld [tilespmem:s5+$0xE990]  }
0x3ba: {  	v15 =	vld [tilespmem:s5+$0xE9A0]  }
0x3bb: {  	v16 =	vld [tilespmem:s5+$0xE9B0]  }
0x3bc: {  	v17 =	vld [tilespmem:s5+$0xE5C0]  }
0x3bd: {  	v18 =	vld [tilespmem:s5+$0xE5D0]  }
0x3be: {  	v19 =	vld [tilespmem:s5+$0xE5E0]  }
0x3bf: {  	v20 =	vld [tilespmem:s5+$0xE5F0]  }
0x3c0: {  	v49 =	vld [tilespmem:s5+$0xE600]  }
0x3c1: {  	v50 =	vld [tilespmem:s5+$0xE610]  }
0x3c2: {  	v51 =	vld [tilespmem:s5+$0xE620]  }
0x3c3: {  	v52 =	vld [tilespmem:s5+$0xE630]  }
0x3c4: {  	v53 =	vld [tilespmem:s5+$0xE9C0]  }
0x3c5: {  	v54 =	vld [tilespmem:s5+$0xE9D0]  }
0x3c6: {  	v55 =	vld [tilespmem:s5+$0xE9E0]  }
0x3c7: {  	v56 =	vld [tilespmem:s5+$0xE9F0]  }
0x3c8: {  	v57 =	vld [tilespmem:s5+$0xEA00]  }
0x3c9: {  	v48 =	vld [tilespmem:s5+$0xEA10]  }
0x3ca: {  	v47 =	vld [tilespmem:s5+$0xEA20]  }
0x3cb: {  	[tilespmem:s5+$0x16A30] =	vst.add.f32.msk $0xffff, v1  }
0x3cc: {  	v1 =	vld [tilespmem:s5+$0xE580]  }
0x3cd: {  	[tilespmem:s5+$0x16540] =	vst.add.f32.msk $0xffff, v2  }
0x3ce: {  	[tilespmem:s5+$0x16550] =	vst.add.f32.msk $0xffff, v3  }
0x3cf: {  	[tilespmem:s5+$0x16560] =	vst.add.f32.msk $0xffff, v4  }
0x3d0: {  	[tilespmem:s5+$0x16570] =	vst.add.f32.msk $0xffff, v5  }
0x3d1: {  	[tilespmem:s5+$0x16590] =	vst.add.f32.msk $0xffff, v6  }
0x3d2: {  	[tilespmem:s5+$0x165A0] =	vst.add.f32.msk $0xffff, v7  }
0x3d3: {  	[tilespmem:s5+$0x165B0] =	vst.add.f32.msk $0xffff, v8  }
0x3d4: {  	[tilespmem:s5+$0x16940] =	vst.add.f32.msk $0xffff, v9  }
0x3d5: {  	[tilespmem:s5+$0x16950] =	vst.add.f32.msk $0xffff, v10  }
0x3d6: {  	[tilespmem:s5+$0x16960] =	vst.add.f32.msk $0xffff, v11  }
0x3d7: {  	[tilespmem:s5+$0x16970] =	vst.add.f32.msk $0xffff, v12  }
0x3d8: {  	[tilespmem:s5+$0x16980] =	vst.add.f32.msk $0xffff, v13  }
0x3d9: {  	[tilespmem:s5+$0x16990] =	vst.add.f32.msk $0xffff, v14  }
0x3da: {  	[tilespmem:s5+$0x169A0] =	vst.add.f32.msk $0xffff, v15  }
0x3db: {  	[tilespmem:s5+$0x169B0] =	vst.add.f32.msk $0xffff, v16  }
0x3dc: {  	[tilespmem:s5+$0x165C0] =	vst.add.f32.msk $0xffff, v17  }
0x3dd: {  	[tilespmem:s5+$0x165D0] =	vst.add.f32.msk $0xffff, v18  }
0x3de: {  	[tilespmem:s5+$0x165E0] =	vst.add.f32.msk $0xffff, v19  }
0x3df: {  	[tilespmem:s5+$0x165F0] =	vst.add.f32.msk $0xffff, v20  }
0x3e0: {  	[tilespmem:s5+$0x16600] =	vst.add.f32.msk $0xffff, v49  }
0x3e1: {  	[tilespmem:s5+$0x16610] =	vst.add.f32.msk $0xffff, v50  }
0x3e2: {  	[tilespmem:s5+$0x16620] =	vst.add.f32.msk $0xffff, v51  }
0x3e3: {  	[tilespmem:s5+$0x16630] =	vst.add.f32.msk $0xffff, v52  }
0x3e4: {  	[tilespmem:s5+$0x169C0] =	vst.add.f32.msk $0xffff, v53  }
0x3e5: {  	[tilespmem:s5+$0x169D0] =	vst.add.f32.msk $0xffff, v54  }
0x3e6: {  	[tilespmem:s5+$0x169E0] =	vst.add.f32.msk $0xffff, v55  }
0x3e7: {  	[tilespmem:s5+$0x169F0] =	vst.add.f32.msk $0xffff, v56  }
0x3e8: {  	[tilespmem:s5+$0x16A00] =	vst.add.f32.msk $0xffff, v57  }
0x3e9: {  	s28 =	simm.s32 $0x100;
	s29 =	simm.s32 $0x200;
	s8 =	simm.s32 $0x0;
	[tilespmem:s5+$0x16580] =	vst.add.f32.msk $0xffff, v1  }
.LBB2_12:
0x3ea: {  	s30 =	sand.u32 $0x3800, s29;
	s31 =	sand.u32 $0x300, s28;
	s8 =	sadd.s32 $0x2, s8;
	[tilespmem:s5+$0x16A10] =	vst.add.f32.msk $0xffff, v48  }
0x3eb: {  	p0 =	slt.u32 s8, $0x3E;
	[tilespmem:s5+$0x16A20] =	vst.add.f32.msk $0xffff, v47;
	s5 =	sor.u32 s31, s30  }
0x3ec: {  	v1 =	vld [tilespmem:s5+$0xEA30]  }
0x3ed: {  	v2 =	vld [tilespmem:s5+$0xE540]  }
0x3ee: {  	v3 =	vld [tilespmem:s5+$0xE550]  }
0x3ef: {  	v4 =	vld [tilespmem:s5+$0xE560]  }
0x3f0: {  	v5 =	vld [tilespmem:s5+$0xE570]  }
0x3f1: {  	[tilespmem:s5+$0x16A30] =	vst.add.f32.msk $0xffff, v1  }
0x3f2: {  	v1 =	vld [tilespmem:s5+$0xE580]  }
0x3f3: {  	v6 =	vld [tilespmem:s5+$0xE590]  }
0x3f4: {  	v7 =	vld [tilespmem:s5+$0xE5A0]  }
0x3f5: {  	v8 =	vld [tilespmem:s5+$0xE5B0]  }
0x3f6: {  	v9 =	vld [tilespmem:s5+$0xE940]  }
0x3f7: {  	v10 =	vld [tilespmem:s5+$0xE950]  }
0x3f8: {  	v11 =	vld [tilespmem:s5+$0xE960]  }
0x3f9: {  	v12 =	vld [tilespmem:s5+$0xE970]  }
0x3fa: {  	v13 =	vld [tilespmem:s5+$0xE980]  }
0x3fb: {  	v14 =	vld [tilespmem:s5+$0xE990]  }
0x3fc: {  	v15 =	vld [tilespmem:s5+$0xE9A0]  }
0x3fd: {  	v16 =	vld [tilespmem:s5+$0xE9B0]  }
0x3fe: {  	v17 =	vld [tilespmem:s5+$0xE5C0]  }
0x3ff: {  	v18 =	vld [tilespmem:s5+$0xE5D0]  }
0x400: {  	v19 =	vld [tilespmem:s5+$0xE5E0]  }
0x401: {  	v20 =	vld [tilespmem:s5+$0xE5F0]  }
0x402: {  	v49 =	vld [tilespmem:s5+$0xE600]  }
0x403: {  	v50 =	vld [tilespmem:s5+$0xE610]  }
0x404: {  	v51 =	vld [tilespmem:s5+$0xE620]  }
0x405: {  	v52 =	vld [tilespmem:s5+$0xE630]  }
0x406: {  	v53 =	vld [tilespmem:s5+$0xE9C0]  }
0x407: {  	v54 =	vld [tilespmem:s5+$0xE9D0]  }
0x408: {  	v55 =	vld [tilespmem:s5+$0xE9E0]  }
0x409: {  	v56 =	vld [tilespmem:s5+$0xE9F0]  }
0x40a: {  	v57 =	vld [tilespmem:s5+$0xEA00]  }
0x40b: {  	v48 =	vld [tilespmem:s5+$0xEA10]  }
0x40c: {  	v47 =	vld [tilespmem:s5+$0xEA20]  }
0x40d: {  	[tilespmem:s5+$0x16540] =	vst.add.f32.msk $0xffff, v2  }
0x40e: {  	[tilespmem:s5+$0x16550] =	vst.add.f32.msk $0xffff, v3  }
0x40f: {  	[tilespmem:s5+$0x16560] =	vst.add.f32.msk $0xffff, v4  }
0x410: {  	[tilespmem:s5+$0x16570] =	vst.add.f32.msk $0xffff, v5  }
0x411: {  	[tilespmem:s5+$0x16580] =	vst.add.f32.msk $0xffff, v1  }
0x412: {  	[tilespmem:s5+$0x16590] =	vst.add.f32.msk $0xffff, v6  }
0x413: {  	[tilespmem:s5+$0x165A0] =	vst.add.f32.msk $0xffff, v7  }
0x414: {  	[tilespmem:s5+$0x165B0] =	vst.add.f32.msk $0xffff, v8  }
0x415: {  	[tilespmem:s5+$0x16940] =	vst.add.f32.msk $0xffff, v9  }
0x416: {  	[tilespmem:s5+$0x16950] =	vst.add.f32.msk $0xffff, v10  }
0x417: {  	[tilespmem:s5+$0x16960] =	vst.add.f32.msk $0xffff, v11  }
0x418: {  	[tilespmem:s5+$0x16970] =	vst.add.f32.msk $0xffff, v12  }
0x419: {  	[tilespmem:s5+$0x16980] =	vst.add.f32.msk $0xffff, v13  }
0x41a: {  	[tilespmem:s5+$0x16990] =	vst.add.f32.msk $0xffff, v14  }
0x41b: {  	[tilespmem:s5+$0x169A0] =	vst.add.f32.msk $0xffff, v15  }
0x41c: {  	[tilespmem:s5+$0x169B0] =	vst.add.f32.msk $0xffff, v16  }
0x41d: {  	[tilespmem:s5+$0x165C0] =	vst.add.f32.msk $0xffff, v17  }
0x41e: {  	[tilespmem:s5+$0x165D0] =	vst.add.f32.msk $0xffff, v18  }
0x41f: {  	[tilespmem:s5+$0x165E0] =	vst.add.f32.msk $0xffff, v19  }
0x420: {  	[tilespmem:s5+$0x165F0] =	vst.add.f32.msk $0xffff, v20  }
0x421: {  	[tilespmem:s5+$0x16600] =	vst.add.f32.msk $0xffff, v49  }
0x422: {  	[tilespmem:s5+$0x16610] =	vst.add.f32.msk $0xffff, v50  }
0x423: {  	[tilespmem:s5+$0x16620] =	vst.add.f32.msk $0xffff, v51  }
0x424: {  	[tilespmem:s5+$0x16630] =	vst.add.f32.msk $0xffff, v52  }
.Ltmp4:
0x425: {  	[tilespmem:s5+$0x169C0] =	vst.add.f32.msk $0xffff, v53;
	(pc) =	sbr.rel @p0 .LBB2_12-.Ltmp4, $4  }
0x426: {  	[tilespmem:s5+$0x169D0] =	vst.add.f32.msk $0xffff, v54  }
0x427: {  	[tilespmem:s5+$0x169E0] =	vst.add.f32.msk $0xffff, v55  }
0x428: {  	[tilespmem:s5+$0x169F0] =	vst.add.f32.msk $0xffff, v56  }
0x429: {  	s28 =	sadd.s32 $0x100, s28;
	s29 =	sadd.s32 $0x200, s29;
	[tilespmem:s5+$0x16A00] =	vst.add.f32.msk $0xffff, v57  }
0x42a: {  	_ =	sdelay $0x1  }
0x42b: {  	[tilespmem:s5+$0x16A10] =	vst.add.f32.msk $0xffff, v48;
	s8 =	sadd.s32 s17, s7  }
0x42c: {  	[tilespmem:s5+$0x16A20] =	vst.add.f32.msk $0xffff, v47;
	s31 =	sand.u32 $0xFF80, s8  }
0x42d: {  	v1 =	vld.idx.msk [tilespmem:v46+s31+$0x0 ss:$0x1], $0xffff;
	_ =	sdelay $0x4  }
0x42e: {  	[tilespmem:$0xD840] =	vst v1  }
0x42f: {  	v2 =	vld.idx.msk [tilespmem:v46+s31+$0x10 ss:$0x1], $0xffff;
	_ =	sdelay $0x4  }
0x430: {  	[tilespmem:$0xD850] =	vst v2  }
0x431: {  	v2 =	vld.idx.msk [tilespmem:v46+s31+$0x20 ss:$0x1], $0xffff;
	_ =	sdelay $0x1  }
0x432: {  	v3 =	vshll.u32 v1, $0x1  }
0x433: {  	v1 =	vand.u32 $0x7, v1;
	v3 =	vand.u32 $0xFFFFFFF0, v3  }
0x434: {  	v1 =	vor.u32 v1, v3  }
0x435: {  	[tilespmem:$0xD860] =	vst v2;
	v2 =	vperm.xlane v1, v42  }
0x436: {  	v3 =	vld.idx.msk [tilespmem:v46+s31+$0x30 ss:$0x1], $0xffff  }
0x437: {  	v1 =	vperm.xlane v1, v44;
	v2 =	vadd.s32 v43, v2;
	_ =	sdelay $0x1  }
0x438: {  	v1 =	vadd.s32 v43, v1;
	_ =	sdelay $0x1  }
0x439: {  	[tilespmem:$0xD870] =	vst v3  }
0x43a: {  	[tilespmem:s16], [sflag:$0x1] =	stream.indirect_vreg.gather [hbm4b:s4+s3], $0x80, v2, vm0, $0x2000b8;
	[tilespmem:$0x1A540] =	vst v63  }
0x43b: {  	_ = 	snop  }
0x43c: {  	[tilespmem:s18], [sflag:$0x1] =	stream.indirect_vreg.gather [hbm4b:s4+s3], $0x80, v1, vm0, $0x2000b8;
	[tilespmem:$0x1A540] =	vst v63  }
0x43d: {  	v1 =	vld [tilespmem:$0xD850];
	_ =	sdelay $0x4  }
0x43e: {  	v2 =	vshll.u32 v1, $0x1  }
0x43f: {  	v1 =	vand.u32 $0x7, v1;
	v2 =	vand.u32 $0xFFFFFFF0, v2  }
0x440: {  	v1 =	vor.u32 v1, v2  }
0x441: {  	v2 =	vperm.xlane v1, v42;
	_ =	sdelay $0x1  }
0x442: {  	v1 =	vperm.xlane v1, v44;
	v2 =	vadd.s32 v43, v2;
	_ =	sdelay $0x1  }
0x443: {  	v1 =	vadd.s32 v43, v1;
	_ =	sdelay $0x2  }
0x444: {  	[tilespmem:s19], [sflag:$0x1] =	stream.indirect_vreg.gather [hbm4b:s4+s3], $0x80, v2, vm0, $0x2000b8;
	[tilespmem:$0x1A540] =	vst v63  }
0x445: {  	_ = 	snop  }
0x446: {  	[tilespmem:s20], [sflag:$0x1] =	stream.indirect_vreg.gather [hbm4b:s4+s3], $0x80, v1, vm0, $0x2000b8;
	[tilespmem:$0x1A540] =	vst v63  }
0x447: {  	v1 =	vld [tilespmem:$0xD860];
	_ =	sdelay $0x4  }
0x448: {  	v2 =	vshll.u32 v1, $0x1  }
0x449: {  	v1 =	vand.u32 $0x7, v1;
	v2 =	vand.u32 $0xFFFFFFF0, v2  }
0x44a: {  	v1 =	vor.u32 v1, v2  }
0x44b: {  	v2 =	vperm.xlane v1, v42;
	_ =	sdelay $0x1  }
0x44c: {  	v1 =	vperm.xlane v1, v44;
	v2 =	vadd.s32 v43, v2;
	_ =	sdelay $0x1  }
0x44d: {  	v1 =	vadd.s32 v43, v1;
	_ =	sdelay $0x2  }
0x44e: {  	[tilespmem:s22], [sflag:$0x1] =	stream.indirect_vreg.gather [hbm4b:s4+s3], $0x80, v2, vm0, $0x2000b8;
	[tilespmem:$0x1A540] =	vst v63  }
0x44f: {  	_ = 	snop  }
0x450: {  	[tilespmem:s23], [sflag:$0x1] =	stream.indirect_vreg.gather [hbm4b:s4+s3], $0x80, v1, vm0, $0x2000b8;
	[tilespmem:$0x1A540] =	vst v63  }
0x451: {  	v1 =	vld [tilespmem:$0xD870];
	_ =	sdelay $0x4  }
0x452: {  	v2 =	vshll.u32 v1, $0x1  }
0x453: {  	v1 =	vand.u32 $0x7, v1;
	v2 =	vand.u32 $0xFFFFFFF0, v2  }
0x454: {  	v1 =	vor.u32 v1, v2  }
0x455: {  	v2 =	vperm.xlane v1, v42;
	_ =	sdelay $0x1  }
0x456: {  	v1 =	vperm.xlane v1, v44;
	v2 =	vadd.s32 v43, v2  }
0x457: {  	s14 =	sadd.s32 $0x1, s14  }
0x458: {  	p0 =	sne.s32 s14, $0xC;
	v1 =	vadd.s32 v43, v1  }
.Ltmp5:
0x459: {  	_ = 	snop;
	(pc) =	sbr.rel @p0 .LBB2_9-.Ltmp5, $4  }
0x45a: {  	_ = 	snop  }
0x45b: {  	[tilespmem:s24], [sflag:$0x1] =	stream.indirect_vreg.gather [hbm4b:s4+s3], $0x80, v2, vm0, $0x2000b8;
	[tilespmem:$0x1A540] =	vst v63  }
0x45c: {  	_ = 	snop  }
0x45d: {  	[tilespmem:s25], [sflag:$0x1] =	stream.indirect_vreg.gather [hbm4b:s4+s3], $0x80, v1, vm0, $0x2000b8;
	[tilespmem:$0x1A540] =	vst v63  }
0x45e: {  	_ =	swait.ge [sflag:s13], $0x4000;
	s1 =	simm.s32 $0x0  }
0x45f: {  	[sflag:s13] =	ssyncset.done $0x0;
	s5 =	sand.u32 $0x3800, s1;
	s1 =	sand.u32 $0x300, s1  }
0x460: {  	[sflag:s13] =	ssyncadd.s32 $0xFFFFC000;
	s1 =	sor.u32 s1, s5  }
0x461: {  	v1 =	vld [tilespmem:s1+$0x12A30]  }
0x462: {  	v2 =	vld [tilespmem:s1+$0x12540]  }
0x463: {  	v3 =	vld [tilespmem:s1+$0x12550]  }
0x464: {  	v4 =	vld [tilespmem:s1+$0x12560]  }
0x465: {  	v5 =	vld [tilespmem:s1+$0x12570]  }
0x466: {  	v6 =	vld [tilespmem:s1+$0x12590]  }
0x467: {  	v7 =	vld [tilespmem:s1+$0x125A0]  }
0x468: {  	v8 =	vld [tilespmem:s1+$0x125B0]  }
0x469: {  	v9 =	vld [tilespmem:s1+$0x12940]  }
0x46a: {  	v10 =	vld [tilespmem:s1+$0x12950]  }
0x46b: {  	v11 =	vld [tilespmem:s1+$0x12960]  }
0x46c: {  	v12 =	vld [tilespmem:s1+$0x12970]  }
0x46d: {  	v13 =	vld [tilespmem:s1+$0x12980]  }
0x46e: {  	v14 =	vld [tilespmem:s1+$0x12990]  }
0x46f: {  	v15 =	vld [tilespmem:s1+$0x129A0]  }
0x470: {  	v16 =	vld [tilespmem:s1+$0x129B0]  }
0x471: {  	v17 =	vld [tilespmem:s1+$0x125C0]  }
0x472: {  	v18 =	vld [tilespmem:s1+$0x125D0]  }
0x473: {  	v19 =	vld [tilespmem:s1+$0x125E0]  }
0x474: {  	v20 =	vld [tilespmem:s1+$0x125F0]  }
0x475: {  	v47 =	vld [tilespmem:s1+$0x12600]  }
0x476: {  	v48 =	vld [tilespmem:s1+$0x12610]  }
0x477: {  	v49 =	vld [tilespmem:s1+$0x12620]  }
0x478: {  	v50 =	vld [tilespmem:s1+$0x12630]  }
0x479: {  	v51 =	vld [tilespmem:s1+$0x129C0]  }
0x47a: {  	v52 =	vld [tilespmem:s1+$0x129D0]  }
0x47b: {  	v53 =	vld [tilespmem:s1+$0x129E0]  }
0x47c: {  	v54 =	vld [tilespmem:s1+$0x129F0]  }
0x47d: {  	v55 =	vld [tilespmem:s1+$0x12A00]  }
0x47e: {  	v46 =	vld [tilespmem:s1+$0x12A10]  }
0x47f: {  	v45 =	vld [tilespmem:s1+$0x12A20]  }
0x480: {  	[tilespmem:s1+$0x16A30] =	vst.add.f32.msk $0xffff, v1  }
0x481: {  	v1 =	vld [tilespmem:s1+$0x12580]  }
0x482: {  	[tilespmem:s1+$0x16540] =	vst.add.f32.msk $0xffff, v2  }
0x483: {  	[tilespmem:s1+$0x16550] =	vst.add.f32.msk $0xffff, v3  }
0x484: {  	[tilespmem:s1+$0x16560] =	vst.add.f32.msk $0xffff, v4  }
0x485: {  	[tilespmem:s1+$0x16570] =	vst.add.f32.msk $0xffff, v5  }
0x486: {  	[tilespmem:s1+$0x16590] =	vst.add.f32.msk $0xffff, v6  }
0x487: {  	[tilespmem:s1+$0x165A0] =	vst.add.f32.msk $0xffff, v7  }
0x488: {  	[tilespmem:s1+$0x165B0] =	vst.add.f32.msk $0xffff, v8  }
0x489: {  	[tilespmem:s1+$0x16940] =	vst.add.f32.msk $0xffff, v9  }
0x48a: {  	[tilespmem:s1+$0x16950] =	vst.add.f32.msk $0xffff, v10  }
0x48b: {  	[tilespmem:s1+$0x16960] =	vst.add.f32.msk $0xffff, v11  }
0x48c: {  	[tilespmem:s1+$0x16970] =	vst.add.f32.msk $0xffff, v12  }
0x48d: {  	[tilespmem:s1+$0x16980] =	vst.add.f32.msk $0xffff, v13  }
0x48e: {  	[tilespmem:s1+$0x16990] =	vst.add.f32.msk $0xffff, v14  }
0x48f: {  	[tilespmem:s1+$0x169A0] =	vst.add.f32.msk $0xffff, v15  }
0x490: {  	[tilespmem:s1+$0x169B0] =	vst.add.f32.msk $0xffff, v16  }
0x491: {  	[tilespmem:s1+$0x165C0] =	vst.add.f32.msk $0xffff, v17  }
0x492: {  	[tilespmem:s1+$0x165D0] =	vst.add.f32.msk $0xffff, v18  }
0x493: {  	[tilespmem:s1+$0x165E0] =	vst.add.f32.msk $0xffff, v19  }
0x494: {  	[tilespmem:s1+$0x165F0] =	vst.add.f32.msk $0xffff, v20  }
0x495: {  	[tilespmem:s1+$0x16600] =	vst.add.f32.msk $0xffff, v47  }
0x496: {  	[tilespmem:s1+$0x16610] =	vst.add.f32.msk $0xffff, v48  }
0x497: {  	[tilespmem:s1+$0x16620] =	vst.add.f32.msk $0xffff, v49  }
0x498: {  	[tilespmem:s1+$0x16630] =	vst.add.f32.msk $0xffff, v50  }
0x499: {  	[tilespmem:s1+$0x169C0] =	vst.add.f32.msk $0xffff, v51  }
0x49a: {  	[tilespmem:s1+$0x169D0] =	vst.add.f32.msk $0xffff, v52  }
0x49b: {  	[tilespmem:s1+$0x169E0] =	vst.add.f32.msk $0xffff, v53  }
0x49c: {  	[tilespmem:s1+$0x169F0] =	vst.add.f32.msk $0xffff, v54  }
0x49d: {  	[tilespmem:s1+$0x16A00] =	vst.add.f32.msk $0xffff, v55  }
0x49e: {  	s7 =	simm.s32 $0x100;
	s8 =	simm.s32 $0x200;
	s5 =	simm.s32 $0x0;
	[tilespmem:s1+$0x16580] =	vst.add.f32.msk $0xffff, v1  }
.LBB2_15:
0x49f: {  	s14 =	sand.u32 $0x3800, s8;
	s17 =	sand.u32 $0x300, s7;
	s5 =	sadd.s32 $0x2, s5;
	[tilespmem:s1+$0x16A10] =	vst.add.f32.msk $0xffff, v46  }
0x4a0: {  	p0 =	slt.u32 s5, $0x3E;
	[tilespmem:s1+$0x16A20] =	vst.add.f32.msk $0xffff, v45;
	s1 =	sor.u32 s17, s14  }
0x4a1: {  	v1 =	vld [tilespmem:s1+$0x12A30]  }
0x4a2: {  	v2 =	vld [tilespmem:s1+$0x12540]  }
0x4a3: {  	v3 =	vld [tilespmem:s1+$0x12550]  }
0x4a4: {  	v4 =	vld [tilespmem:s1+$0x12560]  }
0x4a5: {  	v5 =	vld [tilespmem:s1+$0x12570]  }
0x4a6: {  	[tilespmem:s1+$0x16A30] =	vst.add.f32.msk $0xffff, v1  }
0x4a7: {  	v1 =	vld [tilespmem:s1+$0x12580]  }
0x4a8: {  	v6 =	vld [tilespmem:s1+$0x12590]  }
0x4a9: {  	v7 =	vld [tilespmem:s1+$0x125A0]  }
0x4aa: {  	v8 =	vld [tilespmem:s1+$0x125B0]  }
0x4ab: {  	v9 =	vld [tilespmem:s1+$0x12940]  }
0x4ac: {  	v10 =	vld [tilespmem:s1+$0x12950]  }
0x4ad: {  	v11 =	vld [tilespmem:s1+$0x12960]  }
0x4ae: {  	v12 =	vld [tilespmem:s1+$0x12970]  }
0x4af: {  	v13 =	vld [tilespmem:s1+$0x12980]  }
0x4b0: {  	v14 =	vld [tilespmem:s1+$0x12990]  }
0x4b1: {  	v15 =	vld [tilespmem:s1+$0x129A0]  }
0x4b2: {  	v16 =	vld [tilespmem:s1+$0x129B0]  }
0x4b3: {  	v17 =	vld [tilespmem:s1+$0x125C0]  }
0x4b4: {  	v18 =	vld [tilespmem:s1+$0x125D0]  }
0x4b5: {  	v19 =	vld [tilespmem:s1+$0x125E0]  }
0x4b6: {  	v20 =	vld [tilespmem:s1+$0x125F0]  }
0x4b7: {  	v47 =	vld [tilespmem:s1+$0x12600]  }
0x4b8: {  	v48 =	vld [tilespmem:s1+$0x12610]  }
0x4b9: {  	v49 =	vld [tilespmem:s1+$0x12620]  }
0x4ba: {  	v50 =	vld [tilespmem:s1+$0x12630]  }
0x4bb: {  	v51 =	vld [tilespmem:s1+$0x129C0]  }
0x4bc: {  	v52 =	vld [tilespmem:s1+$0x129D0]  }
0x4bd: {  	v53 =	vld [tilespmem:s1+$0x129E0]  }
0x4be: {  	v54 =	vld [tilespmem:s1+$0x129F0]  }
0x4bf: {  	v55 =	vld [tilespmem:s1+$0x12A00]  }
0x4c0: {  	v46 =	vld [tilespmem:s1+$0x12A10]  }
0x4c1: {  	v45 =	vld [tilespmem:s1+$0x12A20]  }
0x4c2: {  	[tilespmem:s1+$0x16540] =	vst.add.f32.msk $0xffff, v2  }
0x4c3: {  	[tilespmem:s1+$0x16550] =	vst.add.f32.msk $0xffff, v3  }
0x4c4: {  	[tilespmem:s1+$0x16560] =	vst.add.f32.msk $0xffff, v4  }
0x4c5: {  	[tilespmem:s1+$0x16570] =	vst.add.f32.msk $0xffff, v5  }
0x4c6: {  	[tilespmem:s1+$0x16580] =	vst.add.f32.msk $0xffff, v1  }
0x4c7: {  	[tilespmem:s1+$0x16590] =	vst.add.f32.msk $0xffff, v6  }
0x4c8: {  	[tilespmem:s1+$0x165A0] =	vst.add.f32.msk $0xffff, v7  }
0x4c9: {  	[tilespmem:s1+$0x165B0] =	vst.add.f32.msk $0xffff, v8  }
0x4ca: {  	[tilespmem:s1+$0x16940] =	vst.add.f32.msk $0xffff, v9  }
0x4cb: {  	[tilespmem:s1+$0x16950] =	vst.add.f32.msk $0xffff, v10  }
0x4cc: {  	[tilespmem:s1+$0x16960] =	vst.add.f32.msk $0xffff, v11  }
0x4cd: {  	[tilespmem:s1+$0x16970] =	vst.add.f32.msk $0xffff, v12  }
0x4ce: {  	[tilespmem:s1+$0x16980] =	vst.add.f32.msk $0xffff, v13  }
0x4cf: {  	[tilespmem:s1+$0x16990] =	vst.add.f32.msk $0xffff, v14  }
0x4d0: {  	[tilespmem:s1+$0x169A0] =	vst.add.f32.msk $0xffff, v15  }
0x4d1: {  	[tilespmem:s1+$0x169B0] =	vst.add.f32.msk $0xffff, v16  }
0x4d2: {  	[tilespmem:s1+$0x165C0] =	vst.add.f32.msk $0xffff, v17  }
0x4d3: {  	[tilespmem:s1+$0x165D0] =	vst.add.f32.msk $0xffff, v18  }
0x4d4: {  	[tilespmem:s1+$0x165E0] =	vst.add.f32.msk $0xffff, v19  }
0x4d5: {  	[tilespmem:s1+$0x165F0] =	vst.add.f32.msk $0xffff, v20  }
0x4d6: {  	[tilespmem:s1+$0x16600] =	vst.add.f32.msk $0xffff, v47  }
0x4d7: {  	[tilespmem:s1+$0x16610] =	vst.add.f32.msk $0xffff, v48  }
0x4d8: {  	[tilespmem:s1+$0x16620] =	vst.add.f32.msk $0xffff, v49  }
0x4d9: {  	[tilespmem:s1+$0x16630] =	vst.add.f32.msk $0xffff, v50  }
.Ltmp6:
0x4da: {  	[tilespmem:s1+$0x169C0] =	vst.add.f32.msk $0xffff, v51;
	(pc) =	sbr.rel @p0 .LBB2_15-.Ltmp6, $4  }
0x4db: {  	[tilespmem:s1+$0x169D0] =	vst.add.f32.msk $0xffff, v52  }
0x4dc: {  	[tilespmem:s1+$0x169E0] =	vst.add.f32.msk $0xffff, v53  }
0x4dd: {  	[tilespmem:s1+$0x169F0] =	vst.add.f32.msk $0xffff, v54  }
0x4de: {  	s7 =	sadd.s32 $0x100, s7;
	s8 =	sadd.s32 $0x200, s8;
	[tilespmem:s1+$0x16A00] =	vst.add.f32.msk $0xffff, v55  }
0x4df: {  	[tilespmem:s1+$0x16A10] =	vst.add.f32.msk $0xffff, v46  }
0x4e0: {  	[tilespmem:s1+$0x16A20] =	vst.add.f32.msk $0xffff, v45  }
0x4e1: {  	s31 =	simm.s32 $0x0;
	_ =	swait.ge [sflag:s26], $0x4000  }
0x4e2: {  	s5 =	sand.u32 $0x3800, s31;
	s1 =	sand.u32 $0x300, s31;
	[sflag:s26] =	ssyncset.done $0x0  }
0x4e3: {  	s1 =	sor.u32 s1, s5;
	[sflag:s26] =	ssyncadd.s32 $0xFFFFC000  }
0x4e4: {  	v1 =	vld [tilespmem:s1+$0xEA30]  }
0x4e5: {  	v2 =	vld [tilespmem:s1+$0xE540]  }
0x4e6: {  	v3 =	vld [tilespmem:s1+$0xE550]  }
0x4e7: {  	v4 =	vld [tilespmem:s1+$0xE560]  }
0x4e8: {  	v5 =	vld [tilespmem:s1+$0xE570]  }
0x4e9: {  	v6 =	vld [tilespmem:s1+$0xE590]  }
0x4ea: {  	v7 =	vld [tilespmem:s1+$0xE5A0]  }
0x4eb: {  	v8 =	vld [tilespmem:s1+$0xE5B0]  }
0x4ec: {  	v9 =	vld [tilespmem:s1+$0xE940]  }
0x4ed: {  	v10 =	vld [tilespmem:s1+$0xE950]  }
0x4ee: {  	v11 =	vld [tilespmem:s1+$0xE960]  }
0x4ef: {  	v12 =	vld [tilespmem:s1+$0xE970]  }
0x4f0: {  	v13 =	vld [tilespmem:s1+$0xE980]  }
0x4f1: {  	v14 =	vld [tilespmem:s1+$0xE990]  }
0x4f2: {  	v15 =	vld [tilespmem:s1+$0xE9A0]  }
0x4f3: {  	v16 =	vld [tilespmem:s1+$0xE9B0]  }
0x4f4: {  	v17 =	vld [tilespmem:s1+$0xE5C0]  }
0x4f5: {  	v18 =	vld [tilespmem:s1+$0xE5D0]  }
0x4f6: {  	v19 =	vld [tilespmem:s1+$0xE5E0]  }
0x4f7: {  	v20 =	vld [tilespmem:s1+$0xE5F0]  }
0x4f8: {  	v47 =	vld [tilespmem:s1+$0xE600]  }
0x4f9: {  	v48 =	vld [tilespmem:s1+$0xE610]  }
0x4fa: {  	v49 =	vld [tilespmem:s1+$0xE620]  }
0x4fb: {  	v50 =	vld [tilespmem:s1+$0xE630]  }
0x4fc: {  	v51 =	vld [tilespmem:s1+$0xE9C0]  }
0x4fd: {  	v52 =	vld [tilespmem:s1+$0xE9D0]  }
0x4fe: {  	v53 =	vld [tilespmem:s1+$0xE9E0]  }
0x4ff: {  	v54 =	vld [tilespmem:s1+$0xE9F0]  }
0x500: {  	v55 =	vld [tilespmem:s1+$0xEA00]  }
0x501: {  	v46 =	vld [tilespmem:s1+$0xEA10]  }
0x502: {  	v45 =	vld [tilespmem:s1+$0xEA20]  }
0x503: {  	[tilespmem:s1+$0x16A30] =	vst.add.f32.msk $0xffff, v1  }
0x504: {  	v1 =	vld [tilespmem:s1+$0xE580]  }
0x505: {  	[tilespmem:s1+$0x16540] =	vst.add.f32.msk $0xffff, v2  }
0x506: {  	[tilespmem:s1+$0x16550] =	vst.add.f32.msk $0xffff, v3  }
0x507: {  	[tilespmem:s1+$0x16560] =	vst.add.f32.msk $0xffff, v4  }
0x508: {  	[tilespmem:s1+$0x16570] =	vst.add.f32.msk $0xffff, v5  }
0x509: {  	[tilespmem:s1+$0x16590] =	vst.add.f32.msk $0xffff, v6  }
0x50a: {  	[tilespmem:s1+$0x165A0] =	vst.add.f32.msk $0xffff, v7  }
0x50b: {  	[tilespmem:s1+$0x165B0] =	vst.add.f32.msk $0xffff, v8  }
0x50c: {  	[tilespmem:s1+$0x16940] =	vst.add.f32.msk $0xffff, v9  }
0x50d: {  	[tilespmem:s1+$0x16950] =	vst.add.f32.msk $0xffff, v10  }
0x50e: {  	[tilespmem:s1+$0x16960] =	vst.add.f32.msk $0xffff, v11  }
0x50f: {  	[tilespmem:s1+$0x16970] =	vst.add.f32.msk $0xffff, v12  }
0x510: {  	[tilespmem:s1+$0x16980] =	vst.add.f32.msk $0xffff, v13  }
0x511: {  	[tilespmem:s1+$0x16990] =	vst.add.f32.msk $0xffff, v14  }
0x512: {  	[tilespmem:s1+$0x169A0] =	vst.add.f32.msk $0xffff, v15  }
0x513: {  	[tilespmem:s1+$0x169B0] =	vst.add.f32.msk $0xffff, v16  }
0x514: {  	[tilespmem:s1+$0x165C0] =	vst.add.f32.msk $0xffff, v17  }
0x515: {  	[tilespmem:s1+$0x165D0] =	vst.add.f32.msk $0xffff, v18  }
0x516: {  	[tilespmem:s1+$0x165E0] =	vst.add.f32.msk $0xffff, v19  }
0x517: {  	[tilespmem:s1+$0x165F0] =	vst.add.f32.msk $0xffff, v20  }
0x518: {  	[tilespmem:s1+$0x16600] =	vst.add.f32.msk $0xffff, v47  }
0x519: {  	[tilespmem:s1+$0x16610] =	vst.add.f32.msk $0xffff, v48  }
0x51a: {  	[tilespmem:s1+$0x16620] =	vst.add.f32.msk $0xffff, v49  }
0x51b: {  	[tilespmem:s1+$0x16630] =	vst.add.f32.msk $0xffff, v50  }
0x51c: {  	[tilespmem:s1+$0x169C0] =	vst.add.f32.msk $0xffff, v51  }
0x51d: {  	[tilespmem:s1+$0x169D0] =	vst.add.f32.msk $0xffff, v52  }
0x51e: {  	[tilespmem:s1+$0x169E0] =	vst.add.f32.msk $0xffff, v53  }
0x51f: {  	[tilespmem:s1+$0x169F0] =	vst.add.f32.msk $0xffff, v54  }
0x520: {  	[tilespmem:s1+$0x16A00] =	vst.add.f32.msk $0xffff, v55  }
0x521: {  	s7 =	simm.s32 $0x100;
	s8 =	simm.s32 $0x200;
	s5 =	simm.s32 $0x0;
	[tilespmem:s1+$0x16580] =	vst.add.f32.msk $0xffff, v1  }
.LBB2_17:
0x522: {  	s14 =	sand.u32 $0x3800, s8;
	s17 =	sand.u32 $0x300, s7;
	s5 =	sadd.s32 $0x2, s5;
	[tilespmem:s1+$0x16A10] =	vst.add.f32.msk $0xffff, v46  }
0x523: {  	p0 =	slt.u32 s5, $0x3E;
	[tilespmem:s1+$0x16A20] =	vst.add.f32.msk $0xffff, v45;
	s1 =	sor.u32 s17, s14  }
0x524: {  	v1 =	vld [tilespmem:s1+$0xEA30]  }
0x525: {  	v2 =	vld [tilespmem:s1+$0xE540]  }
0x526: {  	v3 =	vld [tilespmem:s1+$0xE550]  }
0x527: {  	v4 =	vld [tilespmem:s1+$0xE560]  }
0x528: {  	v5 =	vld [tilespmem:s1+$0xE570]  }
0x529: {  	[tilespmem:s1+$0x16A30] =	vst.add.f32.msk $0xffff, v1  }
0x52a: {  	v1 =	vld [tilespmem:s1+$0xE580]  }
0x52b: {  	v6 =	vld [tilespmem:s1+$0xE590]  }
0x52c: {  	v7 =	vld [tilespmem:s1+$0xE5A0]  }
0x52d: {  	v8 =	vld [tilespmem:s1+$0xE5B0]  }
0x52e: {  	v9 =	vld [tilespmem:s1+$0xE940]  }
0x52f: {  	v10 =	vld [tilespmem:s1+$0xE950]  }
0x530: {  	v11 =	vld [tilespmem:s1+$0xE960]  }
0x531: {  	v12 =	vld [tilespmem:s1+$0xE970]  }
0x532: {  	v13 =	vld [tilespmem:s1+$0xE980]  }
0x533: {  	v14 =	vld [tilespmem:s1+$0xE990]  }
0x534: {  	v15 =	vld [tilespmem:s1+$0xE9A0]  }
0x535: {  	v16 =	vld [tilespmem:s1+$0xE9B0]  }
0x536: {  	v17 =	vld [tilespmem:s1+$0xE5C0]  }
0x537: {  	v18 =	vld [tilespmem:s1+$0xE5D0]  }
0x538: {  	v19 =	vld [tilespmem:s1+$0xE5E0]  }
0x539: {  	v20 =	vld [tilespmem:s1+$0xE5F0]  }
0x53a: {  	v47 =	vld [tilespmem:s1+$0xE600]  }
0x53b: {  	v48 =	vld [tilespmem:s1+$0xE610]  }
0x53c: {  	v49 =	vld [tilespmem:s1+$0xE620]  }
0x53d: {  	v50 =	vld [tilespmem:s1+$0xE630]  }
0x53e: {  	v51 =	vld [tilespmem:s1+$0xE9C0]  }
0x53f: {  	v52 =	vld [tilespmem:s1+$0xE9D0]  }
0x540: {  	v53 =	vld [tilespmem:s1+$0xE9E0]  }
0x541: {  	v54 =	vld [tilespmem:s1+$0xE9F0]  }
0x542: {  	v55 =	vld [tilespmem:s1+$0xEA00]  }
0x543: {  	v46 =	vld [tilespmem:s1+$0xEA10]  }
0x544: {  	v45 =	vld [tilespmem:s1+$0xEA20]  }
0x545: {  	[tilespmem:s1+$0x16540] =	vst.add.f32.msk $0xffff, v2  }
0x546: {  	[tilespmem:s1+$0x16550] =	vst.add.f32.msk $0xffff, v3  }
0x547: {  	[tilespmem:s1+$0x16560] =	vst.add.f32.msk $0xffff, v4  }
0x548: {  	[tilespmem:s1+$0x16570] =	vst.add.f32.msk $0xffff, v5  }
0x549: {  	[tilespmem:s1+$0x16580] =	vst.add.f32.msk $0xffff, v1  }
0x54a: {  	[tilespmem:s1+$0x16590] =	vst.add.f32.msk $0xffff, v6  }
0x54b: {  	[tilespmem:s1+$0x165A0] =	vst.add.f32.msk $0xffff, v7  }
0x54c: {  	[tilespmem:s1+$0x165B0] =	vst.add.f32.msk $0xffff, v8  }
0x54d: {  	[tilespmem:s1+$0x16940] =	vst.add.f32.msk $0xffff, v9  }
0x54e: {  	[tilespmem:s1+$0x16950] =	vst.add.f32.msk $0xffff, v10  }
0x54f: {  	[tilespmem:s1+$0x16960] =	vst.add.f32.msk $0xffff, v11  }
0x550: {  	[tilespmem:s1+$0x16970] =	vst.add.f32.msk $0xffff, v12  }
0x551: {  	[tilespmem:s1+$0x16980] =	vst.add.f32.msk $0xffff, v13  }
0x552: {  	[tilespmem:s1+$0x16990] =	vst.add.f32.msk $0xffff, v14  }
0x553: {  	[tilespmem:s1+$0x169A0] =	vst.add.f32.msk $0xffff, v15  }
0x554: {  	[tilespmem:s1+$0x169B0] =	vst.add.f32.msk $0xffff, v16  }
0x555: {  	[tilespmem:s1+$0x165C0] =	vst.add.f32.msk $0xffff, v17  }
0x556: {  	[tilespmem:s1+$0x165D0] =	vst.add.f32.msk $0xffff, v18  }
0x557: {  	[tilespmem:s1+$0x165E0] =	vst.add.f32.msk $0xffff, v19  }
0x558: {  	[tilespmem:s1+$0x165F0] =	vst.add.f32.msk $0xffff, v20  }
0x559: {  	[tilespmem:s1+$0x16600] =	vst.add.f32.msk $0xffff, v47  }
0x55a: {  	[tilespmem:s1+$0x16610] =	vst.add.f32.msk $0xffff, v48  }
0x55b: {  	[tilespmem:s1+$0x16620] =	vst.add.f32.msk $0xffff, v49  }
0x55c: {  	[tilespmem:s1+$0x16630] =	vst.add.f32.msk $0xffff, v50  }
.Ltmp7:
0x55d: {  	[tilespmem:s1+$0x169C0] =	vst.add.f32.msk $0xffff, v51;
	(pc) =	sbr.rel @p0 .LBB2_17-.Ltmp7, $4  }
0x55e: {  	[tilespmem:s1+$0x169D0] =	vst.add.f32.msk $0xffff, v52  }
0x55f: {  	[tilespmem:s1+$0x169E0] =	vst.add.f32.msk $0xffff, v53  }
0x560: {  	[tilespmem:s1+$0x169F0] =	vst.add.f32.msk $0xffff, v54  }
0x561: {  	s7 =	sadd.s32 $0x100, s7;
	s8 =	sadd.s32 $0x200, s8;
	[tilespmem:s1+$0x16A00] =	vst.add.f32.msk $0xffff, v55  }
0x562: {  	s15 =	sadd.s32 $0x1, s15  }
0x563: {  	p0 =	sne.s32 s15, $0x5  }
.Ltmp8:
0x564: {  	s5 =	rddreg [dreg:$0x7];
	[tilespmem:s1+$0x16A10] =	vst.add.f32.msk $0xffff, v46;
	(pc) =	sbr.rel @p0 .LBB2_6-.Ltmp8, $4  }
0x565: {  	[tilespmem:s1+$0x16A20] =	vst.add.f32.msk $0xffff, v45;
	s5 =	sadd.s32 s5, s21  }
0x566: {  	s1 =	rddreg [dreg:$0x4];
	s5 =	sshll.u32 s5, $0x5  }
0x567: {  	s31 =	simm.s32 $0x16540;
	s1 =	sadd.s32 s1, s5  }
0x568: {  	[hbm4b:s1+s3] =	stream.linear.scatter [tilespmem:s31], [sflag:$0x3], $0x4000, $0x200038;
	[tilespmem:$0x1A540] =	vst v63  }
0x569: {  	s1 =	simm.s32 $0x3  }
0x56a: {  	_ =	swait.ge [sflag:s1], $0x4000  }
0x56b: {  	s5 =	rddreg [dreg:$0xe]  }
0x56c: {  	s31 =	rddreg [dreg:$0x9];
	s5 =	sadd.s32 $0x1, s5  }
0x56d: {  	p0 =	sne.s32 s5, s31  }
.Ltmp9:
0x56e: {  	_ = 	snop;
	(pc) =	sbr.rel @p0 .LBB2_1-.Ltmp9, $4  }
0x56f: {  	_ = 	snop  }
0x570: {  	[sflag:s1] =	ssyncset.done $0x0  }
0x571: {  	[sflag:s1] =	ssyncadd.s32 $0xFFFFC000  }
0x572: {  	_ =	strace $0x9000004B  }
0x573: {  	_ =	sfence.sel $0x180000  }
0x574: {  	[bflag:$0x0] =	sbarrier.arrive $0xFFFF  }
0x575: {  	_ =	strace $0x90000047  }
0x576: {  	s0 =	stileid.u32;
	[bflag:$0x2] =	sbarrier.arrive $0xFFFF  }
0x577: {  	p0 =	sne.s32 s0, $0x0;
	s0 =	rddreg [dreg:$0x3]  }
0x578: {  	s0 =	sadd.s32 @!p0 $0x100000, s0  }
0x579: {  	[sflag:s0] =	ssyncadd.tile.s32 @!p0 $0x1;
	_ =	shalt  }
.Lfunc_end2:
_tile_overlayer_lowered:
.L_overlay_start_2:
0x57a: {  	(tag) =	ssettag $0x2  }
0x57b: {  	s0 =	rddreg [dreg:$0x0];
	s2 =	stileid.u32  }
0x57c: {  	s1 =	rddreg [dreg:$0x1];
	p0 =	sne.s32 s2, $0x0  }
0x57d: {  	s3 =	rddreg [dreg:$0x2];
	[bflag:$0x3] =	sbarrier.arrive $0xFFFF;
	s2 =	simm.s32 @!p0 $0x1C04  }
0x57e: {  	[timem:s3], [sflag:s2] =	dma.local @!p0 [hbm:s0], s1  }
0x57f: {  	s0 =	simm.s32 @!p0 $0x4  }
0x580: {  	_ =	swait.ge @!p0 [sflag:s0], s1  }
0x581: {  	s1 =	ssub.s32 @!p0 $0x0, s1;
	[sflag:s0] =	ssyncset.done @!p0 $0x0  }
0x582: {  	[sflag:s0] =	ssyncadd.s32 @!p0 s1  }
0x583: {  	[bflag:$0x3] =	sbarrier.arrive $0xFFFF  }
0x584: {  	_ =	shalt  }

</sc_bundles>
